<compile_context>
chip_gen: v7x
topology: tpu7x:2x2x1
jax: 0.10.2.dev20260603
libtpu: 0.0.44.dev20260713+nightly
codegen_flags: <defaults>
</compile_context>

<pallas_src>
import jax
import jax.numpy as jnp
from jax import lax
from jax.experimental import pallas as pl
from jax.experimental.pallas import tpu as pltpu
from jax.experimental.pallas import tpu_sc as plsc

VOCAB = 1000000
EMBED_DIM = 64
ROW_PAD = 128
NUM_PROMPT = 3
PID_BASE = VOCAB - NUM_PROMPT
TAIL = 64
TAIL_BASE = VOCAB - TAIL

NC, NS, L = 2, 16, 16
NW = NC * NS
PH0 = 128
PH1 = 72
TBLK = 512


def _tr_body(tabt_hbm, tpad_hbm, src_v, dst_v):
    n_rows = tabt_hbm.shape[1]
    n_blk = n_rows // TBLK
    wid = lax.axis_index("s") * NC + lax.axis_index("c")

    iota16 = lax.iota(jnp.int32, L)

    def do_blk(b, _):
        r0 = pl.multiple_of(b * TBLK, TBLK)
        pltpu.sync_copy(tabt_hbm.at[:, pl.ds(r0, TBLK)], src_v)

        def tr_row(c, _):
            csplat = jnp.broadcast_to(c, (L,)).astype(jnp.int32)
            for q in range(EMBED_DIM // L):
                vals = plsc.load_gather(src_v, [iota16 + q * L, csplat])
                dst_v[c, pl.ds(q * L, L)] = vals
            return 0

        lax.fori_loop(0, TBLK, tr_row, 0)
        pltpu.sync_copy(dst_v, tpad_hbm.at[pl.ds(r0, TBLK)])
        return 0

    lax.fori_loop(0, n_blk // NW, lambda i, _: do_blk(i * NW + wid, 0), 0)
    last = (n_blk // NW) * NW + wid

    @pl.when(last < n_blk)
    def _():
        do_blk(last, 0)


def _sc_body(idxt_hbm, table_hbm, tail_hbm, pp_hbm, out_hbm,
             idxblk_v, idxb0_v, idxb1_v, rows_v,
             patch_v, pp_v, sem0, sem1):
    seq_len, n_seq = idxt_hbm.shape
    seq_per_w = n_seq // NW

    wid = lax.axis_index("s") * NC + lax.axis_index("c")
    base_seq = wid * seq_per_w

    pltpu.sync_copy(pp_hbm, pp_v)
    pltpu.sync_copy(tail_hbm, patch_v)
    pltpu.sync_copy(
        idxt_hbm.at[:, pl.ds(pl.multiple_of(base_seq, 128), seq_per_w)],
        idxblk_v)
    for r in range(NUM_PROMPT):
        for q in range(EMBED_DIM // L):
            patch_v[TAIL - NUM_PROMPT + r, pl.ds(q * L, L)] = \
                pp_v[r, pl.ds(q * L, L)]

    iota16 = lax.iota(jnp.int32, L)

    def do_seq(g, _):
        scol = jnp.broadcast_to(g, (L,)).astype(jnp.int32)

        def fill0(j, _):
            p_vec = j * L + iota16
            vals = plsc.load_gather(idxblk_v, [p_vec, scol])
            idxb0_v[pl.ds(j * L, L)] = jnp.clip(vals, 0, VOCAB - 1)
            return 0

        lax.fori_loop(0, PH0 // L, fill0, 0)

        def fill1(j, _):
            p_vec = jnp.minimum(PH0 + j * L + iota16, seq_len - 1)
            vals = plsc.load_gather(idxblk_v, [p_vec, scol])
            idxb1_v[pl.ds(j * L, L)] = jnp.clip(vals, 0, VOCAB - 1)
            return 0

        lax.fori_loop(0, (PH1 + L - 1) // L, fill1, 0)

        pltpu.async_copy(table_hbm.at[idxb0_v],
                         rows_v.at[pl.ds(0, PH0)], sem0)
        pltpu.async_copy(table_hbm.at[idxb1_v.at[pl.ds(0, PH1)]],
                         rows_v.at[pl.ds(PH0, PH1)], sem1)

        def fix_win(base, off):
            ivec = idxb0_v[pl.ds(off, L)] if base == 0 else \
                idxb1_v[pl.ds(off, L)]
            cond = ivec >= TAIL_BASE
            cnt = jnp.sum(cond.astype(jnp.int32))

            @pl.when(cnt > 0)
            def _():
                def fix_lane(_, mask):
                    lane = jnp.min(jnp.where(mask > 0, iota16, L))
                    kk = jnp.max(
                        jnp.where(iota16 == lane, ivec - TAIL_BASE, -1))
                    row_splat = jnp.broadcast_to(
                        base + off + lane, (L,)).astype(jnp.int32)
                    for q in range(EMBED_DIM // L):
                        val = patch_v[kk, pl.ds(q * L, L)]
                        plsc.store_scatter(
                            rows_v, [row_splat, iota16 + q * L], val)
                    return mask & (iota16 != lane).astype(jnp.int32)

                lax.fori_loop(0, cnt, fix_lane, cond.astype(jnp.int32))

        seq = base_seq + g
        pltpu.make_async_copy(table_hbm.at[idxb0_v],
                              rows_v.at[pl.ds(0, PH0)], sem0).wait()
        for w in range(PH0 // L):
            fix_win(0, w * L)
        pltpu.make_async_copy(table_hbm.at[idxb1_v.at[pl.ds(0, PH1)]],
                              rows_v.at[pl.ds(PH0, PH1)], sem1).wait()
        for w in range((PH1 + L - 1) // L):
            fix_win(PH0, min(w * L, PH1 - L))
        pltpu.sync_copy(rows_v, out_hbm.at[seq])
        return 0

    lax.fori_loop(0, seq_per_w, do_seq, 0)


@jax.jit
def _run(idxt, tabt, tail, pp):
    seq_len, n_seq = idxt.shape
    n_rows = tabt.shape[1]
    mesh = plsc.VectorSubcoreMesh(core_axis_name="c", subcore_axis_name="s")
    cp = pltpu.CompilerParams(
        use_tc_tiling_on_sc=True, needs_layout_passes=False)

    tpad = pl.kernel(
        _tr_body,
        out_type=jax.ShapeDtypeStruct((n_rows, ROW_PAD), jnp.float32),
        mesh=mesh,
        scratch_types=[
            pltpu.VMEM((EMBED_DIM, TBLK), jnp.float32),
            pltpu.VMEM((TBLK, ROW_PAD), jnp.float32),
        ],
        compiler_params=cp,
    )(tabt)

    return pl.kernel(
        _sc_body,
        out_type=jax.ShapeDtypeStruct((n_seq, seq_len, ROW_PAD), jnp.float32),
        mesh=mesh,
        scratch_types=[
            pltpu.VMEM((200, 128), jnp.int32),
            pltpu.VMEM((PH0,), jnp.int32),
            pltpu.VMEM((PH0,), jnp.int32),
            pltpu.VMEM((200, ROW_PAD), jnp.float32),
            pltpu.VMEM((TAIL, EMBED_DIM), jnp.float32),
            pltpu.VMEM((NUM_PROMPT, EMBED_DIM), jnp.float32),
            pltpu.SemaphoreType.DMA,
            pltpu.SemaphoreType.DMA,
        ],
        compiler_params=cp,
    )(idxt, tpad, tail, pp)


def kernel(input, table, prompt_params):
    out = _run(input.astype(jnp.int32).T, table.T,
               table[VOCAB - TAIL:], prompt_params)
    return out[:, :, :EMBED_DIM]

# --- scband reference (transcript-rebuilt; emitter-appended) ---
"""Pipeline reference for scband-arp-injector-32315333935146 (READ-ONLY COPY).

The authoritative reference and input builder live on the scoring server;
editing this copy changes nothing except your own understanding.
"""

import jax, jax.numpy as jnp
import numpy as np

VOCAB = 1000000
EMBED_DIM = 64
PROMPT_IDS = (999997, 999998, 999999)


def setup_inputs(seed: int = 0) -> dict:
    key = jax.random.key(seed)
    k1, k2, k3 = jax.random.split(key, 3)
    input_ids = jax.random.randint(k1, (4096, 200), 0, VOCAB, dtype=jnp.int64)
    # ensure prompt tokens actually appear so the overwrite path is exercised
    input_ids = input_ids.at[:, 0].set(PROMPT_IDS[0])
    input_ids = input_ids.at[:, 1].set(PROMPT_IDS[1])
    input_ids = input_ids.at[:, 2].set(PROMPT_IDS[2])
    table = jax.random.normal(k2, (VOCAB, EMBED_DIM), dtype=jnp.float32) * 0.02
    prompt_params = jax.random.normal(k3, (len(PROMPT_IDS), EMBED_DIM), dtype=jnp.float32)
    return {"input": input_ids, "table": table, "prompt_params": prompt_params}


def reference(input, table, prompt_params):
    # embeddings = self.embedder(input)
    embeddings = jnp.take(table, input, axis=0)  # [B, L, D]
    # for each prompt id, overwrite matching positions with its learned parameter
    for i, pid in enumerate(PROMPT_IDS):
        mask = (input == pid)[..., None]  # [B, L, 1]
        embeddings = jnp.where(mask, prompt_params[i][None, None, :], embeddings)
    return embeddings

if __name__ == "__main__":
    import jax
    _d = setup_inputs()
    print(jax.jit(kernel)(*tuple(_d.values())))

</pallas_src>

<mosaic_0001>
#map = affine_map<(d0, d1) -> (0, 0)>
module attributes {stable_mosaic.version = 14 : i64} {
  func.func @_tr_body(%arg0: i32, %arg1: i32, %arg2: memref<64x1000000xf32, #tpu.memory_space<hbm>>, %arg3: memref<1000000x128xf32, #tpu.memory_space<hbm>>, %arg4: memref<64x512xf32, #tpu.memory_space<vmem>>, %arg5: memref<512x128xf32, #tpu.memory_space<vmem>>) attributes {dimension_semantics = [#tpu.dimension_semantics<core_parallel>, #tpu.dimension_semantics<subcore_parallel>], iteration_bounds = array<i64: 2, 16>, scalar_prefetch = 0 : i64, scratch_operands = 2 : i64, tpu.core_type = #tpu.core_type<sc_vector_subcore>, window_params = [{transform_indices = #map}, {transform_indices = #map}]} {
    %mul3A = arith.constant 2 : i32
    %mul3A_0 = arith.muli %arg1, %mul3A : i32
    %add3A = arith.addi %mul3A_0, %arg0 : i32
    %iota3A = tpu.iota {dimensions = array<i32: 0>} : vector<16xi32>
    %scan3A = arith.constant 0 : i32
    %scan3A_1 = arith.constant 0 : i32
    %scan3A_2 = arith.constant 61 : i32
    %scan3A_3 = arith.addi %scan3A_1, %scan3A_2 : i32
    %scan3A_4 = arith.constant 1 : i32
    %scan3A_5 = scf.for %scan3A_11 = %scan3A_1 to %scan3A_3 step %scan3A_4 iter_args(%scan3A_12 = %scan3A) -> (i32)  : i32 {
      %mul3A_13 = arith.constant 32 : i32
      %mul3A_14 = arith.muli %scan3A_11, %mul3A_13 : i32
      %add3A_15 = arith.addi %mul3A_14, %add3A : i32
      %mul3A_16 = arith.constant 512 : i32
      %mul3A_17 = arith.muli %add3A_15, %mul3A_16 : i32
      %multiple_of3A = tpu.assume_multiple %mul3A_17, 512 : i32
      "tpu.region"() ({
        %run_scoped3A = tpu.sem_alloc : memref<!tpu.dma_semaphore, #tpu.memory_space<semaphore_mem>>
        %dma_start3A = arith.constant 0 : i32
        %dma_start3A_26 = tpu.memref_slice %arg2[%dma_start3A, %multiple_of3A] : memref<64x1000000xf32, #tpu.memory_space<hbm>> -> memref<64x512xf32, #tpu.memory_space<hbm>>
        %dma_start3A_27 = arith.constant 0 : i32
        %dma_start3A_28 = tpu.memref_slice %arg2[%dma_start3A_27, %multiple_of3A] : memref<64x1000000xf32, #tpu.memory_space<hbm>> -> memref<64x512xf32, #tpu.memory_space<hbm>>
        tpu.enqueue_dma source(%dma_start3A_28 : memref<64x512xf32, #tpu.memory_space<hbm>>) target(%arg4 : memref<64x512xf32, #tpu.memory_space<vmem>>) target_semaphore(%run_scoped3A : memref<!tpu.dma_semaphore, #tpu.memory_space<semaphore_mem>>)
        %dma_wait3A = arith.constant 0 : i32
        %dma_wait3A_29 = tpu.memref_slice %arg2[%dma_wait3A, %multiple_of3A] : memref<64x1000000xf32, #tpu.memory_space<hbm>> -> memref<64x512xf32, #tpu.memory_space<hbm>>
        %dma_wait3A_30 = arith.constant 0 : i32
        %dma_wait3A_31 = tpu.memref_slice %arg2[%dma_wait3A_30, %multiple_of3A] : memref<64x1000000xf32, #tpu.memory_space<hbm>> -> memref<64x512xf32, #tpu.memory_space<hbm>>
        tpu.wait_dma2 semaphore(%run_scoped3A : memref<!tpu.dma_semaphore, #tpu.memory_space<semaphore_mem>>) src(%dma_wait3A_31 : memref<64x512xf32, #tpu.memory_space<hbm>>) dst(%arg4 : memref<64x512xf32, #tpu.memory_space<vmem>>)
        tpu.yield
      }) : () -> ()
      %scan3A_18 = arith.constant 0 : i32
      %scan3A_19 = arith.constant 0 : i32
      %scan3A_20 = arith.constant 512 : i32
      %scan3A_21 = arith.addi %scan3A_19, %scan3A_20 : i32
      %scan3A_22 = arith.constant 1 : i32
      %scan3A_23 = scf.for %scan3A_26 = %scan3A_19 to %scan3A_21 step %scan3A_22 iter_args(%scan3A_27 = %scan3A_18) -> (i32)  : i32 {
        %broadcast_in_dim3A = vector.broadcast %scan3A_26 : i32 to vector<16xi32>
        %add3A_28 = arith.constant 0 : i32
        %add3A_29 = vector.broadcast %add3A_28 : i32 to vector<16xi32>
        %add3A_30 = arith.addi %iota3A, %add3A_29 : vector<16xi32>
        %gather3A = tpu.vector_load_idx %arg4[%add3A_30, %broadcast_in_dim3A] : memref<64x512xf32, #tpu.memory_space<vmem>>[vector<16xi32>, vector<16xi32>], vector<16xf32>,
        %swap3A = arith.index_cast %scan3A_26 : i32 to index
        %swap3A_31 = arith.constant 0 : index
        %swap3A_32 = tpu.vector_load %arg5[%swap3A, %swap3A_31] {strides = array<i32>} : memref<512x128xf32, #tpu.memory_space<vmem>>, vector<16xf32>,
        tpu.vector_store %arg5[%swap3A, %swap3A_31], %gather3A {strides = array<i32>} : memref<512x128xf32, #tpu.memory_space<vmem>>, vector<16xf32>,
        %add3A_33 = arith.constant 16 : i32
        %add3A_34 = vector.broadcast %add3A_33 : i32 to vector<16xi32>
        %add3A_35 = arith.addi %iota3A, %add3A_34 : vector<16xi32>
        %gather3A_36 = tpu.vector_load_idx %arg4[%add3A_35, %broadcast_in_dim3A] : memref<64x512xf32, #tpu.memory_space<vmem>>[vector<16xi32>, vector<16xi32>], vector<16xf32>,
        %swap3A_37 = arith.index_cast %scan3A_26 : i32 to index
        %swap3A_38 = arith.constant 16 : index
        %swap3A_39 = tpu.vector_load %arg5[%swap3A_37, %swap3A_38] {strides = array<i32>} : memref<512x128xf32, #tpu.memory_space<vmem>>, vector<16xf32>,
        tpu.vector_store %arg5[%swap3A_37, %swap3A_38], %gather3A_36 {strides = array<i32>} : memref<512x128xf32, #tpu.memory_space<vmem>>, vector<16xf32>,
        %add3A_40 = arith.constant 32 : i32
        %add3A_41 = vector.broadcast %add3A_40 : i32 to vector<16xi32>
        %add3A_42 = arith.addi %iota3A, %add3A_41 : vector<16xi32>
        %gather3A_43 = tpu.vector_load_idx %arg4[%add3A_42, %broadcast_in_dim3A] : memref<64x512xf32, #tpu.memory_space<vmem>>[vector<16xi32>, vector<16xi32>], vector<16xf32>,
        %swap3A_44 = arith.index_cast %scan3A_26 : i32 to index
        %swap3A_45 = arith.constant 32 : index
        %swap3A_46 = tpu.vector_load %arg5[%swap3A_44, %swap3A_45] {strides = array<i32>} : memref<512x128xf32, #tpu.memory_space<vmem>>, vector<16xf32>,
        tpu.vector_store %arg5[%swap3A_44, %swap3A_45], %gather3A_43 {strides = array<i32>} : memref<512x128xf32, #tpu.memory_space<vmem>>, vector<16xf32>,
        %add3A_47 = arith.constant 48 : i32
        %add3A_48 = vector.broadcast %add3A_47 : i32 to vector<16xi32>
        %add3A_49 = arith.addi %iota3A, %add3A_48 : vector<16xi32>
        %gather3A_50 = tpu.vector_load_idx %arg4[%add3A_49, %broadcast_in_dim3A] : memref<64x512xf32, #tpu.memory_space<vmem>>[vector<16xi32>, vector<16xi32>], vector<16xf32>,
        %swap3A_51 = arith.index_cast %scan3A_26 : i32 to index
        %swap3A_52 = arith.constant 48 : index
        %swap3A_53 = tpu.vector_load %arg5[%swap3A_51, %swap3A_52] {strides = array<i32>} : memref<512x128xf32, #tpu.memory_space<vmem>>, vector<16xf32>,
        tpu.vector_store %arg5[%swap3A_51, %swap3A_52], %gather3A_50 {strides = array<i32>} : memref<512x128xf32, #tpu.memory_space<vmem>>, vector<16xf32>,
        %scan3A_54 = arith.constant 0 : i32
        scf.yield %scan3A_54 : i32
      }
      %scan3A_24 = arith.constant 512 : i32
      "tpu.region"() ({
        %run_scoped3A = tpu.sem_alloc : memref<!tpu.dma_semaphore, #tpu.memory_space<semaphore_mem>>
        %dma_start3A = arith.constant 0 : i32
        %dma_start3A_26 = tpu.memref_slice %arg3[%multiple_of3A, %dma_start3A] : memref<1000000x128xf32, #tpu.memory_space<hbm>> -> memref<512x128xf32, #tpu.memory_space<hbm>>
        %dma_start3A_27 = arith.constant 0 : i32
        %dma_start3A_28 = tpu.memref_slice %arg3[%multiple_of3A, %dma_start3A_27] : memref<1000000x128xf32, #tpu.memory_space<hbm>> -> memref<512x128xf32, #tpu.memory_space<hbm>>
        tpu.enqueue_dma source(%arg5 : memref<512x128xf32, #tpu.memory_space<vmem>>) target(%dma_start3A_28 : memref<512x128xf32, #tpu.memory_space<hbm>>) target_semaphore(%run_scoped3A : memref<!tpu.dma_semaphore, #tpu.memory_space<semaphore_mem>>)
        %dma_wait3A = arith.constant 0 : i32
        %dma_wait3A_29 = tpu.memref_slice %arg3[%multiple_of3A, %dma_wait3A] : memref<1000000x128xf32, #tpu.memory_space<hbm>> -> memref<512x128xf32, #tpu.memory_space<hbm>>
        %dma_wait3A_30 = arith.constant 0 : i32
        %dma_wait3A_31 = tpu.memref_slice %arg3[%multiple_of3A, %dma_wait3A_30] : memref<1000000x128xf32, #tpu.memory_space<hbm>> -> memref<512x128xf32, #tpu.memory_space<hbm>>
        tpu.wait_dma2 semaphore(%run_scoped3A : memref<!tpu.dma_semaphore, #tpu.memory_space<semaphore_mem>>) src(%arg5 : memref<512x128xf32, #tpu.memory_space<vmem>>) dst(%dma_wait3A_31 : memref<512x128xf32, #tpu.memory_space<hbm>>)
        tpu.yield
      }) : () -> ()
      %scan3A_25 = arith.constant 0 : i32
      scf.yield %scan3A_25 : i32
    }
    %scan3A_6 = arith.constant 61 : i32
    %add3A_7 = arith.constant 1952 : i32
    %add3A_8 = arith.addi %add3A_7, %add3A : i32
    %lt3A = arith.constant 1953 : i32
    %lt3A_9 = arith.cmpi slt, %add3A_8, %lt3A : i32
    %convert_element_type3A = arith.extui %lt3A_9 : i1 to i32
    %cond3A = arith.constant 0 : i32
    %cond3A_10 = arith.cmpi ne, %convert_element_type3A, %cond3A : i32
    scf.if %cond3A_10 {
      %mul3A_11 = arith.constant 512 : i32
      %mul3A_12 = arith.muli %add3A_8, %mul3A_11 : i32
      %multiple_of3A = tpu.assume_multiple %mul3A_12, 512 : i32
      "tpu.region"() ({
        %run_scoped3A = tpu.sem_alloc : memref<!tpu.dma_semaphore, #tpu.memory_space<semaphore_mem>>
        %dma_start3A = arith.constant 0 : i32
        %dma_start3A_20 = tpu.memref_slice %arg2[%dma_start3A, %multiple_of3A] : memref<64x1000000xf32, #tpu.memory_space<hbm>> -> memref<64x512xf32, #tpu.memory_space<hbm>>
        %dma_start3A_21 = arith.constant 0 : i32
        %dma_start3A_22 = tpu.memref_slice %arg2[%dma_start3A_21, %multiple_of3A] : memref<64x1000000xf32, #tpu.memory_space<hbm>> -> memref<64x512xf32, #tpu.memory_space<hbm>>
        tpu.enqueue_dma source(%dma_start3A_22 : memref<64x512xf32, #tpu.memory_space<hbm>>) target(%arg4 : memref<64x512xf32, #tpu.memory_space<vmem>>) target_semaphore(%run_scoped3A : memref<!tpu.dma_semaphore, #tpu.memory_space<semaphore_mem>>)
        %dma_wait3A = arith.constant 0 : i32
        %dma_wait3A_23 = tpu.memref_slice %arg2[%dma_wait3A, %multiple_of3A] : memref<64x1000000xf32, #tpu.memory_space<hbm>> -> memref<64x512xf32, #tpu.memory_space<hbm>>
        %dma_wait3A_24 = arith.constant 0 : i32
        %dma_wait3A_25 = tpu.memref_slice %arg2[%dma_wait3A_24, %multiple_of3A] : memref<64x1000000xf32, #tpu.memory_space<hbm>> -> memref<64x512xf32, #tpu.memory_space<hbm>>
        tpu.wait_dma2 semaphore(%run_scoped3A : memref<!tpu.dma_semaphore, #tpu.memory_space<semaphore_mem>>) src(%dma_wait3A_25 : memref<64x512xf32, #tpu.memory_space<hbm>>) dst(%arg4 : memref<64x512xf32, #tpu.memory_space<vmem>>)
        tpu.yield
      }) : () -> ()
      %scan3A_13 = arith.constant 0 : i32
      %scan3A_14 = arith.constant 0 : i32
      %scan3A_15 = arith.constant 512 : i32
      %scan3A_16 = arith.addi %scan3A_14, %scan3A_15 : i32
      %scan3A_17 = arith.constant 1 : i32
      %scan3A_18 = scf.for %scan3A_20 = %scan3A_14 to %scan3A_16 step %scan3A_17 iter_args(%scan3A_21 = %scan3A_13) -> (i32)  : i32 {
        %broadcast_in_dim3A = vector.broadcast %scan3A_20 : i32 to vector<16xi32>
        %add3A_22 = arith.constant 0 : i32
        %add3A_23 = vector.broadcast %add3A_22 : i32 to vector<16xi32>
        %add3A_24 = arith.addi %iota3A, %add3A_23 : vector<16xi32>
        %gather3A = tpu.vector_load_idx %arg4[%add3A_24, %broadcast_in_dim3A] : memref<64x512xf32, #tpu.memory_space<vmem>>[vector<16xi32>, vector<16xi32>], vector<16xf32>,
        %swap3A = arith.index_cast %scan3A_20 : i32 to index
        %swap3A_25 = arith.constant 0 : index
        %swap3A_26 = tpu.vector_load %arg5[%swap3A, %swap3A_25] {strides = array<i32>} : memref<512x128xf32, #tpu.memory_space<vmem>>, vector<16xf32>,
        tpu.vector_store %arg5[%swap3A, %swap3A_25], %gather3A {strides = array<i32>} : memref<512x128xf32, #tpu.memory_space<vmem>>, vector<16xf32>,
        %add3A_27 = arith.constant 16 : i32
        %add3A_28 = vector.broadcast %add3A_27 : i32 to vector<16xi32>
        %add3A_29 = arith.addi %iota3A, %add3A_28 : vector<16xi32>
        %gather3A_30 = tpu.vector_load_idx %arg4[%add3A_29, %broadcast_in_dim3A] : memref<64x512xf32, #tpu.memory_space<vmem>>[vector<16xi32>, vector<16xi32>], vector<16xf32>,
        %swap3A_31 = arith.index_cast %scan3A_20 : i32 to index
        %swap3A_32 = arith.constant 16 : index
        %swap3A_33 = tpu.vector_load %arg5[%swap3A_31, %swap3A_32] {strides = array<i32>} : memref<512x128xf32, #tpu.memory_space<vmem>>, vector<16xf32>,
        tpu.vector_store %arg5[%swap3A_31, %swap3A_32], %gather3A_30 {strides = array<i32>} : memref<512x128xf32, #tpu.memory_space<vmem>>, vector<16xf32>,
        %add3A_34 = arith.constant 32 : i32
        %add3A_35 = vector.broadcast %add3A_34 : i32 to vector<16xi32>
        %add3A_36 = arith.addi %iota3A, %add3A_35 : vector<16xi32>
        %gather3A_37 = tpu.vector_load_idx %arg4[%add3A_36, %broadcast_in_dim3A] : memref<64x512xf32, #tpu.memory_space<vmem>>[vector<16xi32>, vector<16xi32>], vector<16xf32>,
        %swap3A_38 = arith.index_cast %scan3A_20 : i32 to index
        %swap3A_39 = arith.constant 32 : index
        %swap3A_40 = tpu.vector_load %arg5[%swap3A_38, %swap3A_39] {strides = array<i32>} : memref<512x128xf32, #tpu.memory_space<vmem>>, vector<16xf32>,
        tpu.vector_store %arg5[%swap3A_38, %swap3A_39], %gather3A_37 {strides = array<i32>} : memref<512x128xf32, #tpu.memory_space<vmem>>, vector<16xf32>,
        %add3A_41 = arith.constant 48 : i32
        %add3A_42 = vector.broadcast %add3A_41 : i32 to vector<16xi32>
        %add3A_43 = arith.addi %iota3A, %add3A_42 : vector<16xi32>
        %gather3A_44 = tpu.vector_load_idx %arg4[%add3A_43, %broadcast_in_dim3A] : memref<64x512xf32, #tpu.memory_space<vmem>>[vector<16xi32>, vector<16xi32>], vector<16xf32>,
        %swap3A_45 = arith.index_cast %scan3A_20 : i32 to index
        %swap3A_46 = arith.constant 48 : index
        %swap3A_47 = tpu.vector_load %arg5[%swap3A_45, %swap3A_46] {strides = array<i32>} : memref<512x128xf32, #tpu.memory_space<vmem>>, vector<16xf32>,
        tpu.vector_store %arg5[%swap3A_45, %swap3A_46], %gather3A_44 {strides = array<i32>} : memref<512x128xf32, #tpu.memory_space<vmem>>, vector<16xf32>,
        %scan3A_48 = arith.constant 0 : i32
        scf.yield %scan3A_48 : i32
      }
      %scan3A_19 = arith.constant 512 : i32
      "tpu.region"() ({
        %run_scoped3A = tpu.sem_alloc : memref<!tpu.dma_semaphore, #tpu.memory_space<semaphore_mem>>
        %dma_start3A = arith.constant 0 : i32
        %dma_start3A_20 = tpu.memref_slice %arg3[%multiple_of3A, %dma_start3A] : memref<1000000x128xf32, #tpu.memory_space<hbm>> -> memref<512x128xf32, #tpu.memory_space<hbm>>
        %dma_start3A_21 = arith.constant 0 : i32
        %dma_start3A_22 = tpu.memref_slice %arg3[%multiple_of3A, %dma_start3A_21] : memref<1000000x128xf32, #tpu.memory_space<hbm>> -> memref<512x128xf32, #tpu.memory_space<hbm>>
        tpu.enqueue_dma source(%arg5 : memref<512x128xf32, #tpu.memory_space<vmem>>) target(%dma_start3A_22 : memref<512x128xf32, #tpu.memory_space<hbm>>) target_semaphore(%run_scoped3A : memref<!tpu.dma_semaphore, #tpu.memory_space<semaphore_mem>>)
        %dma_wait3A = arith.constant 0 : i32
        %dma_wait3A_23 = tpu.memref_slice %arg3[%multiple_of3A, %dma_wait3A] : memref<1000000x128xf32, #tpu.memory_space<hbm>> -> memref<512x128xf32, #tpu.memory_space<hbm>>
        %dma_wait3A_24 = arith.constant 0 : i32
        %dma_wait3A_25 = tpu.memref_slice %arg3[%multiple_of3A, %dma_wait3A_24] : memref<1000000x128xf32, #tpu.memory_space<hbm>> -> memref<512x128xf32, #tpu.memory_space<hbm>>
        tpu.wait_dma2 semaphore(%run_scoped3A : memref<!tpu.dma_semaphore, #tpu.memory_space<semaphore_mem>>) src(%arg5 : memref<512x128xf32, #tpu.memory_space<vmem>>) dst(%dma_wait3A_25 : memref<512x128xf32, #tpu.memory_space<hbm>>)
        tpu.yield
      }) : () -> ()
    } else {
    }
    return
  }
}

#map = affine_map<(d0, d1) -> (0, 0)>
#map1 = affine_map<(d0, d1) -> (0, 0, 0)>
module attributes {stable_mosaic.version = 14 : i64} {
  func.func @_sc_body(%arg0: i32, %arg1: i32, %arg2: memref<200x4096xi32, #tpu.memory_space<hbm>>, %arg3: memref<1000000x128xf32, #tpu.memory_space<hbm>>, %arg4: memref<64x64xf32, #tpu.memory_space<hbm>>, %arg5: memref<3x64xf32, #tpu.memory_space<hbm>>, %arg6: memref<4096x200x128xf32, #tpu.memory_space<hbm>>, %arg7: memref<200x128xi32, #tpu.memory_space<vmem>>, %arg8: memref<128xi32, #tpu.memory_space<vmem>>, %arg9: memref<128xi32, #tpu.memory_space<vmem>>, %arg10: memref<200x128xf32, #tpu.memory_space<vmem>>, %arg11: memref<64x64xf32, #tpu.memory_space<vmem>>, %arg12: memref<3x64xf32, #tpu.memory_space<vmem>>, %arg13: memref<!tpu.dma_semaphore, #tpu.memory_space<semaphore_mem>>, %arg14: memref<!tpu.dma_semaphore, #tpu.memory_space<semaphore_mem>>) attributes {dimension_semantics = [#tpu.dimension_semantics<core_parallel>, #tpu.dimension_semantics<subcore_parallel>], iteration_bounds = array<i64: 2, 16>, scalar_prefetch = 0 : i64, scratch_operands = 8 : i64, tpu.core_type = #tpu.core_type<sc_vector_subcore>, window_params = [{transform_indices = #map}, {transform_indices = #map}, {transform_indices = #map}, {transform_indices = #map}, {transform_indices = #map1}]} {
    %mul3A = arith.constant 2 : i32
    %mul3A_0 = arith.muli %arg1, %mul3A : i32
    %add3A = arith.addi %mul3A_0, %arg0 : i32
    %mul3A_1 = arith.constant 128 : i32
    %mul3A_2 = arith.muli %add3A, %mul3A_1 : i32
    "tpu.region"() ({
      %run_scoped3A = tpu.sem_alloc : memref<!tpu.dma_semaphore, #tpu.memory_space<semaphore_mem>>
      tpu.enqueue_dma source(%arg5 : memref<3x64xf32, #tpu.memory_space<hbm>>) target(%arg12 : memref<3x64xf32, #tpu.memory_space<vmem>>) target_semaphore(%run_scoped3A : memref<!tpu.dma_semaphore, #tpu.memory_space<semaphore_mem>>)
      tpu.wait_dma2 semaphore(%run_scoped3A : memref<!tpu.dma_semaphore, #tpu.memory_space<semaphore_mem>>) src(%arg5 : memref<3x64xf32, #tpu.memory_space<hbm>>) dst(%arg12 : memref<3x64xf32, #tpu.memory_space<vmem>>)
      tpu.yield
    }) : () -> ()
    "tpu.region"() ({
      %run_scoped3A = tpu.sem_alloc : memref<!tpu.dma_semaphore, #tpu.memory_space<semaphore_mem>>
      tpu.enqueue_dma source(%arg4 : memref<64x64xf32, #tpu.memory_space<hbm>>) target(%arg11 : memref<64x64xf32, #tpu.memory_space<vmem>>) target_semaphore(%run_scoped3A : memref<!tpu.dma_semaphore, #tpu.memory_space<semaphore_mem>>)
      tpu.wait_dma2 semaphore(%run_scoped3A : memref<!tpu.dma_semaphore, #tpu.memory_space<semaphore_mem>>) src(%arg4 : memref<64x64xf32, #tpu.memory_space<hbm>>) dst(%arg11 : memref<64x64xf32, #tpu.memory_space<vmem>>)
      tpu.yield
    }) : () -> ()
    %multiple_of3A = tpu.assume_multiple %mul3A_2, 128 : i32
    "tpu.region"() ({
      %run_scoped3A = tpu.sem_alloc : memref<!tpu.dma_semaphore, #tpu.memory_space<semaphore_mem>>
      %dma_start3A = arith.constant 0 : i32
      %dma_start3A_103 = tpu.memref_slice %arg2[%dma_start3A, %multiple_of3A] : memref<200x4096xi32, #tpu.memory_space<hbm>> -> memref<200x128xi32, #tpu.memory_space<hbm>>
      %dma_start3A_104 = arith.constant 0 : i32
      %dma_start3A_105 = tpu.memref_slice %arg2[%dma_start3A_104, %multiple_of3A] : memref<200x4096xi32, #tpu.memory_space<hbm>> -> memref<200x128xi32, #tpu.memory_space<hbm>>
      tpu.enqueue_dma source(%dma_start3A_105 : memref<200x128xi32, #tpu.memory_space<hbm>>) target(%arg7 : memref<200x128xi32, #tpu.memory_space<vmem>>) target_semaphore(%run_scoped3A : memref<!tpu.dma_semaphore, #tpu.memory_space<semaphore_mem>>)
      %dma_wait3A = arith.constant 0 : i32
      %dma_wait3A_106 = tpu.memref_slice %arg2[%dma_wait3A, %multiple_of3A] : memref<200x4096xi32, #tpu.memory_space<hbm>> -> memref<200x128xi32, #tpu.memory_space<hbm>>
      %dma_wait3A_107 = arith.constant 0 : i32
      %dma_wait3A_108 = tpu.memref_slice %arg2[%dma_wait3A_107, %multiple_of3A] : memref<200x4096xi32, #tpu.memory_space<hbm>> -> memref<200x128xi32, #tpu.memory_space<hbm>>
      tpu.wait_dma2 semaphore(%run_scoped3A : memref<!tpu.dma_semaphore, #tpu.memory_space<semaphore_mem>>) src(%dma_wait3A_108 : memref<200x128xi32, #tpu.memory_space<hbm>>) dst(%arg7 : memref<200x128xi32, #tpu.memory_space<vmem>>)
      tpu.yield
    }) : () -> ()
    %get3A = arith.constant 0 : i32
    %get3A_3 = arith.index_cast %get3A : i32 to index
    %get3A_4 = arith.constant 0 : index
    %get3A_5 = tpu.vector_load %arg12[%get3A_3, %get3A_4] {strides = array<i32>} : memref<3x64xf32, #tpu.memory_space<vmem>>, vector<16xf32>,
    %swap3A = arith.constant 61 : i32
    %swap3A_6 = arith.index_cast %swap3A : i32 to index
    %swap3A_7 = arith.constant 0 : index
    %swap3A_8 = tpu.vector_load %arg11[%swap3A_6, %swap3A_7] {strides = array<i32>} : memref<64x64xf32, #tpu.memory_space<vmem>>, vector<16xf32>,
    tpu.vector_store %arg11[%swap3A_6, %swap3A_7], %get3A_5 {strides = array<i32>} : memref<64x64xf32, #tpu.memory_space<vmem>>, vector<16xf32>,
    %get3A_9 = arith.constant 0 : i32
    %get3A_10 = arith.index_cast %get3A_9 : i32 to index
    %get3A_11 = arith.constant 16 : index
    %get3A_12 = tpu.vector_load %arg12[%get3A_10, %get3A_11] {strides = array<i32>} : memref<3x64xf32, #tpu.memory_space<vmem>>, vector<16xf32>,
    %swap3A_13 = arith.constant 61 : i32
    %swap3A_14 = arith.index_cast %swap3A_13 : i32 to index
    %swap3A_15 = arith.constant 16 : index
    %swap3A_16 = tpu.vector_load %arg11[%swap3A_14, %swap3A_15] {strides = array<i32>} : memref<64x64xf32, #tpu.memory_space<vmem>>, vector<16xf32>,
    tpu.vector_store %arg11[%swap3A_14, %swap3A_15], %get3A_12 {strides = array<i32>} : memref<64x64xf32, #tpu.memory_space<vmem>>, vector<16xf32>,
    %get3A_17 = arith.constant 0 : i32
    %get3A_18 = arith.index_cast %get3A_17 : i32 to index
    %get3A_19 = arith.constant 32 : index
    %get3A_20 = tpu.vector_load %arg12[%get3A_18, %get3A_19] {strides = array<i32>} : memref<3x64xf32, #tpu.memory_space<vmem>>, vector<16xf32>,
    %swap3A_21 = arith.constant 61 : i32
    %swap3A_22 = arith.index_cast %swap3A_21 : i32 to index
    %swap3A_23 = arith.constant 32 : index
    %swap3A_24 = tpu.vector_load %arg11[%swap3A_22, %swap3A_23] {strides = array<i32>} : memref<64x64xf32, #tpu.memory_space<vmem>>, vector<16xf32>,
    tpu.vector_store %arg11[%swap3A_22, %swap3A_23], %get3A_20 {strides = array<i32>} : memref<64x64xf32, #tpu.memory_space<vmem>>, vector<16xf32>,
    %get3A_25 = arith.constant 0 : i32
    %get3A_26 = arith.index_cast %get3A_25 : i32 to index
    %get3A_27 = arith.constant 48 : index
    %get3A_28 = tpu.vector_load %arg12[%get3A_26, %get3A_27] {strides = array<i32>} : memref<3x64xf32, #tpu.memory_space<vmem>>, vector<16xf32>,
    %swap3A_29 = arith.constant 61 : i32
    %swap3A_30 = arith.index_cast %swap3A_29 : i32 to index
    %swap3A_31 = arith.constant 48 : index
    %swap3A_32 = tpu.vector_load %arg11[%swap3A_30, %swap3A_31] {strides = array<i32>} : memref<64x64xf32, #tpu.memory_space<vmem>>, vector<16xf32>,
    tpu.vector_store %arg11[%swap3A_30, %swap3A_31], %get3A_28 {strides = array<i32>} : memref<64x64xf32, #tpu.memory_space<vmem>>, vector<16xf32>,
    %get3A_33 = arith.constant 1 : i32
    %get3A_34 = arith.index_cast %get3A_33 : i32 to index
    %get3A_35 = arith.constant 0 : index
    %get3A_36 = tpu.vector_load %arg12[%get3A_34, %get3A_35] {strides = array<i32>} : memref<3x64xf32, #tpu.memory_space<vmem>>, vector<16xf32>,
    %swap3A_37 = arith.constant 62 : i32
    %swap3A_38 = arith.index_cast %swap3A_37 : i32 to index
    %swap3A_39 = arith.constant 0 : index
    %swap3A_40 = tpu.vector_load %arg11[%swap3A_38, %swap3A_39] {strides = array<i32>} : memref<64x64xf32, #tpu.memory_space<vmem>>, vector<16xf32>,
    tpu.vector_store %arg11[%swap3A_38, %swap3A_39], %get3A_36 {strides = array<i32>} : memref<64x64xf32, #tpu.memory_space<vmem>>, vector<16xf32>,
    %get3A_41 = arith.constant 1 : i32
    %get3A_42 = arith.index_cast %get3A_41 : i32 to index
    %get3A_43 = arith.constant 16 : index
    %get3A_44 = tpu.vector_load %arg12[%get3A_42, %get3A_43] {strides = array<i32>} : memref<3x64xf32, #tpu.memory_space<vmem>>, vector<16xf32>,
    %swap3A_45 = arith.constant 62 : i32
    %swap3A_46 = arith.index_cast %swap3A_45 : i32 to index
    %swap3A_47 = arith.constant 16 : index
    %swap3A_48 = tpu.vector_load %arg11[%swap3A_46, %swap3A_47] {strides = array<i32>} : memref<64x64xf32, #tpu.memory_space<vmem>>, vector<16xf32>,
    tpu.vector_store %arg11[%swap3A_46, %swap3A_47], %get3A_44 {strides = array<i32>} : memref<64x64xf32, #tpu.memory_space<vmem>>, vector<16xf32>,
    %get3A_49 = arith.constant 1 : i32
    %get3A_50 = arith.index_cast %get3A_49 : i32 to index
    %get3A_51 = arith.constant 32 : index
    %get3A_52 = tpu.vector_load %arg12[%get3A_50, %get3A_51] {strides = array<i32>} : memref<3x64xf32, #tpu.memory_space<vmem>>, vector<16xf32>,
    %swap3A_53 = arith.constant 62 : i32
    %swap3A_54 = arith.index_cast %swap3A_53 : i32 to index
    %swap3A_55 = arith.constant 32 : index
    %swap3A_56 = tpu.vector_load %arg11[%swap3A_54, %swap3A_55] {strides = array<i32>} : memref<64x64xf32, #tpu.memory_space<vmem>>, vector<16xf32>,
    tpu.vector_store %arg11[%swap3A_54, %swap3A_55], %get3A_52 {strides = array<i32>} : memref<64x64xf32, #tpu.memory_space<vmem>>, vector<16xf32>,
    %get3A_57 = arith.constant 1 : i32
    %get3A_58 = arith.index_cast %get3A_57 : i32 to index
    %get3A_59 = arith.constant 48 : index
    %get3A_60 = tpu.vector_load %arg12[%get3A_58, %get3A_59] {strides = array<i32>} : memref<3x64xf32, #tpu.memory_space<vmem>>, vector<16xf32>,
    %swap3A_61 = arith.constant 62 : i32
    %swap3A_62 = arith.index_cast %swap3A_61 : i32 to index
    %swap3A_63 = arith.constant 48 : index
    %swap3A_64 = tpu.vector_load %arg11[%swap3A_62, %swap3A_63] {strides = array<i32>} : memref<64x64xf32, #tpu.memory_space<vmem>>, vector<16xf32>,
    tpu.vector_store %arg11[%swap3A_62, %swap3A_63], %get3A_60 {strides = array<i32>} : memref<64x64xf32, #tpu.memory_space<vmem>>, vector<16xf32>,
    %get3A_65 = arith.constant 2 : i32
    %get3A_66 = arith.index_cast %get3A_65 : i32 to index
    %get3A_67 = arith.constant 0 : index
    %get3A_68 = tpu.vector_load %arg12[%get3A_66, %get3A_67] {strides = array<i32>} : memref<3x64xf32, #tpu.memory_space<vmem>>, vector<16xf32>,
    %swap3A_69 = arith.constant 63 : i32
    %swap3A_70 = arith.index_cast %swap3A_69 : i32 to index
    %swap3A_71 = arith.constant 0 : index
    %swap3A_72 = tpu.vector_load %arg11[%swap3A_70, %swap3A_71] {strides = array<i32>} : memref<64x64xf32, #tpu.memory_space<vmem>>, vector<16xf32>,
    tpu.vector_store %arg11[%swap3A_70, %swap3A_71], %get3A_68 {strides = array<i32>} : memref<64x64xf32, #tpu.memory_space<vmem>>, vector<16xf32>,
    %get3A_73 = arith.constant 2 : i32
    %get3A_74 = arith.index_cast %get3A_73 : i32 to index
    %get3A_75 = arith.constant 16 : index
    %get3A_76 = tpu.vector_load %arg12[%get3A_74, %get3A_75] {strides = array<i32>} : memref<3x64xf32, #tpu.memory_space<vmem>>, vector<16xf32>,
    %swap3A_77 = arith.constant 63 : i32
    %swap3A_78 = arith.index_cast %swap3A_77 : i32 to index
    %swap3A_79 = arith.constant 16 : index
    %swap3A_80 = tpu.vector_load %arg11[%swap3A_78, %swap3A_79] {strides = array<i32>} : memref<64x64xf32, #tpu.memory_space<vmem>>, vector<16xf32>,
    tpu.vector_store %arg11[%swap3A_78, %swap3A_79], %get3A_76 {strides = array<i32>} : memref<64x64xf32, #tpu.memory_space<vmem>>, vector<16xf32>,
    %get3A_81 = arith.constant 2 : i32
    %get3A_82 = arith.index_cast %get3A_81 : i32 to index
    %get3A_83 = arith.constant 32 : index
    %get3A_84 = tpu.vector_load %arg12[%get3A_82, %get3A_83] {strides = array<i32>} : memref<3x64xf32, #tpu.memory_space<vmem>>, vector<16xf32>,
    %swap3A_85 = arith.constant 63 : i32
    %swap3A_86 = arith.index_cast %swap3A_85 : i32 to index
    %swap3A_87 = arith.constant 32 : index
    %swap3A_88 = tpu.vector_load %arg11[%swap3A_86, %swap3A_87] {strides = array<i32>} : memref<64x64xf32, #tpu.memory_space<vmem>>, vector<16xf32>,
    tpu.vector_store %arg11[%swap3A_86, %swap3A_87], %get3A_84 {strides = array<i32>} : memref<64x64xf32, #tpu.memory_space<vmem>>, vector<16xf32>,
    %get3A_89 = arith.constant 2 : i32
    %get3A_90 = arith.index_cast %get3A_89 : i32 to index
    %get3A_91 = arith.constant 48 : index
    %get3A_92 = tpu.vector_load %arg12[%get3A_90, %get3A_91] {strides = array<i32>} : memref<3x64xf32, #tpu.memory_space<vmem>>, vector<16xf32>,
    %swap3A_93 = arith.constant 63 : i32
    %swap3A_94 = arith.index_cast %swap3A_93 : i32 to index
    %swap3A_95 = arith.constant 48 : index
    %swap3A_96 = tpu.vector_load %arg11[%swap3A_94, %swap3A_95] {strides = array<i32>} : memref<64x64xf32, #tpu.memory_space<vmem>>, vector<16xf32>,
    tpu.vector_store %arg11[%swap3A_94, %swap3A_95], %get3A_92 {strides = array<i32>} : memref<64x64xf32, #tpu.memory_space<vmem>>, vector<16xf32>,
    %iota3A = tpu.iota {dimensions = array<i32: 0>} : vector<16xi32>
    %scan3A = arith.constant 0 : i32
    %scan3A_97 = arith.constant 0 : i32
    %scan3A_98 = arith.constant 128 : i32
    %scan3A_99 = arith.addi %scan3A_97, %scan3A_98 : i32
    %scan3A_100 = arith.constant 1 : i32
    %scan3A_101 = scf.for %scan3A_103 = %scan3A_97 to %scan3A_99 step %scan3A_100 iter_args(%scan3A_104 = %scan3A) -> (i32)  : i32 {
      %broadcast_in_dim3A = vector.broadcast %scan3A_103 : i32 to vector<16xi32>
      %scan3A_105 = arith.constant 0 : i32
      %scan3A_106 = arith.constant 0 : i32
      %scan3A_107 = arith.constant 8 : i32
      %scan3A_108 = arith.addi %scan3A_106, %scan3A_107 : i32
      %scan3A_109 = arith.constant 1 : i32
      %scan3A_110 = scf.for %scan3A_337 = %scan3A_106 to %scan3A_108 step %scan3A_109 iter_args(%scan3A_338 = %scan3A_105) -> (i32)  : i32 {
        %mul3A_339 = arith.constant 16 : i32
        %mul3A_340 = arith.muli %scan3A_337, %mul3A_339 : i32
        %add3A_341 = vector.broadcast %mul3A_340 : i32 to vector<16xi32>
        %add3A_342 = arith.addi %add3A_341, %iota3A : vector<16xi32>
        %gather3A = tpu.vector_load_idx %arg7[%add3A_342, %broadcast_in_dim3A] : memref<200x128xi32, #tpu.memory_space<vmem>>[vector<16xi32>, vector<16xi32>], vector<16xi32>,
        %jit3A = arith.constant 0 : i32
        %jit3A_343 = arith.constant 999999 : i32
        %max3A = vector.broadcast %jit3A : i32 to vector<16xi32>
        %max3A_344 = arith.maxsi %max3A, %gather3A : vector<16xi32>
        %min3A = vector.broadcast %jit3A_343 : i32 to vector<16xi32>
        %min3A_345 = arith.minsi %min3A, %max3A_344 : vector<16xi32>
        %mul3A_346 = arith.constant 16 : i32
        %mul3A_347 = arith.muli %scan3A_337, %mul3A_346 : i32
        %swap3A_348 = arith.index_cast %mul3A_347 : i32 to index
        %swap3A_349 = tpu.vector_load %arg8[%swap3A_348] {strides = array<i32>} : memref<128xi32, #tpu.memory_space<vmem>>, vector<16xi32>,
        tpu.vector_store %arg8[%swap3A_348], %min3A_345 {strides = array<i32>} : memref<128xi32, #tpu.memory_space<vmem>>, vector<16xi32>,
        %scan3A_350 = arith.constant 0 : i32
        scf.yield %scan3A_350 : i32
      }
      %scan3A_111 = arith.constant 8 : i32
      %scan3A_112 = arith.constant 0 : i32
      %scan3A_113 = arith.constant 0 : i32
      %scan3A_114 = arith.constant 5 : i32
      %scan3A_115 = arith.addi %scan3A_113, %scan3A_114 : i32
      %scan3A_116 = arith.constant 1 : i32
      %scan3A_117 = scf.for %scan3A_337 = %scan3A_113 to %scan3A_115 step %scan3A_116 iter_args(%scan3A_338 = %scan3A_112) -> (i32)  : i32 {
        %mul3A_339 = arith.constant 16 : i32
        %mul3A_340 = arith.muli %scan3A_337, %mul3A_339 : i32
        %add3A_341 = arith.constant 128 : i32
        %add3A_342 = arith.addi %add3A_341, %mul3A_340 : i32
        %add3A_343 = vector.broadcast %add3A_342 : i32 to vector<16xi32>
        %add3A_344 = arith.addi %add3A_343, %iota3A : vector<16xi32>
        %min3A = arith.constant 199 : i32
        %min3A_345 = vector.broadcast %min3A : i32 to vector<16xi32>
        %min3A_346 = arith.minsi %add3A_344, %min3A_345 : vector<16xi32>
        %gather3A = tpu.vector_load_idx %arg7[%min3A_346, %broadcast_in_dim3A] : memref<200x128xi32, #tpu.memory_space<vmem>>[vector<16xi32>, vector<16xi32>], vector<16xi32>,
        %jit3A = arith.constant 0 : i32
        %jit3A_347 = arith.constant 999999 : i32
        %max3A = vector.broadcast %jit3A : i32 to vector<16xi32>
        %max3A_348 = arith.maxsi %max3A, %gather3A : vector<16xi32>
        %min3A_349 = vector.broadcast %jit3A_347 : i32 to vector<16xi32>
        %min3A_350 = arith.minsi %min3A_349, %max3A_348 : vector<16xi32>
        %mul3A_351 = arith.constant 16 : i32
        %mul3A_352 = arith.muli %scan3A_337, %mul3A_351 : i32
        %swap3A_353 = arith.index_cast %mul3A_352 : i32 to index
        %swap3A_354 = tpu.vector_load %arg9[%swap3A_353] {strides = array<i32>} : memref<128xi32, #tpu.memory_space<vmem>>, vector<16xi32>,
        tpu.vector_store %arg9[%swap3A_353], %min3A_350 {strides = array<i32>} : memref<128xi32, #tpu.memory_space<vmem>>, vector<16xi32>,
        %scan3A_355 = arith.constant 0 : i32
        scf.yield %scan3A_355 : i32
      }
      %scan3A_118 = arith.constant 5 : i32
      %dma_start3A = arith.constant 0 : i32
      %dma_start3A_119 = arith.constant 0 : i32
      %dma_start3A_120 = tpu.memref_slice %arg10[%dma_start3A, %dma_start3A_119] : memref<200x128xf32, #tpu.memory_space<vmem>> -> memref<128x128xf32, #tpu.memory_space<vmem>>
      %dma_start3A_121 = arith.constant 0 : i32
      %dma_start3A_122 = arith.constant 0 : i32
      %dma_start3A_123 = tpu.memref_slice %arg3[%dma_start3A_121, %dma_start3A_122] : memref<1000000x128xf32, #tpu.memory_space<hbm>> -> memref<1000000x128xf32, #tpu.memory_space<hbm>>
      tpu.enqueue_indirect_dma source(%dma_start3A_123 : memref<1000000x128xf32, #tpu.memory_space<hbm>>) target(%dma_start3A_120 : memref<128x128xf32, #tpu.memory_space<vmem>>) offsets(%arg8 : memref<128xi32, #tpu.memory_space<vmem>>) semaphore(%arg13 : memref<!tpu.dma_semaphore, #tpu.memory_space<semaphore_mem>>)
      %dma_start3A_124 = arith.constant 128 : i32
      %dma_start3A_125 = arith.constant 0 : i32
      %dma_start3A_126 = tpu.memref_slice %arg10[%dma_start3A_124, %dma_start3A_125] : memref<200x128xf32, #tpu.memory_space<vmem>> -> memref<72x128xf32, #tpu.memory_space<vmem>>
      %dma_start3A_127 = arith.constant 0 : i32
      %dma_start3A_128 = tpu.memref_slice %arg9[%dma_start3A_127] : memref<128xi32, #tpu.memory_space<vmem>> -> memref<72xi32, #tpu.memory_space<vmem>>
      %dma_start3A_129 = arith.constant 0 : i32
      %dma_start3A_130 = arith.constant 0 : i32
      %dma_start3A_131 = tpu.memref_slice %arg3[%dma_start3A_129, %dma_start3A_130] : memref<1000000x128xf32, #tpu.memory_space<hbm>> -> memref<1000000x128xf32, #tpu.memory_space<hbm>>
      tpu.enqueue_indirect_dma source(%dma_start3A_131 : memref<1000000x128xf32, #tpu.memory_space<hbm>>) target(%dma_start3A_126 : memref<72x128xf32, #tpu.memory_space<vmem>>) offsets(%dma_start3A_128 : memref<72xi32, #tpu.memory_space<vmem>>) semaphore(%arg14 : memref<!tpu.dma_semaphore, #tpu.memory_space<semaphore_mem>>)
      %add3A_132 = arith.addi %mul3A_2, %scan3A_103 : i32
      %dma_wait3A = arith.constant 0 : i32
      %dma_wait3A_133 = arith.constant 0 : i32
      %dma_wait3A_134 = tpu.memref_slice %arg10[%dma_wait3A, %dma_wait3A_133] : memref<200x128xf32, #tpu.memory_space<vmem>> -> memref<128x128xf32, #tpu.memory_space<vmem>>
      %dma_wait3A_135 = arith.constant 0 : i32
      %dma_wait3A_136 = arith.constant 0 : i32
      %dma_wait3A_137 = tpu.memref_slice %arg3[%dma_wait3A_135, %dma_wait3A_136] : memref<1000000x128xf32, #tpu.memory_space<hbm>> -> memref<1000000x128xf32, #tpu.memory_space<hbm>>
      tpu.wait_indirect_dma semaphore(%arg13 : memref<!tpu.dma_semaphore, #tpu.memory_space<semaphore_mem>>) src(%dma_wait3A_137 : memref<1000000x128xf32, #tpu.memory_space<hbm>>) dst(%dma_wait3A_134 : memref<128x128xf32, #tpu.memory_space<vmem>>)
      %get3A_138 = arith.constant 0 : index
      %get3A_139 = tpu.vector_load %arg8[%get3A_138] {strides = array<i32>} : memref<128xi32, #tpu.memory_space<vmem>>, vector<16xi32>,
      %ge3A = arith.constant 999936 : i32
      %ge3A_140 = vector.broadcast %ge3A : i32 to vector<16xi32>
      %ge3A_141 = arith.cmpi sge, %get3A_139, %ge3A_140 : vector<16xi32>
      %convert_element_type3A = arith.extui %ge3A_141 : vector<16xi1> to vector<16xi32>
      %reduce_sum3A = arith.constant true
      %reduce_sum3A_142 = vector.broadcast %reduce_sum3A : i1 to vector<16xi1>
      %reduce_sum3A_143 = tpu.scan <sum>, %convert_element_type3A masked %reduce_sum3A_142 : vector<16xi32>, vector<16xi1> -> vector<16xi32>
      %reduce_sum3A_144 = vector.extract %reduce_sum3A_143[15] : i32 from vector<16xi32>
      %gt3A = arith.constant 0 : i32
      %gt3A_145 = arith.cmpi sgt, %reduce_sum3A_144, %gt3A : i32
      %convert_element_type3A_146 = arith.extui %gt3A_145 : i1 to i32
      %cond3A = arith.constant 0 : i32
      %cond3A_147 = arith.cmpi ne, %convert_element_type3A_146, %cond3A : i32
      scf.if %cond3A_147 {
        %convert_element_type3A_337 = arith.extui %ge3A_141 : vector<16xi1> to vector<16xi32>
        %while3A = arith.constant 0 : i32
        %while3A_338 = arith.subi %reduce_sum3A_144, %while3A : i32
        %while3A_339 = arith.addi %while3A, %while3A_338 : i32
        %while3A_340 = arith.constant 1 : i32
        %while3A_341 = arith.divsi %while3A_338, %while3A_340 : i32
        %while3A_342 = arith.muli %while3A_341, %while3A_340 : i32
        %while3A_343 = arith.addi %while3A, %while3A_342 : i32
        %while3A_344 = arith.constant 1 : i32
        %while3A_345 = scf.for %while3A_348 = %while3A to %while3A_343 step %while3A_344 iter_args(%while3A_349 = %convert_element_type3A_337) -> (vector<16xi32>)  : i32 {
          %gt3A_350 = arith.constant 0 : i32
          %gt3A_351 = vector.broadcast %gt3A_350 : i32 to vector<16xi32>
          %gt3A_352 = arith.cmpi sgt, %while3A_349, %gt3A_351 : vector<16xi32>
          %jit3A = arith.constant 16 : i32
          %broadcast_in_dim3A_353 = vector.broadcast %jit3A : i32 to vector<16xi32>
          %select_n3A = arith.select %gt3A_352, %iota3A, %broadcast_in_dim3A_353 : vector<16xi1>, vector<16xi32>
          %reduce_min3A = arith.constant true
          %reduce_min3A_354 = vector.broadcast %reduce_min3A : i1 to vector<16xi1>
          %reduce_min3A_355 = arith.constant -2147483648 : i32
          %reduce_min3A_356 = vector.broadcast %reduce_min3A_355 : i32 to vector<16xi32>
          %reduce_min3A_357 = arith.xori %select_n3A, %reduce_min3A_356 : vector<16xi32>
          %reduce_min3A_358 = tpu.scan <min>, %reduce_min3A_357 masked %reduce_min3A_354 : vector<16xi32>, vector<16xi1> -> vector<16xi32>
          %reduce_min3A_359 = arith.xori %reduce_min3A_358, %reduce_min3A_356 : vector<16xi32>
          %reduce_min3A_360 = vector.extract %reduce_min3A_359[15] : i32 from vector<16xi32>
          %eq3A = vector.broadcast %reduce_min3A_360 : i32 to vector<16xi32>
          %eq3A_361 = arith.cmpi eq, %iota3A, %eq3A : vector<16xi32>
          %sub3A = arith.constant 999936 : i32
          %sub3A_362 = vector.broadcast %sub3A : i32 to vector<16xi32>
          %sub3A_363 = arith.subi %get3A_139, %sub3A_362 : vector<16xi32>
          %jit3A_364 = arith.constant -1 : i32
          %broadcast_in_dim3A_365 = vector.broadcast %jit3A_364 : i32 to vector<16xi32>
          %select_n3A_366 = arith.select %eq3A_361, %sub3A_363, %broadcast_in_dim3A_365 : vector<16xi1>, vector<16xi32>
          %reduce_max3A = arith.constant true
          %reduce_max3A_367 = vector.broadcast %reduce_max3A : i1 to vector<16xi1>
          %reduce_max3A_368 = arith.constant -2147483648 : i32
          %reduce_max3A_369 = vector.broadcast %reduce_max3A_368 : i32 to vector<16xi32>
          %reduce_max3A_370 = arith.xori %select_n3A_366, %reduce_max3A_369 : vector<16xi32>
          %reduce_max3A_371 = tpu.scan <max>, %reduce_max3A_370 masked %reduce_max3A_367 : vector<16xi32>, vector<16xi1> -> vector<16xi32>
          %reduce_max3A_372 = arith.xori %reduce_max3A_371, %reduce_max3A_369 : vector<16xi32>
          %reduce_max3A_373 = vector.extract %reduce_max3A_372[15] : i32 from vector<16xi32>
          %add3A_374 = arith.constant 0 : i32
          %add3A_375 = arith.addi %add3A_374, %reduce_min3A_360 : i32
          %broadcast_in_dim3A_376 = vector.broadcast %add3A_375 : i32 to vector<16xi32>
          %get3A_377 = arith.index_cast %reduce_max3A_373 : i32 to index
          %get3A_378 = arith.constant 0 : index
          %get3A_379 = tpu.vector_load %arg11[%get3A_377, %get3A_378] {strides = array<i32>} : memref<64x64xf32, #tpu.memory_space<vmem>>, vector<16xf32>,
          %add3A_380 = arith.constant 0 : i32
          %add3A_381 = vector.broadcast %add3A_380 : i32 to vector<16xi32>
          %add3A_382 = arith.addi %iota3A, %add3A_381 : vector<16xi32>
          tpu.vector_store_idx %arg10[%broadcast_in_dim3A_376, %add3A_382], %get3A_379 : memref<200x128xf32, #tpu.memory_space<vmem>>[vector<16xi32>, vector<16xi32>], vector<16xf32>,
          %get3A_383 = arith.index_cast %reduce_max3A_373 : i32 to index
          %get3A_384 = arith.constant 16 : index
          %get3A_385 = tpu.vector_load %arg11[%get3A_383, %get3A_384] {strides = array<i32>} : memref<64x64xf32, #tpu.memory_space<vmem>>, vector<16xf32>,
          %add3A_386 = arith.constant 16 : i32
          %add3A_387 = vector.broadcast %add3A_386 : i32 to vector<16xi32>
          %add3A_388 = arith.addi %iota3A, %add3A_387 : vector<16xi32>
          tpu.vector_store_idx %arg10[%broadcast_in_dim3A_376, %add3A_388], %get3A_385 : memref<200x128xf32, #tpu.memory_space<vmem>>[vector<16xi32>, vector<16xi32>], vector<16xf32>,
          %get3A_389 = arith.index_cast %reduce_max3A_373 : i32 to index
          %get3A_390 = arith.constant 32 : index
          %get3A_391 = tpu.vector_load %arg11[%get3A_389, %get3A_390] {strides = array<i32>} : memref<64x64xf32, #tpu.memory_space<vmem>>, vector<16xf32>,
          %add3A_392 = arith.constant 32 : i32
          %add3A_393 = vector.broadcast %add3A_392 : i32 to vector<16xi32>
          %add3A_394 = arith.addi %iota3A, %add3A_393 : vector<16xi32>
          tpu.vector_store_idx %arg10[%broadcast_in_dim3A_376, %add3A_394], %get3A_391 : memref<200x128xf32, #tpu.memory_space<vmem>>[vector<16xi32>, vector<16xi32>], vector<16xf32>,
          %get3A_395 = arith.index_cast %reduce_max3A_373 : i32 to index
          %get3A_396 = arith.constant 48 : index
          %get3A_397 = tpu.vector_load %arg11[%get3A_395, %get3A_396] {strides = array<i32>} : memref<64x64xf32, #tpu.memory_space<vmem>>, vector<16xf32>,
          %add3A_398 = arith.constant 48 : i32
          %add3A_399 = vector.broadcast %add3A_398 : i32 to vector<16xi32>
          %add3A_400 = arith.addi %iota3A, %add3A_399 : vector<16xi32>
          tpu.vector_store_idx %arg10[%broadcast_in_dim3A_376, %add3A_400], %get3A_397 : memref<200x128xf32, #tpu.memory_space<vmem>>[vector<16xi32>, vector<16xi32>], vector<16xf32>,
          %ne3A = vector.broadcast %reduce_min3A_360 : i32 to vector<16xi32>
          %ne3A_401 = arith.cmpi ne, %iota3A, %ne3A : vector<16xi32>
          %convert_element_type3A_402 = arith.extui %ne3A_401 : vector<16xi1> to vector<16xi32>
          %and3A = arith.andi %while3A_349, %convert_element_type3A_402 : vector<16xi32>
          scf.yield %and3A : vector<16xi32>
        }
        %while3A_346 = arith.constant 1 : i32
        %while3A_347 = scf.for %while3A_348 = %while3A_343 to %while3A_339 step %while3A_346 iter_args(%while3A_349 = %while3A_345) -> (vector<16xi32>)  : i32 {
          %gt3A_350 = arith.constant 0 : i32
          %gt3A_351 = vector.broadcast %gt3A_350 : i32 to vector<16xi32>
          %gt3A_352 = arith.cmpi sgt, %while3A_349, %gt3A_351 : vector<16xi32>
          %jit3A = arith.constant 16 : i32
          %broadcast_in_dim3A_353 = vector.broadcast %jit3A : i32 to vector<16xi32>
          %select_n3A = arith.select %gt3A_352, %iota3A, %broadcast_in_dim3A_353 : vector<16xi1>, vector<16xi32>
          %reduce_min3A = arith.constant true
          %reduce_min3A_354 = vector.broadcast %reduce_min3A : i1 to vector<16xi1>
          %reduce_min3A_355 = arith.constant -2147483648 : i32
          %reduce_min3A_356 = vector.broadcast %reduce_min3A_355 : i32 to vector<16xi32>
          %reduce_min3A_357 = arith.xori %select_n3A, %reduce_min3A_356 : vector<16xi32>
          %reduce_min3A_358 = tpu.scan <min>, %reduce_min3A_357 masked %reduce_min3A_354 : vector<16xi32>, vector<16xi1> -> vector<16xi32>
          %reduce_min3A_359 = arith.xori %reduce_min3A_358, %reduce_min3A_356 : vector<16xi32>
          %reduce_min3A_360 = vector.extract %reduce_min3A_359[15] : i32 from vector<16xi32>
          %eq3A = vector.broadcast %reduce_min3A_360 : i32 to vector<16xi32>
          %eq3A_361 = arith.cmpi eq, %iota3A, %eq3A : vector<16xi32>
          %sub3A = arith.constant 999936 : i32
          %sub3A_362 = vector.broadcast %sub3A : i32 to vector<16xi32>
          %sub3A_363 = arith.subi %get3A_139, %sub3A_362 : vector<16xi32>
          %jit3A_364 = arith.constant -1 : i32
          %broadcast_in_dim3A_365 = vector.broadcast %jit3A_364 : i32 to vector<16xi32>
          %select_n3A_366 = arith.select %eq3A_361, %sub3A_363, %broadcast_in_dim3A_365 : vector<16xi1>, vector<16xi32>
          %reduce_max3A = arith.constant true
          %reduce_max3A_367 = vector.broadcast %reduce_max3A : i1 to vector<16xi1>
          %reduce_max3A_368 = arith.constant -2147483648 : i32
          %reduce_max3A_369 = vector.broadcast %reduce_max3A_368 : i32 to vector<16xi32>
          %reduce_max3A_370 = arith.xori %select_n3A_366, %reduce_max3A_369 : vector<16xi32>
          %reduce_max3A_371 = tpu.scan <max>, %reduce_max3A_370 masked %reduce_max3A_367 : vector<16xi32>, vector<16xi1> -> vector<16xi32>
          %reduce_max3A_372 = arith.xori %reduce_max3A_371, %reduce_max3A_369 : vector<16xi32>
          %reduce_max3A_373 = vector.extract %reduce_max3A_372[15] : i32 from vector<16xi32>
          %add3A_374 = arith.constant 0 : i32
          %add3A_375 = arith.addi %add3A_374, %reduce_min3A_360 : i32
          %broadcast_in_dim3A_376 = vector.broadcast %add3A_375 : i32 to vector<16xi32>
          %get3A_377 = arith.index_cast %reduce_max3A_373 : i32 to index
          %get3A_378 = arith.constant 0 : index
          %get3A_379 = tpu.vector_load %arg11[%get3A_377, %get3A_378] {strides = array<i32>} : memref<64x64xf32, #tpu.memory_space<vmem>>, vector<16xf32>,
          %add3A_380 = arith.constant 0 : i32
          %add3A_381 = vector.broadcast %add3A_380 : i32 to vector<16xi32>
          %add3A_382 = arith.addi %iota3A, %add3A_381 : vector<16xi32>
          tpu.vector_store_idx %arg10[%broadcast_in_dim3A_376, %add3A_382], %get3A_379 : memref<200x128xf32, #tpu.memory_space<vmem>>[vector<16xi32>, vector<16xi32>], vector<16xf32>,
          %get3A_383 = arith.index_cast %reduce_max3A_373 : i32 to index
          %get3A_384 = arith.constant 16 : index
          %get3A_385 = tpu.vector_load %arg11[%get3A_383, %get3A_384] {strides = array<i32>} : memref<64x64xf32, #tpu.memory_space<vmem>>, vector<16xf32>,
          %add3A_386 = arith.constant 16 : i32
          %add3A_387 = vector.broadcast %add3A_386 : i32 to vector<16xi32>
          %add3A_388 = arith.addi %iota3A, %add3A_387 : vector<16xi32>
          tpu.vector_store_idx %arg10[%broadcast_in_dim3A_376, %add3A_388], %get3A_385 : memref<200x128xf32, #tpu.memory_space<vmem>>[vector<16xi32>, vector<16xi32>], vector<16xf32>,
          %get3A_389 = arith.index_cast %reduce_max3A_373 : i32 to index
          %get3A_390 = arith.constant 32 : index
          %get3A_391 = tpu.vector_load %arg11[%get3A_389, %get3A_390] {strides = array<i32>} : memref<64x64xf32, #tpu.memory_space<vmem>>, vector<16xf32>,
          %add3A_392 = arith.constant 32 : i32
          %add3A_393 = vector.broadcast %add3A_392 : i32 to vector<16xi32>
          %add3A_394 = arith.addi %iota3A, %add3A_393 : vector<16xi32>
          tpu.vector_store_idx %arg10[%broadcast_in_dim3A_376, %add3A_394], %get3A_391 : memref<200x128xf32, #tpu.memory_space<vmem>>[vector<16xi32>, vector<16xi32>], vector<16xf32>,
          %get3A_395 = arith.index_cast %reduce_max3A_373 : i32 to index
          %get3A_396 = arith.constant 48 : index
          %get3A_397 = tpu.vector_load %arg11[%get3A_395, %get3A_396] {strides = array<i32>} : memref<64x64xf32, #tpu.memory_space<vmem>>, vector<16xf32>,
          %add3A_398 = arith.constant 48 : i32
          %add3A_399 = vector.broadcast %add3A_398 : i32 to vector<16xi32>
          %add3A_400 = arith.addi %iota3A, %add3A_399 : vector<16xi32>
          tpu.vector_store_idx %arg10[%broadcast_in_dim3A_376, %add3A_400], %get3A_397 : memref<200x128xf32, #tpu.memory_space<vmem>>[vector<16xi32>, vector<16xi32>], vector<16xf32>,
          %ne3A = vector.broadcast %reduce_min3A_360 : i32 to vector<16xi32>
          %ne3A_401 = arith.cmpi ne, %iota3A, %ne3A : vector<16xi32>
          %convert_element_type3A_402 = arith.extui %ne3A_401 : vector<16xi1> to vector<16xi32>
          %and3A = arith.andi %while3A_349, %convert_element_type3A_402 : vector<16xi32>
          scf.yield %and3A : vector<16xi32>
        }
      } else {
      }
      %get3A_148 = arith.constant 16 : index
      %get3A_149 = tpu.vector_load %arg8[%get3A_148] {strides = array<i32>} : memref<128xi32, #tpu.memory_space<vmem>>, vector<16xi32>,
      %ge3A_150 = arith.constant 999936 : i32
      %ge3A_151 = vector.broadcast %ge3A_150 : i32 to vector<16xi32>
      %ge3A_152 = arith.cmpi sge, %get3A_149, %ge3A_151 : vector<16xi32>
      %convert_element_type3A_153 = arith.extui %ge3A_152 : vector<16xi1> to vector<16xi32>
      %reduce_sum3A_154 = arith.constant true
      %reduce_sum3A_155 = vector.broadcast %reduce_sum3A_154 : i1 to vector<16xi1>
      %reduce_sum3A_156 = tpu.scan <sum>, %convert_element_type3A_153 masked %reduce_sum3A_155 : vector<16xi32>, vector<16xi1> -> vector<16xi32>
      %reduce_sum3A_157 = vector.extract %reduce_sum3A_156[15] : i32 from vector<16xi32>
      %gt3A_158 = arith.constant 0 : i32
      %gt3A_159 = arith.cmpi sgt, %reduce_sum3A_157, %gt3A_158 : i32
      %convert_element_type3A_160 = arith.extui %gt3A_159 : i1 to i32
      %cond3A_161 = arith.constant 0 : i32
      %cond3A_162 = arith.cmpi ne, %convert_element_type3A_160, %cond3A_161 : i32
      scf.if %cond3A_162 {
        %convert_element_type3A_337 = arith.extui %ge3A_152 : vector<16xi1> to vector<16xi32>
        %while3A = arith.constant 0 : i32
        %while3A_338 = arith.subi %reduce_sum3A_157, %while3A : i32
        %while3A_339 = arith.addi %while3A, %while3A_338 : i32
        %while3A_340 = arith.constant 1 : i32
        %while3A_341 = arith.divsi %while3A_338, %while3A_340 : i32
        %while3A_342 = arith.muli %while3A_341, %while3A_340 : i32
        %while3A_343 = arith.addi %while3A, %while3A_342 : i32
        %while3A_344 = arith.constant 1 : i32
        %while3A_345 = scf.for %while3A_348 = %while3A to %while3A_343 step %while3A_344 iter_args(%while3A_349 = %convert_element_type3A_337) -> (vector<16xi32>)  : i32 {
          %gt3A_350 = arith.constant 0 : i32
          %gt3A_351 = vector.broadcast %gt3A_350 : i32 to vector<16xi32>
          %gt3A_352 = arith.cmpi sgt, %while3A_349, %gt3A_351 : vector<16xi32>
          %jit3A = arith.constant 16 : i32
          %broadcast_in_dim3A_353 = vector.broadcast %jit3A : i32 to vector<16xi32>
          %select_n3A = arith.select %gt3A_352, %iota3A, %broadcast_in_dim3A_353 : vector<16xi1>, vector<16xi32>
          %reduce_min3A = arith.constant true
          %reduce_min3A_354 = vector.broadcast %reduce_min3A : i1 to vector<16xi1>
          %reduce_min3A_355 = arith.constant -2147483648 : i32
          %reduce_min3A_356 = vector.broadcast %reduce_min3A_355 : i32 to vector<16xi32>
          %reduce_min3A_357 = arith.xori %select_n3A, %reduce_min3A_356 : vector<16xi32>
          %reduce_min3A_358 = tpu.scan <min>, %reduce_min3A_357 masked %reduce_min3A_354 : vector<16xi32>, vector<16xi1> -> vector<16xi32>
          %reduce_min3A_359 = arith.xori %reduce_min3A_358, %reduce_min3A_356 : vector<16xi32>
          %reduce_min3A_360 = vector.extract %reduce_min3A_359[15] : i32 from vector<16xi32>
          %eq3A = vector.broadcast %reduce_min3A_360 : i32 to vector<16xi32>
          %eq3A_361 = arith.cmpi eq, %iota3A, %eq3A : vector<16xi32>
          %sub3A = arith.constant 999936 : i32
          %sub3A_362 = vector.broadcast %sub3A : i32 to vector<16xi32>
          %sub3A_363 = arith.subi %get3A_149, %sub3A_362 : vector<16xi32>
          %jit3A_364 = arith.constant -1 : i32
          %broadcast_in_dim3A_365 = vector.broadcast %jit3A_364 : i32 to vector<16xi32>
          %select_n3A_366 = arith.select %eq3A_361, %sub3A_363, %broadcast_in_dim3A_365 : vector<16xi1>, vector<16xi32>
          %reduce_max3A = arith.constant true
          %reduce_max3A_367 = vector.broadcast %reduce_max3A : i1 to vector<16xi1>
          %reduce_max3A_368 = arith.constant -2147483648 : i32
          %reduce_max3A_369 = vector.broadcast %reduce_max3A_368 : i32 to vector<16xi32>
          %reduce_max3A_370 = arith.xori %select_n3A_366, %reduce_max3A_369 : vector<16xi32>
          %reduce_max3A_371 = tpu.scan <max>, %reduce_max3A_370 masked %reduce_max3A_367 : vector<16xi32>, vector<16xi1> -> vector<16xi32>
          %reduce_max3A_372 = arith.xori %reduce_max3A_371, %reduce_max3A_369 : vector<16xi32>
          %reduce_max3A_373 = vector.extract %reduce_max3A_372[15] : i32 from vector<16xi32>
          %add3A_374 = arith.constant 16 : i32
          %add3A_375 = arith.addi %add3A_374, %reduce_min3A_360 : i32
          %broadcast_in_dim3A_376 = vector.broadcast %add3A_375 : i32 to vector<16xi32>
          %get3A_377 = arith.index_cast %reduce_max3A_373 : i32 to index
          %get3A_378 = arith.constant 0 : index
          %get3A_379 = tpu.vector_load %arg11[%get3A_377, %get3A_378] {strides = array<i32>} : memref<64x64xf32, #tpu.memory_space<vmem>>, vector<16xf32>,
          %add3A_380 = arith.constant 0 : i32
          %add3A_381 = vector.broadcast %add3A_380 : i32 to vector<16xi32>
          %add3A_382 = arith.addi %iota3A, %add3A_381 : vector<16xi32>
          tpu.vector_store_idx %arg10[%broadcast_in_dim3A_376, %add3A_382], %get3A_379 : memref<200x128xf32, #tpu.memory_space<vmem>>[vector<16xi32>, vector<16xi32>], vector<16xf32>,
          %get3A_383 = arith.index_cast %reduce_max3A_373 : i32 to index
          %get3A_384 = arith.constant 16 : index
          %get3A_385 = tpu.vector_load %arg11[%get3A_383, %get3A_384] {strides = array<i32>} : memref<64x64xf32, #tpu.memory_space<vmem>>, vector<16xf32>,
          %add3A_386 = arith.constant 16 : i32
          %add3A_387 = vector.broadcast %add3A_386 : i32 to vector<16xi32>
          %add3A_388 = arith.addi %iota3A, %add3A_387 : vector<16xi32>
          tpu.vector_store_idx %arg10[%broadcast_in_dim3A_376, %add3A_388], %get3A_385 : memref<200x128xf32, #tpu.memory_space<vmem>>[vector<16xi32>, vector<16xi32>], vector<16xf32>,
          %get3A_389 = arith.index_cast %reduce_max3A_373 : i32 to index
          %get3A_390 = arith.constant 32 : index
          %get3A_391 = tpu.vector_load %arg11[%get3A_389, %get3A_390] {strides = array<i32>} : memref<64x64xf32, #tpu.memory_space<vmem>>, vector<16xf32>,
          %add3A_392 = arith.constant 32 : i32
          %add3A_393 = vector.broadcast %add3A_392 : i32 to vector<16xi32>
          %add3A_394 = arith.addi %iota3A, %add3A_393 : vector<16xi32>
          tpu.vector_store_idx %arg10[%broadcast_in_dim3A_376, %add3A_394], %get3A_391 : memref<200x128xf32, #tpu.memory_space<vmem>>[vector<16xi32>, vector<16xi32>], vector<16xf32>,
          %get3A_395 = arith.index_cast %reduce_max3A_373 : i32 to index
          %get3A_396 = arith.constant 48 : index
          %get3A_397 = tpu.vector_load %arg11[%get3A_395, %get3A_396] {strides = array<i32>} : memref<64x64xf32, #tpu.memory_space<vmem>>, vector<16xf32>,
          %add3A_398 = arith.constant 48 : i32
          %add3A_399 = vector.broadcast %add3A_398 : i32 to vector<16xi32>
          %add3A_400 = arith.addi %iota3A, %add3A_399 : vector<16xi32>
          tpu.vector_store_idx %arg10[%broadcast_in_dim3A_376, %add3A_400], %get3A_397 : memref<200x128xf32, #tpu.memory_space<vmem>>[vector<16xi32>, vector<16xi32>], vector<16xf32>,
          %ne3A = vector.broadcast %reduce_min3A_360 : i32 to vector<16xi32>
          %ne3A_401 = arith.cmpi ne, %iota3A, %ne3A : vector<16xi32>
          %convert_element_type3A_402 = arith.extui %ne3A_401 : vector<16xi1> to vector<16xi32>
          %and3A = arith.andi %while3A_349, %convert_element_type3A_402 : vector<16xi32>
          scf.yield %and3A : vector<16xi32>
        }
        %while3A_346 = arith.constant 1 : i32
        %while3A_347 = scf.for %while3A_348 = %while3A_343 to %while3A_339 step %while3A_346 iter_args(%while3A_349 = %while3A_345) -> (vector<16xi32>)  : i32 {
          %gt3A_350 = arith.constant 0 : i32
          %gt3A_351 = vector.broadcast %gt3A_350 : i32 to vector<16xi32>
          %gt3A_352 = arith.cmpi sgt, %while3A_349, %gt3A_351 : vector<16xi32>
          %jit3A = arith.constant 16 : i32
          %broadcast_in_dim3A_353 = vector.broadcast %jit3A : i32 to vector<16xi32>
          %select_n3A = arith.select %gt3A_352, %iota3A, %broadcast_in_dim3A_353 : vector<16xi1>, vector<16xi32>
          %reduce_min3A = arith.constant true
          %reduce_min3A_354 = vector.broadcast %reduce_min3A : i1 to vector<16xi1>
          %reduce_min3A_355 = arith.constant -2147483648 : i32
          %reduce_min3A_356 = vector.broadcast %reduce_min3A_355 : i32 to vector<16xi32>
          %reduce_min3A_357 = arith.xori %select_n3A, %reduce_min3A_356 : vector<16xi32>
          %reduce_min3A_358 = tpu.scan <min>, %reduce_min3A_357 masked %reduce_min3A_354 : vector<16xi32>, vector<16xi1> -> vector<16xi32>
          %reduce_min3A_359 = arith.xori %reduce_min3A_358, %reduce_min3A_356 : vector<16xi32>
          %reduce_min3A_360 = vector.extract %reduce_min3A_359[15] : i32 from vector<16xi32>
          %eq3A = vector.broadcast %reduce_min3A_360 : i32 to vector<16xi32>
          %eq3A_361 = arith.cmpi eq, %iota3A, %eq3A : vector<16xi32>
          %sub3A = arith.constant 999936 : i32
          %sub3A_362 = vector.broadcast %sub3A : i32 to vector<16xi32>
          %sub3A_363 = arith.subi %get3A_149, %sub3A_362 : vector<16xi32>
          %jit3A_364 = arith.constant -1 : i32
          %broadcast_in_dim3A_365 = vector.broadcast %jit3A_364 : i32 to vector<16xi32>
          %select_n3A_366 = arith.select %eq3A_361, %sub3A_363, %broadcast_in_dim3A_365 : vector<16xi1>, vector<16xi32>
          %reduce_max3A = arith.constant true
          %reduce_max3A_367 = vector.broadcast %reduce_max3A : i1 to vector<16xi1>
          %reduce_max3A_368 = arith.constant -2147483648 : i32
          %reduce_max3A_369 = vector.broadcast %reduce_max3A_368 : i32 to vector<16xi32>
          %reduce_max3A_370 = arith.xori %select_n3A_366, %reduce_max3A_369 : vector<16xi32>
          %reduce_max3A_371 = tpu.scan <max>, %reduce_max3A_370 masked %reduce_max3A_367 : vector<16xi32>, vector<16xi1> -> vector<16xi32>
          %reduce_max3A_372 = arith.xori %reduce_max3A_371, %reduce_max3A_369 : vector<16xi32>
          %reduce_max3A_373 = vector.extract %reduce_max3A_372[15] : i32 from vector<16xi32>
          %add3A_374 = arith.constant 16 : i32
          %add3A_375 = arith.addi %add3A_374, %reduce_min3A_360 : i32
          %broadcast_in_dim3A_376 = vector.broadcast %add3A_375 : i32 to vector<16xi32>
          %get3A_377 = arith.index_cast %reduce_max3A_373 : i32 to index
          %get3A_378 = arith.constant 0 : index
          %get3A_379 = tpu.vector_load %arg11[%get3A_377, %get3A_378] {strides = array<i32>} : memref<64x64xf32, #tpu.memory_space<vmem>>, vector<16xf32>,
          %add3A_380 = arith.constant 0 : i32
          %add3A_381 = vector.broadcast %add3A_380 : i32 to vector<16xi32>
          %add3A_382 = arith.addi %iota3A, %add3A_381 : vector<16xi32>
          tpu.vector_store_idx %arg10[%broadcast_in_dim3A_376, %add3A_382], %get3A_379 : memref<200x128xf32, #tpu.memory_space<vmem>>[vector<16xi32>, vector<16xi32>], vector<16xf32>,
          %get3A_383 = arith.index_cast %reduce_max3A_373 : i32 to index
          %get3A_384 = arith.constant 16 : index
          %get3A_385 = tpu.vector_load %arg11[%get3A_383, %get3A_384] {strides = array<i32>} : memref<64x64xf32, #tpu.memory_space<vmem>>, vector<16xf32>,
          %add3A_386 = arith.constant 16 : i32
          %add3A_387 = vector.broadcast %add3A_386 : i32 to vector<16xi32>
          %add3A_388 = arith.addi %iota3A, %add3A_387 : vector<16xi32>
          tpu.vector_store_idx %arg10[%broadcast_in_dim3A_376, %add3A_388], %get3A_385 : memref<200x128xf32, #tpu.memory_space<vmem>>[vector<16xi32>, vector<16xi32>], vector<16xf32>,
          %get3A_389 = arith.index_cast %reduce_max3A_373 : i32 to index
          %get3A_390 = arith.constant 32 : index
          %get3A_391 = tpu.vector_load %arg11[%get3A_389, %get3A_390] {strides = array<i32>} : memref<64x64xf32, #tpu.memory_space<vmem>>, vector<16xf32>,
          %add3A_392 = arith.constant 32 : i32
          %add3A_393 = vector.broadcast %add3A_392 : i32 to vector<16xi32>
          %add3A_394 = arith.addi %iota3A, %add3A_393 : vector<16xi32>
          tpu.vector_store_idx %arg10[%broadcast_in_dim3A_376, %add3A_394], %get3A_391 : memref<200x128xf32, #tpu.memory_space<vmem>>[vector<16xi32>, vector<16xi32>], vector<16xf32>,
          %get3A_395 = arith.index_cast %reduce_max3A_373 : i32 to index
          %get3A_396 = arith.constant 48 : index
          %get3A_397 = tpu.vector_load %arg11[%get3A_395, %get3A_396] {strides = array<i32>} : memref<64x64xf32, #tpu.memory_space<vmem>>, vector<16xf32>,
          %add3A_398 = arith.constant 48 : i32
          %add3A_399 = vector.broadcast %add3A_398 : i32 to vector<16xi32>
          %add3A_400 = arith.addi %iota3A, %add3A_399 : vector<16xi32>
          tpu.vector_store_idx %arg10[%broadcast_in_dim3A_376, %add3A_400], %get3A_397 : memref<200x128xf32, #tpu.memory_space<vmem>>[vector<16xi32>, vector<16xi32>], vector<16xf32>,
          %ne3A = vector.broadcast %reduce_min3A_360 : i32 to vector<16xi32>
          %ne3A_401 = arith.cmpi ne, %iota3A, %ne3A : vector<16xi32>
          %convert_element_type3A_402 = arith.extui %ne3A_401 : vector<16xi1> to vector<16xi32>
          %and3A = arith.andi %while3A_349, %convert_element_type3A_402 : vector<16xi32>
          scf.yield %and3A : vector<16xi32>
        }
      } else {
      }
      %get3A_163 = arith.constant 32 : index
      %get3A_164 = tpu.vector_load %arg8[%get3A_163] {strides = array<i32>} : memref<128xi32, #tpu.memory_space<vmem>>, vector<16xi32>,
      %ge3A_165 = arith.constant 999936 : i32
      %ge3A_166 = vector.broadcast %ge3A_165 : i32 to vector<16xi32>
      %ge3A_167 = arith.cmpi sge, %get3A_164, %ge3A_166 : vector<16xi32>
      %convert_element_type3A_168 = arith.extui %ge3A_167 : vector<16xi1> to vector<16xi32>
      %reduce_sum3A_169 = arith.constant true
      %reduce_sum3A_170 = vector.broadcast %reduce_sum3A_169 : i1 to vector<16xi1>
      %reduce_sum3A_171 = tpu.scan <sum>, %convert_element_type3A_168 masked %reduce_sum3A_170 : vector<16xi32>, vector<16xi1> -> vector<16xi32>
      %reduce_sum3A_172 = vector.extract %reduce_sum3A_171[15] : i32 from vector<16xi32>
      %gt3A_173 = arith.constant 0 : i32
      %gt3A_174 = arith.cmpi sgt, %reduce_sum3A_172, %gt3A_173 : i32
      %convert_element_type3A_175 = arith.extui %gt3A_174 : i1 to i32
      %cond3A_176 = arith.constant 0 : i32
      %cond3A_177 = arith.cmpi ne, %convert_element_type3A_175, %cond3A_176 : i32
      scf.if %cond3A_177 {
        %convert_element_type3A_337 = arith.extui %ge3A_167 : vector<16xi1> to vector<16xi32>
        %while3A = arith.constant 0 : i32
        %while3A_338 = arith.subi %reduce_sum3A_172, %while3A : i32
        %while3A_339 = arith.addi %while3A, %while3A_338 : i32
        %while3A_340 = arith.constant 1 : i32
        %while3A_341 = arith.divsi %while3A_338, %while3A_340 : i32
        %while3A_342 = arith.muli %while3A_341, %while3A_340 : i32
        %while3A_343 = arith.addi %while3A, %while3A_342 : i32
        %while3A_344 = arith.constant 1 : i32
        %while3A_345 = scf.for %while3A_348 = %while3A to %while3A_343 step %while3A_344 iter_args(%while3A_349 = %convert_element_type3A_337) -> (vector<16xi32>)  : i32 {
          %gt3A_350 = arith.constant 0 : i32
          %gt3A_351 = vector.broadcast %gt3A_350 : i32 to vector<16xi32>
          %gt3A_352 = arith.cmpi sgt, %while3A_349, %gt3A_351 : vector<16xi32>
          %jit3A = arith.constant 16 : i32
          %broadcast_in_dim3A_353 = vector.broadcast %jit3A : i32 to vector<16xi32>
          %select_n3A = arith.select %gt3A_352, %iota3A, %broadcast_in_dim3A_353 : vector<16xi1>, vector<16xi32>
          %reduce_min3A = arith.constant true
          %reduce_min3A_354 = vector.broadcast %reduce_min3A : i1 to vector<16xi1>
          %reduce_min3A_355 = arith.constant -2147483648 : i32
          %reduce_min3A_356 = vector.broadcast %reduce_min3A_355 : i32 to vector<16xi32>
          %reduce_min3A_357 = arith.xori %select_n3A, %reduce_min3A_356 : vector<16xi32>
          %reduce_min3A_358 = tpu.scan <min>, %reduce_min3A_357 masked %reduce_min3A_354 : vector<16xi32>, vector<16xi1> -> vector<16xi32>
          %reduce_min3A_359 = arith.xori %reduce_min3A_358, %reduce_min3A_356 : vector<16xi32>
          %reduce_min3A_360 = vector.extract %reduce_min3A_359[15] : i32 from vector<16xi32>
          %eq3A = vector.broadcast %reduce_min3A_360 : i32 to vector<16xi32>
          %eq3A_361 = arith.cmpi eq, %iota3A, %eq3A : vector<16xi32>
          %sub3A = arith.constant 999936 : i32
          %sub3A_362 = vector.broadcast %sub3A : i32 to vector<16xi32>
          %sub3A_363 = arith.subi %get3A_164, %sub3A_362 : vector<16xi32>
          %jit3A_364 = arith.constant -1 : i32
          %broadcast_in_dim3A_365 = vector.broadcast %jit3A_364 : i32 to vector<16xi32>
          %select_n3A_366 = arith.select %eq3A_361, %sub3A_363, %broadcast_in_dim3A_365 : vector<16xi1>, vector<16xi32>
          %reduce_max3A = arith.constant true
          %reduce_max3A_367 = vector.broadcast %reduce_max3A : i1 to vector<16xi1>
          %reduce_max3A_368 = arith.constant -2147483648 : i32
          %reduce_max3A_369 = vector.broadcast %reduce_max3A_368 : i32 to vector<16xi32>
          %reduce_max3A_370 = arith.xori %select_n3A_366, %reduce_max3A_369 : vector<16xi32>
          %reduce_max3A_371 = tpu.scan <max>, %reduce_max3A_370 masked %reduce_max3A_367 : vector<16xi32>, vector<16xi1> -> vector<16xi32>
          %reduce_max3A_372 = arith.xori %reduce_max3A_371, %reduce_max3A_369 : vector<16xi32>
          %reduce_max3A_373 = vector.extract %reduce_max3A_372[15] : i32 from vector<16xi32>
          %add3A_374 = arith.constant 32 : i32
          %add3A_375 = arith.addi %add3A_374, %reduce_min3A_360 : i32
          %broadcast_in_dim3A_376 = vector.broadcast %add3A_375 : i32 to vector<16xi32>
          %get3A_377 = arith.index_cast %reduce_max3A_373 : i32 to index
          %get3A_378 = arith.constant 0 : index
          %get3A_379 = tpu.vector_load %arg11[%get3A_377, %get3A_378] {strides = array<i32>} : memref<64x64xf32, #tpu.memory_space<vmem>>, vector<16xf32>,
          %add3A_380 = arith.constant 0 : i32
          %add3A_381 = vector.broadcast %add3A_380 : i32 to vector<16xi32>
          %add3A_382 = arith.addi %iota3A, %add3A_381 : vector<16xi32>
          tpu.vector_store_idx %arg10[%broadcast_in_dim3A_376, %add3A_382], %get3A_379 : memref<200x128xf32, #tpu.memory_space<vmem>>[vector<16xi32>, vector<16xi32>], vector<16xf32>,
          %get3A_383 = arith.index_cast %reduce_max3A_373 : i32 to index
          %get3A_384 = arith.constant 16 : index
          %get3A_385 = tpu.vector_load %arg11[%get3A_383, %get3A_384] {strides = array<i32>} : memref<64x64xf32, #tpu.memory_space<vmem>>, vector<16xf32>,
          %add3A_386 = arith.constant 16 : i32
          %add3A_387 = vector.broadcast %add3A_386 : i32 to vector<16xi32>
          %add3A_388 = arith.addi %iota3A, %add3A_387 : vector<16xi32>
          tpu.vector_store_idx %arg10[%broadcast_in_dim3A_376, %add3A_388], %get3A_385 : memref<200x128xf32, #tpu.memory_space<vmem>>[vector<16xi32>, vector<16xi32>], vector<16xf32>,
          %get3A_389 = arith.index_cast %reduce_max3A_373 : i32 to index
          %get3A_390 = arith.constant 32 : index
          %get3A_391 = tpu.vector_load %arg11[%get3A_389, %get3A_390] {strides = array<i32>} : memref<64x64xf32, #tpu.memory_space<vmem>>, vector<16xf32>,
          %add3A_392 = arith.constant 32 : i32
          %add3A_393 = vector.broadcast %add3A_392 : i32 to vector<16xi32>
          %add3A_394 = arith.addi %iota3A, %add3A_393 : vector<16xi32>
          tpu.vector_store_idx %arg10[%broadcast_in_dim3A_376, %add3A_394], %get3A_391 : memref<200x128xf32, #tpu.memory_space<vmem>>[vector<16xi32>, vector<16xi32>], vector<16xf32>,
          %get3A_395 = arith.index_cast %reduce_max3A_373 : i32 to index
          %get3A_396 = arith.constant 48 : index
          %get3A_397 = tpu.vector_load %arg11[%get3A_395, %get3A_396] {strides = array<i32>} : memref<64x64xf32, #tpu.memory_space<vmem>>, vector<16xf32>,
          %add3A_398 = arith.constant 48 : i32
          %add3A_399 = vector.broadcast %add3A_398 : i32 to vector<16xi32>
          %add3A_400 = arith.addi %iota3A, %add3A_399 : vector<16xi32>
          tpu.vector_store_idx %arg10[%broadcast_in_dim3A_376, %add3A_400], %get3A_397 : memref<200x128xf32, #tpu.memory_space<vmem>>[vector<16xi32>, vector<16xi32>], vector<16xf32>,
          %ne3A = vector.broadcast %reduce_min3A_360 : i32 to vector<16xi32>
          %ne3A_401 = arith.cmpi ne, %iota3A, %ne3A : vector<16xi32>
          %convert_element_type3A_402 = arith.extui %ne3A_401 : vector<16xi1> to vector<16xi32>
          %and3A = arith.andi %while3A_349, %convert_element_type3A_402 : vector<16xi32>
          scf.yield %and3A : vector<16xi32>
        }
        %while3A_346 = arith.constant 1 : i32
        %while3A_347 = scf.for %while3A_348 = %while3A_343 to %while3A_339 step %while3A_346 iter_args(%while3A_349 = %while3A_345) -> (vector<16xi32>)  : i32 {
          %gt3A_350 = arith.constant 0 : i32
          %gt3A_351 = vector.broadcast %gt3A_350 : i32 to vector<16xi32>
          %gt3A_352 = arith.cmpi sgt, %while3A_349, %gt3A_351 : vector<16xi32>
          %jit3A = arith.constant 16 : i32
          %broadcast_in_dim3A_353 = vector.broadcast %jit3A : i32 to vector<16xi32>
          %select_n3A = arith.select %gt3A_352, %iota3A, %broadcast_in_dim3A_353 : vector<16xi1>, vector<16xi32>
          %reduce_min3A = arith.constant true
          %reduce_min3A_354 = vector.broadcast %reduce_min3A : i1 to vector<16xi1>
          %reduce_min3A_355 = arith.constant -2147483648 : i32
          %reduce_min3A_356 = vector.broadcast %reduce_min3A_355 : i32 to vector<16xi32>
          %reduce_min3A_357 = arith.xori %select_n3A, %reduce_min3A_356 : vector<16xi32>
          %reduce_min3A_358 = tpu.scan <min>, %reduce_min3A_357 masked %reduce_min3A_354 : vector<16xi32>, vector<16xi1> -> vector<16xi32>
          %reduce_min3A_359 = arith.xori %reduce_min3A_358, %reduce_min3A_356 : vector<16xi32>
          %reduce_min3A_360 = vector.extract %reduce_min3A_359[15] : i32 from vector<16xi32>
          %eq3A = vector.broadcast %reduce_min3A_360 : i32 to vector<16xi32>
          %eq3A_361 = arith.cmpi eq, %iota3A, %eq3A : vector<16xi32>
          %sub3A = arith.constant 999936 : i32
          %sub3A_362 = vector.broadcast %sub3A : i32 to vector<16xi32>
          %sub3A_363 = arith.subi %get3A_164, %sub3A_362 : vector<16xi32>
          %jit3A_364 = arith.constant -1 : i32
          %broadcast_in_dim3A_365 = vector.broadcast %jit3A_364 : i32 to vector<16xi32>
          %select_n3A_366 = arith.select %eq3A_361, %sub3A_363, %broadcast_in_dim3A_365 : vector<16xi1>, vector<16xi32>
          %reduce_max3A = arith.constant true
          %reduce_max3A_367 = vector.broadcast %reduce_max3A : i1 to vector<16xi1>
          %reduce_max3A_368 = arith.constant -2147483648 : i32
          %reduce_max3A_369 = vector.broadcast %reduce_max3A_368 : i32 to vector<16xi32>
          %reduce_max3A_370 = arith.xori %select_n3A_366, %reduce_max3A_369 : vector<16xi32>
          %reduce_max3A_371 = tpu.scan <max>, %reduce_max3A_370 masked %reduce_max3A_367 : vector<16xi32>, vector<16xi1> -> vector<16xi32>
          %reduce_max3A_372 = arith.xori %reduce_max3A_371, %reduce_max3A_369 : vector<16xi32>
          %reduce_max3A_373 = vector.extract %reduce_max3A_372[15] : i32 from vector<16xi32>
          %add3A_374 = arith.constant 32 : i32
          %add3A_375 = arith.addi %add3A_374, %reduce_min3A_360 : i32
          %broadcast_in_dim3A_376 = vector.broadcast %add3A_375 : i32 to vector<16xi32>
          %get3A_377 = arith.index_cast %reduce_max3A_373 : i32 to index
          %get3A_378 = arith.constant 0 : index
          %get3A_379 = tpu.vector_load %arg11[%get3A_377, %get3A_378] {strides = array<i32>} : memref<64x64xf32, #tpu.memory_space<vmem>>, vector<16xf32>,
          %add3A_380 = arith.constant 0 : i32
          %add3A_381 = vector.broadcast %add3A_380 : i32 to vector<16xi32>
          %add3A_382 = arith.addi %iota3A, %add3A_381 : vector<16xi32>
          tpu.vector_store_idx %arg10[%broadcast_in_dim3A_376, %add3A_382], %get3A_379 : memref<200x128xf32, #tpu.memory_space<vmem>>[vector<16xi32>, vector<16xi32>], vector<16xf32>,
          %get3A_383 = arith.index_cast %reduce_max3A_373 : i32 to index
          %get3A_384 = arith.constant 16 : index
          %get3A_385 = tpu.vector_load %arg11[%get3A_383, %get3A_384] {strides = array<i32>} : memref<64x64xf32, #tpu.memory_space<vmem>>, vector<16xf32>,
          %add3A_386 = arith.constant 16 : i32
          %add3A_387 = vector.broadcast %add3A_386 : i32 to vector<16xi32>
          %add3A_388 = arith.addi %iota3A, %add3A_387 : vector<16xi32>
          tpu.vector_store_idx %arg10[%broadcast_in_dim3A_376, %add3A_388], %get3A_385 : memref<200x128xf32, #tpu.memory_space<vmem>>[vector<16xi32>, vector<16xi32>], vector<16xf32>,
          %get3A_389 = arith.index_cast %reduce_max3A_373 : i32 to index
          %get3A_390 = arith.constant 32 : index
          %get3A_391 = tpu.vector_load %arg11[%get3A_389, %get3A_390] {strides = array<i32>} : memref<64x64xf32, #tpu.memory_space<vmem>>, vector<16xf32>,
          %add3A_392 = arith.constant 32 : i32
          %add3A_393 = vector.broadcast %add3A_392 : i32 to vector<16xi32>
          %add3A_394 = arith.addi %iota3A, %add3A_393 : vector<16xi32>
          tpu.vector_store_idx %arg10[%broadcast_in_dim3A_376, %add3A_394], %get3A_391 : memref<200x128xf32, #tpu.memory_space<vmem>>[vector<16xi32>, vector<16xi32>], vector<16xf32>,
          %get3A_395 = arith.index_cast %reduce_max3A_373 : i32 to index
          %get3A_396 = arith.constant 48 : index
          %get3A_397 = tpu.vector_load %arg11[%get3A_395, %get3A_396] {strides = array<i32>} : memref<64x64xf32, #tpu.memory_space<vmem>>, vector<16xf32>,
          %add3A_398 = arith.constant 48 : i32
          %add3A_399 = vector.broadcast %add3A_398 : i32 to vector<16xi32>
          %add3A_400 = arith.addi %iota3A, %add3A_399 : vector<16xi32>
          tpu.vector_store_idx %arg10[%broadcast_in_dim3A_376, %add3A_400], %get3A_397 : memref<200x128xf32, #tpu.memory_space<vmem>>[vector<16xi32>, vector<16xi32>], vector<16xf32>,
          %ne3A = vector.broadcast %reduce_min3A_360 : i32 to vector<16xi32>
          %ne3A_401 = arith.cmpi ne, %iota3A, %ne3A : vector<16xi32>
          %convert_element_type3A_402 = arith.extui %ne3A_401 : vector<16xi1> to vector<16xi32>
          %and3A = arith.andi %while3A_349, %convert_element_type3A_402 : vector<16xi32>
          scf.yield %and3A : vector<16xi32>
        }
      } else {
      }
      %get3A_178 = arith.constant 48 : index
      %get3A_179 = tpu.vector_load %arg8[%get3A_178] {strides = array<i32>} : memref<128xi32, #tpu.memory_space<vmem>>, vector<16xi32>,
      %ge3A_180 = arith.constant 999936 : i32
      %ge3A_181 = vector.broadcast %ge3A_180 : i32 to vector<16xi32>
      %ge3A_182 = arith.cmpi sge, %get3A_179, %ge3A_181 : vector<16xi32>
      %convert_element_type3A_183 = arith.extui %ge3A_182 : vector<16xi1> to vector<16xi32>
      %reduce_sum3A_184 = arith.constant true
      %reduce_sum3A_185 = vector.broadcast %reduce_sum3A_184 : i1 to vector<16xi1>
      %reduce_sum3A_186 = tpu.scan <sum>, %convert_element_type3A_183 masked %reduce_sum3A_185 : vector<16xi32>, vector<16xi1> -> vector<16xi32>
      %reduce_sum3A_187 = vector.extract %reduce_sum3A_186[15] : i32 from vector<16xi32>
      %gt3A_188 = arith.constant 0 : i32
      %gt3A_189 = arith.cmpi sgt, %reduce_sum3A_187, %gt3A_188 : i32
      %convert_element_type3A_190 = arith.extui %gt3A_189 : i1 to i32
      %cond3A_191 = arith.constant 0 : i32
      %cond3A_192 = arith.cmpi ne, %convert_element_type3A_190, %cond3A_191 : i32
      scf.if %cond3A_192 {
        %convert_element_type3A_337 = arith.extui %ge3A_182 : vector<16xi1> to vector<16xi32>
        %while3A = arith.constant 0 : i32
        %while3A_338 = arith.subi %reduce_sum3A_187, %while3A : i32
        %while3A_339 = arith.addi %while3A, %while3A_338 : i32
        %while3A_340 = arith.constant 1 : i32
        %while3A_341 = arith.divsi %while3A_338, %while3A_340 : i32
        %while3A_342 = arith.muli %while3A_341, %while3A_340 : i32
        %while3A_343 = arith.addi %while3A, %while3A_342 : i32
        %while3A_344 = arith.constant 1 : i32
        %while3A_345 = scf.for %while3A_348 = %while3A to %while3A_343 step %while3A_344 iter_args(%while3A_349 = %convert_element_type3A_337) -> (vector<16xi32>)  : i32 {
          %gt3A_350 = arith.constant 0 : i32
          %gt3A_351 = vector.broadcast %gt3A_350 : i32 to vector<16xi32>
          %gt3A_352 = arith.cmpi sgt, %while3A_349, %gt3A_351 : vector<16xi32>
          %jit3A = arith.constant 16 : i32
          %broadcast_in_dim3A_353 = vector.broadcast %jit3A : i32 to vector<16xi32>
          %select_n3A = arith.select %gt3A_352, %iota3A, %broadcast_in_dim3A_353 : vector<16xi1>, vector<16xi32>
          %reduce_min3A = arith.constant true
          %reduce_min3A_354 = vector.broadcast %reduce_min3A : i1 to vector<16xi1>
          %reduce_min3A_355 = arith.constant -2147483648 : i32
          %reduce_min3A_356 = vector.broadcast %reduce_min3A_355 : i32 to vector<16xi32>
          %reduce_min3A_357 = arith.xori %select_n3A, %reduce_min3A_356 : vector<16xi32>
          %reduce_min3A_358 = tpu.scan <min>, %reduce_min3A_357 masked %reduce_min3A_354 : vector<16xi32>, vector<16xi1> -> vector<16xi32>
          %reduce_min3A_359 = arith.xori %reduce_min3A_358, %reduce_min3A_356 : vector<16xi32>
          %reduce_min3A_360 = vector.extract %reduce_min3A_359[15] : i32 from vector<16xi32>
          %eq3A = vector.broadcast %reduce_min3A_360 : i32 to vector<16xi32>
          %eq3A_361 = arith.cmpi eq, %iota3A, %eq3A : vector<16xi32>
          %sub3A = arith.constant 999936 : i32
          %sub3A_362 = vector.broadcast %sub3A : i32 to vector<16xi32>
          %sub3A_363 = arith.subi %get3A_179, %sub3A_362 : vector<16xi32>
          %jit3A_364 = arith.constant -1 : i32
          %broadcast_in_dim3A_365 = vector.broadcast %jit3A_364 : i32 to vector<16xi32>
          %select_n3A_366 = arith.select %eq3A_361, %sub3A_363, %broadcast_in_dim3A_365 : vector<16xi1>, vector<16xi32>
          %reduce_max3A = arith.constant true
          %reduce_max3A_367 = vector.broadcast %reduce_max3A : i1 to vector<16xi1>
          %reduce_max3A_368 = arith.constant -2147483648 : i32
          %reduce_max3A_369 = vector.broadcast %reduce_max3A_368 : i32 to vector<16xi32>
          %reduce_max3A_370 = arith.xori %select_n3A_366, %reduce_max3A_369 : vector<16xi32>
          %reduce_max3A_371 = tpu.scan <max>, %reduce_max3A_370 masked %reduce_max3A_367 : vector<16xi32>, vector<16xi1> -> vector<16xi32>
          %reduce_max3A_372 = arith.xori %reduce_max3A_371, %reduce_max3A_369 : vector<16xi32>
          %reduce_max3A_373 = vector.extract %reduce_max3A_372[15] : i32 from vector<16xi32>
          %add3A_374 = arith.constant 48 : i32
          %add3A_375 = arith.addi %add3A_374, %reduce_min3A_360 : i32
          %broadcast_in_dim3A_376 = vector.broadcast %add3A_375 : i32 to vector<16xi32>
          %get3A_377 = arith.index_cast %reduce_max3A_373 : i32 to index
          %get3A_378 = arith.constant 0 : index
          %get3A_379 = tpu.vector_load %arg11[%get3A_377, %get3A_378] {strides = array<i32>} : memref<64x64xf32, #tpu.memory_space<vmem>>, vector<16xf32>,
          %add3A_380 = arith.constant 0 : i32
          %add3A_381 = vector.broadcast %add3A_380 : i32 to vector<16xi32>
          %add3A_382 = arith.addi %iota3A, %add3A_381 : vector<16xi32>
          tpu.vector_store_idx %arg10[%broadcast_in_dim3A_376, %add3A_382], %get3A_379 : memref<200x128xf32, #tpu.memory_space<vmem>>[vector<16xi32>, vector<16xi32>], vector<16xf32>,
          %get3A_383 = arith.index_cast %reduce_max3A_373 : i32 to index
          %get3A_384 = arith.constant 16 : index
          %get3A_385 = tpu.vector_load %arg11[%get3A_383, %get3A_384] {strides = array<i32>} : memref<64x64xf32, #tpu.memory_space<vmem>>, vector<16xf32>,
          %add3A_386 = arith.constant 16 : i32
          %add3A_387 = vector.broadcast %add3A_386 : i32 to vector<16xi32>
          %add3A_388 = arith.addi %iota3A, %add3A_387 : vector<16xi32>
          tpu.vector_store_idx %arg10[%broadcast_in_dim3A_376, %add3A_388], %get3A_385 : memref<200x128xf32, #tpu.memory_space<vmem>>[vector<16xi32>, vector<16xi32>], vector<16xf32>,
          %get3A_389 = arith.index_cast %reduce_max3A_373 : i32 to index
          %get3A_390 = arith.constant 32 : index
          %get3A_391 = tpu.vector_load %arg11[%get3A_389, %get3A_390] {strides = array<i32>} : memref<64x64xf32, #tpu.memory_space<vmem>>, vector<16xf32>,
          %add3A_392 = arith.constant 32 : i32
          %add3A_393 = vector.broadcast %add3A_392 : i32 to vector<16xi32>
          %add3A_394 = arith.addi %iota3A, %add3A_393 : vector<16xi32>
          tpu.vector_store_idx %arg10[%broadcast_in_dim3A_376, %add3A_394], %get3A_391 : memref<200x128xf32, #tpu.memory_space<vmem>>[vector<16xi32>, vector<16xi32>], vector<16xf32>,
          %get3A_395 = arith.index_cast %reduce_max3A_373 : i32 to index
          %get3A_396 = arith.constant 48 : index
          %get3A_397 = tpu.vector_load %arg11[%get3A_395, %get3A_396] {strides = array<i32>} : memref<64x64xf32, #tpu.memory_space<vmem>>, vector<16xf32>,
          %add3A_398 = arith.constant 48 : i32
          %add3A_399 = vector.broadcast %add3A_398 : i32 to vector<16xi32>
          %add3A_400 = arith.addi %iota3A, %add3A_399 : vector<16xi32>
          tpu.vector_store_idx %arg10[%broadcast_in_dim3A_376, %add3A_400], %get3A_397 : memref<200x128xf32, #tpu.memory_space<vmem>>[vector<16xi32>, vector<16xi32>], vector<16xf32>,
          %ne3A = vector.broadcast %reduce_min3A_360 : i32 to vector<16xi32>
          %ne3A_401 = arith.cmpi ne, %iota3A, %ne3A : vector<16xi32>
          %convert_element_type3A_402 = arith.extui %ne3A_401 : vector<16xi1> to vector<16xi32>
          %and3A = arith.andi %while3A_349, %convert_element_type3A_402 : vector<16xi32>
          scf.yield %and3A : vector<16xi32>
        }
        %while3A_346 = arith.constant 1 : i32
        %while3A_347 = scf.for %while3A_348 = %while3A_343 to %while3A_339 step %while3A_346 iter_args(%while3A_349 = %while3A_345) -> (vector<16xi32>)  : i32 {
          %gt3A_350 = arith.constant 0 : i32
          %gt3A_351 = vector.broadcast %gt3A_350 : i32 to vector<16xi32>
          %gt3A_352 = arith.cmpi sgt, %while3A_349, %gt3A_351 : vector<16xi32>
          %jit3A = arith.constant 16 : i32
          %broadcast_in_dim3A_353 = vector.broadcast %jit3A : i32 to vector<16xi32>
          %select_n3A = arith.select %gt3A_352, %iota3A, %broadcast_in_dim3A_353 : vector<16xi1>, vector<16xi32>
          %reduce_min3A = arith.constant true
          %reduce_min3A_354 = vector.broadcast %reduce_min3A : i1 to vector<16xi1>
          %reduce_min3A_355 = arith.constant -2147483648 : i32
          %reduce_min3A_356 = vector.broadcast %reduce_min3A_355 : i32 to vector<16xi32>
          %reduce_min3A_357 = arith.xori %select_n3A, %reduce_min3A_356 : vector<16xi32>
          %reduce_min3A_358 = tpu.scan <min>, %reduce_min3A_357 masked %reduce_min3A_354 : vector<16xi32>, vector<16xi1> -> vector<16xi32>
          %reduce_min3A_359 = arith.xori %reduce_min3A_358, %reduce_min3A_356 : vector<16xi32>
          %reduce_min3A_360 = vector.extract %reduce_min3A_359[15] : i32 from vector<16xi32>
          %eq3A = vector.broadcast %reduce_min3A_360 : i32 to vector<16xi32>
          %eq3A_361 = arith.cmpi eq, %iota3A, %eq3A : vector<16xi32>
          %sub3A = arith.constant 999936 : i32
          %sub3A_362 = vector.broadcast %sub3A : i32 to vector<16xi32>
          %sub3A_363 = arith.subi %get3A_179, %sub3A_362 : vector<16xi32>
          %jit3A_364 = arith.constant -1 : i32
          %broadcast_in_dim3A_365 = vector.broadcast %jit3A_364 : i32 to vector<16xi32>
          %select_n3A_366 = arith.select %eq3A_361, %sub3A_363, %broadcast_in_dim3A_365 : vector<16xi1>, vector<16xi32>
          %reduce_max3A = arith.constant true
          %reduce_max3A_367 = vector.broadcast %reduce_max3A : i1 to vector<16xi1>
          %reduce_max3A_368 = arith.constant -2147483648 : i32
          %reduce_max3A_369 = vector.broadcast %reduce_max3A_368 : i32 to vector<16xi32>
          %reduce_max3A_370 = arith.xori %select_n3A_366, %reduce_max3A_369 : vector<16xi32>
          %reduce_max3A_371 = tpu.scan <max>, %reduce_max3A_370 masked %reduce_max3A_367 : vector<16xi32>, vector<16xi1> -> vector<16xi32>
          %reduce_max3A_372 = arith.xori %reduce_max3A_371, %reduce_max3A_369 : vector<16xi32>
          %reduce_max3A_373 = vector.extract %reduce_max3A_372[15] : i32 from vector<16xi32>
          %add3A_374 = arith.constant 48 : i32
          %add3A_375 = arith.addi %add3A_374, %reduce_min3A_360 : i32
          %broadcast_in_dim3A_376 = vector.broadcast %add3A_375 : i32 to vector<16xi32>
          %get3A_377 = arith.index_cast %reduce_max3A_373 : i32 to index
          %get3A_378 = arith.constant 0 : index
          %get3A_379 = tpu.vector_load %arg11[%get3A_377, %get3A_378] {strides = array<i32>} : memref<64x64xf32, #tpu.memory_space<vmem>>, vector<16xf32>,
          %add3A_380 = arith.constant 0 : i32
          %add3A_381 = vector.broadcast %add3A_380 : i32 to vector<16xi32>
          %add3A_382 = arith.addi %iota3A, %add3A_381 : vector<16xi32>
          tpu.vector_store_idx %arg10[%broadcast_in_dim3A_376, %add3A_382], %get3A_379 : memref<200x128xf32, #tpu.memory_space<vmem>>[vector<16xi32>, vector<16xi32>], vector<16xf32>,
          %get3A_383 = arith.index_cast %reduce_max3A_373 : i32 to index
          %get3A_384 = arith.constant 16 : index
          %get3A_385 = tpu.vector_load %arg11[%get3A_383, %get3A_384] {strides = array<i32>} : memref<64x64xf32, #tpu.memory_space<vmem>>, vector<16xf32>,
          %add3A_386 = arith.constant 16 : i32
          %add3A_387 = vector.broadcast %add3A_386 : i32 to vector<16xi32>
          %add3A_388 = arith.addi %iota3A, %add3A_387 : vector<16xi32>
          tpu.vector_store_idx %arg10[%broadcast_in_dim3A_376, %add3A_388], %get3A_385 : memref<200x128xf32, #tpu.memory_space<vmem>>[vector<16xi32>, vector<16xi32>], vector<16xf32>,
          %get3A_389 = arith.index_cast %reduce_max3A_373 : i32 to index
          %get3A_390 = arith.constant 32 : index
          %get3A_391 = tpu.vector_load %arg11[%get3A_389, %get3A_390] {strides = array<i32>} : memref<64x64xf32, #tpu.memory_space<vmem>>, vector<16xf32>,
          %add3A_392 = arith.constant 32 : i32
          %add3A_393 = vector.broadcast %add3A_392 : i32 to vector<16xi32>
          %add3A_394 = arith.addi %iota3A, %add3A_393 : vector<16xi32>
          tpu.vector_store_idx %arg10[%broadcast_in_dim3A_376, %add3A_394], %get3A_391 : memref<200x128xf32, #tpu.memory_space<vmem>>[vector<16xi32>, vector<16xi32>], vector<16xf32>,
          %get3A_395 = arith.index_cast %reduce_max3A_373 : i32 to index
          %get3A_396 = arith.constant 48 : index
          %get3A_397 = tpu.vector_load %arg11[%get3A_395, %get3A_396] {strides = array<i32>} : memref<64x64xf32, #tpu.memory_space<vmem>>, vector<16xf32>,
          %add3A_398 = arith.constant 48 : i32
          %add3A_399 = vector.broadcast %add3A_398 : i32 to vector<16xi32>
          %add3A_400 = arith.addi %iota3A, %add3A_399 : vector<16xi32>
          tpu.vector_store_idx %arg10[%broadcast_in_dim3A_376, %add3A_400], %get3A_397 : memref<200x128xf32, #tpu.memory_space<vmem>>[vector<16xi32>, vector<16xi32>], vector<16xf32>,
          %ne3A = vector.broadcast %reduce_min3A_360 : i32 to vector<16xi32>
          %ne3A_401 = arith.cmpi ne, %iota3A, %ne3A : vector<16xi32>
          %convert_element_type3A_402 = arith.extui %ne3A_401 : vector<16xi1> to vector<16xi32>
          %and3A = arith.andi %while3A_349, %convert_element_type3A_402 : vector<16xi32>
          scf.yield %and3A : vector<16xi32>
        }
      } else {
      }
      %get3A_193 = arith.constant 64 : index
      %get3A_194 = tpu.vector_load %arg8[%get3A_193] {strides = array<i32>} : memref<128xi32, #tpu.memory_space<vmem>>, vector<16xi32>,
      %ge3A_195 = arith.constant 999936 : i32
      %ge3A_196 = vector.broadcast %ge3A_195 : i32 to vector<16xi32>
      %ge3A_197 = arith.cmpi sge, %get3A_194, %ge3A_196 : vector<16xi32>
      %convert_element_type3A_198 = arith.extui %ge3A_197 : vector<16xi1> to vector<16xi32>
      %reduce_sum3A_199 = arith.constant true
      %reduce_sum3A_200 = vector.broadcast %reduce_sum3A_199 : i1 to vector<16xi1>
      %reduce_sum3A_201 = tpu.scan <sum>, %convert_element_type3A_198 masked %reduce_sum3A_200 : vector<16xi32>, vector<16xi1> -> vector<16xi32>
      %reduce_sum3A_202 = vector.extract %reduce_sum3A_201[15] : i32 from vector<16xi32>
      %gt3A_203 = arith.constant 0 : i32
      %gt3A_204 = arith.cmpi sgt, %reduce_sum3A_202, %gt3A_203 : i32
      %convert_element_type3A_205 = arith.extui %gt3A_204 : i1 to i32
      %cond3A_206 = arith.constant 0 : i32
      %cond3A_207 = arith.cmpi ne, %convert_element_type3A_205, %cond3A_206 : i32
      scf.if %cond3A_207 {
        %convert_element_type3A_337 = arith.extui %ge3A_197 : vector<16xi1> to vector<16xi32>
        %while3A = arith.constant 0 : i32
        %while3A_338 = arith.subi %reduce_sum3A_202, %while3A : i32
        %while3A_339 = arith.addi %while3A, %while3A_338 : i32
        %while3A_340 = arith.constant 1 : i32
        %while3A_341 = arith.divsi %while3A_338, %while3A_340 : i32
        %while3A_342 = arith.muli %while3A_341, %while3A_340 : i32
        %while3A_343 = arith.addi %while3A, %while3A_342 : i32
        %while3A_344 = arith.constant 1 : i32
        %while3A_345 = scf.for %while3A_348 = %while3A to %while3A_343 step %while3A_344 iter_args(%while3A_349 = %convert_element_type3A_337) -> (vector<16xi32>)  : i32 {
          %gt3A_350 = arith.constant 0 : i32
          %gt3A_351 = vector.broadcast %gt3A_350 : i32 to vector<16xi32>
          %gt3A_352 = arith.cmpi sgt, %while3A_349, %gt3A_351 : vector<16xi32>
          %jit3A = arith.constant 16 : i32
          %broadcast_in_dim3A_353 = vector.broadcast %jit3A : i32 to vector<16xi32>
          %select_n3A = arith.select %gt3A_352, %iota3A, %broadcast_in_dim3A_353 : vector<16xi1>, vector<16xi32>
          %reduce_min3A = arith.constant true
          %reduce_min3A_354 = vector.broadcast %reduce_min3A : i1 to vector<16xi1>
          %reduce_min3A_355 = arith.constant -2147483648 : i32
          %reduce_min3A_356 = vector.broadcast %reduce_min3A_355 : i32 to vector<16xi32>
          %reduce_min3A_357 = arith.xori %select_n3A, %reduce_min3A_356 : vector<16xi32>
          %reduce_min3A_358 = tpu.scan <min>, %reduce_min3A_357 masked %reduce_min3A_354 : vector<16xi32>, vector<16xi1> -> vector<16xi32>
          %reduce_min3A_359 = arith.xori %reduce_min3A_358, %reduce_min3A_356 : vector<16xi32>
          %reduce_min3A_360 = vector.extract %reduce_min3A_359[15] : i32 from vector<16xi32>
          %eq3A = vector.broadcast %reduce_min3A_360 : i32 to vector<16xi32>
          %eq3A_361 = arith.cmpi eq, %iota3A, %eq3A : vector<16xi32>
          %sub3A = arith.constant 999936 : i32
          %sub3A_362 = vector.broadcast %sub3A : i32 to vector<16xi32>
          %sub3A_363 = arith.subi %get3A_194, %sub3A_362 : vector<16xi32>
          %jit3A_364 = arith.constant -1 : i32
          %broadcast_in_dim3A_365 = vector.broadcast %jit3A_364 : i32 to vector<16xi32>
          %select_n3A_366 = arith.select %eq3A_361, %sub3A_363, %broadcast_in_dim3A_365 : vector<16xi1>, vector<16xi32>
          %reduce_max3A = arith.constant true
          %reduce_max3A_367 = vector.broadcast %reduce_max3A : i1 to vector<16xi1>
          %reduce_max3A_368 = arith.constant -2147483648 : i32
          %reduce_max3A_369 = vector.broadcast %reduce_max3A_368 : i32 to vector<16xi32>
          %reduce_max3A_370 = arith.xori %select_n3A_366, %reduce_max3A_369 : vector<16xi32>
          %reduce_max3A_371 = tpu.scan <max>, %reduce_max3A_370 masked %reduce_max3A_367 : vector<16xi32>, vector<16xi1> -> vector<16xi32>
          %reduce_max3A_372 = arith.xori %reduce_max3A_371, %reduce_max3A_369 : vector<16xi32>
          %reduce_max3A_373 = vector.extract %reduce_max3A_372[15] : i32 from vector<16xi32>
          %add3A_374 = arith.constant 64 : i32
          %add3A_375 = arith.addi %add3A_374, %reduce_min3A_360 : i32
          %broadcast_in_dim3A_376 = vector.broadcast %add3A_375 : i32 to vector<16xi32>
          %get3A_377 = arith.index_cast %reduce_max3A_373 : i32 to index
          %get3A_378 = arith.constant 0 : index
          %get3A_379 = tpu.vector_load %arg11[%get3A_377, %get3A_378] {strides = array<i32>} : memref<64x64xf32, #tpu.memory_space<vmem>>, vector<16xf32>,
          %add3A_380 = arith.constant 0 : i32
          %add3A_381 = vector.broadcast %add3A_380 : i32 to vector<16xi32>
          %add3A_382 = arith.addi %iota3A, %add3A_381 : vector<16xi32>
          tpu.vector_store_idx %arg10[%broadcast_in_dim3A_376, %add3A_382], %get3A_379 : memref<200x128xf32, #tpu.memory_space<vmem>>[vector<16xi32>, vector<16xi32>], vector<16xf32>,
          %get3A_383 = arith.index_cast %reduce_max3A_373 : i32 to index
          %get3A_384 = arith.constant 16 : index
          %get3A_385 = tpu.vector_load %arg11[%get3A_383, %get3A_384] {strides = array<i32>} : memref<64x64xf32, #tpu.memory_space<vmem>>, vector<16xf32>,
          %add3A_386 = arith.constant 16 : i32
          %add3A_387 = vector.broadcast %add3A_386 : i32 to vector<16xi32>
          %add3A_388 = arith.addi %iota3A, %add3A_387 : vector<16xi32>
          tpu.vector_store_idx %arg10[%broadcast_in_dim3A_376, %add3A_388], %get3A_385 : memref<200x128xf32, #tpu.memory_space<vmem>>[vector<16xi32>, vector<16xi32>], vector<16xf32>,
          %get3A_389 = arith.index_cast %reduce_max3A_373 : i32 to index
          %get3A_390 = arith.constant 32 : index
          %get3A_391 = tpu.vector_load %arg11[%get3A_389, %get3A_390] {strides = array<i32>} : memref<64x64xf32, #tpu.memory_space<vmem>>, vector<16xf32>,
          %add3A_392 = arith.constant 32 : i32
          %add3A_393 = vector.broadcast %add3A_392 : i32 to vector<16xi32>
          %add3A_394 = arith.addi %iota3A, %add3A_393 : vector<16xi32>
          tpu.vector_store_idx %arg10[%broadcast_in_dim3A_376, %add3A_394], %get3A_391 : memref<200x128xf32, #tpu.memory_space<vmem>>[vector<16xi32>, vector<16xi32>], vector<16xf32>,
          %get3A_395 = arith.index_cast %reduce_max3A_373 : i32 to index
          %get3A_396 = arith.constant 48 : index
          %get3A_397 = tpu.vector_load %arg11[%get3A_395, %get3A_396] {strides = array<i32>} : memref<64x64xf32, #tpu.memory_space<vmem>>, vector<16xf32>,
          %add3A_398 = arith.constant 48 : i32
          %add3A_399 = vector.broadcast %add3A_398 : i32 to vector<16xi32>
          %add3A_400 = arith.addi %iota3A, %add3A_399 : vector<16xi32>
          tpu.vector_store_idx %arg10[%broadcast_in_dim3A_376, %add3A_400], %get3A_397 : memref<200x128xf32, #tpu.memory_space<vmem>>[vector<16xi32>, vector<16xi32>], vector<16xf32>,
          %ne3A = vector.broadcast %reduce_min3A_360 : i32 to vector<16xi32>
          %ne3A_401 = arith.cmpi ne, %iota3A, %ne3A : vector<16xi32>
          %convert_element_type3A_402 = arith.extui %ne3A_401 : vector<16xi1> to vector<16xi32>
          %and3A = arith.andi %while3A_349, %convert_element_type3A_402 : vector<16xi32>
          scf.yield %and3A : vector<16xi32>
        }
        %while3A_346 = arith.constant 1 : i32
        %while3A_347 = scf.for %while3A_348 = %while3A_343 to %while3A_339 step %while3A_346 iter_args(%while3A_349 = %while3A_345) -> (vector<16xi32>)  : i32 {
          %gt3A_350 = arith.constant 0 : i32
          %gt3A_351 = vector.broadcast %gt3A_350 : i32 to vector<16xi32>
          %gt3A_352 = arith.cmpi sgt, %while3A_349, %gt3A_351 : vector<16xi32>
          %jit3A = arith.constant 16 : i32
          %broadcast_in_dim3A_353 = vector.broadcast %jit3A : i32 to vector<16xi32>
          %select_n3A = arith.select %gt3A_352, %iota3A, %broadcast_in_dim3A_353 : vector<16xi1>, vector<16xi32>
          %reduce_min3A = arith.constant true
          %reduce_min3A_354 = vector.broadcast %reduce_min3A : i1 to vector<16xi1>
          %reduce_min3A_355 = arith.constant -2147483648 : i32
          %reduce_min3A_356 = vector.broadcast %reduce_min3A_355 : i32 to vector<16xi32>
          %reduce_min3A_357 = arith.xori %select_n3A, %reduce_min3A_356 : vector<16xi32>
          %reduce_min3A_358 = tpu.scan <min>, %reduce_min3A_357 masked %reduce_min3A_354 : vector<16xi32>, vector<16xi1> -> vector<16xi32>
          %reduce_min3A_359 = arith.xori %reduce_min3A_358, %reduce_min3A_356 : vector<16xi32>
          %reduce_min3A_360 = vector.extract %reduce_min3A_359[15] : i32 from vector<16xi32>
          %eq3A = vector.broadcast %reduce_min3A_360 : i32 to vector<16xi32>
          %eq3A_361 = arith.cmpi eq, %iota3A, %eq3A : vector<16xi32>
          %sub3A = arith.constant 999936 : i32
          %sub3A_362 = vector.broadcast %sub3A : i32 to vector<16xi32>
          %sub3A_363 = arith.subi %get3A_194, %sub3A_362 : vector<16xi32>
          %jit3A_364 = arith.constant -1 : i32
          %broadcast_in_dim3A_365 = vector.broadcast %jit3A_364 : i32 to vector<16xi32>
          %select_n3A_366 = arith.select %eq3A_361, %sub3A_363, %broadcast_in_dim3A_365 : vector<16xi1>, vector<16xi32>
          %reduce_max3A = arith.constant true
          %reduce_max3A_367 = vector.broadcast %reduce_max3A : i1 to vector<16xi1>
          %reduce_max3A_368 = arith.constant -2147483648 : i32
          %reduce_max3A_369 = vector.broadcast %reduce_max3A_368 : i32 to vector<16xi32>
          %reduce_max3A_370 = arith.xori %select_n3A_366, %reduce_max3A_369 : vector<16xi32>
          %reduce_max3A_371 = tpu.scan <max>, %reduce_max3A_370 masked %reduce_max3A_367 : vector<16xi32>, vector<16xi1> -> vector<16xi32>
          %reduce_max3A_372 = arith.xori %reduce_max3A_371, %reduce_max3A_369 : vector<16xi32>
          %reduce_max3A_373 = vector.extract %reduce_max3A_372[15] : i32 from vector<16xi32>
          %add3A_374 = arith.constant 64 : i32
          %add3A_375 = arith.addi %add3A_374, %reduce_min3A_360 : i32
          %broadcast_in_dim3A_376 = vector.broadcast %add3A_375 : i32 to vector<16xi32>
          %get3A_377 = arith.index_cast %reduce_max3A_373 : i32 to index
          %get3A_378 = arith.constant 0 : index
          %get3A_379 = tpu.vector_load %arg11[%get3A_377, %get3A_378] {strides = array<i32>} : memref<64x64xf32, #tpu.memory_space<vmem>>, vector<16xf32>,
          %add3A_380 = arith.constant 0 : i32
          %add3A_381 = vector.broadcast %add3A_380 : i32 to vector<16xi32>
          %add3A_382 = arith.addi %iota3A, %add3A_381 : vector<16xi32>
          tpu.vector_store_idx %arg10[%broadcast_in_dim3A_376, %add3A_382], %get3A_379 : memref<200x128xf32, #tpu.memory_space<vmem>>[vector<16xi32>, vector<16xi32>], vector<16xf32>,
          %get3A_383 = arith.index_cast %reduce_max3A_373 : i32 to index
          %get3A_384 = arith.constant 16 : index
          %get3A_385 = tpu.vector_load %arg11[%get3A_383, %get3A_384] {strides = array<i32>} : memref<64x64xf32, #tpu.memory_space<vmem>>, vector<16xf32>,
          %add3A_386 = arith.constant 16 : i32
          %add3A_387 = vector.broadcast %add3A_386 : i32 to vector<16xi32>
          %add3A_388 = arith.addi %iota3A, %add3A_387 : vector<16xi32>
          tpu.vector_store_idx %arg10[%broadcast_in_dim3A_376, %add3A_388], %get3A_385 : memref<200x128xf32, #tpu.memory_space<vmem>>[vector<16xi32>, vector<16xi32>], vector<16xf32>,
          %get3A_389 = arith.index_cast %reduce_max3A_373 : i32 to index
          %get3A_390 = arith.constant 32 : index
          %get3A_391 = tpu.vector_load %arg11[%get3A_389, %get3A_390] {strides = array<i32>} : memref<64x64xf32, #tpu.memory_space<vmem>>, vector<16xf32>,
          %add3A_392 = arith.constant 32 : i32
          %add3A_393 = vector.broadcast %add3A_392 : i32 to vector<16xi32>
          %add3A_394 = arith.addi %iota3A, %add3A_393 : vector<16xi32>
          tpu.vector_store_idx %arg10[%broadcast_in_dim3A_376, %add3A_394], %get3A_391 : memref<200x128xf32, #tpu.memory_space<vmem>>[vector<16xi32>, vector<16xi32>], vector<16xf32>,
          %get3A_395 = arith.index_cast %reduce_max3A_373 : i32 to index
          %get3A_396 = arith.constant 48 : index
          %get3A_397 = tpu.vector_load %arg11[%get3A_395, %get3A_396] {strides = array<i32>} : memref<64x64xf32, #tpu.memory_space<vmem>>, vector<16xf32>,
          %add3A_398 = arith.constant 48 : i32
          %add3A_399 = vector.broadcast %add3A_398 : i32 to vector<16xi32>
          %add3A_400 = arith.addi %iota3A, %add3A_399 : vector<16xi32>
          tpu.vector_store_idx %arg10[%broadcast_in_dim3A_376, %add3A_400], %get3A_397 : memref<200x128xf32, #tpu.memory_space<vmem>>[vector<16xi32>, vector<16xi32>], vector<16xf32>,
          %ne3A = vector.broadcast %reduce_min3A_360 : i32 to vector<16xi32>
          %ne3A_401 = arith.cmpi ne, %iota3A, %ne3A : vector<16xi32>
          %convert_element_type3A_402 = arith.extui %ne3A_401 : vector<16xi1> to vector<16xi32>
          %and3A = arith.andi %while3A_349, %convert_element_type3A_402 : vector<16xi32>
          scf.yield %and3A : vector<16xi32>
        }
      } else {
      }
      %get3A_208 = arith.constant 80 : index
      %get3A_209 = tpu.vector_load %arg8[%get3A_208] {strides = array<i32>} : memref<128xi32, #tpu.memory_space<vmem>>, vector<16xi32>,
      %ge3A_210 = arith.constant 999936 : i32
      %ge3A_211 = vector.broadcast %ge3A_210 : i32 to vector<16xi32>
      %ge3A_212 = arith.cmpi sge, %get3A_209, %ge3A_211 : vector<16xi32>
      %convert_element_type3A_213 = arith.extui %ge3A_212 : vector<16xi1> to vector<16xi32>
      %reduce_sum3A_214 = arith.constant true
      %reduce_sum3A_215 = vector.broadcast %reduce_sum3A_214 : i1 to vector<16xi1>
      %reduce_sum3A_216 = tpu.scan <sum>, %convert_element_type3A_213 masked %reduce_sum3A_215 : vector<16xi32>, vector<16xi1> -> vector<16xi32>
      %reduce_sum3A_217 = vector.extract %reduce_sum3A_216[15] : i32 from vector<16xi32>
      %gt3A_218 = arith.constant 0 : i32
      %gt3A_219 = arith.cmpi sgt, %reduce_sum3A_217, %gt3A_218 : i32
      %convert_element_type3A_220 = arith.extui %gt3A_219 : i1 to i32
      %cond3A_221 = arith.constant 0 : i32
      %cond3A_222 = arith.cmpi ne, %convert_element_type3A_220, %cond3A_221 : i32
      scf.if %cond3A_222 {
        %convert_element_type3A_337 = arith.extui %ge3A_212 : vector<16xi1> to vector<16xi32>
        %while3A = arith.constant 0 : i32
        %while3A_338 = arith.subi %reduce_sum3A_217, %while3A : i32
        %while3A_339 = arith.addi %while3A, %while3A_338 : i32
        %while3A_340 = arith.constant 1 : i32
        %while3A_341 = arith.divsi %while3A_338, %while3A_340 : i32
        %while3A_342 = arith.muli %while3A_341, %while3A_340 : i32
        %while3A_343 = arith.addi %while3A, %while3A_342 : i32
        %while3A_344 = arith.constant 1 : i32
        %while3A_345 = scf.for %while3A_348 = %while3A to %while3A_343 step %while3A_344 iter_args(%while3A_349 = %convert_element_type3A_337) -> (vector<16xi32>)  : i32 {
          %gt3A_350 = arith.constant 0 : i32
          %gt3A_351 = vector.broadcast %gt3A_350 : i32 to vector<16xi32>
          %gt3A_352 = arith.cmpi sgt, %while3A_349, %gt3A_351 : vector<16xi32>
          %jit3A = arith.constant 16 : i32
          %broadcast_in_dim3A_353 = vector.broadcast %jit3A : i32 to vector<16xi32>
          %select_n3A = arith.select %gt3A_352, %iota3A, %broadcast_in_dim3A_353 : vector<16xi1>, vector<16xi32>
          %reduce_min3A = arith.constant true
          %reduce_min3A_354 = vector.broadcast %reduce_min3A : i1 to vector<16xi1>
          %reduce_min3A_355 = arith.constant -2147483648 : i32
          %reduce_min3A_356 = vector.broadcast %reduce_min3A_355 : i32 to vector<16xi32>
          %reduce_min3A_357 = arith.xori %select_n3A, %reduce_min3A_356 : vector<16xi32>
          %reduce_min3A_358 = tpu.scan <min>, %reduce_min3A_357 masked %reduce_min3A_354 : vector<16xi32>, vector<16xi1> -> vector<16xi32>
          %reduce_min3A_359 = arith.xori %reduce_min3A_358, %reduce_min3A_356 : vector<16xi32>
          %reduce_min3A_360 = vector.extract %reduce_min3A_359[15] : i32 from vector<16xi32>
          %eq3A = vector.broadcast %reduce_min3A_360 : i32 to vector<16xi32>
          %eq3A_361 = arith.cmpi eq, %iota3A, %eq3A : vector<16xi32>
          %sub3A = arith.constant 999936 : i32
          %sub3A_362 = vector.broadcast %sub3A : i32 to vector<16xi32>
          %sub3A_363 = arith.subi %get3A_209, %sub3A_362 : vector<16xi32>
          %jit3A_364 = arith.constant -1 : i32
          %broadcast_in_dim3A_365 = vector.broadcast %jit3A_364 : i32 to vector<16xi32>
          %select_n3A_366 = arith.select %eq3A_361, %sub3A_363, %broadcast_in_dim3A_365 : vector<16xi1>, vector<16xi32>
          %reduce_max3A = arith.constant true
          %reduce_max3A_367 = vector.broadcast %reduce_max3A : i1 to vector<16xi1>
          %reduce_max3A_368 = arith.constant -2147483648 : i32
          %reduce_max3A_369 = vector.broadcast %reduce_max3A_368 : i32 to vector<16xi32>
          %reduce_max3A_370 = arith.xori %select_n3A_366, %reduce_max3A_369 : vector<16xi32>
          %reduce_max3A_371 = tpu.scan <max>, %reduce_max3A_370 masked %reduce_max3A_367 : vector<16xi32>, vector<16xi1> -> vector<16xi32>
          %reduce_max3A_372 = arith.xori %reduce_max3A_371, %reduce_max3A_369 : vector<16xi32>
          %reduce_max3A_373 = vector.extract %reduce_max3A_372[15] : i32 from vector<16xi32>
          %add3A_374 = arith.constant 80 : i32
          %add3A_375 = arith.addi %add3A_374, %reduce_min3A_360 : i32
          %broadcast_in_dim3A_376 = vector.broadcast %add3A_375 : i32 to vector<16xi32>
          %get3A_377 = arith.index_cast %reduce_max3A_373 : i32 to index
          %get3A_378 = arith.constant 0 : index
          %get3A_379 = tpu.vector_load %arg11[%get3A_377, %get3A_378] {strides = array<i32>} : memref<64x64xf32, #tpu.memory_space<vmem>>, vector<16xf32>,
          %add3A_380 = arith.constant 0 : i32
          %add3A_381 = vector.broadcast %add3A_380 : i32 to vector<16xi32>
          %add3A_382 = arith.addi %iota3A, %add3A_381 : vector<16xi32>
          tpu.vector_store_idx %arg10[%broadcast_in_dim3A_376, %add3A_382], %get3A_379 : memref<200x128xf32, #tpu.memory_space<vmem>>[vector<16xi32>, vector<16xi32>], vector<16xf32>,
          %get3A_383 = arith.index_cast %reduce_max3A_373 : i32 to index
          %get3A_384 = arith.constant 16 : index
          %get3A_385 = tpu.vector_load %arg11[%get3A_383, %get3A_384] {strides = array<i32>} : memref<64x64xf32, #tpu.memory_space<vmem>>, vector<16xf32>,
          %add3A_386 = arith.constant 16 : i32
          %add3A_387 = vector.broadcast %add3A_386 : i32 to vector<16xi32>
          %add3A_388 = arith.addi %iota3A, %add3A_387 : vector<16xi32>
          tpu.vector_store_idx %arg10[%broadcast_in_dim3A_376, %add3A_388], %get3A_385 : memref<200x128xf32, #tpu.memory_space<vmem>>[vector<16xi32>, vector<16xi32>], vector<16xf32>,
          %get3A_389 = arith.index_cast %reduce_max3A_373 : i32 to index
          %get3A_390 = arith.constant 32 : index
          %get3A_391 = tpu.vector_load %arg11[%get3A_389, %get3A_390] {strides = array<i32>} : memref<64x64xf32, #tpu.memory_space<vmem>>, vector<16xf32>,
          %add3A_392 = arith.constant 32 : i32
          %add3A_393 = vector.broadcast %add3A_392 : i32 to vector<16xi32>
          %add3A_394 = arith.addi %iota3A, %add3A_393 : vector<16xi32>
          tpu.vector_store_idx %arg10[%broadcast_in_dim3A_376, %add3A_394], %get3A_391 : memref<200x128xf32, #tpu.memory_space<vmem>>[vector<16xi32>, vector<16xi32>], vector<16xf32>,
          %get3A_395 = arith.index_cast %reduce_max3A_373 : i32 to index
          %get3A_396 = arith.constant 48 : index
          %get3A_397 = tpu.vector_load %arg11[%get3A_395, %get3A_396] {strides = array<i32>} : memref<64x64xf32, #tpu.memory_space<vmem>>, vector<16xf32>,
          %add3A_398 = arith.constant 48 : i32
          %add3A_399 = vector.broadcast %add3A_398 : i32 to vector<16xi32>
          %add3A_400 = arith.addi %iota3A, %add3A_399 : vector<16xi32>
          tpu.vector_store_idx %arg10[%broadcast_in_dim3A_376, %add3A_400], %get3A_397 : memref<200x128xf32, #tpu.memory_space<vmem>>[vector<16xi32>, vector<16xi32>], vector<16xf32>,
          %ne3A = vector.broadcast %reduce_min3A_360 : i32 to vector<16xi32>
          %ne3A_401 = arith.cmpi ne, %iota3A, %ne3A : vector<16xi32>
          %convert_element_type3A_402 = arith.extui %ne3A_401 : vector<16xi1> to vector<16xi32>
          %and3A = arith.andi %while3A_349, %convert_element_type3A_402 : vector<16xi32>
          scf.yield %and3A : vector<16xi32>
        }
        %while3A_346 = arith.constant 1 : i32
        %while3A_347 = scf.for %while3A_348 = %while3A_343 to %while3A_339 step %while3A_346 iter_args(%while3A_349 = %while3A_345) -> (vector<16xi32>)  : i32 {
          %gt3A_350 = arith.constant 0 : i32
          %gt3A_351 = vector.broadcast %gt3A_350 : i32 to vector<16xi32>
          %gt3A_352 = arith.cmpi sgt, %while3A_349, %gt3A_351 : vector<16xi32>
          %jit3A = arith.constant 16 : i32
          %broadcast_in_dim3A_353 = vector.broadcast %jit3A : i32 to vector<16xi32>
          %select_n3A = arith.select %gt3A_352, %iota3A, %broadcast_in_dim3A_353 : vector<16xi1>, vector<16xi32>
          %reduce_min3A = arith.constant true
          %reduce_min3A_354 = vector.broadcast %reduce_min3A : i1 to vector<16xi1>
          %reduce_min3A_355 = arith.constant -2147483648 : i32
          %reduce_min3A_356 = vector.broadcast %reduce_min3A_355 : i32 to vector<16xi32>
          %reduce_min3A_357 = arith.xori %select_n3A, %reduce_min3A_356 : vector<16xi32>
          %reduce_min3A_358 = tpu.scan <min>, %reduce_min3A_357 masked %reduce_min3A_354 : vector<16xi32>, vector<16xi1> -> vector<16xi32>
          %reduce_min3A_359 = arith.xori %reduce_min3A_358, %reduce_min3A_356 : vector<16xi32>
          %reduce_min3A_360 = vector.extract %reduce_min3A_359[15] : i32 from vector<16xi32>
          %eq3A = vector.broadcast %reduce_min3A_360 : i32 to vector<16xi32>
          %eq3A_361 = arith.cmpi eq, %iota3A, %eq3A : vector<16xi32>
          %sub3A = arith.constant 999936 : i32
          %sub3A_362 = vector.broadcast %sub3A : i32 to vector<16xi32>
          %sub3A_363 = arith.subi %get3A_209, %sub3A_362 : vector<16xi32>
          %jit3A_364 = arith.constant -1 : i32
          %broadcast_in_dim3A_365 = vector.broadcast %jit3A_364 : i32 to vector<16xi32>
          %select_n3A_366 = arith.select %eq3A_361, %sub3A_363, %broadcast_in_dim3A_365 : vector<16xi1>, vector<16xi32>
          %reduce_max3A = arith.constant true
          %reduce_max3A_367 = vector.broadcast %reduce_max3A : i1 to vector<16xi1>
          %reduce_max3A_368 = arith.constant -2147483648 : i32
          %reduce_max3A_369 = vector.broadcast %reduce_max3A_368 : i32 to vector<16xi32>
          %reduce_max3A_370 = arith.xori %select_n3A_366, %reduce_max3A_369 : vector<16xi32>
          %reduce_max3A_371 = tpu.scan <max>, %reduce_max3A_370 masked %reduce_max3A_367 : vector<16xi32>, vector<16xi1> -> vector<16xi32>
          %reduce_max3A_372 = arith.xori %reduce_max3A_371, %reduce_max3A_369 : vector<16xi32>
          %reduce_max3A_373 = vector.extract %reduce_max3A_372[15] : i32 from vector<16xi32>
          %add3A_374 = arith.constant 80 : i32
          %add3A_375 = arith.addi %add3A_374, %reduce_min3A_360 : i32
          %broadcast_in_dim3A_376 = vector.broadcast %add3A_375 : i32 to vector<16xi32>
          %get3A_377 = arith.index_cast %reduce_max3A_373 : i32 to index
          %get3A_378 = arith.constant 0 : index
          %get3A_379 = tpu.vector_load %arg11[%get3A_377, %get3A_378] {strides = array<i32>} : memref<64x64xf32, #tpu.memory_space<vmem>>, vector<16xf32>,
          %add3A_380 = arith.constant 0 : i32
          %add3A_381 = vector.broadcast %add3A_380 : i32 to vector<16xi32>
          %add3A_382 = arith.addi %iota3A, %add3A_381 : vector<16xi32>
          tpu.vector_store_idx %arg10[%broadcast_in_dim3A_376, %add3A_382], %get3A_379 : memref<200x128xf32, #tpu.memory_space<vmem>>[vector<16xi32>, vector<16xi32>], vector<16xf32>,
          %get3A_383 = arith.index_cast %reduce_max3A_373 : i32 to index
          %get3A_384 = arith.constant 16 : index
          %get3A_385 = tpu.vector_load %arg11[%get3A_383, %get3A_384] {strides = array<i32>} : memref<64x64xf32, #tpu.memory_space<vmem>>, vector<16xf32>,
          %add3A_386 = arith.constant 16 : i32
          %add3A_387 = vector.broadcast %add3A_386 : i32 to vector<16xi32>
          %add3A_388 = arith.addi %iota3A, %add3A_387 : vector<16xi32>
          tpu.vector_store_idx %arg10[%broadcast_in_dim3A_376, %add3A_388], %get3A_385 : memref<200x128xf32, #tpu.memory_space<vmem>>[vector<16xi32>, vector<16xi32>], vector<16xf32>,
          %get3A_389 = arith.index_cast %reduce_max3A_373 : i32 to index
          %get3A_390 = arith.constant 32 : index
          %get3A_391 = tpu.vector_load %arg11[%get3A_389, %get3A_390] {strides = array<i32>} : memref<64x64xf32, #tpu.memory_space<vmem>>, vector<16xf32>,
          %add3A_392 = arith.constant 32 : i32
          %add3A_393 = vector.broadcast %add3A_392 : i32 to vector<16xi32>
          %add3A_394 = arith.addi %iota3A, %add3A_393 : vector<16xi32>
          tpu.vector_store_idx %arg10[%broadcast_in_dim3A_376, %add3A_394], %get3A_391 : memref<200x128xf32, #tpu.memory_space<vmem>>[vector<16xi32>, vector<16xi32>], vector<16xf32>,
          %get3A_395 = arith.index_cast %reduce_max3A_373 : i32 to index
          %get3A_396 = arith.constant 48 : index
          %get3A_397 = tpu.vector_load %arg11[%get3A_395, %get3A_396] {strides = array<i32>} : memref<64x64xf32, #tpu.memory_space<vmem>>, vector<16xf32>,
          %add3A_398 = arith.constant 48 : i32
          %add3A_399 = vector.broadcast %add3A_398 : i32 to vector<16xi32>
          %add3A_400 = arith.addi %iota3A, %add3A_399 : vector<16xi32>
          tpu.vector_store_idx %arg10[%broadcast_in_dim3A_376, %add3A_400], %get3A_397 : memref<200x128xf32, #tpu.memory_space<vmem>>[vector<16xi32>, vector<16xi32>], vector<16xf32>,
          %ne3A = vector.broadcast %reduce_min3A_360 : i32 to vector<16xi32>
          %ne3A_401 = arith.cmpi ne, %iota3A, %ne3A : vector<16xi32>
          %convert_element_type3A_402 = arith.extui %ne3A_401 : vector<16xi1> to vector<16xi32>
          %and3A = arith.andi %while3A_349, %convert_element_type3A_402 : vector<16xi32>
          scf.yield %and3A : vector<16xi32>
        }
      } else {
      }
      %get3A_223 = arith.constant 96 : index
      %get3A_224 = tpu.vector_load %arg8[%get3A_223] {strides = array<i32>} : memref<128xi32, #tpu.memory_space<vmem>>, vector<16xi32>,
      %ge3A_225 = arith.constant 999936 : i32
      %ge3A_226 = vector.broadcast %ge3A_225 : i32 to vector<16xi32>
      %ge3A_227 = arith.cmpi sge, %get3A_224, %ge3A_226 : vector<16xi32>
      %convert_element_type3A_228 = arith.extui %ge3A_227 : vector<16xi1> to vector<16xi32>
      %reduce_sum3A_229 = arith.constant true
      %reduce_sum3A_230 = vector.broadcast %reduce_sum3A_229 : i1 to vector<16xi1>
      %reduce_sum3A_231 = tpu.scan <sum>, %convert_element_type3A_228 masked %reduce_sum3A_230 : vector<16xi32>, vector<16xi1> -> vector<16xi32>
      %reduce_sum3A_232 = vector.extract %reduce_sum3A_231[15] : i32 from vector<16xi32>
      %gt3A_233 = arith.constant 0 : i32
      %gt3A_234 = arith.cmpi sgt, %reduce_sum3A_232, %gt3A_233 : i32
      %convert_element_type3A_235 = arith.extui %gt3A_234 : i1 to i32
      %cond3A_236 = arith.constant 0 : i32
      %cond3A_237 = arith.cmpi ne, %convert_element_type3A_235, %cond3A_236 : i32
      scf.if %cond3A_237 {
        %convert_element_type3A_337 = arith.extui %ge3A_227 : vector<16xi1> to vector<16xi32>
        %while3A = arith.constant 0 : i32
        %while3A_338 = arith.subi %reduce_sum3A_232, %while3A : i32
        %while3A_339 = arith.addi %while3A, %while3A_338 : i32
        %while3A_340 = arith.constant 1 : i32
        %while3A_341 = arith.divsi %while3A_338, %while3A_340 : i32
        %while3A_342 = arith.muli %while3A_341, %while3A_340 : i32
        %while3A_343 = arith.addi %while3A, %while3A_342 : i32
        %while3A_344 = arith.constant 1 : i32
        %while3A_345 = scf.for %while3A_348 = %while3A to %while3A_343 step %while3A_344 iter_args(%while3A_349 = %convert_element_type3A_337) -> (vector<16xi32>)  : i32 {
          %gt3A_350 = arith.constant 0 : i32
          %gt3A_351 = vector.broadcast %gt3A_350 : i32 to vector<16xi32>
          %gt3A_352 = arith.cmpi sgt, %while3A_349, %gt3A_351 : vector<16xi32>
          %jit3A = arith.constant 16 : i32
          %broadcast_in_dim3A_353 = vector.broadcast %jit3A : i32 to vector<16xi32>
          %select_n3A = arith.select %gt3A_352, %iota3A, %broadcast_in_dim3A_353 : vector<16xi1>, vector<16xi32>
          %reduce_min3A = arith.constant true
          %reduce_min3A_354 = vector.broadcast %reduce_min3A : i1 to vector<16xi1>
          %reduce_min3A_355 = arith.constant -2147483648 : i32
          %reduce_min3A_356 = vector.broadcast %reduce_min3A_355 : i32 to vector<16xi32>
          %reduce_min3A_357 = arith.xori %select_n3A, %reduce_min3A_356 : vector<16xi32>
          %reduce_min3A_358 = tpu.scan <min>, %reduce_min3A_357 masked %reduce_min3A_354 : vector<16xi32>, vector<16xi1> -> vector<16xi32>
          %reduce_min3A_359 = arith.xori %reduce_min3A_358, %reduce_min3A_356 : vector<16xi32>
          %reduce_min3A_360 = vector.extract %reduce_min3A_359[15] : i32 from vector<16xi32>
          %eq3A = vector.broadcast %reduce_min3A_360 : i32 to vector<16xi32>
          %eq3A_361 = arith.cmpi eq, %iota3A, %eq3A : vector<16xi32>
          %sub3A = arith.constant 999936 : i32
          %sub3A_362 = vector.broadcast %sub3A : i32 to vector<16xi32>
          %sub3A_363 = arith.subi %get3A_224, %sub3A_362 : vector<16xi32>
          %jit3A_364 = arith.constant -1 : i32
          %broadcast_in_dim3A_365 = vector.broadcast %jit3A_364 : i32 to vector<16xi32>
          %select_n3A_366 = arith.select %eq3A_361, %sub3A_363, %broadcast_in_dim3A_365 : vector<16xi1>, vector<16xi32>
          %reduce_max3A = arith.constant true
          %reduce_max3A_367 = vector.broadcast %reduce_max3A : i1 to vector<16xi1>
          %reduce_max3A_368 = arith.constant -2147483648 : i32
          %reduce_max3A_369 = vector.broadcast %reduce_max3A_368 : i32 to vector<16xi32>
          %reduce_max3A_370 = arith.xori %select_n3A_366, %reduce_max3A_369 : vector<16xi32>
          %reduce_max3A_371 = tpu.scan <max>, %reduce_max3A_370 masked %reduce_max3A_367 : vector<16xi32>, vector<16xi1> -> vector<16xi32>
          %reduce_max3A_372 = arith.xori %reduce_max3A_371, %reduce_max3A_369 : vector<16xi32>
          %reduce_max3A_373 = vector.extract %reduce_max3A_372[15] : i32 from vector<16xi32>
          %add3A_374 = arith.constant 96 : i32
          %add3A_375 = arith.addi %add3A_374, %reduce_min3A_360 : i32
          %broadcast_in_dim3A_376 = vector.broadcast %add3A_375 : i32 to vector<16xi32>
          %get3A_377 = arith.index_cast %reduce_max3A_373 : i32 to index
          %get3A_378 = arith.constant 0 : index
          %get3A_379 = tpu.vector_load %arg11[%get3A_377, %get3A_378] {strides = array<i32>} : memref<64x64xf32, #tpu.memory_space<vmem>>, vector<16xf32>,
          %add3A_380 = arith.constant 0 : i32
          %add3A_381 = vector.broadcast %add3A_380 : i32 to vector<16xi32>
          %add3A_382 = arith.addi %iota3A, %add3A_381 : vector<16xi32>
          tpu.vector_store_idx %arg10[%broadcast_in_dim3A_376, %add3A_382], %get3A_379 : memref<200x128xf32, #tpu.memory_space<vmem>>[vector<16xi32>, vector<16xi32>], vector<16xf32>,
          %get3A_383 = arith.index_cast %reduce_max3A_373 : i32 to index
          %get3A_384 = arith.constant 16 : index
          %get3A_385 = tpu.vector_load %arg11[%get3A_383, %get3A_384] {strides = array<i32>} : memref<64x64xf32, #tpu.memory_space<vmem>>, vector<16xf32>,
          %add3A_386 = arith.constant 16 : i32
          %add3A_387 = vector.broadcast %add3A_386 : i32 to vector<16xi32>
          %add3A_388 = arith.addi %iota3A, %add3A_387 : vector<16xi32>
          tpu.vector_store_idx %arg10[%broadcast_in_dim3A_376, %add3A_388], %get3A_385 : memref<200x128xf32, #tpu.memory_space<vmem>>[vector<16xi32>, vector<16xi32>], vector<16xf32>,
          %get3A_389 = arith.index_cast %reduce_max3A_373 : i32 to index
          %get3A_390 = arith.constant 32 : index
          %get3A_391 = tpu.vector_load %arg11[%get3A_389, %get3A_390] {strides = array<i32>} : memref<64x64xf32, #tpu.memory_space<vmem>>, vector<16xf32>,
          %add3A_392 = arith.constant 32 : i32
          %add3A_393 = vector.broadcast %add3A_392 : i32 to vector<16xi32>
          %add3A_394 = arith.addi %iota3A, %add3A_393 : vector<16xi32>
          tpu.vector_store_idx %arg10[%broadcast_in_dim3A_376, %add3A_394], %get3A_391 : memref<200x128xf32, #tpu.memory_space<vmem>>[vector<16xi32>, vector<16xi32>], vector<16xf32>,
          %get3A_395 = arith.index_cast %reduce_max3A_373 : i32 to index
          %get3A_396 = arith.constant 48 : index
          %get3A_397 = tpu.vector_load %arg11[%get3A_395, %get3A_396] {strides = array<i32>} : memref<64x64xf32, #tpu.memory_space<vmem>>, vector<16xf32>,
          %add3A_398 = arith.constant 48 : i32
          %add3A_399 = vector.broadcast %add3A_398 : i32 to vector<16xi32>
          %add3A_400 = arith.addi %iota3A, %add3A_399 : vector<16xi32>
          tpu.vector_store_idx %arg10[%broadcast_in_dim3A_376, %add3A_400], %get3A_397 : memref<200x128xf32, #tpu.memory_space<vmem>>[vector<16xi32>, vector<16xi32>], vector<16xf32>,
          %ne3A = vector.broadcast %reduce_min3A_360 : i32 to vector<16xi32>
          %ne3A_401 = arith.cmpi ne, %iota3A, %ne3A : vector<16xi32>
          %convert_element_type3A_402 = arith.extui %ne3A_401 : vector<16xi1> to vector<16xi32>
          %and3A = arith.andi %while3A_349, %convert_element_type3A_402 : vector<16xi32>
          scf.yield %and3A : vector<16xi32>
        }
        %while3A_346 = arith.constant 1 : i32
        %while3A_347 = scf.for %while3A_348 = %while3A_343 to %while3A_339 step %while3A_346 iter_args(%while3A_349 = %while3A_345) -> (vector<16xi32>)  : i32 {
          %gt3A_350 = arith.constant 0 : i32
          %gt3A_351 = vector.broadcast %gt3A_350 : i32 to vector<16xi32>
          %gt3A_352 = arith.cmpi sgt, %while3A_349, %gt3A_351 : vector<16xi32>
          %jit3A = arith.constant 16 : i32
          %broadcast_in_dim3A_353 = vector.broadcast %jit3A : i32 to vector<16xi32>
          %select_n3A = arith.select %gt3A_352, %iota3A, %broadcast_in_dim3A_353 : vector<16xi1>, vector<16xi32>
          %reduce_min3A = arith.constant true
          %reduce_min3A_354 = vector.broadcast %reduce_min3A : i1 to vector<16xi1>
          %reduce_min3A_355 = arith.constant -2147483648 : i32
          %reduce_min3A_356 = vector.broadcast %reduce_min3A_355 : i32 to vector<16xi32>
          %reduce_min3A_357 = arith.xori %select_n3A, %reduce_min3A_356 : vector<16xi32>
          %reduce_min3A_358 = tpu.scan <min>, %reduce_min3A_357 masked %reduce_min3A_354 : vector<16xi32>, vector<16xi1> -> vector<16xi32>
          %reduce_min3A_359 = arith.xori %reduce_min3A_358, %reduce_min3A_356 : vector<16xi32>
          %reduce_min3A_360 = vector.extract %reduce_min3A_359[15] : i32 from vector<16xi32>
          %eq3A = vector.broadcast %reduce_min3A_360 : i32 to vector<16xi32>
          %eq3A_361 = arith.cmpi eq, %iota3A, %eq3A : vector<16xi32>
          %sub3A = arith.constant 999936 : i32
          %sub3A_362 = vector.broadcast %sub3A : i32 to vector<16xi32>
          %sub3A_363 = arith.subi %get3A_224, %sub3A_362 : vector<16xi32>
          %jit3A_364 = arith.constant -1 : i32
          %broadcast_in_dim3A_365 = vector.broadcast %jit3A_364 : i32 to vector<16xi32>
          %select_n3A_366 = arith.select %eq3A_361, %sub3A_363, %broadcast_in_dim3A_365 : vector<16xi1>, vector<16xi32>
          %reduce_max3A = arith.constant true
          %reduce_max3A_367 = vector.broadcast %reduce_max3A : i1 to vector<16xi1>
          %reduce_max3A_368 = arith.constant -2147483648 : i32
          %reduce_max3A_369 = vector.broadcast %reduce_max3A_368 : i32 to vector<16xi32>
          %reduce_max3A_370 = arith.xori %select_n3A_366, %reduce_max3A_369 : vector<16xi32>
          %reduce_max3A_371 = tpu.scan <max>, %reduce_max3A_370 masked %reduce_max3A_367 : vector<16xi32>, vector<16xi1> -> vector<16xi32>
          %reduce_max3A_372 = arith.xori %reduce_max3A_371, %reduce_max3A_369 : vector<16xi32>
          %reduce_max3A_373 = vector.extract %reduce_max3A_372[15] : i32 from vector<16xi32>
          %add3A_374 = arith.constant 96 : i32
          %add3A_375 = arith.addi %add3A_374, %reduce_min3A_360 : i32
          %broadcast_in_dim3A_376 = vector.broadcast %add3A_375 : i32 to vector<16xi32>
          %get3A_377 = arith.index_cast %reduce_max3A_373 : i32 to index
          %get3A_378 = arith.constant 0 : index
          %get3A_379 = tpu.vector_load %arg11[%get3A_377, %get3A_378] {strides = array<i32>} : memref<64x64xf32, #tpu.memory_space<vmem>>, vector<16xf32>,
          %add3A_380 = arith.constant 0 : i32
          %add3A_381 = vector.broadcast %add3A_380 : i32 to vector<16xi32>
          %add3A_382 = arith.addi %iota3A, %add3A_381 : vector<16xi32>
          tpu.vector_store_idx %arg10[%broadcast_in_dim3A_376, %add3A_382], %get3A_379 : memref<200x128xf32, #tpu.memory_space<vmem>>[vector<16xi32>, vector<16xi32>], vector<16xf32>,
          %get3A_383 = arith.index_cast %reduce_max3A_373 : i32 to index
          %get3A_384 = arith.constant 16 : index
          %get3A_385 = tpu.vector_load %arg11[%get3A_383, %get3A_384] {strides = array<i32>} : memref<64x64xf32, #tpu.memory_space<vmem>>, vector<16xf32>,
          %add3A_386 = arith.constant 16 : i32
          %add3A_387 = vector.broadcast %add3A_386 : i32 to vector<16xi32>
          %add3A_388 = arith.addi %iota3A, %add3A_387 : vector<16xi32>
          tpu.vector_store_idx %arg10[%broadcast_in_dim3A_376, %add3A_388], %get3A_385 : memref<200x128xf32, #tpu.memory_space<vmem>>[vector<16xi32>, vector<16xi32>], vector<16xf32>,
          %get3A_389 = arith.index_cast %reduce_max3A_373 : i32 to index
          %get3A_390 = arith.constant 32 : index
          %get3A_391 = tpu.vector_load %arg11[%get3A_389, %get3A_390] {strides = array<i32>} : memref<64x64xf32, #tpu.memory_space<vmem>>, vector<16xf32>,
          %add3A_392 = arith.constant 32 : i32
          %add3A_393 = vector.broadcast %add3A_392 : i32 to vector<16xi32>
          %add3A_394 = arith.addi %iota3A, %add3A_393 : vector<16xi32>
          tpu.vector_store_idx %arg10[%broadcast_in_dim3A_376, %add3A_394], %get3A_391 : memref<200x128xf32, #tpu.memory_space<vmem>>[vector<16xi32>, vector<16xi32>], vector<16xf32>,
          %get3A_395 = arith.index_cast %reduce_max3A_373 : i32 to index
          %get3A_396 = arith.constant 48 : index
          %get3A_397 = tpu.vector_load %arg11[%get3A_395, %get3A_396] {strides = array<i32>} : memref<64x64xf32, #tpu.memory_space<vmem>>, vector<16xf32>,
          %add3A_398 = arith.constant 48 : i32
          %add3A_399 = vector.broadcast %add3A_398 : i32 to vector<16xi32>
          %add3A_400 = arith.addi %iota3A, %add3A_399 : vector<16xi32>
          tpu.vector_store_idx %arg10[%broadcast_in_dim3A_376, %add3A_400], %get3A_397 : memref<200x128xf32, #tpu.memory_space<vmem>>[vector<16xi32>, vector<16xi32>], vector<16xf32>,
          %ne3A = vector.broadcast %reduce_min3A_360 : i32 to vector<16xi32>
          %ne3A_401 = arith.cmpi ne, %iota3A, %ne3A : vector<16xi32>
          %convert_element_type3A_402 = arith.extui %ne3A_401 : vector<16xi1> to vector<16xi32>
          %and3A = arith.andi %while3A_349, %convert_element_type3A_402 : vector<16xi32>
          scf.yield %and3A : vector<16xi32>
        }
      } else {
      }
      %get3A_238 = arith.constant 112 : index
      %get3A_239 = tpu.vector_load %arg8[%get3A_238] {strides = array<i32>} : memref<128xi32, #tpu.memory_space<vmem>>, vector<16xi32>,
      %ge3A_240 = arith.constant 999936 : i32
      %ge3A_241 = vector.broadcast %ge3A_240 : i32 to vector<16xi32>
      %ge3A_242 = arith.cmpi sge, %get3A_239, %ge3A_241 : vector<16xi32>
      %convert_element_type3A_243 = arith.extui %ge3A_242 : vector<16xi1> to vector<16xi32>
      %reduce_sum3A_244 = arith.constant true
      %reduce_sum3A_245 = vector.broadcast %reduce_sum3A_244 : i1 to vector<16xi1>
      %reduce_sum3A_246 = tpu.scan <sum>, %convert_element_type3A_243 masked %reduce_sum3A_245 : vector<16xi32>, vector<16xi1> -> vector<16xi32>
      %reduce_sum3A_247 = vector.extract %reduce_sum3A_246[15] : i32 from vector<16xi32>
      %gt3A_248 = arith.constant 0 : i32
      %gt3A_249 = arith.cmpi sgt, %reduce_sum3A_247, %gt3A_248 : i32
      %convert_element_type3A_250 = arith.extui %gt3A_249 : i1 to i32
      %cond3A_251 = arith.constant 0 : i32
      %cond3A_252 = arith.cmpi ne, %convert_element_type3A_250, %cond3A_251 : i32
      scf.if %cond3A_252 {
        %convert_element_type3A_337 = arith.extui %ge3A_242 : vector<16xi1> to vector<16xi32>
        %while3A = arith.constant 0 : i32
        %while3A_338 = arith.subi %reduce_sum3A_247, %while3A : i32
        %while3A_339 = arith.addi %while3A, %while3A_338 : i32
        %while3A_340 = arith.constant 1 : i32
        %while3A_341 = arith.divsi %while3A_338, %while3A_340 : i32
        %while3A_342 = arith.muli %while3A_341, %while3A_340 : i32
        %while3A_343 = arith.addi %while3A, %while3A_342 : i32
        %while3A_344 = arith.constant 1 : i32
        %while3A_345 = scf.for %while3A_348 = %while3A to %while3A_343 step %while3A_344 iter_args(%while3A_349 = %convert_element_type3A_337) -> (vector<16xi32>)  : i32 {
          %gt3A_350 = arith.constant 0 : i32
          %gt3A_351 = vector.broadcast %gt3A_350 : i32 to vector<16xi32>
          %gt3A_352 = arith.cmpi sgt, %while3A_349, %gt3A_351 : vector<16xi32>
          %jit3A = arith.constant 16 : i32
          %broadcast_in_dim3A_353 = vector.broadcast %jit3A : i32 to vector<16xi32>
          %select_n3A = arith.select %gt3A_352, %iota3A, %broadcast_in_dim3A_353 : vector<16xi1>, vector<16xi32>
          %reduce_min3A = arith.constant true
          %reduce_min3A_354 = vector.broadcast %reduce_min3A : i1 to vector<16xi1>
          %reduce_min3A_355 = arith.constant -2147483648 : i32
          %reduce_min3A_356 = vector.broadcast %reduce_min3A_355 : i32 to vector<16xi32>
          %reduce_min3A_357 = arith.xori %select_n3A, %reduce_min3A_356 : vector<16xi32>
          %reduce_min3A_358 = tpu.scan <min>, %reduce_min3A_357 masked %reduce_min3A_354 : vector<16xi32>, vector<16xi1> -> vector<16xi32>
          %reduce_min3A_359 = arith.xori %reduce_min3A_358, %reduce_min3A_356 : vector<16xi32>
          %reduce_min3A_360 = vector.extract %reduce_min3A_359[15] : i32 from vector<16xi32>
          %eq3A = vector.broadcast %reduce_min3A_360 : i32 to vector<16xi32>
          %eq3A_361 = arith.cmpi eq, %iota3A, %eq3A : vector<16xi32>
          %sub3A = arith.constant 999936 : i32
          %sub3A_362 = vector.broadcast %sub3A : i32 to vector<16xi32>
          %sub3A_363 = arith.subi %get3A_239, %sub3A_362 : vector<16xi32>
          %jit3A_364 = arith.constant -1 : i32
          %broadcast_in_dim3A_365 = vector.broadcast %jit3A_364 : i32 to vector<16xi32>
          %select_n3A_366 = arith.select %eq3A_361, %sub3A_363, %broadcast_in_dim3A_365 : vector<16xi1>, vector<16xi32>
          %reduce_max3A = arith.constant true
          %reduce_max3A_367 = vector.broadcast %reduce_max3A : i1 to vector<16xi1>
          %reduce_max3A_368 = arith.constant -2147483648 : i32
          %reduce_max3A_369 = vector.broadcast %reduce_max3A_368 : i32 to vector<16xi32>
          %reduce_max3A_370 = arith.xori %select_n3A_366, %reduce_max3A_369 : vector<16xi32>
          %reduce_max3A_371 = tpu.scan <max>, %reduce_max3A_370 masked %reduce_max3A_367 : vector<16xi32>, vector<16xi1> -> vector<16xi32>
          %reduce_max3A_372 = arith.xori %reduce_max3A_371, %reduce_max3A_369 : vector<16xi32>
          %reduce_max3A_373 = vector.extract %reduce_max3A_372[15] : i32 from vector<16xi32>
          %add3A_374 = arith.constant 112 : i32
          %add3A_375 = arith.addi %add3A_374, %reduce_min3A_360 : i32
          %broadcast_in_dim3A_376 = vector.broadcast %add3A_375 : i32 to vector<16xi32>
          %get3A_377 = arith.index_cast %reduce_max3A_373 : i32 to index
          %get3A_378 = arith.constant 0 : index
          %get3A_379 = tpu.vector_load %arg11[%get3A_377, %get3A_378] {strides = array<i32>} : memref<64x64xf32, #tpu.memory_space<vmem>>, vector<16xf32>,
          %add3A_380 = arith.constant 0 : i32
          %add3A_381 = vector.broadcast %add3A_380 : i32 to vector<16xi32>
          %add3A_382 = arith.addi %iota3A, %add3A_381 : vector<16xi32>
          tpu.vector_store_idx %arg10[%broadcast_in_dim3A_376, %add3A_382], %get3A_379 : memref<200x128xf32, #tpu.memory_space<vmem>>[vector<16xi32>, vector<16xi32>], vector<16xf32>,
          %get3A_383 = arith.index_cast %reduce_max3A_373 : i32 to index
          %get3A_384 = arith.constant 16 : index
          %get3A_385 = tpu.vector_load %arg11[%get3A_383, %get3A_384] {strides = array<i32>} : memref<64x64xf32, #tpu.memory_space<vmem>>, vector<16xf32>,
          %add3A_386 = arith.constant 16 : i32
          %add3A_387 = vector.broadcast %add3A_386 : i32 to vector<16xi32>
          %add3A_388 = arith.addi %iota3A, %add3A_387 : vector<16xi32>
          tpu.vector_store_idx %arg10[%broadcast_in_dim3A_376, %add3A_388], %get3A_385 : memref<200x128xf32, #tpu.memory_space<vmem>>[vector<16xi32>, vector<16xi32>], vector<16xf32>,
          %get3A_389 = arith.index_cast %reduce_max3A_373 : i32 to index
          %get3A_390 = arith.constant 32 : index
          %get3A_391 = tpu.vector_load %arg11[%get3A_389, %get3A_390] {strides = array<i32>} : memref<64x64xf32, #tpu.memory_space<vmem>>, vector<16xf32>,
          %add3A_392 = arith.constant 32 : i32
          %add3A_393 = vector.broadcast %add3A_392 : i32 to vector<16xi32>
          %add3A_394 = arith.addi %iota3A, %add3A_393 : vector<16xi32>
          tpu.vector_store_idx %arg10[%broadcast_in_dim3A_376, %add3A_394], %get3A_391 : memref<200x128xf32, #tpu.memory_space<vmem>>[vector<16xi32>, vector<16xi32>], vector<16xf32>,
          %get3A_395 = arith.index_cast %reduce_max3A_373 : i32 to index
          %get3A_396 = arith.constant 48 : index
          %get3A_397 = tpu.vector_load %arg11[%get3A_395, %get3A_396] {strides = array<i32>} : memref<64x64xf32, #tpu.memory_space<vmem>>, vector<16xf32>,
          %add3A_398 = arith.constant 48 : i32
          %add3A_399 = vector.broadcast %add3A_398 : i32 to vector<16xi32>
          %add3A_400 = arith.addi %iota3A, %add3A_399 : vector<16xi32>
          tpu.vector_store_idx %arg10[%broadcast_in_dim3A_376, %add3A_400], %get3A_397 : memref<200x128xf32, #tpu.memory_space<vmem>>[vector<16xi32>, vector<16xi32>], vector<16xf32>,
          %ne3A = vector.broadcast %reduce_min3A_360 : i32 to vector<16xi32>
          %ne3A_401 = arith.cmpi ne, %iota3A, %ne3A : vector<16xi32>
          %convert_element_type3A_402 = arith.extui %ne3A_401 : vector<16xi1> to vector<16xi32>
          %and3A = arith.andi %while3A_349, %convert_element_type3A_402 : vector<16xi32>
          scf.yield %and3A : vector<16xi32>
        }
        %while3A_346 = arith.constant 1 : i32
        %while3A_347 = scf.for %while3A_348 = %while3A_343 to %while3A_339 step %while3A_346 iter_args(%while3A_349 = %while3A_345) -> (vector<16xi32>)  : i32 {
          %gt3A_350 = arith.constant 0 : i32
          %gt3A_351 = vector.broadcast %gt3A_350 : i32 to vector<16xi32>
          %gt3A_352 = arith.cmpi sgt, %while3A_349, %gt3A_351 : vector<16xi32>
          %jit3A = arith.constant 16 : i32
          %broadcast_in_dim3A_353 = vector.broadcast %jit3A : i32 to vector<16xi32>
          %select_n3A = arith.select %gt3A_352, %iota3A, %broadcast_in_dim3A_353 : vector<16xi1>, vector<16xi32>
          %reduce_min3A = arith.constant true
          %reduce_min3A_354 = vector.broadcast %reduce_min3A : i1 to vector<16xi1>
          %reduce_min3A_355 = arith.constant -2147483648 : i32
          %reduce_min3A_356 = vector.broadcast %reduce_min3A_355 : i32 to vector<16xi32>
          %reduce_min3A_357 = arith.xori %select_n3A, %reduce_min3A_356 : vector<16xi32>
          %reduce_min3A_358 = tpu.scan <min>, %reduce_min3A_357 masked %reduce_min3A_354 : vector<16xi32>, vector<16xi1> -> vector<16xi32>
          %reduce_min3A_359 = arith.xori %reduce_min3A_358, %reduce_min3A_356 : vector<16xi32>
          %reduce_min3A_360 = vector.extract %reduce_min3A_359[15] : i32 from vector<16xi32>
          %eq3A = vector.broadcast %reduce_min3A_360 : i32 to vector<16xi32>
          %eq3A_361 = arith.cmpi eq, %iota3A, %eq3A : vector<16xi32>
          %sub3A = arith.constant 999936 : i32
          %sub3A_362 = vector.broadcast %sub3A : i32 to vector<16xi32>
          %sub3A_363 = arith.subi %get3A_239, %sub3A_362 : vector<16xi32>
          %jit3A_364 = arith.constant -1 : i32
          %broadcast_in_dim3A_365 = vector.broadcast %jit3A_364 : i32 to vector<16xi32>
          %select_n3A_366 = arith.select %eq3A_361, %sub3A_363, %broadcast_in_dim3A_365 : vector<16xi1>, vector<16xi32>
          %reduce_max3A = arith.constant true
          %reduce_max3A_367 = vector.broadcast %reduce_max3A : i1 to vector<16xi1>
          %reduce_max3A_368 = arith.constant -2147483648 : i32
          %reduce_max3A_369 = vector.broadcast %reduce_max3A_368 : i32 to vector<16xi32>
          %reduce_max3A_370 = arith.xori %select_n3A_366, %reduce_max3A_369 : vector<16xi32>
          %reduce_max3A_371 = tpu.scan <max>, %reduce_max3A_370 masked %reduce_max3A_367 : vector<16xi32>, vector<16xi1> -> vector<16xi32>
          %reduce_max3A_372 = arith.xori %reduce_max3A_371, %reduce_max3A_369 : vector<16xi32>
          %reduce_max3A_373 = vector.extract %reduce_max3A_372[15] : i32 from vector<16xi32>
          %add3A_374 = arith.constant 112 : i32
          %add3A_375 = arith.addi %add3A_374, %reduce_min3A_360 : i32
          %broadcast_in_dim3A_376 = vector.broadcast %add3A_375 : i32 to vector<16xi32>
          %get3A_377 = arith.index_cast %reduce_max3A_373 : i32 to index
          %get3A_378 = arith.constant 0 : index
          %get3A_379 = tpu.vector_load %arg11[%get3A_377, %get3A_378] {strides = array<i32>} : memref<64x64xf32, #tpu.memory_space<vmem>>, vector<16xf32>,
          %add3A_380 = arith.constant 0 : i32
          %add3A_381 = vector.broadcast %add3A_380 : i32 to vector<16xi32>
          %add3A_382 = arith.addi %iota3A, %add3A_381 : vector<16xi32>
          tpu.vector_store_idx %arg10[%broadcast_in_dim3A_376, %add3A_382], %get3A_379 : memref<200x128xf32, #tpu.memory_space<vmem>>[vector<16xi32>, vector<16xi32>], vector<16xf32>,
          %get3A_383 = arith.index_cast %reduce_max3A_373 : i32 to index
          %get3A_384 = arith.constant 16 : index
          %get3A_385 = tpu.vector_load %arg11[%get3A_383, %get3A_384] {strides = array<i32>} : memref<64x64xf32, #tpu.memory_space<vmem>>, vector<16xf32>,
          %add3A_386 = arith.constant 16 : i32
          %add3A_387 = vector.broadcast %add3A_386 : i32 to vector<16xi32>
          %add3A_388 = arith.addi %iota3A, %add3A_387 : vector<16xi32>
          tpu.vector_store_idx %arg10[%broadcast_in_dim3A_376, %add3A_388], %get3A_385 : memref<200x128xf32, #tpu.memory_space<vmem>>[vector<16xi32>, vector<16xi32>], vector<16xf32>,
          %get3A_389 = arith.index_cast %reduce_max3A_373 : i32 to index
          %get3A_390 = arith.constant 32 : index
          %get3A_391 = tpu.vector_load %arg11[%get3A_389, %get3A_390] {strides = array<i32>} : memref<64x64xf32, #tpu.memory_space<vmem>>, vector<16xf32>,
          %add3A_392 = arith.constant 32 : i32
          %add3A_393 = vector.broadcast %add3A_392 : i32 to vector<16xi32>
          %add3A_394 = arith.addi %iota3A, %add3A_393 : vector<16xi32>
          tpu.vector_store_idx %arg10[%broadcast_in_dim3A_376, %add3A_394], %get3A_391 : memref<200x128xf32, #tpu.memory_space<vmem>>[vector<16xi32>, vector<16xi32>], vector<16xf32>,
          %get3A_395 = arith.index_cast %reduce_max3A_373 : i32 to index
          %get3A_396 = arith.constant 48 : index
          %get3A_397 = tpu.vector_load %arg11[%get3A_395, %get3A_396] {strides = array<i32>} : memref<64x64xf32, #tpu.memory_space<vmem>>, vector<16xf32>,
          %add3A_398 = arith.constant 48 : i32
          %add3A_399 = vector.broadcast %add3A_398 : i32 to vector<16xi32>
          %add3A_400 = arith.addi %iota3A, %add3A_399 : vector<16xi32>
          tpu.vector_store_idx %arg10[%broadcast_in_dim3A_376, %add3A_400], %get3A_397 : memref<200x128xf32, #tpu.memory_space<vmem>>[vector<16xi32>, vector<16xi32>], vector<16xf32>,
          %ne3A = vector.broadcast %reduce_min3A_360 : i32 to vector<16xi32>
          %ne3A_401 = arith.cmpi ne, %iota3A, %ne3A : vector<16xi32>
          %convert_element_type3A_402 = arith.extui %ne3A_401 : vector<16xi1> to vector<16xi32>
          %and3A = arith.andi %while3A_349, %convert_element_type3A_402 : vector<16xi32>
          scf.yield %and3A : vector<16xi32>
        }
      } else {
      }
      %dma_wait3A_253 = arith.constant 128 : i32
      %dma_wait3A_254 = arith.constant 0 : i32
      %dma_wait3A_255 = tpu.memref_slice %arg10[%dma_wait3A_253, %dma_wait3A_254] : memref<200x128xf32, #tpu.memory_space<vmem>> -> memref<72x128xf32, #tpu.memory_space<vmem>>
      %dma_wait3A_256 = arith.constant 0 : i32
      %dma_wait3A_257 = tpu.memref_slice %arg9[%dma_wait3A_256] : memref<128xi32, #tpu.memory_space<vmem>> -> memref<72xi32, #tpu.memory_space<vmem>>
      %dma_wait3A_258 = arith.constant 0 : i32
      %dma_wait3A_259 = arith.constant 0 : i32
      %dma_wait3A_260 = tpu.memref_slice %arg3[%dma_wait3A_258, %dma_wait3A_259] : memref<1000000x128xf32, #tpu.memory_space<hbm>> -> memref<1000000x128xf32, #tpu.memory_space<hbm>>
      tpu.wait_indirect_dma semaphore(%arg14 : memref<!tpu.dma_semaphore, #tpu.memory_space<semaphore_mem>>) src(%dma_wait3A_260 : memref<1000000x128xf32, #tpu.memory_space<hbm>>) dst(%dma_wait3A_255 : memref<72x128xf32, #tpu.memory_space<vmem>>)
      %get3A_261 = arith.constant 0 : index
      %get3A_262 = tpu.vector_load %arg9[%get3A_261] {strides = array<i32>} : memref<128xi32, #tpu.memory_space<vmem>>, vector<16xi32>,
      %ge3A_263 = arith.constant 999936 : i32
      %ge3A_264 = vector.broadcast %ge3A_263 : i32 to vector<16xi32>
      %ge3A_265 = arith.cmpi sge, %get3A_262, %ge3A_264 : vector<16xi32>
      %convert_element_type3A_266 = arith.extui %ge3A_265 : vector<16xi1> to vector<16xi32>
      %reduce_sum3A_267 = arith.constant true
      %reduce_sum3A_268 = vector.broadcast %reduce_sum3A_267 : i1 to vector<16xi1>
      %reduce_sum3A_269 = tpu.scan <sum>, %convert_element_type3A_266 masked %reduce_sum3A_268 : vector<16xi32>, vector<16xi1> -> vector<16xi32>
      %reduce_sum3A_270 = vector.extract %reduce_sum3A_269[15] : i32 from vector<16xi32>
      %gt3A_271 = arith.constant 0 : i32
      %gt3A_272 = arith.cmpi sgt, %reduce_sum3A_270, %gt3A_271 : i32
      %convert_element_type3A_273 = arith.extui %gt3A_272 : i1 to i32
      %cond3A_274 = arith.constant 0 : i32
      %cond3A_275 = arith.cmpi ne, %convert_element_type3A_273, %cond3A_274 : i32
      scf.if %cond3A_275 {
        %convert_element_type3A_337 = arith.extui %ge3A_265 : vector<16xi1> to vector<16xi32>
        %while3A = arith.constant 0 : i32
        %while3A_338 = arith.subi %reduce_sum3A_270, %while3A : i32
        %while3A_339 = arith.addi %while3A, %while3A_338 : i32
        %while3A_340 = arith.constant 1 : i32
        %while3A_341 = arith.divsi %while3A_338, %while3A_340 : i32
        %while3A_342 = arith.muli %while3A_341, %while3A_340 : i32
        %while3A_343 = arith.addi %while3A, %while3A_342 : i32
        %while3A_344 = arith.constant 1 : i32
        %while3A_345 = scf.for %while3A_348 = %while3A to %while3A_343 step %while3A_344 iter_args(%while3A_349 = %convert_element_type3A_337) -> (vector<16xi32>)  : i32 {
          %gt3A_350 = arith.constant 0 : i32
          %gt3A_351 = vector.broadcast %gt3A_350 : i32 to vector<16xi32>
          %gt3A_352 = arith.cmpi sgt, %while3A_349, %gt3A_351 : vector<16xi32>
          %jit3A = arith.constant 16 : i32
          %broadcast_in_dim3A_353 = vector.broadcast %jit3A : i32 to vector<16xi32>
          %select_n3A = arith.select %gt3A_352, %iota3A, %broadcast_in_dim3A_353 : vector<16xi1>, vector<16xi32>
          %reduce_min3A = arith.constant true
          %reduce_min3A_354 = vector.broadcast %reduce_min3A : i1 to vector<16xi1>
          %reduce_min3A_355 = arith.constant -2147483648 : i32
          %reduce_min3A_356 = vector.broadcast %reduce_min3A_355 : i32 to vector<16xi32>
          %reduce_min3A_357 = arith.xori %select_n3A, %reduce_min3A_356 : vector<16xi32>
          %reduce_min3A_358 = tpu.scan <min>, %reduce_min3A_357 masked %reduce_min3A_354 : vector<16xi32>, vector<16xi1> -> vector<16xi32>
          %reduce_min3A_359 = arith.xori %reduce_min3A_358, %reduce_min3A_356 : vector<16xi32>
          %reduce_min3A_360 = vector.extract %reduce_min3A_359[15] : i32 from vector<16xi32>
          %eq3A = vector.broadcast %reduce_min3A_360 : i32 to vector<16xi32>
          %eq3A_361 = arith.cmpi eq, %iota3A, %eq3A : vector<16xi32>
          %sub3A = arith.constant 999936 : i32
          %sub3A_362 = vector.broadcast %sub3A : i32 to vector<16xi32>
          %sub3A_363 = arith.subi %get3A_262, %sub3A_362 : vector<16xi32>
          %jit3A_364 = arith.constant -1 : i32
          %broadcast_in_dim3A_365 = vector.broadcast %jit3A_364 : i32 to vector<16xi32>
          %select_n3A_366 = arith.select %eq3A_361, %sub3A_363, %broadcast_in_dim3A_365 : vector<16xi1>, vector<16xi32>
          %reduce_max3A = arith.constant true
          %reduce_max3A_367 = vector.broadcast %reduce_max3A : i1 to vector<16xi1>
          %reduce_max3A_368 = arith.constant -2147483648 : i32
          %reduce_max3A_369 = vector.broadcast %reduce_max3A_368 : i32 to vector<16xi32>
          %reduce_max3A_370 = arith.xori %select_n3A_366, %reduce_max3A_369 : vector<16xi32>
          %reduce_max3A_371 = tpu.scan <max>, %reduce_max3A_370 masked %reduce_max3A_367 : vector<16xi32>, vector<16xi1> -> vector<16xi32>
          %reduce_max3A_372 = arith.xori %reduce_max3A_371, %reduce_max3A_369 : vector<16xi32>
          %reduce_max3A_373 = vector.extract %reduce_max3A_372[15] : i32 from vector<16xi32>
          %add3A_374 = arith.constant 128 : i32
          %add3A_375 = arith.addi %add3A_374, %reduce_min3A_360 : i32
          %broadcast_in_dim3A_376 = vector.broadcast %add3A_375 : i32 to vector<16xi32>
          %get3A_377 = arith.index_cast %reduce_max3A_373 : i32 to index
          %get3A_378 = arith.constant 0 : index
          %get3A_379 = tpu.vector_load %arg11[%get3A_377, %get3A_378] {strides = array<i32>} : memref<64x64xf32, #tpu.memory_space<vmem>>, vector<16xf32>,
          %add3A_380 = arith.constant 0 : i32
          %add3A_381 = vector.broadcast %add3A_380 : i32 to vector<16xi32>
          %add3A_382 = arith.addi %iota3A, %add3A_381 : vector<16xi32>
          tpu.vector_store_idx %arg10[%broadcast_in_dim3A_376, %add3A_382], %get3A_379 : memref<200x128xf32, #tpu.memory_space<vmem>>[vector<16xi32>, vector<16xi32>], vector<16xf32>,
          %get3A_383 = arith.index_cast %reduce_max3A_373 : i32 to index
          %get3A_384 = arith.constant 16 : index
          %get3A_385 = tpu.vector_load %arg11[%get3A_383, %get3A_384] {strides = array<i32>} : memref<64x64xf32, #tpu.memory_space<vmem>>, vector<16xf32>,
          %add3A_386 = arith.constant 16 : i32
          %add3A_387 = vector.broadcast %add3A_386 : i32 to vector<16xi32>
          %add3A_388 = arith.addi %iota3A, %add3A_387 : vector<16xi32>
          tpu.vector_store_idx %arg10[%broadcast_in_dim3A_376, %add3A_388], %get3A_385 : memref<200x128xf32, #tpu.memory_space<vmem>>[vector<16xi32>, vector<16xi32>], vector<16xf32>,
          %get3A_389 = arith.index_cast %reduce_max3A_373 : i32 to index
          %get3A_390 = arith.constant 32 : index
          %get3A_391 = tpu.vector_load %arg11[%get3A_389, %get3A_390] {strides = array<i32>} : memref<64x64xf32, #tpu.memory_space<vmem>>, vector<16xf32>,
          %add3A_392 = arith.constant 32 : i32
          %add3A_393 = vector.broadcast %add3A_392 : i32 to vector<16xi32>
          %add3A_394 = arith.addi %iota3A, %add3A_393 : vector<16xi32>
          tpu.vector_store_idx %arg10[%broadcast_in_dim3A_376, %add3A_394], %get3A_391 : memref<200x128xf32, #tpu.memory_space<vmem>>[vector<16xi32>, vector<16xi32>], vector<16xf32>,
          %get3A_395 = arith.index_cast %reduce_max3A_373 : i32 to index
          %get3A_396 = arith.constant 48 : index
          %get3A_397 = tpu.vector_load %arg11[%get3A_395, %get3A_396] {strides = array<i32>} : memref<64x64xf32, #tpu.memory_space<vmem>>, vector<16xf32>,
          %add3A_398 = arith.constant 48 : i32
          %add3A_399 = vector.broadcast %add3A_398 : i32 to vector<16xi32>
          %add3A_400 = arith.addi %iota3A, %add3A_399 : vector<16xi32>
          tpu.vector_store_idx %arg10[%broadcast_in_dim3A_376, %add3A_400], %get3A_397 : memref<200x128xf32, #tpu.memory_space<vmem>>[vector<16xi32>, vector<16xi32>], vector<16xf32>,
          %ne3A = vector.broadcast %reduce_min3A_360 : i32 to vector<16xi32>
          %ne3A_401 = arith.cmpi ne, %iota3A, %ne3A : vector<16xi32>
          %convert_element_type3A_402 = arith.extui %ne3A_401 : vector<16xi1> to vector<16xi32>
          %and3A = arith.andi %while3A_349, %convert_element_type3A_402 : vector<16xi32>
          scf.yield %and3A : vector<16xi32>
        }
        %while3A_346 = arith.constant 1 : i32
        %while3A_347 = scf.for %while3A_348 = %while3A_343 to %while3A_339 step %while3A_346 iter_args(%while3A_349 = %while3A_345) -> (vector<16xi32>)  : i32 {
          %gt3A_350 = arith.constant 0 : i32
          %gt3A_351 = vector.broadcast %gt3A_350 : i32 to vector<16xi32>
          %gt3A_352 = arith.cmpi sgt, %while3A_349, %gt3A_351 : vector<16xi32>
          %jit3A = arith.constant 16 : i32
          %broadcast_in_dim3A_353 = vector.broadcast %jit3A : i32 to vector<16xi32>
          %select_n3A = arith.select %gt3A_352, %iota3A, %broadcast_in_dim3A_353 : vector<16xi1>, vector<16xi32>
          %reduce_min3A = arith.constant true
          %reduce_min3A_354 = vector.broadcast %reduce_min3A : i1 to vector<16xi1>
          %reduce_min3A_355 = arith.constant -2147483648 : i32
          %reduce_min3A_356 = vector.broadcast %reduce_min3A_355 : i32 to vector<16xi32>
          %reduce_min3A_357 = arith.xori %select_n3A, %reduce_min3A_356 : vector<16xi32>
          %reduce_min3A_358 = tpu.scan <min>, %reduce_min3A_357 masked %reduce_min3A_354 : vector<16xi32>, vector<16xi1> -> vector<16xi32>
          %reduce_min3A_359 = arith.xori %reduce_min3A_358, %reduce_min3A_356 : vector<16xi32>
          %reduce_min3A_360 = vector.extract %reduce_min3A_359[15] : i32 from vector<16xi32>
          %eq3A = vector.broadcast %reduce_min3A_360 : i32 to vector<16xi32>
          %eq3A_361 = arith.cmpi eq, %iota3A, %eq3A : vector<16xi32>
          %sub3A = arith.constant 999936 : i32
          %sub3A_362 = vector.broadcast %sub3A : i32 to vector<16xi32>
          %sub3A_363 = arith.subi %get3A_262, %sub3A_362 : vector<16xi32>
          %jit3A_364 = arith.constant -1 : i32
          %broadcast_in_dim3A_365 = vector.broadcast %jit3A_364 : i32 to vector<16xi32>
          %select_n3A_366 = arith.select %eq3A_361, %sub3A_363, %broadcast_in_dim3A_365 : vector<16xi1>, vector<16xi32>
          %reduce_max3A = arith.constant true
          %reduce_max3A_367 = vector.broadcast %reduce_max3A : i1 to vector<16xi1>
          %reduce_max3A_368 = arith.constant -2147483648 : i32
          %reduce_max3A_369 = vector.broadcast %reduce_max3A_368 : i32 to vector<16xi32>
          %reduce_max3A_370 = arith.xori %select_n3A_366, %reduce_max3A_369 : vector<16xi32>
          %reduce_max3A_371 = tpu.scan <max>, %reduce_max3A_370 masked %reduce_max3A_367 : vector<16xi32>, vector<16xi1> -> vector<16xi32>
          %reduce_max3A_372 = arith.xori %reduce_max3A_371, %reduce_max3A_369 : vector<16xi32>
          %reduce_max3A_373 = vector.extract %reduce_max3A_372[15] : i32 from vector<16xi32>
          %add3A_374 = arith.constant 128 : i32
          %add3A_375 = arith.addi %add3A_374, %reduce_min3A_360 : i32
          %broadcast_in_dim3A_376 = vector.broadcast %add3A_375 : i32 to vector<16xi32>
          %get3A_377 = arith.index_cast %reduce_max3A_373 : i32 to index
          %get3A_378 = arith.constant 0 : index
          %get3A_379 = tpu.vector_load %arg11[%get3A_377, %get3A_378] {strides = array<i32>} : memref<64x64xf32, #tpu.memory_space<vmem>>, vector<16xf32>,
          %add3A_380 = arith.constant 0 : i32
          %add3A_381 = vector.broadcast %add3A_380 : i32 to vector<16xi32>
          %add3A_382 = arith.addi %iota3A, %add3A_381 : vector<16xi32>
          tpu.vector_store_idx %arg10[%broadcast_in_dim3A_376, %add3A_382], %get3A_379 : memref<200x128xf32, #tpu.memory_space<vmem>>[vector<16xi32>, vector<16xi32>], vector<16xf32>,
          %get3A_383 = arith.index_cast %reduce_max3A_373 : i32 to index
          %get3A_384 = arith.constant 16 : index
          %get3A_385 = tpu.vector_load %arg11[%get3A_383, %get3A_384] {strides = array<i32>} : memref<64x64xf32, #tpu.memory_space<vmem>>, vector<16xf32>,
          %add3A_386 = arith.constant 16 : i32
          %add3A_387 = vector.broadcast %add3A_386 : i32 to vector<16xi32>
          %add3A_388 = arith.addi %iota3A, %add3A_387 : vector<16xi32>
          tpu.vector_store_idx %arg10[%broadcast_in_dim3A_376, %add3A_388], %get3A_385 : memref<200x128xf32, #tpu.memory_space<vmem>>[vector<16xi32>, vector<16xi32>], vector<16xf32>,
          %get3A_389 = arith.index_cast %reduce_max3A_373 : i32 to index
          %get3A_390 = arith.constant 32 : index
          %get3A_391 = tpu.vector_load %arg11[%get3A_389, %get3A_390] {strides = array<i32>} : memref<64x64xf32, #tpu.memory_space<vmem>>, vector<16xf32>,
          %add3A_392 = arith.constant 32 : i32
          %add3A_393 = vector.broadcast %add3A_392 : i32 to vector<16xi32>
          %add3A_394 = arith.addi %iota3A, %add3A_393 : vector<16xi32>
          tpu.vector_store_idx %arg10[%broadcast_in_dim3A_376, %add3A_394], %get3A_391 : memref<200x128xf32, #tpu.memory_space<vmem>>[vector<16xi32>, vector<16xi32>], vector<16xf32>,
          %get3A_395 = arith.index_cast %reduce_max3A_373 : i32 to index
          %get3A_396 = arith.constant 48 : index
          %get3A_397 = tpu.vector_load %arg11[%get3A_395, %get3A_396] {strides = array<i32>} : memref<64x64xf32, #tpu.memory_space<vmem>>, vector<16xf32>,
          %add3A_398 = arith.constant 48 : i32
          %add3A_399 = vector.broadcast %add3A_398 : i32 to vector<16xi32>
          %add3A_400 = arith.addi %iota3A, %add3A_399 : vector<16xi32>
          tpu.vector_store_idx %arg10[%broadcast_in_dim3A_376, %add3A_400], %get3A_397 : memref<200x128xf32, #tpu.memory_space<vmem>>[vector<16xi32>, vector<16xi32>], vector<16xf32>,
          %ne3A = vector.broadcast %reduce_min3A_360 : i32 to vector<16xi32>
          %ne3A_401 = arith.cmpi ne, %iota3A, %ne3A : vector<16xi32>
          %convert_element_type3A_402 = arith.extui %ne3A_401 : vector<16xi1> to vector<16xi32>
          %and3A = arith.andi %while3A_349, %convert_element_type3A_402 : vector<16xi32>
          scf.yield %and3A : vector<16xi32>
        }
      } else {
      }
      %get3A_276 = arith.constant 16 : index
      %get3A_277 = tpu.vector_load %arg9[%get3A_276] {strides = array<i32>} : memref<128xi32, #tpu.memory_space<vmem>>, vector<16xi32>,
      %ge3A_278 = arith.constant 999936 : i32
      %ge3A_279 = vector.broadcast %ge3A_278 : i32 to vector<16xi32>
      %ge3A_280 = arith.cmpi sge, %get3A_277, %ge3A_279 : vector<16xi32>
      %convert_element_type3A_281 = arith.extui %ge3A_280 : vector<16xi1> to vector<16xi32>
      %reduce_sum3A_282 = arith.constant true
      %reduce_sum3A_283 = vector.broadcast %reduce_sum3A_282 : i1 to vector<16xi1>
      %reduce_sum3A_284 = tpu.scan <sum>, %convert_element_type3A_281 masked %reduce_sum3A_283 : vector<16xi32>, vector<16xi1> -> vector<16xi32>
      %reduce_sum3A_285 = vector.extract %reduce_sum3A_284[15] : i32 from vector<16xi32>
      %gt3A_286 = arith.constant 0 : i32
      %gt3A_287 = arith.cmpi sgt, %reduce_sum3A_285, %gt3A_286 : i32
      %convert_element_type3A_288 = arith.extui %gt3A_287 : i1 to i32
      %cond3A_289 = arith.constant 0 : i32
      %cond3A_290 = arith.cmpi ne, %convert_element_type3A_288, %cond3A_289 : i32
      scf.if %cond3A_290 {
        %convert_element_type3A_337 = arith.extui %ge3A_280 : vector<16xi1> to vector<16xi32>
        %while3A = arith.constant 0 : i32
        %while3A_338 = arith.subi %reduce_sum3A_285, %while3A : i32
        %while3A_339 = arith.addi %while3A, %while3A_338 : i32
        %while3A_340 = arith.constant 1 : i32
        %while3A_341 = arith.divsi %while3A_338, %while3A_340 : i32
        %while3A_342 = arith.muli %while3A_341, %while3A_340 : i32
        %while3A_343 = arith.addi %while3A, %while3A_342 : i32
        %while3A_344 = arith.constant 1 : i32
        %while3A_345 = scf.for %while3A_348 = %while3A to %while3A_343 step %while3A_344 iter_args(%while3A_349 = %convert_element_type3A_337) -> (vector<16xi32>)  : i32 {
          %gt3A_350 = arith.constant 0 : i32
          %gt3A_351 = vector.broadcast %gt3A_350 : i32 to vector<16xi32>
          %gt3A_352 = arith.cmpi sgt, %while3A_349, %gt3A_351 : vector<16xi32>
          %jit3A = arith.constant 16 : i32
          %broadcast_in_dim3A_353 = vector.broadcast %jit3A : i32 to vector<16xi32>
          %select_n3A = arith.select %gt3A_352, %iota3A, %broadcast_in_dim3A_353 : vector<16xi1>, vector<16xi32>
          %reduce_min3A = arith.constant true
          %reduce_min3A_354 = vector.broadcast %reduce_min3A : i1 to vector<16xi1>
          %reduce_min3A_355 = arith.constant -2147483648 : i32
          %reduce_min3A_356 = vector.broadcast %reduce_min3A_355 : i32 to vector<16xi32>
          %reduce_min3A_357 = arith.xori %select_n3A, %reduce_min3A_356 : vector<16xi32>
          %reduce_min3A_358 = tpu.scan <min>, %reduce_min3A_357 masked %reduce_min3A_354 : vector<16xi32>, vector<16xi1> -> vector<16xi32>
          %reduce_min3A_359 = arith.xori %reduce_min3A_358, %reduce_min3A_356 : vector<16xi32>
          %reduce_min3A_360 = vector.extract %reduce_min3A_359[15] : i32 from vector<16xi32>
          %eq3A = vector.broadcast %reduce_min3A_360 : i32 to vector<16xi32>
          %eq3A_361 = arith.cmpi eq, %iota3A, %eq3A : vector<16xi32>
          %sub3A = arith.constant 999936 : i32
          %sub3A_362 = vector.broadcast %sub3A : i32 to vector<16xi32>
          %sub3A_363 = arith.subi %get3A_277, %sub3A_362 : vector<16xi32>
          %jit3A_364 = arith.constant -1 : i32
          %broadcast_in_dim3A_365 = vector.broadcast %jit3A_364 : i32 to vector<16xi32>
          %select_n3A_366 = arith.select %eq3A_361, %sub3A_363, %broadcast_in_dim3A_365 : vector<16xi1>, vector<16xi32>
          %reduce_max3A = arith.constant true
          %reduce_max3A_367 = vector.broadcast %reduce_max3A : i1 to vector<16xi1>
          %reduce_max3A_368 = arith.constant -2147483648 : i32
          %reduce_max3A_369 = vector.broadcast %reduce_max3A_368 : i32 to vector<16xi32>
          %reduce_max3A_370 = arith.xori %select_n3A_366, %reduce_max3A_369 : vector<16xi32>
          %reduce_max3A_371 = tpu.scan <max>, %reduce_max3A_370 masked %reduce_max3A_367 : vector<16xi32>, vector<16xi1> -> vector<16xi32>
          %reduce_max3A_372 = arith.xori %reduce_max3A_371, %reduce_max3A_369 : vector<16xi32>
          %reduce_max3A_373 = vector.extract %reduce_max3A_372[15] : i32 from vector<16xi32>
          %add3A_374 = arith.constant 144 : i32
          %add3A_375 = arith.addi %add3A_374, %reduce_min3A_360 : i32
          %broadcast_in_dim3A_376 = vector.broadcast %add3A_375 : i32 to vector<16xi32>
          %get3A_377 = arith.index_cast %reduce_max3A_373 : i32 to index
          %get3A_378 = arith.constant 0 : index
          %get3A_379 = tpu.vector_load %arg11[%get3A_377, %get3A_378] {strides = array<i32>} : memref<64x64xf32, #tpu.memory_space<vmem>>, vector<16xf32>,
          %add3A_380 = arith.constant 0 : i32
          %add3A_381 = vector.broadcast %add3A_380 : i32 to vector<16xi32>
          %add3A_382 = arith.addi %iota3A, %add3A_381 : vector<16xi32>
          tpu.vector_store_idx %arg10[%broadcast_in_dim3A_376, %add3A_382], %get3A_379 : memref<200x128xf32, #tpu.memory_space<vmem>>[vector<16xi32>, vector<16xi32>], vector<16xf32>,
          %get3A_383 = arith.index_cast %reduce_max3A_373 : i32 to index
          %get3A_384 = arith.constant 16 : index
          %get3A_385 = tpu.vector_load %arg11[%get3A_383, %get3A_384] {strides = array<i32>} : memref<64x64xf32, #tpu.memory_space<vmem>>, vector<16xf32>,
          %add3A_386 = arith.constant 16 : i32
          %add3A_387 = vector.broadcast %add3A_386 : i32 to vector<16xi32>
          %add3A_388 = arith.addi %iota3A, %add3A_387 : vector<16xi32>
          tpu.vector_store_idx %arg10[%broadcast_in_dim3A_376, %add3A_388], %get3A_385 : memref<200x128xf32, #tpu.memory_space<vmem>>[vector<16xi32>, vector<16xi32>], vector<16xf32>,
          %get3A_389 = arith.index_cast %reduce_max3A_373 : i32 to index
          %get3A_390 = arith.constant 32 : index
          %get3A_391 = tpu.vector_load %arg11[%get3A_389, %get3A_390] {strides = array<i32>} : memref<64x64xf32, #tpu.memory_space<vmem>>, vector<16xf32>,
          %add3A_392 = arith.constant 32 : i32
          %add3A_393 = vector.broadcast %add3A_392 : i32 to vector<16xi32>
          %add3A_394 = arith.addi %iota3A, %add3A_393 : vector<16xi32>
          tpu.vector_store_idx %arg10[%broadcast_in_dim3A_376, %add3A_394], %get3A_391 : memref<200x128xf32, #tpu.memory_space<vmem>>[vector<16xi32>, vector<16xi32>], vector<16xf32>,
          %get3A_395 = arith.index_cast %reduce_max3A_373 : i32 to index
          %get3A_396 = arith.constant 48 : index
          %get3A_397 = tpu.vector_load %arg11[%get3A_395, %get3A_396] {strides = array<i32>} : memref<64x64xf32, #tpu.memory_space<vmem>>, vector<16xf32>,
          %add3A_398 = arith.constant 48 : i32
          %add3A_399 = vector.broadcast %add3A_398 : i32 to vector<16xi32>
          %add3A_400 = arith.addi %iota3A, %add3A_399 : vector<16xi32>
          tpu.vector_store_idx %arg10[%broadcast_in_dim3A_376, %add3A_400], %get3A_397 : memref<200x128xf32, #tpu.memory_space<vmem>>[vector<16xi32>, vector<16xi32>], vector<16xf32>,
          %ne3A = vector.broadcast %reduce_min3A_360 : i32 to vector<16xi32>
          %ne3A_401 = arith.cmpi ne, %iota3A, %ne3A : vector<16xi32>
          %convert_element_type3A_402 = arith.extui %ne3A_401 : vector<16xi1> to vector<16xi32>
          %and3A = arith.andi %while3A_349, %convert_element_type3A_402 : vector<16xi32>
          scf.yield %and3A : vector<16xi32>
        }
        %while3A_346 = arith.constant 1 : i32
        %while3A_347 = scf.for %while3A_348 = %while3A_343 to %while3A_339 step %while3A_346 iter_args(%while3A_349 = %while3A_345) -> (vector<16xi32>)  : i32 {
          %gt3A_350 = arith.constant 0 : i32
          %gt3A_351 = vector.broadcast %gt3A_350 : i32 to vector<16xi32>
          %gt3A_352 = arith.cmpi sgt, %while3A_349, %gt3A_351 : vector<16xi32>
          %jit3A = arith.constant 16 : i32
          %broadcast_in_dim3A_353 = vector.broadcast %jit3A : i32 to vector<16xi32>
          %select_n3A = arith.select %gt3A_352, %iota3A, %broadcast_in_dim3A_353 : vector<16xi1>, vector<16xi32>
          %reduce_min3A = arith.constant true
          %reduce_min3A_354 = vector.broadcast %reduce_min3A : i1 to vector<16xi1>
          %reduce_min3A_355 = arith.constant -2147483648 : i32
          %reduce_min3A_356 = vector.broadcast %reduce_min3A_355 : i32 to vector<16xi32>
          %reduce_min3A_357 = arith.xori %select_n3A, %reduce_min3A_356 : vector<16xi32>
          %reduce_min3A_358 = tpu.scan <min>, %reduce_min3A_357 masked %reduce_min3A_354 : vector<16xi32>, vector<16xi1> -> vector<16xi32>
          %reduce_min3A_359 = arith.xori %reduce_min3A_358, %reduce_min3A_356 : vector<16xi32>
          %reduce_min3A_360 = vector.extract %reduce_min3A_359[15] : i32 from vector<16xi32>
          %eq3A = vector.broadcast %reduce_min3A_360 : i32 to vector<16xi32>
          %eq3A_361 = arith.cmpi eq, %iota3A, %eq3A : vector<16xi32>
          %sub3A = arith.constant 999936 : i32
          %sub3A_362 = vector.broadcast %sub3A : i32 to vector<16xi32>
          %sub3A_363 = arith.subi %get3A_277, %sub3A_362 : vector<16xi32>
          %jit3A_364 = arith.constant -1 : i32
          %broadcast_in_dim3A_365 = vector.broadcast %jit3A_364 : i32 to vector<16xi32>
          %select_n3A_366 = arith.select %eq3A_361, %sub3A_363, %broadcast_in_dim3A_365 : vector<16xi1>, vector<16xi32>
          %reduce_max3A = arith.constant true
          %reduce_max3A_367 = vector.broadcast %reduce_max3A : i1 to vector<16xi1>
          %reduce_max3A_368 = arith.constant -2147483648 : i32
          %reduce_max3A_369 = vector.broadcast %reduce_max3A_368 : i32 to vector<16xi32>
          %reduce_max3A_370 = arith.xori %select_n3A_366, %reduce_max3A_369 : vector<16xi32>
          %reduce_max3A_371 = tpu.scan <max>, %reduce_max3A_370 masked %reduce_max3A_367 : vector<16xi32>, vector<16xi1> -> vector<16xi32>
          %reduce_max3A_372 = arith.xori %reduce_max3A_371, %reduce_max3A_369 : vector<16xi32>
          %reduce_max3A_373 = vector.extract %reduce_max3A_372[15] : i32 from vector<16xi32>
          %add3A_374 = arith.constant 144 : i32
          %add3A_375 = arith.addi %add3A_374, %reduce_min3A_360 : i32
          %broadcast_in_dim3A_376 = vector.broadcast %add3A_375 : i32 to vector<16xi32>
          %get3A_377 = arith.index_cast %reduce_max3A_373 : i32 to index
          %get3A_378 = arith.constant 0 : index
          %get3A_379 = tpu.vector_load %arg11[%get3A_377, %get3A_378] {strides = array<i32>} : memref<64x64xf32, #tpu.memory_space<vmem>>, vector<16xf32>,
          %add3A_380 = arith.constant 0 : i32
          %add3A_381 = vector.broadcast %add3A_380 : i32 to vector<16xi32>
          %add3A_382 = arith.addi %iota3A, %add3A_381 : vector<16xi32>
          tpu.vector_store_idx %arg10[%broadcast_in_dim3A_376, %add3A_382], %get3A_379 : memref<200x128xf32, #tpu.memory_space<vmem>>[vector<16xi32>, vector<16xi32>], vector<16xf32>,
          %get3A_383 = arith.index_cast %reduce_max3A_373 : i32 to index
          %get3A_384 = arith.constant 16 : index
          %get3A_385 = tpu.vector_load %arg11[%get3A_383, %get3A_384] {strides = array<i32>} : memref<64x64xf32, #tpu.memory_space<vmem>>, vector<16xf32>,
          %add3A_386 = arith.constant 16 : i32
          %add3A_387 = vector.broadcast %add3A_386 : i32 to vector<16xi32>
          %add3A_388 = arith.addi %iota3A, %add3A_387 : vector<16xi32>
          tpu.vector_store_idx %arg10[%broadcast_in_dim3A_376, %add3A_388], %get3A_385 : memref<200x128xf32, #tpu.memory_space<vmem>>[vector<16xi32>, vector<16xi32>], vector<16xf32>,
          %get3A_389 = arith.index_cast %reduce_max3A_373 : i32 to index
          %get3A_390 = arith.constant 32 : index
          %get3A_391 = tpu.vector_load %arg11[%get3A_389, %get3A_390] {strides = array<i32>} : memref<64x64xf32, #tpu.memory_space<vmem>>, vector<16xf32>,
          %add3A_392 = arith.constant 32 : i32
          %add3A_393 = vector.broadcast %add3A_392 : i32 to vector<16xi32>
          %add3A_394 = arith.addi %iota3A, %add3A_393 : vector<16xi32>
          tpu.vector_store_idx %arg10[%broadcast_in_dim3A_376, %add3A_394], %get3A_391 : memref<200x128xf32, #tpu.memory_space<vmem>>[vector<16xi32>, vector<16xi32>], vector<16xf32>,
          %get3A_395 = arith.index_cast %reduce_max3A_373 : i32 to index
          %get3A_396 = arith.constant 48 : index
          %get3A_397 = tpu.vector_load %arg11[%get3A_395, %get3A_396] {strides = array<i32>} : memref<64x64xf32, #tpu.memory_space<vmem>>, vector<16xf32>,
          %add3A_398 = arith.constant 48 : i32
          %add3A_399 = vector.broadcast %add3A_398 : i32 to vector<16xi32>
          %add3A_400 = arith.addi %iota3A, %add3A_399 : vector<16xi32>
          tpu.vector_store_idx %arg10[%broadcast_in_dim3A_376, %add3A_400], %get3A_397 : memref<200x128xf32, #tpu.memory_space<vmem>>[vector<16xi32>, vector<16xi32>], vector<16xf32>,
          %ne3A = vector.broadcast %reduce_min3A_360 : i32 to vector<16xi32>
          %ne3A_401 = arith.cmpi ne, %iota3A, %ne3A : vector<16xi32>
          %convert_element_type3A_402 = arith.extui %ne3A_401 : vector<16xi1> to vector<16xi32>
          %and3A = arith.andi %while3A_349, %convert_element_type3A_402 : vector<16xi32>
          scf.yield %and3A : vector<16xi32>
        }
      } else {
      }
      %get3A_291 = arith.constant 32 : index
      %get3A_292 = tpu.vector_load %arg9[%get3A_291] {strides = array<i32>} : memref<128xi32, #tpu.memory_space<vmem>>, vector<16xi32>,
      %ge3A_293 = arith.constant 999936 : i32
      %ge3A_294 = vector.broadcast %ge3A_293 : i32 to vector<16xi32>
      %ge3A_295 = arith.cmpi sge, %get3A_292, %ge3A_294 : vector<16xi32>
      %convert_element_type3A_296 = arith.extui %ge3A_295 : vector<16xi1> to vector<16xi32>
      %reduce_sum3A_297 = arith.constant true
      %reduce_sum3A_298 = vector.broadcast %reduce_sum3A_297 : i1 to vector<16xi1>
      %reduce_sum3A_299 = tpu.scan <sum>, %convert_element_type3A_296 masked %reduce_sum3A_298 : vector<16xi32>, vector<16xi1> -> vector<16xi32>
      %reduce_sum3A_300 = vector.extract %reduce_sum3A_299[15] : i32 from vector<16xi32>
      %gt3A_301 = arith.constant 0 : i32
      %gt3A_302 = arith.cmpi sgt, %reduce_sum3A_300, %gt3A_301 : i32
      %convert_element_type3A_303 = arith.extui %gt3A_302 : i1 to i32
      %cond3A_304 = arith.constant 0 : i32
      %cond3A_305 = arith.cmpi ne, %convert_element_type3A_303, %cond3A_304 : i32
      scf.if %cond3A_305 {
        %convert_element_type3A_337 = arith.extui %ge3A_295 : vector<16xi1> to vector<16xi32>
        %while3A = arith.constant 0 : i32
        %while3A_338 = arith.subi %reduce_sum3A_300, %while3A : i32
        %while3A_339 = arith.addi %while3A, %while3A_338 : i32
        %while3A_340 = arith.constant 1 : i32
        %while3A_341 = arith.divsi %while3A_338, %while3A_340 : i32
        %while3A_342 = arith.muli %while3A_341, %while3A_340 : i32
        %while3A_343 = arith.addi %while3A, %while3A_342 : i32
        %while3A_344 = arith.constant 1 : i32
        %while3A_345 = scf.for %while3A_348 = %while3A to %while3A_343 step %while3A_344 iter_args(%while3A_349 = %convert_element_type3A_337) -> (vector<16xi32>)  : i32 {
          %gt3A_350 = arith.constant 0 : i32
          %gt3A_351 = vector.broadcast %gt3A_350 : i32 to vector<16xi32>
          %gt3A_352 = arith.cmpi sgt, %while3A_349, %gt3A_351 : vector<16xi32>
          %jit3A = arith.constant 16 : i32
          %broadcast_in_dim3A_353 = vector.broadcast %jit3A : i32 to vector<16xi32>
          %select_n3A = arith.select %gt3A_352, %iota3A, %broadcast_in_dim3A_353 : vector<16xi1>, vector<16xi32>
          %reduce_min3A = arith.constant true
          %reduce_min3A_354 = vector.broadcast %reduce_min3A : i1 to vector<16xi1>
          %reduce_min3A_355 = arith.constant -2147483648 : i32
          %reduce_min3A_356 = vector.broadcast %reduce_min3A_355 : i32 to vector<16xi32>
          %reduce_min3A_357 = arith.xori %select_n3A, %reduce_min3A_356 : vector<16xi32>
          %reduce_min3A_358 = tpu.scan <min>, %reduce_min3A_357 masked %reduce_min3A_354 : vector<16xi32>, vector<16xi1> -> vector<16xi32>
          %reduce_min3A_359 = arith.xori %reduce_min3A_358, %reduce_min3A_356 : vector<16xi32>
          %reduce_min3A_360 = vector.extract %reduce_min3A_359[15] : i32 from vector<16xi32>
          %eq3A = vector.broadcast %reduce_min3A_360 : i32 to vector<16xi32>
          %eq3A_361 = arith.cmpi eq, %iota3A, %eq3A : vector<16xi32>
          %sub3A = arith.constant 999936 : i32
          %sub3A_362 = vector.broadcast %sub3A : i32 to vector<16xi32>
          %sub3A_363 = arith.subi %get3A_292, %sub3A_362 : vector<16xi32>
          %jit3A_364 = arith.constant -1 : i32
          %broadcast_in_dim3A_365 = vector.broadcast %jit3A_364 : i32 to vector<16xi32>
          %select_n3A_366 = arith.select %eq3A_361, %sub3A_363, %broadcast_in_dim3A_365 : vector<16xi1>, vector<16xi32>
          %reduce_max3A = arith.constant true
          %reduce_max3A_367 = vector.broadcast %reduce_max3A : i1 to vector<16xi1>
          %reduce_max3A_368 = arith.constant -2147483648 : i32
          %reduce_max3A_369 = vector.broadcast %reduce_max3A_368 : i32 to vector<16xi32>
          %reduce_max3A_370 = arith.xori %select_n3A_366, %reduce_max3A_369 : vector<16xi32>
          %reduce_max3A_371 = tpu.scan <max>, %reduce_max3A_370 masked %reduce_max3A_367 : vector<16xi32>, vector<16xi1> -> vector<16xi32>
          %reduce_max3A_372 = arith.xori %reduce_max3A_371, %reduce_max3A_369 : vector<16xi32>
          %reduce_max3A_373 = vector.extract %reduce_max3A_372[15] : i32 from vector<16xi32>
          %add3A_374 = arith.constant 160 : i32
          %add3A_375 = arith.addi %add3A_374, %reduce_min3A_360 : i32
          %broadcast_in_dim3A_376 = vector.broadcast %add3A_375 : i32 to vector<16xi32>
          %get3A_377 = arith.index_cast %reduce_max3A_373 : i32 to index
          %get3A_378 = arith.constant 0 : index
          %get3A_379 = tpu.vector_load %arg11[%get3A_377, %get3A_378] {strides = array<i32>} : memref<64x64xf32, #tpu.memory_space<vmem>>, vector<16xf32>,
          %add3A_380 = arith.constant 0 : i32
          %add3A_381 = vector.broadcast %add3A_380 : i32 to vector<16xi32>
          %add3A_382 = arith.addi %iota3A, %add3A_381 : vector<16xi32>
          tpu.vector_store_idx %arg10[%broadcast_in_dim3A_376, %add3A_382], %get3A_379 : memref<200x128xf32, #tpu.memory_space<vmem>>[vector<16xi32>, vector<16xi32>], vector<16xf32>,
          %get3A_383 = arith.index_cast %reduce_max3A_373 : i32 to index
          %get3A_384 = arith.constant 16 : index
          %get3A_385 = tpu.vector_load %arg11[%get3A_383, %get3A_384] {strides = array<i32>} : memref<64x64xf32, #tpu.memory_space<vmem>>, vector<16xf32>,
          %add3A_386 = arith.constant 16 : i32
          %add3A_387 = vector.broadcast %add3A_386 : i32 to vector<16xi32>
          %add3A_388 = arith.addi %iota3A, %add3A_387 : vector<16xi32>
          tpu.vector_store_idx %arg10[%broadcast_in_dim3A_376, %add3A_388], %get3A_385 : memref<200x128xf32, #tpu.memory_space<vmem>>[vector<16xi32>, vector<16xi32>], vector<16xf32>,
          %get3A_389 = arith.index_cast %reduce_max3A_373 : i32 to index
          %get3A_390 = arith.constant 32 : index
          %get3A_391 = tpu.vector_load %arg11[%get3A_389, %get3A_390] {strides = array<i32>} : memref<64x64xf32, #tpu.memory_space<vmem>>, vector<16xf32>,
          %add3A_392 = arith.constant 32 : i32
          %add3A_393 = vector.broadcast %add3A_392 : i32 to vector<16xi32>
          %add3A_394 = arith.addi %iota3A, %add3A_393 : vector<16xi32>
          tpu.vector_store_idx %arg10[%broadcast_in_dim3A_376, %add3A_394], %get3A_391 : memref<200x128xf32, #tpu.memory_space<vmem>>[vector<16xi32>, vector<16xi32>], vector<16xf32>,
          %get3A_395 = arith.index_cast %reduce_max3A_373 : i32 to index
          %get3A_396 = arith.constant 48 : index
          %get3A_397 = tpu.vector_load %arg11[%get3A_395, %get3A_396] {strides = array<i32>} : memref<64x64xf32, #tpu.memory_space<vmem>>, vector<16xf32>,
          %add3A_398 = arith.constant 48 : i32
          %add3A_399 = vector.broadcast %add3A_398 : i32 to vector<16xi32>
          %add3A_400 = arith.addi %iota3A, %add3A_399 : vector<16xi32>
          tpu.vector_store_idx %arg10[%broadcast_in_dim3A_376, %add3A_400], %get3A_397 : memref<200x128xf32, #tpu.memory_space<vmem>>[vector<16xi32>, vector<16xi32>], vector<16xf32>,
          %ne3A = vector.broadcast %reduce_min3A_360 : i32 to vector<16xi32>
          %ne3A_401 = arith.cmpi ne, %iota3A, %ne3A : vector<16xi32>
          %convert_element_type3A_402 = arith.extui %ne3A_401 : vector<16xi1> to vector<16xi32>
          %and3A = arith.andi %while3A_349, %convert_element_type3A_402 : vector<16xi32>
          scf.yield %and3A : vector<16xi32>
        }
        %while3A_346 = arith.constant 1 : i32
        %while3A_347 = scf.for %while3A_348 = %while3A_343 to %while3A_339 step %while3A_346 iter_args(%while3A_349 = %while3A_345) -> (vector<16xi32>)  : i32 {
          %gt3A_350 = arith.constant 0 : i32
          %gt3A_351 = vector.broadcast %gt3A_350 : i32 to vector<16xi32>
          %gt3A_352 = arith.cmpi sgt, %while3A_349, %gt3A_351 : vector<16xi32>
          %jit3A = arith.constant 16 : i32
          %broadcast_in_dim3A_353 = vector.broadcast %jit3A : i32 to vector<16xi32>
          %select_n3A = arith.select %gt3A_352, %iota3A, %broadcast_in_dim3A_353 : vector<16xi1>, vector<16xi32>
          %reduce_min3A = arith.constant true
          %reduce_min3A_354 = vector.broadcast %reduce_min3A : i1 to vector<16xi1>
          %reduce_min3A_355 = arith.constant -2147483648 : i32
          %reduce_min3A_356 = vector.broadcast %reduce_min3A_355 : i32 to vector<16xi32>
          %reduce_min3A_357 = arith.xori %select_n3A, %reduce_min3A_356 : vector<16xi32>
          %reduce_min3A_358 = tpu.scan <min>, %reduce_min3A_357 masked %reduce_min3A_354 : vector<16xi32>, vector<16xi1> -> vector<16xi32>
          %reduce_min3A_359 = arith.xori %reduce_min3A_358, %reduce_min3A_356 : vector<16xi32>
          %reduce_min3A_360 = vector.extract %reduce_min3A_359[15] : i32 from vector<16xi32>
          %eq3A = vector.broadcast %reduce_min3A_360 : i32 to vector<16xi32>
          %eq3A_361 = arith.cmpi eq, %iota3A, %eq3A : vector<16xi32>
          %sub3A = arith.constant 999936 : i32
          %sub3A_362 = vector.broadcast %sub3A : i32 to vector<16xi32>
          %sub3A_363 = arith.subi %get3A_292, %sub3A_362 : vector<16xi32>
          %jit3A_364 = arith.constant -1 : i32
          %broadcast_in_dim3A_365 = vector.broadcast %jit3A_364 : i32 to vector<16xi32>
          %select_n3A_366 = arith.select %eq3A_361, %sub3A_363, %broadcast_in_dim3A_365 : vector<16xi1>, vector<16xi32>
          %reduce_max3A = arith.constant true
          %reduce_max3A_367 = vector.broadcast %reduce_max3A : i1 to vector<16xi1>
          %reduce_max3A_368 = arith.constant -2147483648 : i32
          %reduce_max3A_369 = vector.broadcast %reduce_max3A_368 : i32 to vector<16xi32>
          %reduce_max3A_370 = arith.xori %select_n3A_366, %reduce_max3A_369 : vector<16xi32>
          %reduce_max3A_371 = tpu.scan <max>, %reduce_max3A_370 masked %reduce_max3A_367 : vector<16xi32>, vector<16xi1> -> vector<16xi32>
          %reduce_max3A_372 = arith.xori %reduce_max3A_371, %reduce_max3A_369 : vector<16xi32>
          %reduce_max3A_373 = vector.extract %reduce_max3A_372[15] : i32 from vector<16xi32>
          %add3A_374 = arith.constant 160 : i32
          %add3A_375 = arith.addi %add3A_374, %reduce_min3A_360 : i32
          %broadcast_in_dim3A_376 = vector.broadcast %add3A_375 : i32 to vector<16xi32>
          %get3A_377 = arith.index_cast %reduce_max3A_373 : i32 to index
          %get3A_378 = arith.constant 0 : index
          %get3A_379 = tpu.vector_load %arg11[%get3A_377, %get3A_378] {strides = array<i32>} : memref<64x64xf32, #tpu.memory_space<vmem>>, vector<16xf32>,
          %add3A_380 = arith.constant 0 : i32
          %add3A_381 = vector.broadcast %add3A_380 : i32 to vector<16xi32>
          %add3A_382 = arith.addi %iota3A, %add3A_381 : vector<16xi32>
          tpu.vector_store_idx %arg10[%broadcast_in_dim3A_376, %add3A_382], %get3A_379 : memref<200x128xf32, #tpu.memory_space<vmem>>[vector<16xi32>, vector<16xi32>], vector<16xf32>,
          %get3A_383 = arith.index_cast %reduce_max3A_373 : i32 to index
          %get3A_384 = arith.constant 16 : index
          %get3A_385 = tpu.vector_load %arg11[%get3A_383, %get3A_384] {strides = array<i32>} : memref<64x64xf32, #tpu.memory_space<vmem>>, vector<16xf32>,
          %add3A_386 = arith.constant 16 : i32
          %add3A_387 = vector.broadcast %add3A_386 : i32 to vector<16xi32>
          %add3A_388 = arith.addi %iota3A, %add3A_387 : vector<16xi32>
          tpu.vector_store_idx %arg10[%broadcast_in_dim3A_376, %add3A_388], %get3A_385 : memref<200x128xf32, #tpu.memory_space<vmem>>[vector<16xi32>, vector<16xi32>], vector<16xf32>,
          %get3A_389 = arith.index_cast %reduce_max3A_373 : i32 to index
          %get3A_390 = arith.constant 32 : index
          %get3A_391 = tpu.vector_load %arg11[%get3A_389, %get3A_390] {strides = array<i32>} : memref<64x64xf32, #tpu.memory_space<vmem>>, vector<16xf32>,
          %add3A_392 = arith.constant 32 : i32
          %add3A_393 = vector.broadcast %add3A_392 : i32 to vector<16xi32>
          %add3A_394 = arith.addi %iota3A, %add3A_393 : vector<16xi32>
          tpu.vector_store_idx %arg10[%broadcast_in_dim3A_376, %add3A_394], %get3A_391 : memref<200x128xf32, #tpu.memory_space<vmem>>[vector<16xi32>, vector<16xi32>], vector<16xf32>,
          %get3A_395 = arith.index_cast %reduce_max3A_373 : i32 to index
          %get3A_396 = arith.constant 48 : index
          %get3A_397 = tpu.vector_load %arg11[%get3A_395, %get3A_396] {strides = array<i32>} : memref<64x64xf32, #tpu.memory_space<vmem>>, vector<16xf32>,
          %add3A_398 = arith.constant 48 : i32
          %add3A_399 = vector.broadcast %add3A_398 : i32 to vector<16xi32>
          %add3A_400 = arith.addi %iota3A, %add3A_399 : vector<16xi32>
          tpu.vector_store_idx %arg10[%broadcast_in_dim3A_376, %add3A_400], %get3A_397 : memref<200x128xf32, #tpu.memory_space<vmem>>[vector<16xi32>, vector<16xi32>], vector<16xf32>,
          %ne3A = vector.broadcast %reduce_min3A_360 : i32 to vector<16xi32>
          %ne3A_401 = arith.cmpi ne, %iota3A, %ne3A : vector<16xi32>
          %convert_element_type3A_402 = arith.extui %ne3A_401 : vector<16xi1> to vector<16xi32>
          %and3A = arith.andi %while3A_349, %convert_element_type3A_402 : vector<16xi32>
          scf.yield %and3A : vector<16xi32>
        }
      } else {
      }
      %get3A_306 = arith.constant 48 : index
      %get3A_307 = tpu.vector_load %arg9[%get3A_306] {strides = array<i32>} : memref<128xi32, #tpu.memory_space<vmem>>, vector<16xi32>,
      %ge3A_308 = arith.constant 999936 : i32
      %ge3A_309 = vector.broadcast %ge3A_308 : i32 to vector<16xi32>
      %ge3A_310 = arith.cmpi sge, %get3A_307, %ge3A_309 : vector<16xi32>
      %convert_element_type3A_311 = arith.extui %ge3A_310 : vector<16xi1> to vector<16xi32>
      %reduce_sum3A_312 = arith.constant true
      %reduce_sum3A_313 = vector.broadcast %reduce_sum3A_312 : i1 to vector<16xi1>
      %reduce_sum3A_314 = tpu.scan <sum>, %convert_element_type3A_311 masked %reduce_sum3A_313 : vector<16xi32>, vector<16xi1> -> vector<16xi32>
      %reduce_sum3A_315 = vector.extract %reduce_sum3A_314[15] : i32 from vector<16xi32>
      %gt3A_316 = arith.constant 0 : i32
      %gt3A_317 = arith.cmpi sgt, %reduce_sum3A_315, %gt3A_316 : i32
      %convert_element_type3A_318 = arith.extui %gt3A_317 : i1 to i32
      %cond3A_319 = arith.constant 0 : i32
      %cond3A_320 = arith.cmpi ne, %convert_element_type3A_318, %cond3A_319 : i32
      scf.if %cond3A_320 {
        %convert_element_type3A_337 = arith.extui %ge3A_310 : vector<16xi1> to vector<16xi32>
        %while3A = arith.constant 0 : i32
        %while3A_338 = arith.subi %reduce_sum3A_315, %while3A : i32
        %while3A_339 = arith.addi %while3A, %while3A_338 : i32
        %while3A_340 = arith.constant 1 : i32
        %while3A_341 = arith.divsi %while3A_338, %while3A_340 : i32
        %while3A_342 = arith.muli %while3A_341, %while3A_340 : i32
        %while3A_343 = arith.addi %while3A, %while3A_342 : i32
        %while3A_344 = arith.constant 1 : i32
        %while3A_345 = scf.for %while3A_348 = %while3A to %while3A_343 step %while3A_344 iter_args(%while3A_349 = %convert_element_type3A_337) -> (vector<16xi32>)  : i32 {
          %gt3A_350 = arith.constant 0 : i32
          %gt3A_351 = vector.broadcast %gt3A_350 : i32 to vector<16xi32>
          %gt3A_352 = arith.cmpi sgt, %while3A_349, %gt3A_351 : vector<16xi32>
          %jit3A = arith.constant 16 : i32
          %broadcast_in_dim3A_353 = vector.broadcast %jit3A : i32 to vector<16xi32>
          %select_n3A = arith.select %gt3A_352, %iota3A, %broadcast_in_dim3A_353 : vector<16xi1>, vector<16xi32>
          %reduce_min3A = arith.constant true
          %reduce_min3A_354 = vector.broadcast %reduce_min3A : i1 to vector<16xi1>
          %reduce_min3A_355 = arith.constant -2147483648 : i32
          %reduce_min3A_356 = vector.broadcast %reduce_min3A_355 : i32 to vector<16xi32>
          %reduce_min3A_357 = arith.xori %select_n3A, %reduce_min3A_356 : vector<16xi32>
          %reduce_min3A_358 = tpu.scan <min>, %reduce_min3A_357 masked %reduce_min3A_354 : vector<16xi32>, vector<16xi1> -> vector<16xi32>
          %reduce_min3A_359 = arith.xori %reduce_min3A_358, %reduce_min3A_356 : vector<16xi32>
          %reduce_min3A_360 = vector.extract %reduce_min3A_359[15] : i32 from vector<16xi32>
          %eq3A = vector.broadcast %reduce_min3A_360 : i32 to vector<16xi32>
          %eq3A_361 = arith.cmpi eq, %iota3A, %eq3A : vector<16xi32>
          %sub3A = arith.constant 999936 : i32
          %sub3A_362 = vector.broadcast %sub3A : i32 to vector<16xi32>
          %sub3A_363 = arith.subi %get3A_307, %sub3A_362 : vector<16xi32>
          %jit3A_364 = arith.constant -1 : i32
          %broadcast_in_dim3A_365 = vector.broadcast %jit3A_364 : i32 to vector<16xi32>
          %select_n3A_366 = arith.select %eq3A_361, %sub3A_363, %broadcast_in_dim3A_365 : vector<16xi1>, vector<16xi32>
          %reduce_max3A = arith.constant true
          %reduce_max3A_367 = vector.broadcast %reduce_max3A : i1 to vector<16xi1>
          %reduce_max3A_368 = arith.constant -2147483648 : i32
          %reduce_max3A_369 = vector.broadcast %reduce_max3A_368 : i32 to vector<16xi32>
          %reduce_max3A_370 = arith.xori %select_n3A_366, %reduce_max3A_369 : vector<16xi32>
          %reduce_max3A_371 = tpu.scan <max>, %reduce_max3A_370 masked %reduce_max3A_367 : vector<16xi32>, vector<16xi1> -> vector<16xi32>
          %reduce_max3A_372 = arith.xori %reduce_max3A_371, %reduce_max3A_369 : vector<16xi32>
          %reduce_max3A_373 = vector.extract %reduce_max3A_372[15] : i32 from vector<16xi32>
          %add3A_374 = arith.constant 176 : i32
          %add3A_375 = arith.addi %add3A_374, %reduce_min3A_360 : i32
          %broadcast_in_dim3A_376 = vector.broadcast %add3A_375 : i32 to vector<16xi32>
          %get3A_377 = arith.index_cast %reduce_max3A_373 : i32 to index
          %get3A_378 = arith.constant 0 : index
          %get3A_379 = tpu.vector_load %arg11[%get3A_377, %get3A_378] {strides = array<i32>} : memref<64x64xf32, #tpu.memory_space<vmem>>, vector<16xf32>,
          %add3A_380 = arith.constant 0 : i32
          %add3A_381 = vector.broadcast %add3A_380 : i32 to vector<16xi32>
          %add3A_382 = arith.addi %iota3A, %add3A_381 : vector<16xi32>
          tpu.vector_store_idx %arg10[%broadcast_in_dim3A_376, %add3A_382], %get3A_379 : memref<200x128xf32, #tpu.memory_space<vmem>>[vector<16xi32>, vector<16xi32>], vector<16xf32>,
          %get3A_383 = arith.index_cast %reduce_max3A_373 : i32 to index
          %get3A_384 = arith.constant 16 : index
          %get3A_385 = tpu.vector_load %arg11[%get3A_383, %get3A_384] {strides = array<i32>} : memref<64x64xf32, #tpu.memory_space<vmem>>, vector<16xf32>,
          %add3A_386 = arith.constant 16 : i32
          %add3A_387 = vector.broadcast %add3A_386 : i32 to vector<16xi32>
          %add3A_388 = arith.addi %iota3A, %add3A_387 : vector<16xi32>
          tpu.vector_store_idx %arg10[%broadcast_in_dim3A_376, %add3A_388], %get3A_385 : memref<200x128xf32, #tpu.memory_space<vmem>>[vector<16xi32>, vector<16xi32>], vector<16xf32>,
          %get3A_389 = arith.index_cast %reduce_max3A_373 : i32 to index
          %get3A_390 = arith.constant 32 : index
          %get3A_391 = tpu.vector_load %arg11[%get3A_389, %get3A_390] {strides = array<i32>} : memref<64x64xf32, #tpu.memory_space<vmem>>, vector<16xf32>,
          %add3A_392 = arith.constant 32 : i32
          %add3A_393 = vector.broadcast %add3A_392 : i32 to vector<16xi32>
          %add3A_394 = arith.addi %iota3A, %add3A_393 : vector<16xi32>
          tpu.vector_store_idx %arg10[%broadcast_in_dim3A_376, %add3A_394], %get3A_391 : memref<200x128xf32, #tpu.memory_space<vmem>>[vector<16xi32>, vector<16xi32>], vector<16xf32>,
          %get3A_395 = arith.index_cast %reduce_max3A_373 : i32 to index
          %get3A_396 = arith.constant 48 : index
          %get3A_397 = tpu.vector_load %arg11[%get3A_395, %get3A_396] {strides = array<i32>} : memref<64x64xf32, #tpu.memory_space<vmem>>, vector<16xf32>,
          %add3A_398 = arith.constant 48 : i32
          %add3A_399 = vector.broadcast %add3A_398 : i32 to vector<16xi32>
          %add3A_400 = arith.addi %iota3A, %add3A_399 : vector<16xi32>
          tpu.vector_store_idx %arg10[%broadcast_in_dim3A_376, %add3A_400], %get3A_397 : memref<200x128xf32, #tpu.memory_space<vmem>>[vector<16xi32>, vector<16xi32>], vector<16xf32>,
          %ne3A = vector.broadcast %reduce_min3A_360 : i32 to vector<16xi32>
          %ne3A_401 = arith.cmpi ne, %iota3A, %ne3A : vector<16xi32>
          %convert_element_type3A_402 = arith.extui %ne3A_401 : vector<16xi1> to vector<16xi32>
          %and3A = arith.andi %while3A_349, %convert_element_type3A_402 : vector<16xi32>
          scf.yield %and3A : vector<16xi32>
        }
        %while3A_346 = arith.constant 1 : i32
        %while3A_347 = scf.for %while3A_348 = %while3A_343 to %while3A_339 step %while3A_346 iter_args(%while3A_349 = %while3A_345) -> (vector<16xi32>)  : i32 {
          %gt3A_350 = arith.constant 0 : i32
          %gt3A_351 = vector.broadcast %gt3A_350 : i32 to vector<16xi32>
          %gt3A_352 = arith.cmpi sgt, %while3A_349, %gt3A_351 : vector<16xi32>
          %jit3A = arith.constant 16 : i32
          %broadcast_in_dim3A_353 = vector.broadcast %jit3A : i32 to vector<16xi32>
          %select_n3A = arith.select %gt3A_352, %iota3A, %broadcast_in_dim3A_353 : vector<16xi1>, vector<16xi32>
          %reduce_min3A = arith.constant true
          %reduce_min3A_354 = vector.broadcast %reduce_min3A : i1 to vector<16xi1>
          %reduce_min3A_355 = arith.constant -2147483648 : i32
          %reduce_min3A_356 = vector.broadcast %reduce_min3A_355 : i32 to vector<16xi32>
          %reduce_min3A_357 = arith.xori %select_n3A, %reduce_min3A_356 : vector<16xi32>
          %reduce_min3A_358 = tpu.scan <min>, %reduce_min3A_357 masked %reduce_min3A_354 : vector<16xi32>, vector<16xi1> -> vector<16xi32>
          %reduce_min3A_359 = arith.xori %reduce_min3A_358, %reduce_min3A_356 : vector<16xi32>
          %reduce_min3A_360 = vector.extract %reduce_min3A_359[15] : i32 from vector<16xi32>
          %eq3A = vector.broadcast %reduce_min3A_360 : i32 to vector<16xi32>
          %eq3A_361 = arith.cmpi eq, %iota3A, %eq3A : vector<16xi32>
          %sub3A = arith.constant 999936 : i32
          %sub3A_362 = vector.broadcast %sub3A : i32 to vector<16xi32>
          %sub3A_363 = arith.subi %get3A_307, %sub3A_362 : vector<16xi32>
          %jit3A_364 = arith.constant -1 : i32
          %broadcast_in_dim3A_365 = vector.broadcast %jit3A_364 : i32 to vector<16xi32>
          %select_n3A_366 = arith.select %eq3A_361, %sub3A_363, %broadcast_in_dim3A_365 : vector<16xi1>, vector<16xi32>
          %reduce_max3A = arith.constant true
          %reduce_max3A_367 = vector.broadcast %reduce_max3A : i1 to vector<16xi1>
          %reduce_max3A_368 = arith.constant -2147483648 : i32
          %reduce_max3A_369 = vector.broadcast %reduce_max3A_368 : i32 to vector<16xi32>
          %reduce_max3A_370 = arith.xori %select_n3A_366, %reduce_max3A_369 : vector<16xi32>
          %reduce_max3A_371 = tpu.scan <max>, %reduce_max3A_370 masked %reduce_max3A_367 : vector<16xi32>, vector<16xi1> -> vector<16xi32>
          %reduce_max3A_372 = arith.xori %reduce_max3A_371, %reduce_max3A_369 : vector<16xi32>
          %reduce_max3A_373 = vector.extract %reduce_max3A_372[15] : i32 from vector<16xi32>
          %add3A_374 = arith.constant 176 : i32
          %add3A_375 = arith.addi %add3A_374, %reduce_min3A_360 : i32
          %broadcast_in_dim3A_376 = vector.broadcast %add3A_375 : i32 to vector<16xi32>
          %get3A_377 = arith.index_cast %reduce_max3A_373 : i32 to index
          %get3A_378 = arith.constant 0 : index
          %get3A_379 = tpu.vector_load %arg11[%get3A_377, %get3A_378] {strides = array<i32>} : memref<64x64xf32, #tpu.memory_space<vmem>>, vector<16xf32>,
          %add3A_380 = arith.constant 0 : i32
          %add3A_381 = vector.broadcast %add3A_380 : i32 to vector<16xi32>
          %add3A_382 = arith.addi %iota3A, %add3A_381 : vector<16xi32>
          tpu.vector_store_idx %arg10[%broadcast_in_dim3A_376, %add3A_382], %get3A_379 : memref<200x128xf32, #tpu.memory_space<vmem>>[vector<16xi32>, vector<16xi32>], vector<16xf32>,
          %get3A_383 = arith.index_cast %reduce_max3A_373 : i32 to index
          %get3A_384 = arith.constant 16 : index
          %get3A_385 = tpu.vector_load %arg11[%get3A_383, %get3A_384] {strides = array<i32>} : memref<64x64xf32, #tpu.memory_space<vmem>>, vector<16xf32>,
          %add3A_386 = arith.constant 16 : i32
          %add3A_387 = vector.broadcast %add3A_386 : i32 to vector<16xi32>
          %add3A_388 = arith.addi %iota3A, %add3A_387 : vector<16xi32>
          tpu.vector_store_idx %arg10[%broadcast_in_dim3A_376, %add3A_388], %get3A_385 : memref<200x128xf32, #tpu.memory_space<vmem>>[vector<16xi32>, vector<16xi32>], vector<16xf32>,
          %get3A_389 = arith.index_cast %reduce_max3A_373 : i32 to index
          %get3A_390 = arith.constant 32 : index
          %get3A_391 = tpu.vector_load %arg11[%get3A_389, %get3A_390] {strides = array<i32>} : memref<64x64xf32, #tpu.memory_space<vmem>>, vector<16xf32>,
          %add3A_392 = arith.constant 32 : i32
          %add3A_393 = vector.broadcast %add3A_392 : i32 to vector<16xi32>
          %add3A_394 = arith.addi %iota3A, %add3A_393 : vector<16xi32>
          tpu.vector_store_idx %arg10[%broadcast_in_dim3A_376, %add3A_394], %get3A_391 : memref<200x128xf32, #tpu.memory_space<vmem>>[vector<16xi32>, vector<16xi32>], vector<16xf32>,
          %get3A_395 = arith.index_cast %reduce_max3A_373 : i32 to index
          %get3A_396 = arith.constant 48 : index
          %get3A_397 = tpu.vector_load %arg11[%get3A_395, %get3A_396] {strides = array<i32>} : memref<64x64xf32, #tpu.memory_space<vmem>>, vector<16xf32>,
          %add3A_398 = arith.constant 48 : i32
          %add3A_399 = vector.broadcast %add3A_398 : i32 to vector<16xi32>
          %add3A_400 = arith.addi %iota3A, %add3A_399 : vector<16xi32>
          tpu.vector_store_idx %arg10[%broadcast_in_dim3A_376, %add3A_400], %get3A_397 : memref<200x128xf32, #tpu.memory_space<vmem>>[vector<16xi32>, vector<16xi32>], vector<16xf32>,
          %ne3A = vector.broadcast %reduce_min3A_360 : i32 to vector<16xi32>
          %ne3A_401 = arith.cmpi ne, %iota3A, %ne3A : vector<16xi32>
          %convert_element_type3A_402 = arith.extui %ne3A_401 : vector<16xi1> to vector<16xi32>
          %and3A = arith.andi %while3A_349, %convert_element_type3A_402 : vector<16xi32>
          scf.yield %and3A : vector<16xi32>
        }
      } else {
      }
      %get3A_321 = arith.constant 56 : index
      %get3A_322 = tpu.vector_load %arg9[%get3A_321] {strides = array<i32>} : memref<128xi32, #tpu.memory_space<vmem>>, vector<16xi32>,
      %ge3A_323 = arith.constant 999936 : i32
      %ge3A_324 = vector.broadcast %ge3A_323 : i32 to vector<16xi32>
      %ge3A_325 = arith.cmpi sge, %get3A_322, %ge3A_324 : vector<16xi32>
      %convert_element_type3A_326 = arith.extui %ge3A_325 : vector<16xi1> to vector<16xi32>
      %reduce_sum3A_327 = arith.constant true
      %reduce_sum3A_328 = vector.broadcast %reduce_sum3A_327 : i1 to vector<16xi1>
      %reduce_sum3A_329 = tpu.scan <sum>, %convert_element_type3A_326 masked %reduce_sum3A_328 : vector<16xi32>, vector<16xi1> -> vector<16xi32>
      %reduce_sum3A_330 = vector.extract %reduce_sum3A_329[15] : i32 from vector<16xi32>
      %gt3A_331 = arith.constant 0 : i32
      %gt3A_332 = arith.cmpi sgt, %reduce_sum3A_330, %gt3A_331 : i32
      %convert_element_type3A_333 = arith.extui %gt3A_332 : i1 to i32
      %cond3A_334 = arith.constant 0 : i32
      %cond3A_335 = arith.cmpi ne, %convert_element_type3A_333, %cond3A_334 : i32
      scf.if %cond3A_335 {
        %convert_element_type3A_337 = arith.extui %ge3A_325 : vector<16xi1> to vector<16xi32>
        %while3A = arith.constant 0 : i32
        %while3A_338 = arith.subi %reduce_sum3A_330, %while3A : i32
        %while3A_339 = arith.addi %while3A, %while3A_338 : i32
        %while3A_340 = arith.constant 1 : i32
        %while3A_341 = arith.divsi %while3A_338, %while3A_340 : i32
        %while3A_342 = arith.muli %while3A_341, %while3A_340 : i32
        %while3A_343 = arith.addi %while3A, %while3A_342 : i32
        %while3A_344 = arith.constant 1 : i32
        %while3A_345 = scf.for %while3A_348 = %while3A to %while3A_343 step %while3A_344 iter_args(%while3A_349 = %convert_element_type3A_337) -> (vector<16xi32>)  : i32 {
          %gt3A_350 = arith.constant 0 : i32
          %gt3A_351 = vector.broadcast %gt3A_350 : i32 to vector<16xi32>
          %gt3A_352 = arith.cmpi sgt, %while3A_349, %gt3A_351 : vector<16xi32>
          %jit3A = arith.constant 16 : i32
          %broadcast_in_dim3A_353 = vector.broadcast %jit3A : i32 to vector<16xi32>
          %select_n3A = arith.select %gt3A_352, %iota3A, %broadcast_in_dim3A_353 : vector<16xi1>, vector<16xi32>
          %reduce_min3A = arith.constant true
          %reduce_min3A_354 = vector.broadcast %reduce_min3A : i1 to vector<16xi1>
          %reduce_min3A_355 = arith.constant -2147483648 : i32
          %reduce_min3A_356 = vector.broadcast %reduce_min3A_355 : i32 to vector<16xi32>
          %reduce_min3A_357 = arith.xori %select_n3A, %reduce_min3A_356 : vector<16xi32>
          %reduce_min3A_358 = tpu.scan <min>, %reduce_min3A_357 masked %reduce_min3A_354 : vector<16xi32>, vector<16xi1> -> vector<16xi32>
          %reduce_min3A_359 = arith.xori %reduce_min3A_358, %reduce_min3A_356 : vector<16xi32>
          %reduce_min3A_360 = vector.extract %reduce_min3A_359[15] : i32 from vector<16xi32>
          %eq3A = vector.broadcast %reduce_min3A_360 : i32 to vector<16xi32>
          %eq3A_361 = arith.cmpi eq, %iota3A, %eq3A : vector<16xi32>
          %sub3A = arith.constant 999936 : i32
          %sub3A_362 = vector.broadcast %sub3A : i32 to vector<16xi32>
          %sub3A_363 = arith.subi %get3A_322, %sub3A_362 : vector<16xi32>
          %jit3A_364 = arith.constant -1 : i32
          %broadcast_in_dim3A_365 = vector.broadcast %jit3A_364 : i32 to vector<16xi32>
          %select_n3A_366 = arith.select %eq3A_361, %sub3A_363, %broadcast_in_dim3A_365 : vector<16xi1>, vector<16xi32>
          %reduce_max3A = arith.constant true
          %reduce_max3A_367 = vector.broadcast %reduce_max3A : i1 to vector<16xi1>
          %reduce_max3A_368 = arith.constant -2147483648 : i32
          %reduce_max3A_369 = vector.broadcast %reduce_max3A_368 : i32 to vector<16xi32>
          %reduce_max3A_370 = arith.xori %select_n3A_366, %reduce_max3A_369 : vector<16xi32>
          %reduce_max3A_371 = tpu.scan <max>, %reduce_max3A_370 masked %reduce_max3A_367 : vector<16xi32>, vector<16xi1> -> vector<16xi32>
          %reduce_max3A_372 = arith.xori %reduce_max3A_371, %reduce_max3A_369 : vector<16xi32>
          %reduce_max3A_373 = vector.extract %reduce_max3A_372[15] : i32 from vector<16xi32>
          %add3A_374 = arith.constant 184 : i32
          %add3A_375 = arith.addi %add3A_374, %reduce_min3A_360 : i32
          %broadcast_in_dim3A_376 = vector.broadcast %add3A_375 : i32 to vector<16xi32>
          %get3A_377 = arith.index_cast %reduce_max3A_373 : i32 to index
          %get3A_378 = arith.constant 0 : index
          %get3A_379 = tpu.vector_load %arg11[%get3A_377, %get3A_378] {strides = array<i32>} : memref<64x64xf32, #tpu.memory_space<vmem>>, vector<16xf32>,
          %add3A_380 = arith.constant 0 : i32
          %add3A_381 = vector.broadcast %add3A_380 : i32 to vector<16xi32>
          %add3A_382 = arith.addi %iota3A, %add3A_381 : vector<16xi32>
          tpu.vector_store_idx %arg10[%broadcast_in_dim3A_376, %add3A_382], %get3A_379 : memref<200x128xf32, #tpu.memory_space<vmem>>[vector<16xi32>, vector<16xi32>], vector<16xf32>,
          %get3A_383 = arith.index_cast %reduce_max3A_373 : i32 to index
          %get3A_384 = arith.constant 16 : index
          %get3A_385 = tpu.vector_load %arg11[%get3A_383, %get3A_384] {strides = array<i32>} : memref<64x64xf32, #tpu.memory_space<vmem>>, vector<16xf32>,
          %add3A_386 = arith.constant 16 : i32
          %add3A_387 = vector.broadcast %add3A_386 : i32 to vector<16xi32>
          %add3A_388 = arith.addi %iota3A, %add3A_387 : vector<16xi32>
          tpu.vector_store_idx %arg10[%broadcast_in_dim3A_376, %add3A_388], %get3A_385 : memref<200x128xf32, #tpu.memory_space<vmem>>[vector<16xi32>, vector<16xi32>], vector<16xf32>,
          %get3A_389 = arith.index_cast %reduce_max3A_373 : i32 to index
          %get3A_390 = arith.constant 32 : index
          %get3A_391 = tpu.vector_load %arg11[%get3A_389, %get3A_390] {strides = array<i32>} : memref<64x64xf32, #tpu.memory_space<vmem>>, vector<16xf32>,
          %add3A_392 = arith.constant 32 : i32
          %add3A_393 = vector.broadcast %add3A_392 : i32 to vector<16xi32>
          %add3A_394 = arith.addi %iota3A, %add3A_393 : vector<16xi32>
          tpu.vector_store_idx %arg10[%broadcast_in_dim3A_376, %add3A_394], %get3A_391 : memref<200x128xf32, #tpu.memory_space<vmem>>[vector<16xi32>, vector<16xi32>], vector<16xf32>,
          %get3A_395 = arith.index_cast %reduce_max3A_373 : i32 to index
          %get3A_396 = arith.constant 48 : index
          %get3A_397 = tpu.vector_load %arg11[%get3A_395, %get3A_396] {strides = array<i32>} : memref<64x64xf32, #tpu.memory_space<vmem>>, vector<16xf32>,
          %add3A_398 = arith.constant 48 : i32
          %add3A_399 = vector.broadcast %add3A_398 : i32 to vector<16xi32>
          %add3A_400 = arith.addi %iota3A, %add3A_399 : vector<16xi32>
          tpu.vector_store_idx %arg10[%broadcast_in_dim3A_376, %add3A_400], %get3A_397 : memref<200x128xf32, #tpu.memory_space<vmem>>[vector<16xi32>, vector<16xi32>], vector<16xf32>,
          %ne3A = vector.broadcast %reduce_min3A_360 : i32 to vector<16xi32>
          %ne3A_401 = arith.cmpi ne, %iota3A, %ne3A : vector<16xi32>
          %convert_element_type3A_402 = arith.extui %ne3A_401 : vector<16xi1> to vector<16xi32>
          %and3A = arith.andi %while3A_349, %convert_element_type3A_402 : vector<16xi32>
          scf.yield %and3A : vector<16xi32>
        }
        %while3A_346 = arith.constant 1 : i32
        %while3A_347 = scf.for %while3A_348 = %while3A_343 to %while3A_339 step %while3A_346 iter_args(%while3A_349 = %while3A_345) -> (vector<16xi32>)  : i32 {
          %gt3A_350 = arith.constant 0 : i32
          %gt3A_351 = vector.broadcast %gt3A_350 : i32 to vector<16xi32>
          %gt3A_352 = arith.cmpi sgt, %while3A_349, %gt3A_351 : vector<16xi32>
          %jit3A = arith.constant 16 : i32
          %broadcast_in_dim3A_353 = vector.broadcast %jit3A : i32 to vector<16xi32>
          %select_n3A = arith.select %gt3A_352, %iota3A, %broadcast_in_dim3A_353 : vector<16xi1>, vector<16xi32>
          %reduce_min3A = arith.constant true
          %reduce_min3A_354 = vector.broadcast %reduce_min3A : i1 to vector<16xi1>
          %reduce_min3A_355 = arith.constant -2147483648 : i32
          %reduce_min3A_356 = vector.broadcast %reduce_min3A_355 : i32 to vector<16xi32>
          %reduce_min3A_357 = arith.xori %select_n3A, %reduce_min3A_356 : vector<16xi32>
          %reduce_min3A_358 = tpu.scan <min>, %reduce_min3A_357 masked %reduce_min3A_354 : vector<16xi32>, vector<16xi1> -> vector<16xi32>
          %reduce_min3A_359 = arith.xori %reduce_min3A_358, %reduce_min3A_356 : vector<16xi32>
          %reduce_min3A_360 = vector.extract %reduce_min3A_359[15] : i32 from vector<16xi32>
          %eq3A = vector.broadcast %reduce_min3A_360 : i32 to vector<16xi32>
          %eq3A_361 = arith.cmpi eq, %iota3A, %eq3A : vector<16xi32>
          %sub3A = arith.constant 999936 : i32
          %sub3A_362 = vector.broadcast %sub3A : i32 to vector<16xi32>
          %sub3A_363 = arith.subi %get3A_322, %sub3A_362 : vector<16xi32>
          %jit3A_364 = arith.constant -1 : i32
          %broadcast_in_dim3A_365 = vector.broadcast %jit3A_364 : i32 to vector<16xi32>
          %select_n3A_366 = arith.select %eq3A_361, %sub3A_363, %broadcast_in_dim3A_365 : vector<16xi1>, vector<16xi32>
          %reduce_max3A = arith.constant true
          %reduce_max3A_367 = vector.broadcast %reduce_max3A : i1 to vector<16xi1>
          %reduce_max3A_368 = arith.constant -2147483648 : i32
          %reduce_max3A_369 = vector.broadcast %reduce_max3A_368 : i32 to vector<16xi32>
          %reduce_max3A_370 = arith.xori %select_n3A_366, %reduce_max3A_369 : vector<16xi32>
          %reduce_max3A_371 = tpu.scan <max>, %reduce_max3A_370 masked %reduce_max3A_367 : vector<16xi32>, vector<16xi1> -> vector<16xi32>
          %reduce_max3A_372 = arith.xori %reduce_max3A_371, %reduce_max3A_369 : vector<16xi32>
          %reduce_max3A_373 = vector.extract %reduce_max3A_372[15] : i32 from vector<16xi32>
          %add3A_374 = arith.constant 184 : i32
          %add3A_375 = arith.addi %add3A_374, %reduce_min3A_360 : i32
          %broadcast_in_dim3A_376 = vector.broadcast %add3A_375 : i32 to vector<16xi32>
          %get3A_377 = arith.index_cast %reduce_max3A_373 : i32 to index
          %get3A_378 = arith.constant 0 : index
          %get3A_379 = tpu.vector_load %arg11[%get3A_377, %get3A_378] {strides = array<i32>} : memref<64x64xf32, #tpu.memory_space<vmem>>, vector<16xf32>,
          %add3A_380 = arith.constant 0 : i32
          %add3A_381 = vector.broadcast %add3A_380 : i32 to vector<16xi32>
          %add3A_382 = arith.addi %iota3A, %add3A_381 : vector<16xi32>
          tpu.vector_store_idx %arg10[%broadcast_in_dim3A_376, %add3A_382], %get3A_379 : memref<200x128xf32, #tpu.memory_space<vmem>>[vector<16xi32>, vector<16xi32>], vector<16xf32>,
          %get3A_383 = arith.index_cast %reduce_max3A_373 : i32 to index
          %get3A_384 = arith.constant 16 : index
          %get3A_385 = tpu.vector_load %arg11[%get3A_383, %get3A_384] {strides = array<i32>} : memref<64x64xf32, #tpu.memory_space<vmem>>, vector<16xf32>,
          %add3A_386 = arith.constant 16 : i32
          %add3A_387 = vector.broadcast %add3A_386 : i32 to vector<16xi32>
          %add3A_388 = arith.addi %iota3A, %add3A_387 : vector<16xi32>
          tpu.vector_store_idx %arg10[%broadcast_in_dim3A_376, %add3A_388], %get3A_385 : memref<200x128xf32, #tpu.memory_space<vmem>>[vector<16xi32>, vector<16xi32>], vector<16xf32>,
          %get3A_389 = arith.index_cast %reduce_max3A_373 : i32 to index
          %get3A_390 = arith.constant 32 : index
          %get3A_391 = tpu.vector_load %arg11[%get3A_389, %get3A_390] {strides = array<i32>} : memref<64x64xf32, #tpu.memory_space<vmem>>, vector<16xf32>,
          %add3A_392 = arith.constant 32 : i32
          %add3A_393 = vector.broadcast %add3A_392 : i32 to vector<16xi32>
          %add3A_394 = arith.addi %iota3A, %add3A_393 : vector<16xi32>
          tpu.vector_store_idx %arg10[%broadcast_in_dim3A_376, %add3A_394], %get3A_391 : memref<200x128xf32, #tpu.memory_space<vmem>>[vector<16xi32>, vector<16xi32>], vector<16xf32>,
          %get3A_395 = arith.index_cast %reduce_max3A_373 : i32 to index
          %get3A_396 = arith.constant 48 : index
          %get3A_397 = tpu.vector_load %arg11[%get3A_395, %get3A_396] {strides = array<i32>} : memref<64x64xf32, #tpu.memory_space<vmem>>, vector<16xf32>,
          %add3A_398 = arith.constant 48 : i32
          %add3A_399 = vector.broadcast %add3A_398 : i32 to vector<16xi32>
          %add3A_400 = arith.addi %iota3A, %add3A_399 : vector<16xi32>
          tpu.vector_store_idx %arg10[%broadcast_in_dim3A_376, %add3A_400], %get3A_397 : memref<200x128xf32, #tpu.memory_space<vmem>>[vector<16xi32>, vector<16xi32>], vector<16xf32>,
          %ne3A = vector.broadcast %reduce_min3A_360 : i32 to vector<16xi32>
          %ne3A_401 = arith.cmpi ne, %iota3A, %ne3A : vector<16xi32>
          %convert_element_type3A_402 = arith.extui %ne3A_401 : vector<16xi1> to vector<16xi32>
          %and3A = arith.andi %while3A_349, %convert_element_type3A_402 : vector<16xi32>
          scf.yield %and3A : vector<16xi32>
        }
      } else {
      }
      "tpu.region"() ({
        %run_scoped3A = tpu.sem_alloc : memref<!tpu.dma_semaphore, #tpu.memory_space<semaphore_mem>>
        %dma_start3A_337 = arith.constant 0 : i32
        %dma_start3A_338 = arith.constant 0 : i32
        %dma_start3A_339 = tpu.memref_slice %arg6[%add3A_132, %dma_start3A_337, %dma_start3A_338] : memref<4096x200x128xf32, #tpu.memory_space<hbm>> -> memref<1x200x128xf32, #tpu.memory_space<hbm>>
        %dma_start3A_340 = tpu.memref_squeeze %dma_start3A_339 : memref<1x200x128xf32, #tpu.memory_space<hbm>> -> memref<200x128xf32, #tpu.memory_space<hbm>>
        %dma_start3A_341 = arith.constant 0 : i32
        %dma_start3A_342 = arith.constant 0 : i32
        %dma_start3A_343 = tpu.memref_slice %arg6[%add3A_132, %dma_start3A_341, %dma_start3A_342] : memref<4096x200x128xf32, #tpu.memory_space<hbm>> -> memref<1x200x128xf32, #tpu.memory_space<hbm>>
        %dma_start3A_344 = tpu.memref_squeeze %dma_start3A_343 : memref<1x200x128xf32, #tpu.memory_space<hbm>> -> memref<200x128xf32, #tpu.memory_space<hbm>>
        tpu.enqueue_dma source(%arg10 : memref<200x128xf32, #tpu.memory_space<vmem>>) target(%dma_start3A_344 : memref<200x128xf32, #tpu.memory_space<hbm>>) target_semaphore(%run_scoped3A : memref<!tpu.dma_semaphore, #tpu.memory_space<semaphore_mem>>)
        %dma_wait3A_345 = arith.constant 0 : i32
        %dma_wait3A_346 = arith.constant 0 : i32
        %dma_wait3A_347 = tpu.memref_slice %arg6[%add3A_132, %dma_wait3A_345, %dma_wait3A_346] : memref<4096x200x128xf32, #tpu.memory_space<hbm>> -> memref<1x200x128xf32, #tpu.memory_space<hbm>>
        %dma_wait3A_348 = tpu.memref_squeeze %dma_wait3A_347 : memref<1x200x128xf32, #tpu.memory_space<hbm>> -> memref<200x128xf32, #tpu.memory_space<hbm>>
        %dma_wait3A_349 = arith.constant 0 : i32
        %dma_wait3A_350 = arith.constant 0 : i32
        %dma_wait3A_351 = tpu.memref_slice %arg6[%add3A_132, %dma_wait3A_349, %dma_wait3A_350] : memref<4096x200x128xf32, #tpu.memory_space<hbm>> -> memref<1x200x128xf32, #tpu.memory_space<hbm>>
        %dma_wait3A_352 = tpu.memref_squeeze %dma_wait3A_351 : memref<1x200x128xf32, #tpu.memory_space<hbm>> -> memref<200x128xf32, #tpu.memory_space<hbm>>
        tpu.wait_dma2 semaphore(%run_scoped3A : memref<!tpu.dma_semaphore, #tpu.memory_space<semaphore_mem>>) src(%arg10 : memref<200x128xf32, #tpu.memory_space<vmem>>) dst(%dma_wait3A_352 : memref<200x128xf32, #tpu.memory_space<hbm>>)
        tpu.yield
      }) : () -> ()
      %scan3A_336 = arith.constant 0 : i32
      scf.yield %scan3A_336 : i32
    }
    %scan3A_102 = arith.constant 128 : i32
    return
  }
}

</mosaic_0001>

<sc_bundles>
// kernel: _run.4.cloned.1.call-start
scs
__scs_entry_jumppad:
0x0: {  	(pc) =	sbr.rel $0x88, $3  }
0x1: {  	(tag) =	ssettag $0x0;
	lr =	simm.s32 $0x1  }
0x2: {  	[smem:$0x3F9D] =	sst lr;
	_ =	strace $0xD0000000  }
0x3: {  	_ = 	snop  }
0x4: {  	_ = 	snop  }
0x5: {  	_ = 	snop  }
0x6: {  	_ = 	snop  }
0x7: {  	_ = 	snop  }
__scs_overlays_trampoline_lowered:
0x8: {  	[smem:$0x3FAC] =	sst s0  }
0x9: {  	[smem:$0x3FAD] =	sst s1  }
0xa: {  	[smem:$0x3FAE] =	sst s2  }
0xb: {  	[smem:$0x3FAF] =	sst s3  }
0xc: {  	[smem:$0x3FB0] =	sst s4  }
0xd: {  	[smem:$0x3FB1] =	sst s5  }
0xe: {  	[smem:$0x3FB2] =	sst s6  }
0xf: {  	[smem:$0x3FB3] =	sst s7  }
0x10: {  	[smem:$0x3FB4] =	sst s8  }
0x11: {  	[smem:$0x3FB5] =	sst s9;
	s0 =	simm.s32 @!p0 $0x0  }
0x12: {  	s1 =	sld [smem:$0x3F9B];
	s0 =	simm.s32 @p0 $0x1  }
0x13: {  	[smem:$0x3FB6] =	sst s0;
	s0 =	simm.s32 @!p1 $0x0  }
0x14: {  	s2 =	sld [smem:$0x3F9A];
	s0 =	simm.s32 @p1 $0x1  }
0x15: {  	[smem:$0x3FB7] =	sst s0;
	s0 =	simm.s32 @!p2 $0x0  }
0x16: {  	s3 =	sld [smem:$0x3FDB];
	s0 =	simm.s32 @p2 $0x1  }
0x17: {  	s4 =	simm.s32 $0x1BF5;
	[smem:$0x3FB9] =	sst s0  }
0x18: {  	s0 =	sld [smem:$0x3F9C];
	_ =	swait.ge [sflag:s4], $0x0  }
0x19: {  	s7 =	sld [smem:$0x3F9D]  }
0x1a: {  	s8 =	sadd.s32 $0xFFFFE003, lr  }
0x1b: {  	s9 =	sadd.s32 $0xFFFFFEF7, lr;
	s5 =	simm.s32 $0xFFFFFFFF;
	p2 =	slt.u32 s8, $0xFFFFF086  }
0x1c: {  	p1 =	slt.u32 s9, $0xF7A;
	s5 =	simm.s32 @!p2 $0x0  }
0x1d: {  	s5 =	simm.s32 @p1 $0x1;
	p0 =	seq.s32 s7, s2  }
0x1e: {  	s7 =	smul.u32 @!p0 $0xF7A, s2;
	p2 =	seq.s32 @!p0 s5, $0x0  }
0x1f: {  	s9 =	smul.u32 $0xF7A, s1;
	s8 =	simm.s32 @!p0 $0x1BF5;
	p2 =	por !p2, p0  }
0x20: {  	[sflag:s8] =	ssyncset.s32 @!p0 $0xFFFFF086;
	s6 =	sadd.s32 @!p0 s3, s7;
	s7 =	simm.s32 @!p0 $0x108  }
0x21: {  	s3 =	sadd.s32 s3, s9;
	s6 =	sadd.s32 @!p0 $0x88, s6;
	s7 =	simm.s32 @p2 $0x1082  }
0x22: {  	[simem:s7], [sflag:s8] =	dma.local @!p0 [hbm:s6], $0xF7A  }
0x23: {  	s9 =	sor.u32 $0xD0000000, s2;
	s6 =	simm.s32 $0x108;
	_ =	swait.ge @!p0 [sflag:s8], $0x0  }
0x24: {  	s3 =	sadd.s32 $0x88, s3;
	s6 =	simm.s32 @!p1 $0x1082;
	[sflag:s4] =	ssyncset.s32 $0xFFFFF086  }
0x25: {  	[simem:s6], [sflag:s4] =	dma.local [hbm:s3], $0xF7A  }
0x26: {  	[smem:$0x3F9D] =	sst s1;
	(tag) =	ssettag s2;
	_ =	strace s9  }
0x27: {  	s1 =	sld [smem:$0x3FAD]  }
0x28: {  	s2 =	sld [smem:$0x3FAE]  }
0x29: {  	s4 =	sld [smem:$0x3FB0]  }
0x2a: {  	p0 =	seq.s32 s5, $0x0;
	s5 =	sld [smem:$0x3FB1]  }
0x2b: {  	s6 =	sld [smem:$0x3FB2]  }
0x2c: {  	s7 =	sld [smem:$0x3FB3]  }
0x2d: {  	s3 =	simm.s32 $0x108;
	s8 =	sld [smem:$0x3FB4]  }
0x2e: {  	s3 =	simm.s32 @!p0 $0x1082;
	s9 =	sld [smem:$0x3FB5]  }
0x2f: {  	lr =	sadd.s32 s0, s3;
	s0 =	sld [smem:$0x3FAC]  }
0x30: {  	s3 =	sld [smem:$0x3FAF]  }
0x31: {  	[smem:$0x3FB8] =	sst s10  }
0x32: {  	s10 =	sld [smem:$0x3FB6];
	_ =	sdelay $0x3  }
0x33: {  	p0 =	seq.s32 s10, $0x1;
	s10 =	sld [smem:$0x3FB8];
	_ =	sdelay $0x3  }
0x34: {  	[smem:$0x3FB8] =	sst s10  }
0x35: {  	s10 =	sld [smem:$0x3FB7];
	_ =	sdelay $0x3  }
0x36: {  	p1 =	seq.s32 s10, $0x1;
	s10 =	sld [smem:$0x3FB8];
	_ =	sdelay $0x3  }
0x37: {  	[smem:$0x3FB8] =	sst s10  }
0x38: {  	s10 =	sld [smem:$0x3FB9]  }
0x39: {  	_ = 	snop;
	(pc) =	sbr.ind lr, $3  }
0x3a: {  	_ = 	snop  }
0x3b: {  	_ = 	snop  }
0x3c: {  	p2 =	seq.s32 s10, $0x1;
	s10 =	sld [smem:$0x3FB8]  }
0x3d: {  	_ =	shalt  }
0x3e: {  	_ =	shalt  }
0x3f: {  	_ =	shalt  }
0x40: {  	_ =	shalt  }
0x41: {  	_ =	shalt  }
0x42: {  	_ =	shalt  }
0x43: {  	_ =	shalt  }
0x44: {  	_ =	shalt  }
0x45: {  	_ =	shalt  }
0x46: {  	_ =	shalt  }
0x47: {  	_ =	shalt  }
0x48: {  	_ =	shalt  }
0x49: {  	_ =	shalt  }
0x4a: {  	_ =	shalt  }
0x4b: {  	_ =	shalt  }
0x4c: {  	_ =	shalt  }
0x4d: {  	_ =	shalt  }
0x4e: {  	_ =	shalt  }
0x4f: {  	_ =	shalt  }
0x50: {  	_ =	shalt  }
0x51: {  	_ =	shalt  }
0x52: {  	_ =	shalt  }
0x53: {  	_ =	shalt  }
0x54: {  	_ =	shalt  }
0x55: {  	_ =	shalt  }
0x56: {  	_ =	shalt  }
0x57: {  	_ =	shalt  }
0x58: {  	_ =	shalt  }
0x59: {  	_ =	shalt  }
0x5a: {  	_ =	shalt  }
0x5b: {  	_ =	shalt  }
0x5c: {  	_ =	shalt  }
0x5d: {  	_ =	shalt  }
0x5e: {  	_ =	shalt  }
0x5f: {  	_ =	shalt  }
0x60: {  	_ =	shalt  }
0x61: {  	_ =	shalt  }
0x62: {  	_ =	shalt  }
0x63: {  	_ =	shalt  }
0x64: {  	_ =	shalt  }
0x65: {  	_ =	shalt  }
0x66: {  	_ =	shalt  }
0x67: {  	_ =	shalt  }
0x68: {  	_ =	shalt  }
0x69: {  	_ =	shalt  }
0x6a: {  	_ =	shalt  }
0x6b: {  	_ =	shalt  }
0x6c: {  	_ =	shalt  }
0x6d: {  	_ =	shalt  }
0x6e: {  	_ =	shalt  }
0x6f: {  	_ =	shalt  }
0x70: {  	_ =	shalt  }
0x71: {  	_ =	shalt  }
0x72: {  	_ =	shalt  }
0x73: {  	_ =	shalt  }
0x74: {  	_ =	shalt  }
0x75: {  	_ =	shalt  }
0x76: {  	_ =	shalt  }
0x77: {  	_ =	shalt  }
0x78: {  	_ =	shalt  }
0x79: {  	_ =	shalt  }
0x7a: {  	_ =	shalt  }
0x7b: {  	_ =	shalt  }
0x7c: {  	_ =	shalt  }
0x7d: {  	_ =	shalt  }
0x7e: {  	_ =	shalt  }
0x7f: {  	_ =	shalt  }
0x80: {  	_ =	shalt  }
0x81: {  	_ =	shalt  }
0x82: {  	_ =	shalt  }
0x83: {  	_ =	shalt  }
0x84: {  	_ =	shalt  }
0x85: {  	_ =	shalt  }
0x86: {  	_ =	shalt  }
0x87: {  	_ =	shalt  }
.Lfunc_end0:
.L_simem_size_0:
called_computation_lowered:
.L_overlay_start_0:
0x88: {  	s2 =	sld [smem:$0x3FD9]  }
0x89: {  	s3 =	sld [smem:$0x3FFE];
	_ =	sdelay $0x1  }
0x8a: {  	s1 =	srdreg.scid  }
0x8b: {  	s0 =	sand.u32 $0x1, s1  }
0x8c: {  	s17 =	sshll.u32 s0, $0xA;
	s2 =	sadd.s32 s3, s2  }
0x8d: {  	s2 =	sadd.s32 s2, s17  }
0x8e: {  	[smem:$0x3FC4] =	sst s2  }
0x8f: {  	_ = 	snop  }
0x90: {  	s2 =	sld [smem:$0x3FC8];
	(tm) =	ssettm $0x1  }
0x91: {  	s18 =	sld [smem:$0x3FFB];
	_ =	sdelay $0x3  }
0x92: {  	_ =	strace s18  }
0x93: {  	s3 =	sld [smem:$0x3FFC];
	_ =	sdelay $0x3  }
0x94: {  	_ =	strace s3  }
0x95: {  	s3 =	sld [smem:$0x3FFD];
	_ =	sdelay $0x3  }
0x96: {  	_ =	strace s3  }
0x97: {  	_ =	strace $0x8FFFFFFF  }
0x98: {  	s19 =	sld [smem:$0x3FDB];
	_ =	sdelay $0x1  }
0x99: {  	s4 =	simm.s32 $_scs_section_size  }
0x9a: {  	s5 =	simm.s32 $_size__tile_overlayer_lowered;
	s6 =	simm.s32 $_tile_overlayer_lowered  }
0x9b: {  	s22 =	simm.s32 $0x1BFF;
	s21 =	sshll.u32 s6, $0x1;
	s3 =	sadd.s32 s4, s19  }
0x9c: {  	s7 =	simm.s32 $0x0;
	s20 =	sshll.u32 s5, $0x1;
	s5 =	sadd.s32 s21, s3  }
0x9d: {  	[timem:s7], [sflag:s22] =	dma.local [hbm:s5], s20  }
0x9e: {  	_ =	swait.ge [sflag:s22], s20  }
0x9f: {  	s4 =	ssub.s32 $0x0, s20;
	[sflag:s22] =	ssyncset.done $0x0  }
0xa0: {  	[sflag:s22] =	ssyncadd.s32 s4;
	_ =	sdelay $0x1  }
0xa1: {  	s23 =	simm.s32 $0x1B8B  }
0xa2: {  	_ =	swait.ge [sflag:s23], $0x1  }
0xa3: {  	[sflag:s23] =	ssyncset.done $0x0  }
0xa4: {  	s25 =	simm.s32 $0x1B8E;
	s24 =	sld [smem:$0x3FFE];
	[sflag:s23] =	ssyncadd.s32 $0xFFFFFFFF  }
0xa5: {  	s26 =	simm.s32 $execute0_lowered;
	[smem:$0x3FD2] =	sst s25  }
0xa6: {  	s5 =	sshll.u32 s26, $0x1;
	_ =	strace $0x80000046;
	[dreg:$0x1] =	wrdreg $0xFFFFFFFF  }
0xa7: {  	s28 =	simm.s32 $_size_execute0_lowered;
	s3 =	sadd.s32 s3, s5;
	[dreg:$0x0] =	wrdreg $0x0  }
0xa8: {  	s5 =	sshll.u32 s28, $0x1;
	[dreg:$0x2] =	wrdreg s3  }
0xa9: {  	[dreg:$0x3] =	wrdreg s5  }
0xaa: {  	[dreg:$0x4] =	wrdreg $0xC0  }
0xab: {  	_ =	task [dreg:s7], $0x5FFFF  }
0xac: {  	[dreg:$0x1] =	wrdreg $0xFFFFFFFF  }
0xad: {  	[dreg:$0x0] =	wrdreg $0x60  }
0xae: {  	[dreg:$0x2] =	wrdreg s2  }
0xaf: {  	[dreg:$0x3] =	wrdreg s24  }
0xb0: {  	[dreg:$0x4] =	wrdreg $0x9  }
0xb1: {  	_ =	task.clear_ibuf [dreg:s7], $0x5FFFF;
	_ =	strace $0x90000046  }
0xb2: {  	s29 =	simm.s32 $0x9;
	_ =	strace $0x80000048  }
0xb3: {  	_ =	swait.ge [sflag:s29], $0x1  }
0xb4: {  	[sflag:s29] =	ssyncadd.s32 $0xFFFFFFFF  }
0xb5: {  	_ =	strace $0x90000048  }
0xb6: {  	_ =	sfence  }
0xb7: {  	s30 =	sld [smem:$0x0];
	_ =	sdelay $0x2  }
0xb8: {  	s31 =	sshll.u32 s1, $0xD;
	s1 =	sshrl.u32 s1, $0x2  }
0xb9: {  	s3 =	sand.u32 $0x4000, s31;
	s1 =	sadd.s32 s1, s30  }
0xba: {  	s0 =	sor.u32 s3, s0;
	s1 =	sshll.u32 s1, $0x11  }
0xbb: {  	s0 =	sor.u32 s1, s0  }
0xbc: {  	s0 =	sadd.s32 $0x8F2B, s0  }
0xbd: {  	[sflag:s0] =	ssyncadd.remote.s32 $0x1  }
0xbe: {  	_ =	sfence.sel $0xFFFF  }
0xbf: {  	[dreg:$0x0] =	wrdreg $0xFFFFFFFF;
	(pc) =	sbr.abs _section_cstart, $3  }
0xc0: {  	[dreg:$0x1] =	wrdreg $0xFFFFFFFF  }
0xc1: {  	_ =	task.clear_ibuf [dreg:s7], $0x2FFFF;
	_ =	strace $0x9FFFFFFF  }
0xc2: {  	(tm) =	ssettm $0x7FFFFFFF  }
0xc3: {  	_ =	shalt  }
tec
execute0_lowered:
.L_overlay_start_1:
0x0: {  	(tag) =	ssettag $0x1  }
0x1: {  	v0 =	vimm.s32 $0x1380  }
0x2: {  	vm14 =	vcmask $0x300;
	vm13 =	vcmask $0x704;
	vm12 =	vcmask $0xB08  }
0x3: {  	vm11 =	vcmask $0xF0C;
	vm10 =	vcmask $0x1310;
	vm9 =	vcmask $0x1714  }
0x4: {  	vm8 =	vcmask $0x1B18;
	vm7 =	vcmask $0x1F1C;
	vm6 =	vcmask $0x2320  }
0x5: {  	vm5 =	vcmask $0x2724;
	vm4 =	vcmask $0x2B28;
	vm3 =	vcmask $0x2F2C  }
0x6: {  	vm2 =	vcmask $0x3330;
	vm1 =	vcmask $0x3734;
	vm0 =	vcmask $0x3B38  }
0x7: {  	v1 =	vimm.s32 $0x3380;
	v2 =	vimm.s32 $0x5380;
	v3 =	vimm.s32 $0x7380  }
0x8: {  	v0 =	vsel vm14, $0x0, v0;
	v1 =	vsel vm14, $0x2000, v1;
	v2 =	vsel vm14, $0x4000, v2  }
0x9: {  	v3 =	vsel vm14, $0x6000, v3;
	v0 =	vsel vm13, $0x80, v0;
	v1 =	vsel vm13, $0x2080, v1  }
0xa: {  	v2 =	vsel vm13, $0x4080, v2;
	v3 =	vsel vm13, $0x6080, v3;
	v0 =	vsel vm12, $0x100, v0  }
0xb: {  	v1 =	vsel vm12, $0x2100, v1;
	v2 =	vsel vm12, $0x4100, v2;
	v3 =	vsel vm12, $0x6100, v3  }
0xc: {  	v0 =	vsel vm11, $0x180, v0;
	v1 =	vsel vm11, $0x2180, v1;
	v2 =	vsel vm11, $0x4180, v2  }
0xd: {  	v3 =	vsel vm11, $0x6180, v3;
	v0 =	vsel vm10, $0x200, v0;
	v1 =	vsel vm10, $0x2200, v1  }
0xe: {  	v2 =	vsel vm10, $0x4200, v2;
	v3 =	vsel vm10, $0x6200, v3;
	v0 =	vsel vm9, $0x280, v0  }
0xf: {  	v1 =	vsel vm9, $0x2280, v1;
	v2 =	vsel vm9, $0x4280, v2;
	v3 =	vsel vm9, $0x6280, v3  }
0x10: {  	v0 =	vsel vm8, $0x300, v0;
	v1 =	vsel vm8, $0x2300, v1;
	v2 =	vsel vm8, $0x4300, v2  }
0x11: {  	v3 =	vsel vm8, $0x6300, v3;
	v0 =	vsel vm7, $0x380, v0;
	v1 =	vsel vm7, $0x2380, v1  }
0x12: {  	s0 =	rddreg [dreg:$0x0];
	v2 =	vsel vm7, $0x4380, v2;
	v3 =	vsel vm7, $0x6380, v3;
	v0 =	vsel vm6, $0x1000, v0  }
0x13: {  	s7 =	rddreg [dreg:$0x1];
	v1 =	vsel vm6, $0x3000, v1;
	v2 =	vsel vm6, $0x5000, v2;
	v3 =	vsel vm6, $0x7000, v3  }
0x14: {  	s1 =	rddreg [dreg:$0x2];
	s4 =	srdreg.scid;
	s3 =	simm.s32 $0x0;
	v0 =	vsel vm5, $0x1080, v0;
	v1 =	vsel vm5, $0x3080, v1;
	v2 =	vsel vm5, $0x5080, v2  }
0x15: {  	s2 =	stileid.u32;
	s9 =	simm.s32 $0x1000;
	s10 =	simm.s32 $0x7A1400;
	v3 =	vsel vm5, $0x7080, v3;
	v0 =	vsel vm4, $0x1100, v0;
	v1 =	vsel vm4, $0x3100, v1  }
0x16: {  	s11 =	simm.s32 $0x1;
	s12 =	simm.s32 $0x8000;
	s4 =	sand.u32 $0x1, s4;
	v2 =	vsel vm4, $0x5100, v2;
	v3 =	vsel vm4, $0x7100, v3;
	v0 =	vsel vm3, $0x1180, v0  }
.Ltmp0:
0x17: {  	[smem:$0x7FF] =	sst s3;
	s6 =	sshll.u32 s2, $0x1;
	v1 =	vsel vm3, $0x3180, v1;
	v2 =	vsel vm3, $0x5180, v2;
	v3 =	vsel vm3, $0x7180, v3;
	(pc) =	sbr.rel .LBB2_1-.Ltmp0, $4  }
0x18: {  	s5 =	ssub.s32 $0x2, s4;
	_ =	strace $0x80000047;
	s13 =	sor.u32 s4, s6;
	v0 =	vsel vm2, $0x1200, v0;
	v1 =	vsel vm2, $0x3200, v1;
	v2 =	vsel vm2, $0x5200, v2  }
0x19: {  	s4 =	sadd.s32 $0x800, s7;
	s6 =	sadd.s32 $0xF4000, s0;
	s8 =	sshrl.u32 s5, $0x1;
	v3 =	vsel vm2, $0x7200, v3;
	v0 =	vsel vm1, $0x1280, v0;
	v1 =	vsel vm1, $0x3280, v1  }
0x1a: {  	s7 =	sadd.s32 $0xF40800, s7;
	p0 =	sne.s32 s13, $0x0;
	s8 =	ssub.s32 s5, s8;
	v2 =	vsel vm1, $0x5280, v2;
	v3 =	vsel vm1, $0x7280, v3;
	v0 =	vsel vm0, $0x1300, v0  }
0x1b: {  	s5 =	sshll.u32 s13, $0x9;
	s13 =	simm.s32 $0x0;
	s8 =	smax.u32 s8, $0x1;
	v1 =	vsel vm0, $0x3300, v1;
	v2 =	vsel vm0, $0x5300, v2;
	v3 =	vsel vm0, $0x7300, v3  }
.LBB2_9:
0x1c: {  	s13 =	sadd.s32 $0x1, s13  }
0x1d: {  	p1 =	sne.s32 s13, s8  }
.Ltmp1:
0x1e: {  	_ = 	snop;
	(pc) =	sbr.rel @!p1 .LBB2_10-.Ltmp1, $1  }
0x1f: {  	_ =	sdelay $0x3  }
.LBB2_1:
0x20: {  	s14 =	simm.s32 $0x0  }
.LBB2_2:
0x21: {  	s16 =	simm.s32 $0x0  }
0x22: {  	v4 =	vmov s16  }
0x23: {  	v5 =	vshll.u32 v4, $0x3  }
0x24: {  	s15 =	sshll.u32 s14, $0xE;
	v4 =	vand.u32 $0x7F, v4;
	v5 =	vand.u32 $0xC00, v5  }
0x25: {  	s15 =	sor.u32 s5, s15;
	v4 =	vor.u32 v4, v5  }
0x26: {  	s17 =	sadd.s32 s0, s15;
	v5 =	vor.u32 v0, v4  }
0x27: {  	[tilespmem:s16], [sflag:$0x1] =	stream.strided.gather [hbm4b:s17+s9], $0x8000, s10, s9, $0x38;
	[tilespmem:$0x18000] =	vst v63  }
0x28: {  	_ =	swait.ge [sflag:s11], $0x8000  }
0x29: {  	[sflag:s11] =	ssyncset.done $0x0  }
0x2a: {  	[sflag:s11] =	ssyncadd.s32 $0xFFFF8000  }
0x2b: {  	v5 =	vld.idx.msk [tilespmem:v5+s3+$0x0], $0xffff  }
0x2c: {  	v6 =	vor.u32 v1, v4;
	_ =	sdelay $0x2  }
0x2d: {  	s16 =	simm.s32 $0x8020  }
0x2e: {  	[tilespmem:s16+$0xFFFFFFE0] =	vst v5  }
0x2f: {  	v5 =	vld.idx.msk [tilespmem:v6+s3+$0x0], $0xffff  }
0x30: {  	v6 =	vor.u32 v2, v4;
	_ =	sdelay $0x3  }
0x31: {  	[tilespmem:s16+$0xFFFFFFF0] =	vst v5  }
0x32: {  	v5 =	vld.idx.msk [tilespmem:v6+s3+$0x0], $0xffff  }
0x33: {  	v4 =	vor.u32 v3, v4;
	_ =	sdelay $0x1  }
0x34: {  	s31 =	simm.s32 $0x1  }
0x35: {  	s17 =	simm.s32 $0x2;
	v6 =	vmov s31  }
.LBB2_3:
0x36: {  	p1 =	sne.s32 s17, $0x1FF;
	v7 =	vshll.u32 v6, $0x3;
	[tilespmem:s16+$0x0] =	vst v5  }
0x37: {  	v5 =	vand.u32 $0x7F, v6;
	v6 =	vand.u32 $0xC00, v7;
	v4 =	vld.idx.msk [tilespmem:v4+s3+$0x0], $0xffff  }
0x38: {  	v6 =	vor.u32 v5, v6  }
0x39: {  	v5 =	vor.u32 v0, v6;
	_ =	sdelay $0x3  }
0x3a: {  	[tilespmem:s16+$0x10] =	vst v4  }
0x3b: {  	v4 =	vld.idx.msk [tilespmem:v5+s3+$0x0], $0xffff;
	_ =	sdelay $0x1  }
0x3c: {  	v5 =	vor.u32 v1, v6;
	_ =	sdelay $0x2  }
0x3d: {  	s16 =	sadd.s32 $0x80, s16  }
0x3e: {  	[tilespmem:s16+$0xFFFFFFE0] =	vst v4  }
0x3f: {  	v4 =	vld.idx.msk [tilespmem:v5+s3+$0x0], $0xffff;
	_ =	sdelay $0x1  }
0x40: {  	v5 =	vor.u32 v2, v6;
	_ =	sdelay $0x3  }
0x41: {  	[tilespmem:s16+$0xFFFFFFF0] =	vst v4  }
0x42: {  	v5 =	vld.idx.msk [tilespmem:v5+s3+$0x0], $0xffff  }
.Ltmp2:
0x43: {  	(pc) =	sbr.rel @p1 .LBB2_3-.Ltmp2, $2  }
0x44: {  	v4 =	vor.u32 v3, v6;
	_ =	sdelay $0x2  }
0x45: {  	v6 =	vmov s17;
	s17 =	sadd.s32 $0x1, s17  }
0x46: {  	_ =	sdelay $0x1  }
0x47: {  	v7 =	vshll.u32 v6, $0x3  }
0x48: {  	[tilespmem:s16+$0x0] =	vst v5;
	v5 =	vand.u32 $0x7F, v6;
	v61 =	vand.u32 $0xC00, v7  }
0x49: {  	v4 =	vld.idx.msk [tilespmem:v4+s3+$0x0], $0xffff;
	v5 =	vor.u32 v5, v61  }
0x4a: {  	v6 =	vor.u32 v0, v5;
	_ =	sdelay $0x3  }
0x4b: {  	[tilespmem:s16+$0x10] =	vst v4  }
0x4c: {  	v4 =	vld.idx.msk [tilespmem:v6+s3+$0x0], $0xffff  }
0x4d: {  	v62 =	vor.u32 v1, v5;
	_ =	sdelay $0x2  }
0x4e: {  	s31 =	sadd.s32 $0x80, s16  }
0x4f: {  	[tilespmem:s31+$0xFFFFFFE0] =	vst v4  }
0x50: {  	v4 =	vld.idx.msk [tilespmem:v62+s3+$0x0], $0xffff  }
0x51: {  	v63 =	vor.u32 v2, v5;
	_ =	sdelay $0x3  }
0x52: {  	[tilespmem:s31+$0xFFFFFFF0] =	vst v4  }
0x53: {  	v4 =	vld.idx.msk [tilespmem:v63+s3+$0x0], $0xffff  }
0x54: {  	v5 =	vor.u32 v3, v5;
	_ =	sdelay $0x3  }
0x55: {  	[tilespmem:s31+$0x0] =	vst v4  }
0x56: {  	v4 =	vld.idx.msk [tilespmem:v5+s3+$0x0], $0xffff;
	_ =	sdelay $0x2  }
0x57: {  	s14 =	sadd.s32 $0x1, s14  }
0x58: {  	s15 =	sshll.u32 s15, $0x4;
	p1 =	sne.s32 s14, $0x3D  }
.Ltmp3:
0x59: {  	s15 =	sadd.s32 s4, s15;
	[tilespmem:s31+$0x10] =	vst v4;
	(pc) =	sbr.rel @p1 .LBB2_2-.Ltmp3, $4  }
0x5a: {  	[hbm4b:s15+s3] =	stream.linear.scatter [tilespmem:s12], [sflag:$0x1], $0x10000, $0x38;
	[tilespmem:$0x18000] =	vst v63  }
0x5b: {  	_ =	swait.ge [sflag:s11], $0x10000  }
0x5c: {  	[sflag:s11] =	ssyncset.done $0x0  }
0x5d: {  	[sflag:s11] =	ssyncadd.s32 $0xFFFF0000  }
.Ltmp4:
0x5e: {  	(pc) =	sbr.rel @p0 .LBB2_9-.Ltmp4, $1  }
0x5f: {  	_ =	sdelay $0x3  }
0x60: {  	s14 =	simm.s32 $0x0  }
0x61: {  	v4 =	vmov s14  }
0x62: {  	v5 =	vshll.u32 v4, $0x3  }
0x63: {  	v4 =	vand.u32 $0x7F, v4;
	v5 =	vand.u32 $0xC00, v5  }
0x64: {  	v4 =	vor.u32 v4, v5  }
0x65: {  	v5 =	vor.u32 v0, v4  }
0x66: {  	[tilespmem:s14], [sflag:$0x1] =	stream.strided.gather [hbm4b:s6+s9], $0x8000, s10, s9, $0x38;
	[tilespmem:$0x18000] =	vst v63  }
0x67: {  	_ =	swait.ge [sflag:s11], $0x8000  }
0x68: {  	[sflag:s11] =	ssyncset.done $0x0  }
0x69: {  	[sflag:s11] =	ssyncadd.s32 $0xFFFF8000  }
0x6a: {  	v5 =	vld.idx.msk [tilespmem:v5+s3+$0x0], $0xffff  }
0x6b: {  	v6 =	vor.u32 v1, v4;
	_ =	sdelay $0x2  }
0x6c: {  	s14 =	simm.s32 $0x8020  }
0x6d: {  	[tilespmem:s14+$0xFFFFFFE0] =	vst v5  }
0x6e: {  	v5 =	vld.idx.msk [tilespmem:v6+s3+$0x0], $0xffff  }
0x6f: {  	v6 =	vor.u32 v2, v4;
	_ =	sdelay $0x3  }
0x70: {  	[tilespmem:s14+$0xFFFFFFF0] =	vst v5  }
0x71: {  	v5 =	vld.idx.msk [tilespmem:v6+s3+$0x0], $0xffff  }
0x72: {  	v4 =	vor.u32 v3, v4;
	_ =	sdelay $0x1  }
0x73: {  	s15 =	simm.s32 $0x1  }
0x74: {  	v6 =	vmov s15;
	s15 =	simm.s32 $0x2  }
.LBB2_7:
0x75: {  	p1 =	sne.s32 s15, $0x1FF;
	v7 =	vshll.u32 v6, $0x3;
	[tilespmem:s14+$0x0] =	vst v5  }
0x76: {  	v5 =	vand.u32 $0x7F, v6;
	v6 =	vand.u32 $0xC00, v7;
	v4 =	vld.idx.msk [tilespmem:v4+s3+$0x0], $0xffff  }
0x77: {  	v6 =	vor.u32 v5, v6  }
0x78: {  	v5 =	vor.u32 v0, v6;
	_ =	sdelay $0x3  }
0x79: {  	[tilespmem:s14+$0x10] =	vst v4  }
0x7a: {  	v4 =	vld.idx.msk [tilespmem:v5+s3+$0x0], $0xffff;
	_ =	sdelay $0x1  }
0x7b: {  	v5 =	vor.u32 v1, v6;
	_ =	sdelay $0x2  }
0x7c: {  	s14 =	sadd.s32 $0x80, s14  }
0x7d: {  	[tilespmem:s14+$0xFFFFFFE0] =	vst v4  }
0x7e: {  	v4 =	vld.idx.msk [tilespmem:v5+s3+$0x0], $0xffff;
	_ =	sdelay $0x1  }
0x7f: {  	v5 =	vor.u32 v2, v6;
	_ =	sdelay $0x3  }
0x80: {  	[tilespmem:s14+$0xFFFFFFF0] =	vst v4  }
0x81: {  	v5 =	vld.idx.msk [tilespmem:v5+s3+$0x0], $0xffff  }
.Ltmp5:
0x82: {  	(pc) =	sbr.rel @p1 .LBB2_7-.Ltmp5, $2  }
0x83: {  	v4 =	vor.u32 v3, v6;
	_ =	sdelay $0x2  }
0x84: {  	v6 =	vmov s15;
	s15 =	sadd.s32 $0x1, s15  }
0x85: {  	_ =	sdelay $0x1  }
0x86: {  	v7 =	vshll.u32 v6, $0x3  }
0x87: {  	[tilespmem:s14+$0x0] =	vst v5;
	v5 =	vand.u32 $0x7F, v6;
	v61 =	vand.u32 $0xC00, v7  }
0x88: {  	v4 =	vld.idx.msk [tilespmem:v4+s3+$0x0], $0xffff;
	v5 =	vor.u32 v5, v61  }
0x89: {  	v6 =	vor.u32 v0, v5;
	_ =	sdelay $0x3  }
0x8a: {  	[tilespmem:s14+$0x10] =	vst v4  }
0x8b: {  	v4 =	vld.idx.msk [tilespmem:v6+s3+$0x0], $0xffff  }
0x8c: {  	v62 =	vor.u32 v1, v5;
	_ =	sdelay $0x2  }
0x8d: {  	s31 =	sadd.s32 $0x80, s14  }
0x8e: {  	[tilespmem:s31+$0xFFFFFFE0] =	vst v4  }
0x8f: {  	v4 =	vld.idx.msk [tilespmem:v62+s3+$0x0], $0xffff  }
0x90: {  	v63 =	vor.u32 v2, v5;
	_ =	sdelay $0x3  }
0x91: {  	[tilespmem:s31+$0xFFFFFFF0] =	vst v4  }
0x92: {  	v4 =	vld.idx.msk [tilespmem:v63+s3+$0x0], $0xffff  }
0x93: {  	v5 =	vor.u32 v3, v5;
	_ =	sdelay $0x3  }
0x94: {  	[tilespmem:s31+$0x0] =	vst v4  }
0x95: {  	v4 =	vld.idx.msk [tilespmem:v5+s3+$0x0], $0xffff;
	_ =	sdelay $0x4  }
.Ltmp6:
0x96: {  	[tilespmem:s31+$0x10] =	vst v4;
	(pc) =	sbr.rel .LBB2_9-.Ltmp6, $4  }
0x97: {  	[hbm4b:s7+s3] =	stream.linear.scatter [tilespmem:s12], [sflag:$0x1], $0x10000, $0x38;
	[tilespmem:$0x18000] =	vst v63  }
0x98: {  	_ =	swait.ge [sflag:s11], $0x10000  }
0x99: {  	[sflag:s11] =	ssyncset.done $0x0  }
0x9a: {  	[sflag:s11] =	ssyncadd.s32 $0xFFFF0000  }
.LBB2_10:
0x9b: {  	_ =	sfence.sel $0x180000  }
0x9c: {  	[bflag:$0x0] =	sbarrier.arrive $0xFFFF  }
0x9d: {  	p0 =	sne.s32 s2, $0x0;
	_ =	strace $0x90000047  }
0x9e: {  	s0 =	sadd.s32 @!p0 $0x100000, s1;
	[bflag:$0x2] =	sbarrier.arrive $0xFFFF  }
0x9f: {  	[sflag:s0] =	ssyncadd.tile.s32 @!p0 $0x1;
	_ =	shalt  }
.Lfunc_end2:
_tile_overlayer_lowered:
.L_overlay_start_2:
0xa0: {  	(tag) =	ssettag $0x2  }
0xa1: {  	s0 =	rddreg [dreg:$0x0];
	s2 =	stileid.u32  }
0xa2: {  	s1 =	rddreg [dreg:$0x1];
	p0 =	sne.s32 s2, $0x0  }
0xa3: {  	s3 =	rddreg [dreg:$0x2];
	[bflag:$0x3] =	sbarrier.arrive $0xFFFF;
	s2 =	simm.s32 @!p0 $0x1C01  }
0xa4: {  	[timem:s3], [sflag:s2] =	dma.local @!p0 [hbm:s0], s1  }
0xa5: {  	s0 =	simm.s32 @!p0 $0x1  }
0xa6: {  	_ =	swait.ge @!p0 [sflag:s0], s1  }
0xa7: {  	s1 =	ssub.s32 @!p0 $0x0, s1;
	[sflag:s0] =	ssyncset.done @!p0 $0x0  }
0xa8: {  	[sflag:s0] =	ssyncadd.s32 @!p0 s1  }
0xa9: {  	[bflag:$0x3] =	sbarrier.arrive $0xFFFF  }
0xaa: {  	_ =	shalt  }

// kernel: _run.7.cloned.1.call-start
scs
__scs_entry_jumppad:
0x0: {  	(pc) =	sbr.rel $0x88, $3  }
0x1: {  	(tag) =	ssettag $0x0;
	lr =	simm.s32 $0x1  }
0x2: {  	[smem:$0x3F9D] =	sst lr;
	_ =	strace $0xD0000000  }
0x3: {  	_ = 	snop  }
0x4: {  	_ = 	snop  }
0x5: {  	_ = 	snop  }
0x6: {  	_ = 	snop  }
0x7: {  	_ = 	snop  }
__scs_overlays_trampoline_lowered:
0x8: {  	[smem:$0x3FAC] =	sst s0  }
0x9: {  	[smem:$0x3FAD] =	sst s1  }
0xa: {  	[smem:$0x3FAE] =	sst s2  }
0xb: {  	[smem:$0x3FAF] =	sst s3  }
0xc: {  	[smem:$0x3FB0] =	sst s4  }
0xd: {  	[smem:$0x3FB1] =	sst s5  }
0xe: {  	[smem:$0x3FB2] =	sst s6  }
0xf: {  	[smem:$0x3FB3] =	sst s7  }
0x10: {  	[smem:$0x3FB4] =	sst s8  }
0x11: {  	[smem:$0x3FB5] =	sst s9;
	s0 =	simm.s32 @!p0 $0x0  }
0x12: {  	s1 =	sld [smem:$0x3F9B];
	s0 =	simm.s32 @p0 $0x1  }
0x13: {  	[smem:$0x3FB6] =	sst s0;
	s0 =	simm.s32 @!p1 $0x0  }
0x14: {  	s2 =	sld [smem:$0x3F9A];
	s0 =	simm.s32 @p1 $0x1  }
0x15: {  	[smem:$0x3FB7] =	sst s0;
	s0 =	simm.s32 @!p2 $0x0  }
0x16: {  	s3 =	sld [smem:$0x3FDB];
	s0 =	simm.s32 @p2 $0x1  }
0x17: {  	s4 =	simm.s32 $0x1BF5;
	[smem:$0x3FB9] =	sst s0  }
0x18: {  	s0 =	sld [smem:$0x3F9C];
	_ =	swait.ge [sflag:s4], $0x0  }
0x19: {  	s7 =	sld [smem:$0x3F9D]  }
0x1a: {  	s8 =	sadd.s32 $0xFFFFE003, lr  }
0x1b: {  	s9 =	sadd.s32 $0xFFFFFEF7, lr;
	s5 =	simm.s32 $0xFFFFFFFF;
	p2 =	slt.u32 s8, $0xFFFFF086  }
0x1c: {  	p1 =	slt.u32 s9, $0xF7A;
	s5 =	simm.s32 @!p2 $0x0  }
0x1d: {  	s5 =	simm.s32 @p1 $0x1;
	p0 =	seq.s32 s7, s2  }
0x1e: {  	s7 =	smul.u32 @!p0 $0xF7A, s2;
	p2 =	seq.s32 @!p0 s5, $0x0  }
0x1f: {  	s9 =	smul.u32 $0xF7A, s1;
	s8 =	simm.s32 @!p0 $0x1BF5;
	p2 =	por !p2, p0  }
0x20: {  	[sflag:s8] =	ssyncset.s32 @!p0 $0xFFFFF086;
	s6 =	sadd.s32 @!p0 s3, s7;
	s7 =	simm.s32 @!p0 $0x108  }
0x21: {  	s3 =	sadd.s32 s3, s9;
	s6 =	sadd.s32 @!p0 $0x88, s6;
	s7 =	simm.s32 @p2 $0x1082  }
0x22: {  	[simem:s7], [sflag:s8] =	dma.local @!p0 [hbm:s6], $0xF7A  }
0x23: {  	s9 =	sor.u32 $0xD0000000, s2;
	s6 =	simm.s32 $0x108;
	_ =	swait.ge @!p0 [sflag:s8], $0x0  }
0x24: {  	s3 =	sadd.s32 $0x88, s3;
	s6 =	simm.s32 @!p1 $0x1082;
	[sflag:s4] =	ssyncset.s32 $0xFFFFF086  }
0x25: {  	[simem:s6], [sflag:s4] =	dma.local [hbm:s3], $0xF7A  }
0x26: {  	[smem:$0x3F9D] =	sst s1;
	(tag) =	ssettag s2;
	_ =	strace s9  }
0x27: {  	s1 =	sld [smem:$0x3FAD]  }
0x28: {  	s2 =	sld [smem:$0x3FAE]  }
0x29: {  	s4 =	sld [smem:$0x3FB0]  }
0x2a: {  	p0 =	seq.s32 s5, $0x0;
	s5 =	sld [smem:$0x3FB1]  }
0x2b: {  	s6 =	sld [smem:$0x3FB2]  }
0x2c: {  	s7 =	sld [smem:$0x3FB3]  }
0x2d: {  	s3 =	simm.s32 $0x108;
	s8 =	sld [smem:$0x3FB4]  }
0x2e: {  	s3 =	simm.s32 @!p0 $0x1082;
	s9 =	sld [smem:$0x3FB5]  }
0x2f: {  	lr =	sadd.s32 s0, s3;
	s0 =	sld [smem:$0x3FAC]  }
0x30: {  	s3 =	sld [smem:$0x3FAF]  }
0x31: {  	[smem:$0x3FB8] =	sst s10  }
0x32: {  	s10 =	sld [smem:$0x3FB6];
	_ =	sdelay $0x3  }
0x33: {  	p0 =	seq.s32 s10, $0x1;
	s10 =	sld [smem:$0x3FB8];
	_ =	sdelay $0x3  }
0x34: {  	[smem:$0x3FB8] =	sst s10  }
0x35: {  	s10 =	sld [smem:$0x3FB7];
	_ =	sdelay $0x3  }
0x36: {  	p1 =	seq.s32 s10, $0x1;
	s10 =	sld [smem:$0x3FB8];
	_ =	sdelay $0x3  }
0x37: {  	[smem:$0x3FB8] =	sst s10  }
0x38: {  	s10 =	sld [smem:$0x3FB9]  }
0x39: {  	_ = 	snop;
	(pc) =	sbr.ind lr, $3  }
0x3a: {  	_ = 	snop  }
0x3b: {  	_ = 	snop  }
0x3c: {  	p2 =	seq.s32 s10, $0x1;
	s10 =	sld [smem:$0x3FB8]  }
0x3d: {  	_ =	shalt  }
0x3e: {  	_ =	shalt  }
0x3f: {  	_ =	shalt  }
0x40: {  	_ =	shalt  }
0x41: {  	_ =	shalt  }
0x42: {  	_ =	shalt  }
0x43: {  	_ =	shalt  }
0x44: {  	_ =	shalt  }
0x45: {  	_ =	shalt  }
0x46: {  	_ =	shalt  }
0x47: {  	_ =	shalt  }
0x48: {  	_ =	shalt  }
0x49: {  	_ =	shalt  }
0x4a: {  	_ =	shalt  }
0x4b: {  	_ =	shalt  }
0x4c: {  	_ =	shalt  }
0x4d: {  	_ =	shalt  }
0x4e: {  	_ =	shalt  }
0x4f: {  	_ =	shalt  }
0x50: {  	_ =	shalt  }
0x51: {  	_ =	shalt  }
0x52: {  	_ =	shalt  }
0x53: {  	_ =	shalt  }
0x54: {  	_ =	shalt  }
0x55: {  	_ =	shalt  }
0x56: {  	_ =	shalt  }
0x57: {  	_ =	shalt  }
0x58: {  	_ =	shalt  }
0x59: {  	_ =	shalt  }
0x5a: {  	_ =	shalt  }
0x5b: {  	_ =	shalt  }
0x5c: {  	_ =	shalt  }
0x5d: {  	_ =	shalt  }
0x5e: {  	_ =	shalt  }
0x5f: {  	_ =	shalt  }
0x60: {  	_ =	shalt  }
0x61: {  	_ =	shalt  }
0x62: {  	_ =	shalt  }
0x63: {  	_ =	shalt  }
0x64: {  	_ =	shalt  }
0x65: {  	_ =	shalt  }
0x66: {  	_ =	shalt  }
0x67: {  	_ =	shalt  }
0x68: {  	_ =	shalt  }
0x69: {  	_ =	shalt  }
0x6a: {  	_ =	shalt  }
0x6b: {  	_ =	shalt  }
0x6c: {  	_ =	shalt  }
0x6d: {  	_ =	shalt  }
0x6e: {  	_ =	shalt  }
0x6f: {  	_ =	shalt  }
0x70: {  	_ =	shalt  }
0x71: {  	_ =	shalt  }
0x72: {  	_ =	shalt  }
0x73: {  	_ =	shalt  }
0x74: {  	_ =	shalt  }
0x75: {  	_ =	shalt  }
0x76: {  	_ =	shalt  }
0x77: {  	_ =	shalt  }
0x78: {  	_ =	shalt  }
0x79: {  	_ =	shalt  }
0x7a: {  	_ =	shalt  }
0x7b: {  	_ =	shalt  }
0x7c: {  	_ =	shalt  }
0x7d: {  	_ =	shalt  }
0x7e: {  	_ =	shalt  }
0x7f: {  	_ =	shalt  }
0x80: {  	_ =	shalt  }
0x81: {  	_ =	shalt  }
0x82: {  	_ =	shalt  }
0x83: {  	_ =	shalt  }
0x84: {  	_ =	shalt  }
0x85: {  	_ =	shalt  }
0x86: {  	_ =	shalt  }
0x87: {  	_ =	shalt  }
.Lfunc_end0:
.L_simem_size_0:
called_computation.1_lowered:
.L_overlay_start_0:
0x88: {  	s2 =	sld [smem:$0x3FD9]  }
0x89: {  	s3 =	sld [smem:$0x3FFE];
	_ =	sdelay $0x1  }
0x8a: {  	s1 =	srdreg.scid  }
0x8b: {  	s0 =	sand.u32 $0x1, s1  }
0x8c: {  	s17 =	sshll.u32 s0, $0xA;
	s2 =	sadd.s32 s3, s2  }
0x8d: {  	s2 =	sadd.s32 s2, s17  }
0x8e: {  	[smem:$0x3FC4] =	sst s2  }
0x8f: {  	_ = 	snop  }
0x90: {  	s2 =	sld [smem:$0x3FC9]  }
0x91: {  	s18 =	sld [smem:$0x3FC7]  }
0x92: {  	s4 =	sld [smem:$0x3FC6]  }
0x93: {  	s5 =	sld [smem:$0x3FD0];
	(tm) =	ssettm $0x1  }
0x94: {  	s6 =	sld [smem:$0x3FFB];
	_ =	sdelay $0x3  }
0x95: {  	_ =	strace s6  }
0x96: {  	s6 =	sld [smem:$0x3FFC];
	_ =	sdelay $0x3  }
0x97: {  	_ =	strace s6  }
0x98: {  	s6 =	sld [smem:$0x3FFD];
	_ =	sdelay $0x3  }
0x99: {  	_ =	strace s6  }
0x9a: {  	_ =	strace $0x8FFFFFFF  }
0x9b: {  	s19 =	sld [smem:$0x3FDB];
	_ =	sdelay $0x1  }
0x9c: {  	s7 =	simm.s32 $_scs_section_size  }
0x9d: {  	s8 =	simm.s32 $_size__tile_overlayer_lowered;
	s9 =	simm.s32 $_tile_overlayer_lowered  }
0x9e: {  	s22 =	simm.s32 $0x1BFF;
	s21 =	sshll.u32 s9, $0x1;
	s6 =	sadd.s32 s7, s19  }
0x9f: {  	s10 =	simm.s32 $0x0;
	s20 =	sshll.u32 s8, $0x1;
	s8 =	sadd.s32 s21, s6  }
0xa0: {  	[timem:s10], [sflag:s22] =	dma.local [hbm:s8], s20  }
0xa1: {  	_ =	swait.ge [sflag:s22], s20  }
0xa2: {  	s7 =	ssub.s32 $0x0, s20;
	[sflag:s22] =	ssyncset.done $0x0  }
0xa3: {  	[sflag:s22] =	ssyncadd.s32 s7;
	_ =	sdelay $0x1  }
0xa4: {  	s23 =	simm.s32 $0x1B8B  }
0xa5: {  	_ =	swait.ge [sflag:s23], $0x1  }
0xa6: {  	[sflag:s23] =	ssyncset.done $0x0  }
0xa7: {  	s25 =	simm.s32 $0x1B8E;
	s24 =	sld [smem:$0x3FFE];
	[sflag:s23] =	ssyncadd.s32 $0xFFFFFFFF  }
0xa8: {  	s26 =	simm.s32 $execute0_lowered;
	[smem:$0x3FD2] =	sst s25  }
0xa9: {  	s8 =	sshll.u32 s26, $0x1;
	_ =	strace $0x80000049;
	[dreg:$0x1] =	wrdreg $0xFFFFFFFF  }
0xaa: {  	s28 =	simm.s32 $_size_execute0_lowered;
	s6 =	sadd.s32 s6, s8;
	[dreg:$0x0] =	wrdreg $0x0  }
0xab: {  	s8 =	sshll.u32 s28, $0x1;
	[dreg:$0x2] =	wrdreg s6  }
0xac: {  	[dreg:$0x3] =	wrdreg s8  }
0xad: {  	[dreg:$0x4] =	wrdreg $0xC0  }
0xae: {  	_ =	task [dreg:s10], $0x5FFFF  }
0xaf: {  	[dreg:$0x1] =	wrdreg $0xFFFFFFFF  }
0xb0: {  	[dreg:$0x0] =	wrdreg $0x60  }
0xb1: {  	[dreg:$0x2] =	wrdreg s2  }
0xb2: {  	[dreg:$0x3] =	wrdreg s24  }
0xb3: {  	[dreg:$0x4] =	wrdreg s18  }
0xb4: {  	[dreg:$0x5] =	wrdreg s4  }
0xb5: {  	[dreg:$0x6] =	wrdreg s5  }
0xb6: {  	[dreg:$0x7] =	wrdreg $0x9  }
0xb7: {  	_ =	task.clear_ibuf [dreg:s10], $0x8FFFF;
	_ =	strace $0x90000049  }
0xb8: {  	s29 =	simm.s32 $0x9;
	_ =	strace $0x8000004B  }
0xb9: {  	_ =	swait.ge [sflag:s29], $0x1  }
0xba: {  	[sflag:s29] =	ssyncadd.s32 $0xFFFFFFFF  }
0xbb: {  	_ =	strace $0x9000004B  }
0xbc: {  	_ =	sfence  }
0xbd: {  	s30 =	sld [smem:$0x0];
	_ =	sdelay $0x2  }
0xbe: {  	s31 =	sshll.u32 s1, $0xD;
	s1 =	sshrl.u32 s1, $0x2  }
0xbf: {  	s3 =	sand.u32 $0x4000, s31;
	s1 =	sadd.s32 s1, s30  }
0xc0: {  	s0 =	sor.u32 s3, s0;
	s1 =	sshll.u32 s1, $0x11  }
0xc1: {  	s0 =	sor.u32 s1, s0  }
0xc2: {  	s0 =	sadd.s32 $0x8F2B, s0  }
0xc3: {  	[sflag:s0] =	ssyncadd.remote.s32 $0x1  }
0xc4: {  	_ =	sfence.sel $0xFFFF  }
0xc5: {  	[dreg:$0x0] =	wrdreg $0xFFFFFFFF;
	(pc) =	sbr.abs _section_cstart, $3  }
0xc6: {  	[dreg:$0x1] =	wrdreg $0xFFFFFFFF  }
0xc7: {  	_ =	task.clear_ibuf [dreg:s10], $0x2FFFF;
	_ =	strace $0x9FFFFFFF  }
0xc8: {  	(tm) =	ssettm $0x7FFFFFFF  }
0xc9: {  	_ =	shalt  }
tec
execute0_lowered:
.L_overlay_start_1:
0x0: {  	(tag) =	ssettag $0x1  }
0x1: {  	s8 =	rddreg [dreg:$0x0]  }
0x2: {  	s7 =	rddreg [dreg:$0x1]  }
0x3: {  	s1 =	rddreg [dreg:$0x2]  }
0x4: {  	s2 =	rddreg [dreg:$0x3]  }
0x5: {  	s3 =	rddreg [dreg:$0x4]  }
0x6: {  	s0 =	rddreg [dreg:$0x5]  }
0x7: {  	s5 =	simm.s32 $0x0;
	s6 =	srdreg.scid;
	s4 =	stileid.u32  }
0x8: {  	v0 =	vlaneseq.u32;
	v2 =	vimm.s32 $0x6380;
	s12 =	simm.s32 $0xC900;
	s13 =	simm.s32 $0x400;
	s14 =	simm.s32 $0x8000  }
0x9: {  	vm0 =	vcmask $0x300;
	vm10 =	vcmask $0x704;
	vm11 =	vcmask $0xB08;
	s15 =	simm.s32 $0x80;
	s16 =	simm.s32 $0x6400;
	s17 =	simm.s32 $0x6500  }
0xa: {  	vm12 =	vcmask $0xF0C;
	vm13 =	vcmask $0x1310;
	s18 =	simm.s32 $0x48;
	s19 =	simm.s32 $0x6480;
	s20 =	simm.s32 $0xA500;
	v2 =	vsel vm0, $0x6000, v2  }
0xb: {  	vm14 =	vcmask $0x1714;
	vm15 =	vcmask $0x1B18;
	s21 =	simm.s32 $0x1;
	s22 =	simm.s32 $0x2;
	s23 =	simm.s32 $0x0;
	v3 =	vsel vm10, $0x6080, v2  }
.Ltmp0:
0xc: {  	v7 =	vimm.s32 $0x0;
	[smem:$0x7FF] =	sst s5;
	s6 =	sand.u32 $0x1, s6;
	v1 =	vmul.u32 $0x80, v0;
	v4 =	vsel vm11, $0x6100, v3;
	(pc) =	sbr.rel .LBB2_1-.Ltmp0, $4  }
0xd: {  	s10 =	sshll.u32 s4, $0x8;
	s7 =	sadd.s32 $0x800, s7;
	v8 =	vor.u32 $0x80000000, v0;
	v9 =	vor.u32 $0x10, v0;
	s9 =	ssub.s32 $0x2, s6;
	v5 =	vsel vm12, $0x6180, v4  }
0xe: {  	v10 =	vor.u32 $0x20, v0;
	v11 =	vor.u32 $0x30, v0;
	s6 =	sshll.u32 s6, $0x7;
	_ =	strace $0x8000004A;
	s11 =	sshrl.u32 s9, $0x1;
	v6 =	vsel vm13, $0x6200, v5  }
0xf: {  	s6 =	sor.u32 s6, s10;
	v2 =	vor.u32 $0x4000, v1;
	s10 =	simm.s32 $0xE900;
	v3 =	vor.u32 $0x4800, v1;
	s9 =	ssub.s32 s9, s11;
	v6 =	vsel vm14, $0x6280, v6  }
0x10: {  	s8 =	sadd.s32 s8, s6;
	s11 =	simm.s32 $0x3;
	v4 =	vor.u32 $0x5000, v1;
	s9 =	smax.u32 s9, $0x1;
	v5 =	vor.u32 $0x5800, v1;
	v6 =	vsel vm15, $0x6300, v6  }
.LBB2_135:
0x11: {  	s23 =	sadd.s32 $0x1, s23  }
0x12: {  	p0 =	sne.s32 s23, s9  }
.Ltmp1:
0x13: {  	_ = 	snop;
	(pc) =	sbr.rel @!p0 .LBB2_136-.Ltmp1, $1  }
0x14: {  	_ =	sdelay $0x3  }
.LBB2_1:
0x15: {  	[tilespmem:s10], [sflag:$0x3] =	stream.linear.gather [hbm4b:s2+s5], $0x180, $0x38;
	[tilespmem:$0xEB00] =	vst v63  }
0x16: {  	_ =	swait.ge [sflag:s11], $0x180  }
0x17: {  	[sflag:s11] =	ssyncset.done $0x0  }
0x18: {  	[sflag:s11] =	ssyncadd.s32 $0xFFFFFE80  }
0x19: {  	[tilespmem:s12], [sflag:$0x3] =	stream.linear.gather [hbm4b:s1+s5], $0x2000, $0x38;
	[tilespmem:$0xEB00] =	vst v63  }
0x1a: {  	_ =	swait.ge [sflag:s11], $0x2000  }
0x1b: {  	[sflag:s11] =	ssyncset.done $0x0  }
0x1c: {  	[sflag:s11] =	ssyncadd.s32 $0xFFFFE000  }
0x1d: {  	[tilespmem:s5], [sflag:$0x3] =	stream.strided.gather [hbm4b:s8+s13], $0x6400, s14, s13, $0x38;
	[tilespmem:$0xEB00] =	vst v63  }
0x1e: {  	_ =	swait.ge [sflag:s11], $0x6400  }
0x1f: {  	[sflag:s11] =	ssyncset.done $0x0  }
0x20: {  	[sflag:s11] =	ssyncadd.s32 $0xFFFF9C00  }
0x21: {  	v12 =	vld [tilespmem:$0xE900]  }
0x22: {  	v13 =	vld [tilespmem:$0xE910]  }
0x23: {  	v14 =	vld [tilespmem:$0xE920]  }
0x24: {  	v15 =	vld [tilespmem:$0xE930]  }
0x25: {  	v16 =	vld [tilespmem:$0xE980]  }
0x26: {  	v57 =	vld [tilespmem:$0xE990];
	[tilespmem:$0xE780] =	vst v12  }
0x27: {  	v58 =	vld [tilespmem:$0xE9A0];
	[tilespmem:$0xE790] =	vst v13  }
0x28: {  	v59 =	vld [tilespmem:$0xE9B0];
	[tilespmem:$0xE7A0] =	vst v14  }
0x29: {  	v60 =	vld [tilespmem:$0xEA00];
	[tilespmem:$0xE7B0] =	vst v15  }
0x2a: {  	v61 =	vld [tilespmem:$0xEA10];
	[tilespmem:$0xE800] =	vst v16  }
0x2b: {  	v62 =	vld [tilespmem:$0xEA20];
	[tilespmem:$0xE810] =	vst v57  }
0x2c: {  	v63 =	vld [tilespmem:$0xEA30];
	[tilespmem:$0xE820] =	vst v58  }
.Ltmp2:
0x2d: {  	[tilespmem:$0xE830] =	vst v59;
	(pc) =	sbr.rel .LBB2_2-.Ltmp2, $4  }
0x2e: {  	[tilespmem:$0xE880] =	vst v60  }
0x2f: {  	[tilespmem:$0xE890] =	vst v61  }
0x30: {  	[tilespmem:$0xE8A0] =	vst v62  }
0x31: {  	s24 =	simm.s32 $0x0;
	[tilespmem:$0xE8B0] =	vst v63  }
.LBB2_126:
0x32: {  	_ = 	snop  }
.LBB2_133:
0x33: {  	_ =	sdelay $0x6  }
0x34: {  	s25 =	spop @p0 (v2sf)  }
0x35: {  	s26 =	spop (v2sf)  }
0x36: {  	s29 =	sxor.u32 $0x80000000, s26  }
0x37: {  	v13 =	vmov s29  }
0x38: {  	s25 =	sshll.u32 @p0 s25, $0x9;
	vm0 =	veq.s32 v13, v0  }
0x39: {  	[tilespmem:v15+s17+$0x0] =	vst.idx.msk @p1 $0xffff, v14;
	s25 =	sshra.s32 @p0 s25, $0x2;
	v12 =	vnsel vm0, $0x7FFFFFFF, v12  }
0x3a: {  	v14 =	vor.u32 @p0 s28, v0;
	v13 =	vld @p0 [tilespmem:s25+$0xC900];
	(xrf0) =	vmax.scan.msk.u32 $0xffff, v12;
	_ =	sdelay $0x4  }
0x3b: {  	[tilespmem:v14+s17+$0x0] =	vst.idx.msk @p0 $0xffff, v13  }
0x3c: {  	v13 =	vor.u32 @p0 s28, v9;
	v12 =	vld @p0 [tilespmem:s25+$0xC910];
	v59, _, _ =	vpop (xrf0)  }
0x3d: {  	(v2sf) =	vpush v59, $0xF;
	_ =	sdelay $0x3  }
0x3e: {  	[tilespmem:v13+s17+$0x0] =	vst.idx.msk @p0 $0xffff, v12  }
0x3f: {  	v13 =	vor.u32 @p0 s28, v10;
	v12 =	vld @p0 [tilespmem:s25+$0xC920];
	_ =	sdelay $0x4  }
0x40: {  	[tilespmem:v13+s17+$0x0] =	vst.idx.msk @p0 $0xffff, v12  }
0x41: {  	v13 =	vor.u32 @p0 s28, v11;
	v12 =	vld @p0 [tilespmem:s25+$0xC930]  }
0x42: {  	v13 =	vpsel p0, v13, v0;
	_ =	sdelay $0x2  }
0x43: {  	s31 =	spop (v2sf)  }
0x44: {  	s26 =	sshll.u32 s26, $0x7;
	v12 =	vpsel p0, v12, v0;
	s25 =	sshll.u32 s31, $0x9  }
0x45: {  	s26 =	sadd.s32 $0x5C00, s26;
	[tilespmem:v13+s17+$0x0] =	vst.idx.msk @p0 $0xffff, v12;
	s25 =	sshra.s32 s25, $0x2  }
0x46: {  	v60 =	vor.u32 s26, v0;
	v12 =	vld [tilespmem:s25+$0xC900];
	_ =	sdelay $0x4  }
0x47: {  	[tilespmem:v60+s17+$0x0] =	vst.idx.msk $0xffff, v12  }
0x48: {  	v61 =	vor.u32 s26, v9;
	v12 =	vld [tilespmem:s25+$0xC910];
	_ =	sdelay $0x4  }
0x49: {  	[tilespmem:v61+s17+$0x0] =	vst.idx.msk $0xffff, v12  }
0x4a: {  	v62 =	vor.u32 s26, v10;
	v12 =	vld [tilespmem:s25+$0xC920];
	_ =	sdelay $0x4  }
0x4b: {  	[tilespmem:v62+s17+$0x0] =	vst.idx.msk $0xffff, v12  }
0x4c: {  	v63 =	vor.u32 s26, v11;
	v12 =	vld [tilespmem:s25+$0xC930];
	_ =	sdelay $0x4  }
0x4d: {  	[tilespmem:v63+s17+$0x0] =	vst.idx.msk $0xffff, v12  }
.LBB2_134:
0x4e: {  	s25 =	sadd.s32 s6, s24  }
0x4f: {  	s24 =	sadd.s32 $0x1, s24;
	s25 =	smul.u32 $0xC80, s25  }
0x50: {  	p0 =	sne.s32 s24, $0x80  }
.Ltmp3:
0x51: {  	s25 =	sadd.s32 s3, s25;
	(pc) =	sbr.rel @!p0 .LBB2_135-.Ltmp3, $4  }
0x52: {  	[hbm4b:s25+s5] =	stream.linear.scatter [tilespmem:s17], [sflag:$0x3], $0x6400, $0x38;
	[tilespmem:$0xEB00] =	vst v63  }
0x53: {  	_ =	swait.ge [sflag:s11], $0x6400  }
0x54: {  	[sflag:s11] =	ssyncset.done $0x0  }
0x55: {  	[sflag:s11] =	ssyncadd.s32 $0xFFFF9C00  }
.LBB2_2:
0x56: {  	s25 =	simm.s32 $0x0  }
0x57: {  	v12 =	vmov s25  }
0x58: {  	v13 =	vshll.u32 v12, $0x7  }
0x59: {  	v12 =	vmov s24;
	v13 =	vor.u32 v1, v13  }
0x5a: {  	v13 =	vadd.s32 v12, v13;
	_ =	sdelay $0x4  }
0x5b: {  	s31 =	simm.s32 $0x10;
	v13 =	vld.idx.msk [tilespmem:v13+s5+$0x0], $0xffff  }
0x5c: {  	v14 =	vmov s31  }
0x5d: {  	v14 =	vshll.u32 v14, $0x7  }
0x5e: {  	v14 =	vor.u32 v1, v14  }
0x5f: {  	v14 =	vadd.s32 v12, v14  }
0x60: {  	vm0 =	vgt.s32 v13, $0x0  }
0x61: {  	v13 =	vnsel vm0, $0x0, v13  }
0x62: {  	s25 =	simm.s32 $0x6400;
	v13 =	vmin.u32 v13, $0xF423F  }
0x63: {  	[tilespmem:s25+$0x0] =	vst v13  }
0x64: {  	s26 =	simm.s32 $0x20;
	v13 =	vld.idx.msk [tilespmem:v14+s5+$0x0], $0xffff  }
0x65: {  	v14 =	vmov s26;
	s26 =	simm.s32 $0x30  }
.LBB2_3:
0x66: {  	p0 =	sne.s32 s26, $0x70;
	v14 =	vshll.u32 v14, $0x7  }
0x67: {  	v14 =	vor.u32 v1, v14  }
0x68: {  	v14 =	vadd.s32 v12, v14  }
0x69: {  	vm0 =	vgt.s32 v13, $0x0  }
0x6a: {  	v13 =	vnsel vm0, $0x0, v13  }
.Ltmp4:
0x6b: {  	s25 =	sadd.s32 $0x10, s25;
	v13 =	vmin.u32 v13, $0xF423F;
	(pc) =	sbr.rel @p0 .LBB2_3-.Ltmp4, $3  }
0x6c: {  	[tilespmem:s25+$0x0] =	vst v13  }
0x6d: {  	v13 =	vld.idx.msk [tilespmem:v14+s5+$0x0], $0xffff;
	_ =	sdelay $0x1  }
0x6e: {  	v14 =	vmov s26;
	s26 =	sadd.s32 $0x10, s26  }
0x6f: {  	v14 =	vshll.u32 v14, $0x7  }
0x70: {  	v14 =	vor.u32 v1, v14  }
0x71: {  	v14 =	vadd.s32 v12, v14  }
0x72: {  	vm0 =	vgt.s32 v13, $0x0  }
0x73: {  	v13 =	vnsel vm0, $0x0, v13  }
0x74: {  	s25 =	sadd.s32 $0x10, s25;
	v13 =	vmin.u32 v13, $0xF423F  }
0x75: {  	[tilespmem:s25+$0x0] =	vst v13  }
0x76: {  	v13 =	vld.idx.msk [tilespmem:v14+s5+$0x0], $0xffff;
	_ =	sdelay $0x3  }
0x77: {  	v14 =	vadd.s32 v2, v12  }
0x78: {  	vm9 =	vgt.s32 v13, $0x0  }
0x79: {  	v13 =	vnsel vm9, $0x0, v13  }
0x7a: {  	s25 =	sadd.s32 $0x10, s25;
	v13 =	vmin.u32 v13, $0xF423F  }
0x7b: {  	[tilespmem:s25+$0x0] =	vst v13  }
0x7c: {  	v13 =	vld.idx.msk [tilespmem:v14+s5+$0x0], $0xffff;
	_ =	sdelay $0x3  }
0x7d: {  	v14 =	vadd.s32 v3, v12  }
0x7e: {  	vm10 =	vgt.s32 v13, $0x0  }
0x7f: {  	v13 =	vnsel vm10, $0x0, v13  }
0x80: {  	v13 =	vmin.u32 v13, $0xF423F  }
0x81: {  	[tilespmem:$0x6480] =	vst v13  }
0x82: {  	v13 =	vld.idx.msk [tilespmem:v14+s5+$0x0], $0xffff;
	_ =	sdelay $0x3  }
0x83: {  	v14 =	vadd.s32 v4, v12  }
0x84: {  	vm11 =	vgt.s32 v13, $0x0  }
0x85: {  	v13 =	vnsel vm11, $0x0, v13  }
0x86: {  	v13 =	vmin.u32 v13, $0xF423F  }
0x87: {  	[tilespmem:$0x6490] =	vst v13  }
0x88: {  	v13 =	vld.idx.msk [tilespmem:v14+s5+$0x0], $0xffff;
	_ =	sdelay $0x3  }
0x89: {  	v14 =	vadd.s32 v5, v12  }
0x8a: {  	vm12 =	vgt.s32 v13, $0x0  }
0x8b: {  	v13 =	vnsel vm12, $0x0, v13  }
0x8c: {  	v13 =	vmin.u32 v13, $0xF423F  }
0x8d: {  	[tilespmem:$0x64A0] =	vst v13  }
0x8e: {  	v13 =	vld.idx.msk [tilespmem:v14+s5+$0x0], $0xffff;
	_ =	sdelay $0x3  }
0x8f: {  	v12 =	vadd.s32 v6, v12  }
0x90: {  	vm13 =	vgt.s32 v13, $0x0  }
0x91: {  	v13 =	vnsel vm13, $0x0, v13  }
0x92: {  	v13 =	vmin.u32 v13, $0xF423F  }
0x93: {  	[tilespmem:$0x64B0] =	vst v13  }
0x94: {  	v12 =	vld.idx.msk [tilespmem:v12+s5+$0x0], $0xffff;
	_ =	sdelay $0x4  }
0x95: {  	vm14 =	vgt.s32 v12, $0x0  }
0x96: {  	v12 =	vnsel vm14, $0x0, v12  }
0x97: {  	v12 =	vmin.u32 v12, $0xF423F  }
0x98: {  	[tilespmem:$0x64C0] =	vst v12  }
0x99: {  	[tilespmem:s17], [sflag:$0x1] =	stream.indirect.gather [hbm4b:s7+s15], $0x80, s16, s15, $0xb8;
	[tilespmem:$0xEB00] =	vst v63  }
0x9a: {  	_ = 	snop  }
0x9b: {  	[tilespmem:s20], [sflag:$0x2] =	stream.indirect.gather [hbm4b:s7+s18], $0x80, s19, s18, $0xb8;
	[tilespmem:$0xEB00] =	vst v63  }
0x9c: {  	_ =	swait.ge [sflag:s21], $0x4000  }
0x9d: {  	[sflag:s21] =	ssyncset.done $0x0  }
0x9e: {  	[sflag:s21] =	ssyncadd.s32 $0xFFFFC000  }
0x9f: {  	v12 =	vld [tilespmem:$0x6400];
	_ =	sdelay $0x4  }
0xa0: {  	vm15 =	vgt.s32 v12, $0xF41FF  }
0xa1: {  	v13 =	vsel vm15, $0x1, v7  }
0xa2: {  	(xrf0) =	vadd.scan.msk.s32 $0xffff, v13;
	_ =	sdelay $0x5  }
0xa3: {  	v14, _, _ =	vpop (xrf0)  }
0xa4: {  	(v2sf) =	vpush v14, $0xF;
	_ =	sdelay $0xe  }
0xa5: {  	s25 =	spop (v2sf)  }
0xa6: {  	p0 =	slt.s32 s25, $0x1  }
.Ltmp5:
0xa7: {  	_ = 	snop;
	(pc) =	sbr.rel @p0 .LBB2_14-.Ltmp5, $1  }
0xa8: {  	_ =	sdelay $0x3  }
0xa9: {  	vm0 =	veq.s32 v13, $0x0  }
0xaa: {  	v14 =	vsel vm0, $0x80000010, v8  }
0xab: {  	(xrf0) =	vmin.scan.msk.u32 $0xffff, v14;
	_ =	sdelay $0x1  }
0xac: {  	p2 =	sne.s32 s25, $0x1  }
.Ltmp6:
0xad: {  	_ = 	snop;
	(pc) =	sbr.rel @!p2 .LBB2_6-.Ltmp6, $3  }
0xae: {  	_ =	sdelay $0x1  }
0xaf: {  	v14, _, _ =	vpop (xrf0)  }
0xb0: {  	v12 =	vadd.s32 $0x7FF0BE00, v12;
	s25 =	sadd.s32 $0xFFFFFFFF, s25;
	p0 =	por $0x0, $0x0;
	p1 =	por $0x0, $0x0;
	(v2sf) =	vpush v14, $0xF  }
0xb1: {  	_ =	sdelay $0xd  }
0xb2: {  	s26 =	spop (v2sf)  }
0xb3: {  	s26 =	sxor.u32 $0x80000000, s26  }
0xb4: {  	v14 =	vmov s26  }
0xb5: {  	vm0 =	veq.s32 v14, v0  }
0xb6: {  	v13 =	vsel vm0, $0x0, v13  }
0xb7: {  	v15 =	vnsel vm0, $0x7FFFFFFF, v12;
	vm15 =	veq.s32 v13, $0x0  }
0xb8: {  	(xrf0) =	vmax.scan.msk.u32 $0xffff, v15;
	v15 =	vsel vm15, $0x80000010, v8  }
0xb9: {  	(xrf0) =	vmin.scan.msk.u32 $0xffff, v15;
	_ =	sdelay $0x1  }
0xba: {  	p2 =	sne.s32 s25, $0x1  }
.Ltmp7:
0xbb: {  	_ = 	snop;
	(pc) =	sbr.rel @!p2 .LBB2_8-.Ltmp7, $4  }
0xbc: {  	_ = 	snop  }
0xbd: {  	v15, _, _ =	vpop (xrf0)  }
0xbe: {  	(v2sf) =	vpush v15, $0xF;
	v16, _, _ =	vpop (xrf0)  }
0xbf: {  	s25 =	sadd.s32 $0xFFFFFFFF, s25;
	p0 =	por $0x1, $0x1;
	v15 =	vshll.u32 v14, $0x7;
	(v2sf) =	vpush v16, $0xF  }
0xc0: {  	_ =	sdelay $0xc  }
0xc1: {  	s26 =	spop (v2sf)  }
0xc2: {  	s26 =	sshll.u32 s26, $0x9  }
0xc3: {  	s26 =	sshra.s32 s26, $0x2  }
0xc4: {  	v16 =	vor.u32 v0, v15;
	v14 =	vld [tilespmem:s26+$0xC900];
	_ =	sdelay $0x2  }
0xc5: {  	s28 =	spop (v2sf)  }
0xc6: {  	s28 =	sxor.u32 $0x80000000, s28  }
0xc7: {  	[tilespmem:v16+s17+$0x0] =	vst.idx.msk $0xffff, v14;
	v14 =	vmov s28  }
0xc8: {  	vm0 =	veq.s32 v14, v0  }
0xc9: {  	v13 =	vsel vm0, $0x0, v13;
	v18 =	vnsel vm0, $0x7FFFFFFF, v12  }
0xca: {  	vm15 =	veq.s32 v13, $0x0;
	(xrf0) =	vmax.scan.msk.u32 $0xffff, v18  }
0xcb: {  	v18 =	vsel vm15, $0x80000010, v8  }
0xcc: {  	v17 =	vor.u32 v9, v15;
	v16 =	vld [tilespmem:s26+$0xC910];
	(xrf0) =	vmin.scan.msk.u32 $0xffff, v18;
	_ =	sdelay $0x3  }
0xcd: {  	v18, _, _ =	vpop (xrf0)  }
0xce: {  	[tilespmem:v17+s17+$0x0] =	vst.idx.msk $0xffff, v16;
	(v2sf) =	vpush v18, $0xF  }
0xcf: {  	v17 =	vor.u32 v10, v15;
	v16 =	vld [tilespmem:s26+$0xC920];
	v18, _, _ =	vpop (xrf0)  }
0xd0: {  	p2 =	sne.s32 s25, $0x1;
	(v2sf) =	vpush v18, $0xF  }
.Ltmp8:
0xd1: {  	_ = 	snop;
	(pc) =	sbr.rel @!p2 .LBB2_10-.Ltmp8, $3  }
0xd2: {  	_ =	sdelay $0x1  }
0xd3: {  	[tilespmem:v17+s17+$0x0] =	vst.idx.msk $0xffff, v16  }
0xd4: {  	s25 =	sadd.s32 $0xFFFFFFFF, s25;
	p1 =	por $0x1, $0x1;
	v14 =	vshll.u32 v14, $0x7;
	v17 =	vor.u32 v11, v15;
	v16 =	vld [tilespmem:s26+$0xC930]  }
.LBB2_11:
0xd5: {  	_ =	sdelay $0x3  }
0xd6: {  	p2 =	sne.s32 s25, $0x1;
	s25 =	sadd.s32 $0xFFFFFFFF, s25;
	[tilespmem:v17+s17+$0x0] =	vst.idx.msk $0xffff, v16;
	_ =	sdelay $0x2  }
0xd7: {  	s26 =	spop (v2sf)  }
0xd8: {  	s26 =	sshll.u32 s26, $0x9  }
0xd9: {  	s28 =	spop (v2sf);
	s26 =	sshra.s32 s26, $0x2  }
0xda: {  	v16 =	vor.u32 v0, v14;
	s28 =	sxor.u32 $0x80000000, s28;
	v15 =	vld [tilespmem:s26+$0xC900]  }
0xdb: {  	v17 =	vmov s28  }
0xdc: {  	vm0 =	veq.s32 v17, v0;
	v18 =	vshll.u32 v17, $0x7  }
0xdd: {  	v17 =	vnsel vm0, $0x7FFFFFFF, v12;
	v13 =	vsel vm0, $0x0, v13  }
0xde: {  	vm0 =	veq.s32 v13, $0x0;
	(xrf0) =	vmax.scan.msk.u32 $0xffff, v17  }
0xdf: {  	v17 =	vsel vm0, $0x80000010, v8;
	[tilespmem:v16+s17+$0x0] =	vst.idx.msk $0xffff, v15  }
0xe0: {  	v16 =	vor.u32 v9, v14;
	(xrf0) =	vmin.scan.msk.u32 $0xffff, v17;
	v15 =	vld [tilespmem:s26+$0xC910];
	_ =	sdelay $0x3  }
0xe1: {  	v17, _, _ =	vpop (xrf0)  }
0xe2: {  	(v2sf) =	vpush v17, $0xF;
	[tilespmem:v16+s17+$0x0] =	vst.idx.msk $0xffff, v15  }
0xe3: {  	v17 =	vor.u32 v10, v14;
	v15, _, _ =	vpop (xrf0);
	v16 =	vld [tilespmem:s26+$0xC920]  }
0xe4: {  	(v2sf) =	vpush v15, $0xF  }
.Ltmp9:
0xe5: {  	(pc) =	sbr.rel @p2 .LBB2_11-.Ltmp9, $3  }
0xe6: {  	_ =	sdelay $0x1  }
0xe7: {  	[tilespmem:v17+s17+$0x0] =	vst.idx.msk $0xffff, v16  }
0xe8: {  	v17 =	vor.u32 v11, v14;
	v14 =	vmov v18;
	v16 =	vld [tilespmem:s26+$0xC930]  }
0xe9: {  	v15 =	vmov v14  }
.LBB2_13:
0xea: {  	_ =	sdelay $0x6  }
0xeb: {  	s25 =	spop @p0 (v2sf)  }
0xec: {  	s26 =	spop (v2sf)  }
0xed: {  	s26 =	sxor.u32 $0x80000000, s26  }
0xee: {  	v13 =	vmov s26  }
0xef: {  	s25 =	sshll.u32 @p0 s25, $0x9;
	vm0 =	veq.s32 v13, v0  }
0xf0: {  	[tilespmem:v17+s17+$0x0] =	vst.idx.msk @p1 $0xffff, v16;
	s25 =	sshra.s32 @p0 s25, $0x2;
	v12 =	vnsel vm0, $0x7FFFFFFF, v12  }
0xf1: {  	v16 =	vor.u32 @p0 v0, v15;
	v14 =	vld @p0 [tilespmem:s25+$0xC900];
	(xrf0) =	vmax.scan.msk.u32 $0xffff, v12;
	_ =	sdelay $0x4  }
0xf2: {  	[tilespmem:v16+s17+$0x0] =	vst.idx.msk @p0 $0xffff, v14  }
0xf3: {  	v14 =	vor.u32 @p0 v9, v15;
	v12 =	vld @p0 [tilespmem:s25+$0xC910];
	v60, _, _ =	vpop (xrf0)  }
0xf4: {  	(v2sf) =	vpush v60, $0xF;
	_ =	sdelay $0x3  }
0xf5: {  	[tilespmem:v14+s17+$0x0] =	vst.idx.msk @p0 $0xffff, v12  }
0xf6: {  	v14 =	vor.u32 @p0 v10, v15;
	v12 =	vld @p0 [tilespmem:s25+$0xC920];
	_ =	sdelay $0x4  }
0xf7: {  	[tilespmem:v14+s17+$0x0] =	vst.idx.msk @p0 $0xffff, v12  }
0xf8: {  	v14 =	vor.u32 @p0 v11, v15;
	v12 =	vld @p0 [tilespmem:s25+$0xC930]  }
0xf9: {  	v14 =	vpsel p0, v14, v0;
	_ =	sdelay $0x2  }
0xfa: {  	s31 =	spop (v2sf)  }
0xfb: {  	v12 =	vpsel p0, v12, v0;
	s25 =	sshll.u32 s31, $0x9  }
0xfc: {  	v13 =	vshll.u32 v13, $0x7;
	[tilespmem:v14+s17+$0x0] =	vst.idx.msk @p0 $0xffff, v12;
	s25 =	sshra.s32 s25, $0x2  }
0xfd: {  	v61 =	vor.u32 v0, v13;
	v12 =	vld [tilespmem:s25+$0xC900];
	_ =	sdelay $0x4  }
0xfe: {  	[tilespmem:v61+s17+$0x0] =	vst.idx.msk $0xffff, v12  }
0xff: {  	v62 =	vor.u32 v9, v13;
	v12 =	vld [tilespmem:s25+$0xC910];
	_ =	sdelay $0x4  }
0x100: {  	[tilespmem:v62+s17+$0x0] =	vst.idx.msk $0xffff, v12  }
0x101: {  	v63 =	vor.u32 v10, v13;
	v12 =	vld [tilespmem:s25+$0xC920];
	_ =	sdelay $0x4  }
0x102: {  	[tilespmem:v63+s17+$0x0] =	vst.idx.msk $0xffff, v12  }
0x103: {  	v13 =	vor.u32 v11, v13;
	v12 =	vld [tilespmem:s25+$0xC930];
	_ =	sdelay $0x4  }
0x104: {  	[tilespmem:v13+s17+$0x0] =	vst.idx.msk $0xffff, v12  }
.LBB2_14:
0x105: {  	v12 =	vld [tilespmem:$0x6410];
	_ =	sdelay $0x4  }
0x106: {  	vm0 =	vgt.s32 v12, $0xF41FF  }
0x107: {  	v13 =	vsel vm0, $0x1, v7  }
0x108: {  	(xrf0) =	vadd.scan.msk.s32 $0xffff, v13;
	_ =	sdelay $0x5  }
0x109: {  	v14, _, _ =	vpop (xrf0)  }
0x10a: {  	(v2sf) =	vpush v14, $0xF;
	_ =	sdelay $0xe  }
0x10b: {  	s25 =	spop (v2sf)  }
0x10c: {  	p0 =	slt.s32 s25, $0x1  }
.Ltmp10:
0x10d: {  	_ = 	snop;
	(pc) =	sbr.rel @p0 .LBB2_24-.Ltmp10, $1  }
0x10e: {  	_ =	sdelay $0x3  }
0x10f: {  	vm0 =	veq.s32 v13, $0x0  }
0x110: {  	v14 =	vsel vm0, $0x80000010, v8  }
0x111: {  	(xrf0) =	vmin.scan.msk.u32 $0xffff, v14;
	_ =	sdelay $0x1  }
0x112: {  	p2 =	sne.s32 s25, $0x1  }
.Ltmp11:
0x113: {  	_ = 	snop;
	(pc) =	sbr.rel @!p2 .LBB2_16-.Ltmp11, $3  }
0x114: {  	_ =	sdelay $0x1  }
0x115: {  	v14, _, _ =	vpop (xrf0)  }
0x116: {  	v12 =	vadd.s32 $0x7FF0BE00, v12;
	s25 =	sadd.s32 $0xFFFFFFFF, s25;
	p0 =	por $0x0, $0x0;
	p1 =	por $0x0, $0x0;
	(v2sf) =	vpush v14, $0xF  }
0x117: {  	_ =	sdelay $0xd  }
0x118: {  	s26 =	spop (v2sf)  }
0x119: {  	s28 =	sxor.u32 $0x80000000, s26  }
0x11a: {  	v14 =	vmov s28  }
0x11b: {  	vm0 =	veq.s32 v14, v0  }
0x11c: {  	v13 =	vsel vm0, $0x0, v13  }
0x11d: {  	v14 =	vnsel vm0, $0x7FFFFFFF, v12;
	vm15 =	veq.s32 v13, $0x0  }
0x11e: {  	(xrf0) =	vmax.scan.msk.u32 $0xffff, v14;
	v14 =	vsel vm15, $0x80000010, v8  }
0x11f: {  	(xrf0) =	vmin.scan.msk.u32 $0xffff, v14;
	_ =	sdelay $0x1  }
0x120: {  	p2 =	sne.s32 s25, $0x1  }
.Ltmp12:
0x121: {  	_ = 	snop;
	(pc) =	sbr.rel @!p2 .LBB2_18-.Ltmp12, $4  }
0x122: {  	_ = 	snop  }
0x123: {  	v14, _, _ =	vpop (xrf0)  }
0x124: {  	s26 =	sshll.u32 s26, $0x7;
	(v2sf) =	vpush v14, $0xF;
	v14, _, _ =	vpop (xrf0)  }
0x125: {  	s25 =	sadd.s32 $0xFFFFFFFF, s25;
	p0 =	por $0x1, $0x1;
	s28 =	sadd.s32 $0x800, s26;
	(v2sf) =	vpush v14, $0xF  }
0x126: {  	_ =	sdelay $0xc  }
0x127: {  	s26 =	spop (v2sf)  }
0x128: {  	s26 =	sshll.u32 s26, $0x9  }
0x129: {  	s29 =	sshra.s32 s26, $0x2  }
0x12a: {  	v15 =	vor.u32 s28, v0;
	v14 =	vld [tilespmem:s29+$0xC900];
	_ =	sdelay $0x2  }
0x12b: {  	s31 =	spop (v2sf)  }
0x12c: {  	s30 =	sxor.u32 $0x80000000, s31  }
0x12d: {  	[tilespmem:v15+s17+$0x0] =	vst.idx.msk $0xffff, v14;
	v14 =	vmov s30  }
0x12e: {  	vm0 =	veq.s32 v14, v0  }
0x12f: {  	v13 =	vsel vm0, $0x0, v13;
	v14 =	vnsel vm0, $0x7FFFFFFF, v12  }
0x130: {  	vm15 =	veq.s32 v13, $0x0;
	(xrf0) =	vmax.scan.msk.u32 $0xffff, v14  }
0x131: {  	v16 =	vor.u32 s28, v9;
	v15 =	vld [tilespmem:s29+$0xC910];
	v14 =	vsel vm15, $0x80000010, v8  }
0x132: {  	(xrf0) =	vmin.scan.msk.u32 $0xffff, v14;
	_ =	sdelay $0x3  }
0x133: {  	[tilespmem:v16+s17+$0x0] =	vst.idx.msk $0xffff, v15;
	v16, _, _ =	vpop (xrf0)  }
0x134: {  	(v2sf) =	vpush v16, $0xF  }
0x135: {  	v15 =	vor.u32 s28, v10;
	v14 =	vld [tilespmem:s29+$0xC920];
	v16, _, _ =	vpop (xrf0)  }
0x136: {  	p2 =	sne.s32 s25, $0x1;
	(v2sf) =	vpush v16, $0xF  }
.Ltmp13:
0x137: {  	_ = 	snop;
	(pc) =	sbr.rel @!p2 .LBB2_20-.Ltmp13, $3  }
0x138: {  	_ =	sdelay $0x1  }
0x139: {  	s31 =	sshll.u32 s31, $0x7;
	[tilespmem:v15+s17+$0x0] =	vst.idx.msk $0xffff, v14  }
0x13a: {  	p1 =	por $0x1, $0x1;
	s26 =	sadd.s32 $0xFFFFFFFF, s25;
	s25 =	sadd.s32 $0x800, s31;
	v15 =	vor.u32 s28, v11;
	v14 =	vld [tilespmem:s29+$0xC930]  }
.LBB2_21:
0x13b: {  	_ =	sdelay $0x3  }
0x13c: {  	p2 =	sne.s32 s26, $0x1;
	s26 =	sadd.s32 $0xFFFFFFFF, s26;
	[tilespmem:v15+s17+$0x0] =	vst.idx.msk $0xffff, v14;
	_ =	sdelay $0x2  }
0x13d: {  	s28 =	spop (v2sf)  }
0x13e: {  	s28 =	sshll.u32 s28, $0x9  }
0x13f: {  	s29 =	spop (v2sf);
	s28 =	sshra.s32 s28, $0x2  }
0x140: {  	v15 =	vor.u32 s25, v0;
	s30 =	sxor.u32 $0x80000000, s29;
	s29 =	sshll.u32 s29, $0x7;
	v14 =	vld [tilespmem:s28+$0xC900]  }
0x141: {  	v16 =	vmov s30;
	s29 =	sadd.s32 $0x800, s29  }
0x142: {  	vm0 =	veq.s32 v16, v0  }
0x143: {  	v16 =	vnsel vm0, $0x7FFFFFFF, v12;
	v13 =	vsel vm0, $0x0, v13  }
0x144: {  	vm0 =	veq.s32 v13, $0x0;
	(xrf0) =	vmax.scan.msk.u32 $0xffff, v16  }
0x145: {  	v16 =	vsel vm0, $0x80000010, v8;
	[tilespmem:v15+s17+$0x0] =	vst.idx.msk $0xffff, v14  }
0x146: {  	v15 =	vor.u32 s25, v9;
	(xrf0) =	vmin.scan.msk.u32 $0xffff, v16;
	v14 =	vld [tilespmem:s28+$0xC910];
	_ =	sdelay $0x3  }
0x147: {  	v16, _, _ =	vpop (xrf0)  }
0x148: {  	(v2sf) =	vpush v16, $0xF;
	[tilespmem:v15+s17+$0x0] =	vst.idx.msk $0xffff, v14  }
0x149: {  	v16 =	vor.u32 s25, v10;
	v14, _, _ =	vpop (xrf0);
	v15 =	vld [tilespmem:s28+$0xC920]  }
0x14a: {  	(v2sf) =	vpush v14, $0xF  }
.Ltmp14:
0x14b: {  	(pc) =	sbr.rel @p2 .LBB2_21-.Ltmp14, $3  }
0x14c: {  	_ =	sdelay $0x1  }
0x14d: {  	[tilespmem:v16+s17+$0x0] =	vst.idx.msk $0xffff, v15  }
0x14e: {  	v15 =	vor.u32 s25, v11;
	s25 =	smov.u32 s29;
	v14 =	vld [tilespmem:s28+$0xC930]  }
0x14f: {  	s28 =	smov.u32 s25  }
.LBB2_23:
0x150: {  	_ =	sdelay $0x6  }
0x151: {  	s25 =	spop @p0 (v2sf)  }
0x152: {  	s26 =	spop (v2sf)  }
0x153: {  	s29 =	sxor.u32 $0x80000000, s26  }
0x154: {  	v13 =	vmov s29  }
0x155: {  	s25 =	sshll.u32 @p0 s25, $0x9;
	vm0 =	veq.s32 v13, v0  }
0x156: {  	[tilespmem:v15+s17+$0x0] =	vst.idx.msk @p1 $0xffff, v14;
	s25 =	sshra.s32 @p0 s25, $0x2;
	v12 =	vnsel vm0, $0x7FFFFFFF, v12  }
0x157: {  	v14 =	vor.u32 @p0 s28, v0;
	v13 =	vld @p0 [tilespmem:s25+$0xC900];
	(xrf0) =	vmax.scan.msk.u32 $0xffff, v12;
	_ =	sdelay $0x4  }
0x158: {  	[tilespmem:v14+s17+$0x0] =	vst.idx.msk @p0 $0xffff, v13  }
0x159: {  	v13 =	vor.u32 @p0 s28, v9;
	v12 =	vld @p0 [tilespmem:s25+$0xC910];
	v59, _, _ =	vpop (xrf0)  }
0x15a: {  	(v2sf) =	vpush v59, $0xF;
	_ =	sdelay $0x3  }
0x15b: {  	[tilespmem:v13+s17+$0x0] =	vst.idx.msk @p0 $0xffff, v12  }
0x15c: {  	v13 =	vor.u32 @p0 s28, v10;
	v12 =	vld @p0 [tilespmem:s25+$0xC920];
	_ =	sdelay $0x4  }
0x15d: {  	[tilespmem:v13+s17+$0x0] =	vst.idx.msk @p0 $0xffff, v12  }
0x15e: {  	v13 =	vor.u32 @p0 s28, v11;
	v12 =	vld @p0 [tilespmem:s25+$0xC930]  }
0x15f: {  	v13 =	vpsel p0, v13, v0;
	_ =	sdelay $0x2  }
0x160: {  	s31 =	spop (v2sf)  }
0x161: {  	s26 =	sshll.u32 s26, $0x7;
	v12 =	vpsel p0, v12, v0;
	s25 =	sshll.u32 s31, $0x9  }
0x162: {  	s26 =	sadd.s32 $0x800, s26;
	[tilespmem:v13+s17+$0x0] =	vst.idx.msk @p0 $0xffff, v12;
	s25 =	sshra.s32 s25, $0x2  }
0x163: {  	v60 =	vor.u32 s26, v0;
	v12 =	vld [tilespmem:s25+$0xC900];
	_ =	sdelay $0x4  }
0x164: {  	[tilespmem:v60+s17+$0x0] =	vst.idx.msk $0xffff, v12  }
0x165: {  	v61 =	vor.u32 s26, v9;
	v12 =	vld [tilespmem:s25+$0xC910];
	_ =	sdelay $0x4  }
0x166: {  	[tilespmem:v61+s17+$0x0] =	vst.idx.msk $0xffff, v12  }
0x167: {  	v62 =	vor.u32 s26, v10;
	v12 =	vld [tilespmem:s25+$0xC920];
	_ =	sdelay $0x4  }
0x168: {  	[tilespmem:v62+s17+$0x0] =	vst.idx.msk $0xffff, v12  }
0x169: {  	v63 =	vor.u32 s26, v11;
	v12 =	vld [tilespmem:s25+$0xC930];
	_ =	sdelay $0x4  }
0x16a: {  	[tilespmem:v63+s17+$0x0] =	vst.idx.msk $0xffff, v12  }
.LBB2_24:
0x16b: {  	v12 =	vld [tilespmem:$0x6420];
	_ =	sdelay $0x4  }
0x16c: {  	vm0 =	vgt.s32 v12, $0xF41FF  }
0x16d: {  	v13 =	vsel vm0, $0x1, v7  }
0x16e: {  	(xrf0) =	vadd.scan.msk.s32 $0xffff, v13;
	_ =	sdelay $0x5  }
0x16f: {  	v14, _, _ =	vpop (xrf0)  }
0x170: {  	(v2sf) =	vpush v14, $0xF;
	_ =	sdelay $0xe  }
0x171: {  	s25 =	spop (v2sf)  }
0x172: {  	p0 =	slt.s32 s25, $0x1  }
.Ltmp15:
0x173: {  	_ = 	snop;
	(pc) =	sbr.rel @p0 .LBB2_34-.Ltmp15, $1  }
0x174: {  	_ =	sdelay $0x3  }
0x175: {  	vm0 =	veq.s32 v13, $0x0  }
0x176: {  	v14 =	vsel vm0, $0x80000010, v8  }
0x177: {  	(xrf0) =	vmin.scan.msk.u32 $0xffff, v14;
	_ =	sdelay $0x1  }
0x178: {  	p2 =	sne.s32 s25, $0x1  }
.Ltmp16:
0x179: {  	_ = 	snop;
	(pc) =	sbr.rel @!p2 .LBB2_26-.Ltmp16, $3  }
0x17a: {  	_ =	sdelay $0x1  }
0x17b: {  	v14, _, _ =	vpop (xrf0)  }
0x17c: {  	v12 =	vadd.s32 $0x7FF0BE00, v12;
	s25 =	sadd.s32 $0xFFFFFFFF, s25;
	p0 =	por $0x0, $0x0;
	p1 =	por $0x0, $0x0;
	(v2sf) =	vpush v14, $0xF  }
0x17d: {  	_ =	sdelay $0xd  }
0x17e: {  	s26 =	spop (v2sf)  }
0x17f: {  	s28 =	sxor.u32 $0x80000000, s26  }
0x180: {  	v14 =	vmov s28  }
0x181: {  	vm0 =	veq.s32 v14, v0  }
0x182: {  	v13 =	vsel vm0, $0x0, v13  }
0x183: {  	v14 =	vnsel vm0, $0x7FFFFFFF, v12;
	vm15 =	veq.s32 v13, $0x0  }
0x184: {  	(xrf0) =	vmax.scan.msk.u32 $0xffff, v14;
	v14 =	vsel vm15, $0x80000010, v8  }
0x185: {  	(xrf0) =	vmin.scan.msk.u32 $0xffff, v14;
	_ =	sdelay $0x1  }
0x186: {  	p2 =	sne.s32 s25, $0x1  }
.Ltmp17:
0x187: {  	_ = 	snop;
	(pc) =	sbr.rel @!p2 .LBB2_28-.Ltmp17, $4  }
0x188: {  	_ = 	snop  }
0x189: {  	v14, _, _ =	vpop (xrf0)  }
0x18a: {  	s26 =	sshll.u32 s26, $0x7;
	(v2sf) =	vpush v14, $0xF;
	v14, _, _ =	vpop (xrf0)  }
0x18b: {  	s25 =	sadd.s32 $0xFFFFFFFF, s25;
	p0 =	por $0x1, $0x1;
	s28 =	sadd.s32 $0x1000, s26;
	(v2sf) =	vpush v14, $0xF  }
0x18c: {  	_ =	sdelay $0xc  }
0x18d: {  	s26 =	spop (v2sf)  }
0x18e: {  	s26 =	sshll.u32 s26, $0x9  }
0x18f: {  	s29 =	sshra.s32 s26, $0x2  }
0x190: {  	v15 =	vor.u32 s28, v0;
	v14 =	vld [tilespmem:s29+$0xC900];
	_ =	sdelay $0x2  }
0x191: {  	s31 =	spop (v2sf)  }
0x192: {  	s30 =	sxor.u32 $0x80000000, s31  }
0x193: {  	[tilespmem:v15+s17+$0x0] =	vst.idx.msk $0xffff, v14;
	v14 =	vmov s30  }
0x194: {  	vm0 =	veq.s32 v14, v0  }
0x195: {  	v13 =	vsel vm0, $0x0, v13;
	v14 =	vnsel vm0, $0x7FFFFFFF, v12  }
0x196: {  	vm15 =	veq.s32 v13, $0x0;
	(xrf0) =	vmax.scan.msk.u32 $0xffff, v14  }
0x197: {  	v16 =	vor.u32 s28, v9;
	v15 =	vld [tilespmem:s29+$0xC910];
	v14 =	vsel vm15, $0x80000010, v8  }
0x198: {  	(xrf0) =	vmin.scan.msk.u32 $0xffff, v14;
	_ =	sdelay $0x3  }
0x199: {  	[tilespmem:v16+s17+$0x0] =	vst.idx.msk $0xffff, v15;
	v16, _, _ =	vpop (xrf0)  }
0x19a: {  	(v2sf) =	vpush v16, $0xF  }
0x19b: {  	v15 =	vor.u32 s28, v10;
	v14 =	vld [tilespmem:s29+$0xC920];
	v16, _, _ =	vpop (xrf0)  }
0x19c: {  	p2 =	sne.s32 s25, $0x1;
	(v2sf) =	vpush v16, $0xF  }
.Ltmp18:
0x19d: {  	_ = 	snop;
	(pc) =	sbr.rel @!p2 .LBB2_30-.Ltmp18, $3  }
0x19e: {  	_ =	sdelay $0x1  }
0x19f: {  	s31 =	sshll.u32 s31, $0x7;
	[tilespmem:v15+s17+$0x0] =	vst.idx.msk $0xffff, v14  }
0x1a0: {  	p1 =	por $0x1, $0x1;
	s26 =	sadd.s32 $0xFFFFFFFF, s25;
	s25 =	sadd.s32 $0x1000, s31;
	v15 =	vor.u32 s28, v11;
	v14 =	vld [tilespmem:s29+$0xC930]  }
.LBB2_31:
0x1a1: {  	_ =	sdelay $0x3  }
0x1a2: {  	p2 =	sne.s32 s26, $0x1;
	s26 =	sadd.s32 $0xFFFFFFFF, s26;
	[tilespmem:v15+s17+$0x0] =	vst.idx.msk $0xffff, v14;
	_ =	sdelay $0x2  }
0x1a3: {  	s28 =	spop (v2sf)  }
0x1a4: {  	s28 =	sshll.u32 s28, $0x9  }
0x1a5: {  	s29 =	spop (v2sf);
	s28 =	sshra.s32 s28, $0x2  }
0x1a6: {  	v15 =	vor.u32 s25, v0;
	s30 =	sxor.u32 $0x80000000, s29;
	s29 =	sshll.u32 s29, $0x7;
	v14 =	vld [tilespmem:s28+$0xC900]  }
0x1a7: {  	v16 =	vmov s30;
	s29 =	sadd.s32 $0x1000, s29  }
0x1a8: {  	vm0 =	veq.s32 v16, v0  }
0x1a9: {  	v16 =	vnsel vm0, $0x7FFFFFFF, v12;
	v13 =	vsel vm0, $0x0, v13  }
0x1aa: {  	vm0 =	veq.s32 v13, $0x0;
	(xrf0) =	vmax.scan.msk.u32 $0xffff, v16  }
0x1ab: {  	v16 =	vsel vm0, $0x80000010, v8;
	[tilespmem:v15+s17+$0x0] =	vst.idx.msk $0xffff, v14  }
0x1ac: {  	v15 =	vor.u32 s25, v9;
	(xrf0) =	vmin.scan.msk.u32 $0xffff, v16;
	v14 =	vld [tilespmem:s28+$0xC910];
	_ =	sdelay $0x3  }
0x1ad: {  	v16, _, _ =	vpop (xrf0)  }
0x1ae: {  	(v2sf) =	vpush v16, $0xF;
	[tilespmem:v15+s17+$0x0] =	vst.idx.msk $0xffff, v14  }
0x1af: {  	v16 =	vor.u32 s25, v10;
	v14, _, _ =	vpop (xrf0);
	v15 =	vld [tilespmem:s28+$0xC920]  }
0x1b0: {  	(v2sf) =	vpush v14, $0xF  }
.Ltmp19:
0x1b1: {  	(pc) =	sbr.rel @p2 .LBB2_31-.Ltmp19, $3  }
0x1b2: {  	_ =	sdelay $0x1  }
0x1b3: {  	[tilespmem:v16+s17+$0x0] =	vst.idx.msk $0xffff, v15  }
0x1b4: {  	v15 =	vor.u32 s25, v11;
	s25 =	smov.u32 s29;
	v14 =	vld [tilespmem:s28+$0xC930]  }
0x1b5: {  	s28 =	smov.u32 s25  }
.LBB2_33:
0x1b6: {  	_ =	sdelay $0x6  }
0x1b7: {  	s25 =	spop @p0 (v2sf)  }
0x1b8: {  	s26 =	spop (v2sf)  }
0x1b9: {  	s29 =	sxor.u32 $0x80000000, s26  }
0x1ba: {  	v13 =	vmov s29  }
0x1bb: {  	s25 =	sshll.u32 @p0 s25, $0x9;
	vm0 =	veq.s32 v13, v0  }
0x1bc: {  	[tilespmem:v15+s17+$0x0] =	vst.idx.msk @p1 $0xffff, v14;
	s25 =	sshra.s32 @p0 s25, $0x2;
	v12 =	vnsel vm0, $0x7FFFFFFF, v12  }
0x1bd: {  	v14 =	vor.u32 @p0 s28, v0;
	v13 =	vld @p0 [tilespmem:s25+$0xC900];
	(xrf0) =	vmax.scan.msk.u32 $0xffff, v12;
	_ =	sdelay $0x4  }
0x1be: {  	[tilespmem:v14+s17+$0x0] =	vst.idx.msk @p0 $0xffff, v13  }
0x1bf: {  	v13 =	vor.u32 @p0 s28, v9;
	v12 =	vld @p0 [tilespmem:s25+$0xC910];
	v59, _, _ =	vpop (xrf0)  }
0x1c0: {  	(v2sf) =	vpush v59, $0xF;
	_ =	sdelay $0x3  }
0x1c1: {  	[tilespmem:v13+s17+$0x0] =	vst.idx.msk @p0 $0xffff, v12  }
0x1c2: {  	v13 =	vor.u32 @p0 s28, v10;
	v12 =	vld @p0 [tilespmem:s25+$0xC920];
	_ =	sdelay $0x4  }
0x1c3: {  	[tilespmem:v13+s17+$0x0] =	vst.idx.msk @p0 $0xffff, v12  }
0x1c4: {  	v13 =	vor.u32 @p0 s28, v11;
	v12 =	vld @p0 [tilespmem:s25+$0xC930]  }
0x1c5: {  	v13 =	vpsel p0, v13, v0;
	_ =	sdelay $0x2  }
0x1c6: {  	s31 =	spop (v2sf)  }
0x1c7: {  	s26 =	sshll.u32 s26, $0x7;
	v12 =	vpsel p0, v12, v0;
	s25 =	sshll.u32 s31, $0x9  }
0x1c8: {  	s26 =	sadd.s32 $0x1000, s26;
	[tilespmem:v13+s17+$0x0] =	vst.idx.msk @p0 $0xffff, v12;
	s25 =	sshra.s32 s25, $0x2  }
0x1c9: {  	v60 =	vor.u32 s26, v0;
	v12 =	vld [tilespmem:s25+$0xC900];
	_ =	sdelay $0x4  }
0x1ca: {  	[tilespmem:v60+s17+$0x0] =	vst.idx.msk $0xffff, v12  }
0x1cb: {  	v61 =	vor.u32 s26, v9;
	v12 =	vld [tilespmem:s25+$0xC910];
	_ =	sdelay $0x4  }
0x1cc: {  	[tilespmem:v61+s17+$0x0] =	vst.idx.msk $0xffff, v12  }
0x1cd: {  	v62 =	vor.u32 s26, v10;
	v12 =	vld [tilespmem:s25+$0xC920];
	_ =	sdelay $0x4  }
0x1ce: {  	[tilespmem:v62+s17+$0x0] =	vst.idx.msk $0xffff, v12  }
0x1cf: {  	v63 =	vor.u32 s26, v11;
	v12 =	vld [tilespmem:s25+$0xC930];
	_ =	sdelay $0x4  }
0x1d0: {  	[tilespmem:v63+s17+$0x0] =	vst.idx.msk $0xffff, v12  }
.LBB2_34:
0x1d1: {  	v12 =	vld [tilespmem:$0x6430];
	_ =	sdelay $0x4  }
0x1d2: {  	vm0 =	vgt.s32 v12, $0xF41FF  }
0x1d3: {  	v13 =	vsel vm0, $0x1, v7  }
0x1d4: {  	(xrf0) =	vadd.scan.msk.s32 $0xffff, v13;
	_ =	sdelay $0x5  }
0x1d5: {  	v14, _, _ =	vpop (xrf0)  }
0x1d6: {  	(v2sf) =	vpush v14, $0xF;
	_ =	sdelay $0xe  }
0x1d7: {  	s25 =	spop (v2sf)  }
0x1d8: {  	p0 =	slt.s32 s25, $0x1  }
.Ltmp20:
0x1d9: {  	_ = 	snop;
	(pc) =	sbr.rel @p0 .LBB2_44-.Ltmp20, $1  }
0x1da: {  	_ =	sdelay $0x3  }
0x1db: {  	vm0 =	veq.s32 v13, $0x0  }
0x1dc: {  	v14 =	vsel vm0, $0x80000010, v8  }
0x1dd: {  	(xrf0) =	vmin.scan.msk.u32 $0xffff, v14;
	_ =	sdelay $0x1  }
0x1de: {  	p2 =	sne.s32 s25, $0x1  }
.Ltmp21:
0x1df: {  	_ = 	snop;
	(pc) =	sbr.rel @!p2 .LBB2_36-.Ltmp21, $3  }
0x1e0: {  	_ =	sdelay $0x1  }
0x1e1: {  	v14, _, _ =	vpop (xrf0)  }
0x1e2: {  	v12 =	vadd.s32 $0x7FF0BE00, v12;
	s25 =	sadd.s32 $0xFFFFFFFF, s25;
	p0 =	por $0x0, $0x0;
	p1 =	por $0x0, $0x0;
	(v2sf) =	vpush v14, $0xF  }
0x1e3: {  	_ =	sdelay $0xd  }
0x1e4: {  	s26 =	spop (v2sf)  }
0x1e5: {  	s28 =	sxor.u32 $0x80000000, s26  }
0x1e6: {  	v14 =	vmov s28  }
0x1e7: {  	vm0 =	veq.s32 v14, v0  }
0x1e8: {  	v13 =	vsel vm0, $0x0, v13  }
0x1e9: {  	v14 =	vnsel vm0, $0x7FFFFFFF, v12;
	vm15 =	veq.s32 v13, $0x0  }
0x1ea: {  	(xrf0) =	vmax.scan.msk.u32 $0xffff, v14;
	v14 =	vsel vm15, $0x80000010, v8  }
0x1eb: {  	(xrf0) =	vmin.scan.msk.u32 $0xffff, v14;
	_ =	sdelay $0x1  }
0x1ec: {  	p2 =	sne.s32 s25, $0x1  }
.Ltmp22:
0x1ed: {  	_ = 	snop;
	(pc) =	sbr.rel @!p2 .LBB2_38-.Ltmp22, $4  }
0x1ee: {  	_ = 	snop  }
0x1ef: {  	v14, _, _ =	vpop (xrf0)  }
0x1f0: {  	s26 =	sshll.u32 s26, $0x7;
	(v2sf) =	vpush v14, $0xF;
	v14, _, _ =	vpop (xrf0)  }
0x1f1: {  	s25 =	sadd.s32 $0xFFFFFFFF, s25;
	p0 =	por $0x1, $0x1;
	s28 =	sadd.s32 $0x1800, s26;
	(v2sf) =	vpush v14, $0xF  }
0x1f2: {  	_ =	sdelay $0xc  }
0x1f3: {  	s26 =	spop (v2sf)  }
0x1f4: {  	s26 =	sshll.u32 s26, $0x9  }
0x1f5: {  	s29 =	sshra.s32 s26, $0x2  }
0x1f6: {  	v15 =	vor.u32 s28, v0;
	v14 =	vld [tilespmem:s29+$0xC900];
	_ =	sdelay $0x2  }
0x1f7: {  	s31 =	spop (v2sf)  }
0x1f8: {  	s30 =	sxor.u32 $0x80000000, s31  }
0x1f9: {  	[tilespmem:v15+s17+$0x0] =	vst.idx.msk $0xffff, v14;
	v14 =	vmov s30  }
0x1fa: {  	vm0 =	veq.s32 v14, v0  }
0x1fb: {  	v13 =	vsel vm0, $0x0, v13;
	v14 =	vnsel vm0, $0x7FFFFFFF, v12  }
0x1fc: {  	vm15 =	veq.s32 v13, $0x0;
	(xrf0) =	vmax.scan.msk.u32 $0xffff, v14  }
0x1fd: {  	v16 =	vor.u32 s28, v9;
	v15 =	vld [tilespmem:s29+$0xC910];
	v14 =	vsel vm15, $0x80000010, v8  }
0x1fe: {  	(xrf0) =	vmin.scan.msk.u32 $0xffff, v14;
	_ =	sdelay $0x3  }
0x1ff: {  	[tilespmem:v16+s17+$0x0] =	vst.idx.msk $0xffff, v15;
	v16, _, _ =	vpop (xrf0)  }
0x200: {  	(v2sf) =	vpush v16, $0xF  }
0x201: {  	v15 =	vor.u32 s28, v10;
	v14 =	vld [tilespmem:s29+$0xC920];
	v16, _, _ =	vpop (xrf0)  }
0x202: {  	p2 =	sne.s32 s25, $0x1;
	(v2sf) =	vpush v16, $0xF  }
.Ltmp23:
0x203: {  	_ = 	snop;
	(pc) =	sbr.rel @!p2 .LBB2_40-.Ltmp23, $3  }
0x204: {  	_ =	sdelay $0x1  }
0x205: {  	s31 =	sshll.u32 s31, $0x7;
	[tilespmem:v15+s17+$0x0] =	vst.idx.msk $0xffff, v14  }
0x206: {  	p1 =	por $0x1, $0x1;
	s26 =	sadd.s32 $0xFFFFFFFF, s25;
	s25 =	sadd.s32 $0x1800, s31;
	v15 =	vor.u32 s28, v11;
	v14 =	vld [tilespmem:s29+$0xC930]  }
.LBB2_41:
0x207: {  	_ =	sdelay $0x3  }
0x208: {  	p2 =	sne.s32 s26, $0x1;
	s26 =	sadd.s32 $0xFFFFFFFF, s26;
	[tilespmem:v15+s17+$0x0] =	vst.idx.msk $0xffff, v14;
	_ =	sdelay $0x2  }
0x209: {  	s28 =	spop (v2sf)  }
0x20a: {  	s28 =	sshll.u32 s28, $0x9  }
0x20b: {  	s29 =	spop (v2sf);
	s28 =	sshra.s32 s28, $0x2  }
0x20c: {  	v15 =	vor.u32 s25, v0;
	s30 =	sxor.u32 $0x80000000, s29;
	s29 =	sshll.u32 s29, $0x7;
	v14 =	vld [tilespmem:s28+$0xC900]  }
0x20d: {  	v16 =	vmov s30;
	s29 =	sadd.s32 $0x1800, s29  }
0x20e: {  	vm0 =	veq.s32 v16, v0  }
0x20f: {  	v16 =	vnsel vm0, $0x7FFFFFFF, v12;
	v13 =	vsel vm0, $0x0, v13  }
0x210: {  	vm0 =	veq.s32 v13, $0x0;
	(xrf0) =	vmax.scan.msk.u32 $0xffff, v16  }
0x211: {  	v16 =	vsel vm0, $0x80000010, v8;
	[tilespmem:v15+s17+$0x0] =	vst.idx.msk $0xffff, v14  }
0x212: {  	v15 =	vor.u32 s25, v9;
	(xrf0) =	vmin.scan.msk.u32 $0xffff, v16;
	v14 =	vld [tilespmem:s28+$0xC910];
	_ =	sdelay $0x3  }
0x213: {  	v16, _, _ =	vpop (xrf0)  }
0x214: {  	(v2sf) =	vpush v16, $0xF;
	[tilespmem:v15+s17+$0x0] =	vst.idx.msk $0xffff, v14  }
0x215: {  	v16 =	vor.u32 s25, v10;
	v14, _, _ =	vpop (xrf0);
	v15 =	vld [tilespmem:s28+$0xC920]  }
0x216: {  	(v2sf) =	vpush v14, $0xF  }
.Ltmp24:
0x217: {  	(pc) =	sbr.rel @p2 .LBB2_41-.Ltmp24, $3  }
0x218: {  	_ =	sdelay $0x1  }
0x219: {  	[tilespmem:v16+s17+$0x0] =	vst.idx.msk $0xffff, v15  }
0x21a: {  	v15 =	vor.u32 s25, v11;
	s25 =	smov.u32 s29;
	v14 =	vld [tilespmem:s28+$0xC930]  }
0x21b: {  	s28 =	smov.u32 s25  }
.LBB2_43:
0x21c: {  	_ =	sdelay $0x6  }
0x21d: {  	s25 =	spop @p0 (v2sf)  }
0x21e: {  	s26 =	spop (v2sf)  }
0x21f: {  	s29 =	sxor.u32 $0x80000000, s26  }
0x220: {  	v13 =	vmov s29  }
0x221: {  	s25 =	sshll.u32 @p0 s25, $0x9;
	vm0 =	veq.s32 v13, v0  }
0x222: {  	[tilespmem:v15+s17+$0x0] =	vst.idx.msk @p1 $0xffff, v14;
	s25 =	sshra.s32 @p0 s25, $0x2;
	v12 =	vnsel vm0, $0x7FFFFFFF, v12  }
0x223: {  	v14 =	vor.u32 @p0 s28, v0;
	v13 =	vld @p0 [tilespmem:s25+$0xC900];
	(xrf0) =	vmax.scan.msk.u32 $0xffff, v12;
	_ =	sdelay $0x4  }
0x224: {  	[tilespmem:v14+s17+$0x0] =	vst.idx.msk @p0 $0xffff, v13  }
0x225: {  	v13 =	vor.u32 @p0 s28, v9;
	v12 =	vld @p0 [tilespmem:s25+$0xC910];
	v59, _, _ =	vpop (xrf0)  }
0x226: {  	(v2sf) =	vpush v59, $0xF;
	_ =	sdelay $0x3  }
0x227: {  	[tilespmem:v13+s17+$0x0] =	vst.idx.msk @p0 $0xffff, v12  }
0x228: {  	v13 =	vor.u32 @p0 s28, v10;
	v12 =	vld @p0 [tilespmem:s25+$0xC920];
	_ =	sdelay $0x4  }
0x229: {  	[tilespmem:v13+s17+$0x0] =	vst.idx.msk @p0 $0xffff, v12  }
0x22a: {  	v13 =	vor.u32 @p0 s28, v11;
	v12 =	vld @p0 [tilespmem:s25+$0xC930]  }
0x22b: {  	v13 =	vpsel p0, v13, v0;
	_ =	sdelay $0x2  }
0x22c: {  	s31 =	spop (v2sf)  }
0x22d: {  	s26 =	sshll.u32 s26, $0x7;
	v12 =	vpsel p0, v12, v0;
	s25 =	sshll.u32 s31, $0x9  }
0x22e: {  	s26 =	sadd.s32 $0x1800, s26;
	[tilespmem:v13+s17+$0x0] =	vst.idx.msk @p0 $0xffff, v12;
	s25 =	sshra.s32 s25, $0x2  }
0x22f: {  	v60 =	vor.u32 s26, v0;
	v12 =	vld [tilespmem:s25+$0xC900];
	_ =	sdelay $0x4  }
0x230: {  	[tilespmem:v60+s17+$0x0] =	vst.idx.msk $0xffff, v12  }
0x231: {  	v61 =	vor.u32 s26, v9;
	v12 =	vld [tilespmem:s25+$0xC910];
	_ =	sdelay $0x4  }
0x232: {  	[tilespmem:v61+s17+$0x0] =	vst.idx.msk $0xffff, v12  }
0x233: {  	v62 =	vor.u32 s26, v10;
	v12 =	vld [tilespmem:s25+$0xC920];
	_ =	sdelay $0x4  }
0x234: {  	[tilespmem:v62+s17+$0x0] =	vst.idx.msk $0xffff, v12  }
0x235: {  	v63 =	vor.u32 s26, v11;
	v12 =	vld [tilespmem:s25+$0xC930];
	_ =	sdelay $0x4  }
0x236: {  	[tilespmem:v63+s17+$0x0] =	vst.idx.msk $0xffff, v12  }
.LBB2_44:
0x237: {  	v12 =	vld [tilespmem:$0x6440];
	_ =	sdelay $0x4  }
0x238: {  	vm0 =	vgt.s32 v12, $0xF41FF  }
0x239: {  	v13 =	vsel vm0, $0x1, v7  }
0x23a: {  	(xrf0) =	vadd.scan.msk.s32 $0xffff, v13;
	_ =	sdelay $0x5  }
0x23b: {  	v14, _, _ =	vpop (xrf0)  }
0x23c: {  	(v2sf) =	vpush v14, $0xF;
	_ =	sdelay $0xe  }
0x23d: {  	s25 =	spop (v2sf)  }
0x23e: {  	p0 =	slt.s32 s25, $0x1  }
.Ltmp25:
0x23f: {  	_ = 	snop;
	(pc) =	sbr.rel @p0 .LBB2_54-.Ltmp25, $1  }
0x240: {  	_ =	sdelay $0x3  }
0x241: {  	vm0 =	veq.s32 v13, $0x0  }
0x242: {  	v14 =	vsel vm0, $0x80000010, v8  }
0x243: {  	(xrf0) =	vmin.scan.msk.u32 $0xffff, v14;
	_ =	sdelay $0x1  }
0x244: {  	p2 =	sne.s32 s25, $0x1  }
.Ltmp26:
0x245: {  	_ = 	snop;
	(pc) =	sbr.rel @!p2 .LBB2_46-.Ltmp26, $3  }
0x246: {  	_ =	sdelay $0x1  }
0x247: {  	v14, _, _ =	vpop (xrf0)  }
0x248: {  	v12 =	vadd.s32 $0x7FF0BE00, v12;
	s25 =	sadd.s32 $0xFFFFFFFF, s25;
	p0 =	por $0x0, $0x0;
	p1 =	por $0x0, $0x0;
	(v2sf) =	vpush v14, $0xF  }
0x249: {  	_ =	sdelay $0xd  }
0x24a: {  	s26 =	spop (v2sf)  }
0x24b: {  	s28 =	sxor.u32 $0x80000000, s26  }
0x24c: {  	v14 =	vmov s28  }
0x24d: {  	vm0 =	veq.s32 v14, v0  }
0x24e: {  	v13 =	vsel vm0, $0x0, v13  }
0x24f: {  	v14 =	vnsel vm0, $0x7FFFFFFF, v12;
	vm15 =	veq.s32 v13, $0x0  }
0x250: {  	(xrf0) =	vmax.scan.msk.u32 $0xffff, v14;
	v14 =	vsel vm15, $0x80000010, v8  }
0x251: {  	(xrf0) =	vmin.scan.msk.u32 $0xffff, v14;
	_ =	sdelay $0x1  }
0x252: {  	p2 =	sne.s32 s25, $0x1  }
.Ltmp27:
0x253: {  	_ = 	snop;
	(pc) =	sbr.rel @!p2 .LBB2_48-.Ltmp27, $4  }
0x254: {  	_ = 	snop  }
0x255: {  	v14, _, _ =	vpop (xrf0)  }
0x256: {  	s26 =	sshll.u32 s26, $0x7;
	(v2sf) =	vpush v14, $0xF;
	v14, _, _ =	vpop (xrf0)  }
0x257: {  	s25 =	sadd.s32 $0xFFFFFFFF, s25;
	p0 =	por $0x1, $0x1;
	s28 =	sadd.s32 $0x2000, s26;
	(v2sf) =	vpush v14, $0xF  }
0x258: {  	_ =	sdelay $0xc  }
0x259: {  	s26 =	spop (v2sf)  }
0x25a: {  	s26 =	sshll.u32 s26, $0x9  }
0x25b: {  	s29 =	sshra.s32 s26, $0x2  }
0x25c: {  	v15 =	vor.u32 s28, v0;
	v14 =	vld [tilespmem:s29+$0xC900];
	_ =	sdelay $0x2  }
0x25d: {  	s31 =	spop (v2sf)  }
0x25e: {  	s30 =	sxor.u32 $0x80000000, s31  }
0x25f: {  	[tilespmem:v15+s17+$0x0] =	vst.idx.msk $0xffff, v14;
	v14 =	vmov s30  }
0x260: {  	vm0 =	veq.s32 v14, v0  }
0x261: {  	v13 =	vsel vm0, $0x0, v13;
	v14 =	vnsel vm0, $0x7FFFFFFF, v12  }
0x262: {  	vm15 =	veq.s32 v13, $0x0;
	(xrf0) =	vmax.scan.msk.u32 $0xffff, v14  }
0x263: {  	v16 =	vor.u32 s28, v9;
	v15 =	vld [tilespmem:s29+$0xC910];
	v14 =	vsel vm15, $0x80000010, v8  }
0x264: {  	(xrf0) =	vmin.scan.msk.u32 $0xffff, v14;
	_ =	sdelay $0x3  }
0x265: {  	[tilespmem:v16+s17+$0x0] =	vst.idx.msk $0xffff, v15;
	v16, _, _ =	vpop (xrf0)  }
0x266: {  	(v2sf) =	vpush v16, $0xF  }
0x267: {  	v15 =	vor.u32 s28, v10;
	v14 =	vld [tilespmem:s29+$0xC920];
	v16, _, _ =	vpop (xrf0)  }
0x268: {  	p2 =	sne.s32 s25, $0x1;
	(v2sf) =	vpush v16, $0xF  }
.Ltmp28:
0x269: {  	_ = 	snop;
	(pc) =	sbr.rel @!p2 .LBB2_50-.Ltmp28, $3  }
0x26a: {  	_ =	sdelay $0x1  }
0x26b: {  	s31 =	sshll.u32 s31, $0x7;
	[tilespmem:v15+s17+$0x0] =	vst.idx.msk $0xffff, v14  }
0x26c: {  	p1 =	por $0x1, $0x1;
	s26 =	sadd.s32 $0xFFFFFFFF, s25;
	s25 =	sadd.s32 $0x2000, s31;
	v15 =	vor.u32 s28, v11;
	v14 =	vld [tilespmem:s29+$0xC930]  }
.LBB2_51:
0x26d: {  	_ =	sdelay $0x3  }
0x26e: {  	p2 =	sne.s32 s26, $0x1;
	s26 =	sadd.s32 $0xFFFFFFFF, s26;
	[tilespmem:v15+s17+$0x0] =	vst.idx.msk $0xffff, v14;
	_ =	sdelay $0x2  }
0x26f: {  	s28 =	spop (v2sf)  }
0x270: {  	s28 =	sshll.u32 s28, $0x9  }
0x271: {  	s29 =	spop (v2sf);
	s28 =	sshra.s32 s28, $0x2  }
0x272: {  	v15 =	vor.u32 s25, v0;
	s30 =	sxor.u32 $0x80000000, s29;
	s29 =	sshll.u32 s29, $0x7;
	v14 =	vld [tilespmem:s28+$0xC900]  }
0x273: {  	v16 =	vmov s30;
	s29 =	sadd.s32 $0x2000, s29  }
0x274: {  	vm0 =	veq.s32 v16, v0  }
0x275: {  	v16 =	vnsel vm0, $0x7FFFFFFF, v12;
	v13 =	vsel vm0, $0x0, v13  }
0x276: {  	vm0 =	veq.s32 v13, $0x0;
	(xrf0) =	vmax.scan.msk.u32 $0xffff, v16  }
0x277: {  	v16 =	vsel vm0, $0x80000010, v8;
	[tilespmem:v15+s17+$0x0] =	vst.idx.msk $0xffff, v14  }
0x278: {  	v15 =	vor.u32 s25, v9;
	(xrf0) =	vmin.scan.msk.u32 $0xffff, v16;
	v14 =	vld [tilespmem:s28+$0xC910];
	_ =	sdelay $0x3  }
0x279: {  	v16, _, _ =	vpop (xrf0)  }
0x27a: {  	(v2sf) =	vpush v16, $0xF;
	[tilespmem:v15+s17+$0x0] =	vst.idx.msk $0xffff, v14  }
0x27b: {  	v16 =	vor.u32 s25, v10;
	v14, _, _ =	vpop (xrf0);
	v15 =	vld [tilespmem:s28+$0xC920]  }
0x27c: {  	(v2sf) =	vpush v14, $0xF  }
.Ltmp29:
0x27d: {  	(pc) =	sbr.rel @p2 .LBB2_51-.Ltmp29, $3  }
0x27e: {  	_ =	sdelay $0x1  }
0x27f: {  	[tilespmem:v16+s17+$0x0] =	vst.idx.msk $0xffff, v15  }
0x280: {  	v15 =	vor.u32 s25, v11;
	s25 =	smov.u32 s29;
	v14 =	vld [tilespmem:s28+$0xC930]  }
0x281: {  	s28 =	smov.u32 s25  }
.LBB2_53:
0x282: {  	_ =	sdelay $0x6  }
0x283: {  	s25 =	spop @p0 (v2sf)  }
0x284: {  	s26 =	spop (v2sf)  }
0x285: {  	s29 =	sxor.u32 $0x80000000, s26  }
0x286: {  	v13 =	vmov s29  }
0x287: {  	s25 =	sshll.u32 @p0 s25, $0x9;
	vm0 =	veq.s32 v13, v0  }
0x288: {  	[tilespmem:v15+s17+$0x0] =	vst.idx.msk @p1 $0xffff, v14;
	s25 =	sshra.s32 @p0 s25, $0x2;
	v12 =	vnsel vm0, $0x7FFFFFFF, v12  }
0x289: {  	v14 =	vor.u32 @p0 s28, v0;
	v13 =	vld @p0 [tilespmem:s25+$0xC900];
	(xrf0) =	vmax.scan.msk.u32 $0xffff, v12;
	_ =	sdelay $0x4  }
0x28a: {  	[tilespmem:v14+s17+$0x0] =	vst.idx.msk @p0 $0xffff, v13  }
0x28b: {  	v13 =	vor.u32 @p0 s28, v9;
	v12 =	vld @p0 [tilespmem:s25+$0xC910];
	v59, _, _ =	vpop (xrf0)  }
0x28c: {  	(v2sf) =	vpush v59, $0xF;
	_ =	sdelay $0x3  }
0x28d: {  	[tilespmem:v13+s17+$0x0] =	vst.idx.msk @p0 $0xffff, v12  }
0x28e: {  	v13 =	vor.u32 @p0 s28, v10;
	v12 =	vld @p0 [tilespmem:s25+$0xC920];
	_ =	sdelay $0x4  }
0x28f: {  	[tilespmem:v13+s17+$0x0] =	vst.idx.msk @p0 $0xffff, v12  }
0x290: {  	v13 =	vor.u32 @p0 s28, v11;
	v12 =	vld @p0 [tilespmem:s25+$0xC930]  }
0x291: {  	v13 =	vpsel p0, v13, v0;
	_ =	sdelay $0x2  }
0x292: {  	s31 =	spop (v2sf)  }
0x293: {  	s26 =	sshll.u32 s26, $0x7;
	v12 =	vpsel p0, v12, v0;
	s25 =	sshll.u32 s31, $0x9  }
0x294: {  	s26 =	sadd.s32 $0x2000, s26;
	[tilespmem:v13+s17+$0x0] =	vst.idx.msk @p0 $0xffff, v12;
	s25 =	sshra.s32 s25, $0x2  }
0x295: {  	v60 =	vor.u32 s26, v0;
	v12 =	vld [tilespmem:s25+$0xC900];
	_ =	sdelay $0x4  }
0x296: {  	[tilespmem:v60+s17+$0x0] =	vst.idx.msk $0xffff, v12  }
0x297: {  	v61 =	vor.u32 s26, v9;
	v12 =	vld [tilespmem:s25+$0xC910];
	_ =	sdelay $0x4  }
0x298: {  	[tilespmem:v61+s17+$0x0] =	vst.idx.msk $0xffff, v12  }
0x299: {  	v62 =	vor.u32 s26, v10;
	v12 =	vld [tilespmem:s25+$0xC920];
	_ =	sdelay $0x4  }
0x29a: {  	[tilespmem:v62+s17+$0x0] =	vst.idx.msk $0xffff, v12  }
0x29b: {  	v63 =	vor.u32 s26, v11;
	v12 =	vld [tilespmem:s25+$0xC930];
	_ =	sdelay $0x4  }
0x29c: {  	[tilespmem:v63+s17+$0x0] =	vst.idx.msk $0xffff, v12  }
.LBB2_54:
0x29d: {  	v12 =	vld [tilespmem:$0x6450];
	_ =	sdelay $0x4  }
0x29e: {  	vm0 =	vgt.s32 v12, $0xF41FF  }
0x29f: {  	v13 =	vsel vm0, $0x1, v7  }
0x2a0: {  	(xrf0) =	vadd.scan.msk.s32 $0xffff, v13;
	_ =	sdelay $0x5  }
0x2a1: {  	v14, _, _ =	vpop (xrf0)  }
0x2a2: {  	(v2sf) =	vpush v14, $0xF;
	_ =	sdelay $0xe  }
0x2a3: {  	s25 =	spop (v2sf)  }
0x2a4: {  	p0 =	slt.s32 s25, $0x1  }
.Ltmp30:
0x2a5: {  	_ = 	snop;
	(pc) =	sbr.rel @p0 .LBB2_64-.Ltmp30, $1  }
0x2a6: {  	_ =	sdelay $0x3  }
0x2a7: {  	vm0 =	veq.s32 v13, $0x0  }
0x2a8: {  	v14 =	vsel vm0, $0x80000010, v8  }
0x2a9: {  	(xrf0) =	vmin.scan.msk.u32 $0xffff, v14;
	_ =	sdelay $0x1  }
0x2aa: {  	p2 =	sne.s32 s25, $0x1  }
.Ltmp31:
0x2ab: {  	_ = 	snop;
	(pc) =	sbr.rel @!p2 .LBB2_56-.Ltmp31, $3  }
0x2ac: {  	_ =	sdelay $0x1  }
0x2ad: {  	v14, _, _ =	vpop (xrf0)  }
0x2ae: {  	v12 =	vadd.s32 $0x7FF0BE00, v12;
	s25 =	sadd.s32 $0xFFFFFFFF, s25;
	p0 =	por $0x0, $0x0;
	p1 =	por $0x0, $0x0;
	(v2sf) =	vpush v14, $0xF  }
0x2af: {  	_ =	sdelay $0xd  }
0x2b0: {  	s26 =	spop (v2sf)  }
0x2b1: {  	s28 =	sxor.u32 $0x80000000, s26  }
0x2b2: {  	v14 =	vmov s28  }
0x2b3: {  	vm0 =	veq.s32 v14, v0  }
0x2b4: {  	v13 =	vsel vm0, $0x0, v13  }
0x2b5: {  	v14 =	vnsel vm0, $0x7FFFFFFF, v12;
	vm15 =	veq.s32 v13, $0x0  }
0x2b6: {  	(xrf0) =	vmax.scan.msk.u32 $0xffff, v14;
	v14 =	vsel vm15, $0x80000010, v8  }
0x2b7: {  	(xrf0) =	vmin.scan.msk.u32 $0xffff, v14;
	_ =	sdelay $0x1  }
0x2b8: {  	p2 =	sne.s32 s25, $0x1  }
.Ltmp32:
0x2b9: {  	_ = 	snop;
	(pc) =	sbr.rel @!p2 .LBB2_58-.Ltmp32, $4  }
0x2ba: {  	_ = 	snop  }
0x2bb: {  	v14, _, _ =	vpop (xrf0)  }
0x2bc: {  	s26 =	sshll.u32 s26, $0x7;
	(v2sf) =	vpush v14, $0xF;
	v14, _, _ =	vpop (xrf0)  }
0x2bd: {  	s25 =	sadd.s32 $0xFFFFFFFF, s25;
	p0 =	por $0x1, $0x1;
	s28 =	sadd.s32 $0x2800, s26;
	(v2sf) =	vpush v14, $0xF  }
0x2be: {  	_ =	sdelay $0xc  }
0x2bf: {  	s26 =	spop (v2sf)  }
0x2c0: {  	s26 =	sshll.u32 s26, $0x9  }
0x2c1: {  	s29 =	sshra.s32 s26, $0x2  }
0x2c2: {  	v15 =	vor.u32 s28, v0;
	v14 =	vld [tilespmem:s29+$0xC900];
	_ =	sdelay $0x2  }
0x2c3: {  	s31 =	spop (v2sf)  }
0x2c4: {  	s30 =	sxor.u32 $0x80000000, s31  }
0x2c5: {  	[tilespmem:v15+s17+$0x0] =	vst.idx.msk $0xffff, v14;
	v14 =	vmov s30  }
0x2c6: {  	vm0 =	veq.s32 v14, v0  }
0x2c7: {  	v13 =	vsel vm0, $0x0, v13;
	v14 =	vnsel vm0, $0x7FFFFFFF, v12  }
0x2c8: {  	vm15 =	veq.s32 v13, $0x0;
	(xrf0) =	vmax.scan.msk.u32 $0xffff, v14  }
0x2c9: {  	v16 =	vor.u32 s28, v9;
	v15 =	vld [tilespmem:s29+$0xC910];
	v14 =	vsel vm15, $0x80000010, v8  }
0x2ca: {  	(xrf0) =	vmin.scan.msk.u32 $0xffff, v14;
	_ =	sdelay $0x3  }
0x2cb: {  	[tilespmem:v16+s17+$0x0] =	vst.idx.msk $0xffff, v15;
	v16, _, _ =	vpop (xrf0)  }
0x2cc: {  	(v2sf) =	vpush v16, $0xF  }
0x2cd: {  	v15 =	vor.u32 s28, v10;
	v14 =	vld [tilespmem:s29+$0xC920];
	v16, _, _ =	vpop (xrf0)  }
0x2ce: {  	p2 =	sne.s32 s25, $0x1;
	(v2sf) =	vpush v16, $0xF  }
.Ltmp33:
0x2cf: {  	_ = 	snop;
	(pc) =	sbr.rel @!p2 .LBB2_60-.Ltmp33, $3  }
0x2d0: {  	_ =	sdelay $0x1  }
0x2d1: {  	s31 =	sshll.u32 s31, $0x7;
	[tilespmem:v15+s17+$0x0] =	vst.idx.msk $0xffff, v14  }
0x2d2: {  	p1 =	por $0x1, $0x1;
	s26 =	sadd.s32 $0xFFFFFFFF, s25;
	s25 =	sadd.s32 $0x2800, s31;
	v15 =	vor.u32 s28, v11;
	v14 =	vld [tilespmem:s29+$0xC930]  }
.LBB2_61:
0x2d3: {  	_ =	sdelay $0x3  }
0x2d4: {  	p2 =	sne.s32 s26, $0x1;
	s26 =	sadd.s32 $0xFFFFFFFF, s26;
	[tilespmem:v15+s17+$0x0] =	vst.idx.msk $0xffff, v14;
	_ =	sdelay $0x2  }
0x2d5: {  	s28 =	spop (v2sf)  }
0x2d6: {  	s28 =	sshll.u32 s28, $0x9  }
0x2d7: {  	s29 =	spop (v2sf);
	s28 =	sshra.s32 s28, $0x2  }
0x2d8: {  	v15 =	vor.u32 s25, v0;
	s30 =	sxor.u32 $0x80000000, s29;
	s29 =	sshll.u32 s29, $0x7;
	v14 =	vld [tilespmem:s28+$0xC900]  }
0x2d9: {  	v16 =	vmov s30;
	s29 =	sadd.s32 $0x2800, s29  }
0x2da: {  	vm0 =	veq.s32 v16, v0  }
0x2db: {  	v16 =	vnsel vm0, $0x7FFFFFFF, v12;
	v13 =	vsel vm0, $0x0, v13  }
0x2dc: {  	vm0 =	veq.s32 v13, $0x0;
	(xrf0) =	vmax.scan.msk.u32 $0xffff, v16  }
0x2dd: {  	v16 =	vsel vm0, $0x80000010, v8;
	[tilespmem:v15+s17+$0x0] =	vst.idx.msk $0xffff, v14  }
0x2de: {  	v15 =	vor.u32 s25, v9;
	(xrf0) =	vmin.scan.msk.u32 $0xffff, v16;
	v14 =	vld [tilespmem:s28+$0xC910];
	_ =	sdelay $0x3  }
0x2df: {  	v16, _, _ =	vpop (xrf0)  }
0x2e0: {  	(v2sf) =	vpush v16, $0xF;
	[tilespmem:v15+s17+$0x0] =	vst.idx.msk $0xffff, v14  }
0x2e1: {  	v16 =	vor.u32 s25, v10;
	v14, _, _ =	vpop (xrf0);
	v15 =	vld [tilespmem:s28+$0xC920]  }
0x2e2: {  	(v2sf) =	vpush v14, $0xF  }
.Ltmp34:
0x2e3: {  	(pc) =	sbr.rel @p2 .LBB2_61-.Ltmp34, $3  }
0x2e4: {  	_ =	sdelay $0x1  }
0x2e5: {  	[tilespmem:v16+s17+$0x0] =	vst.idx.msk $0xffff, v15  }
0x2e6: {  	v15 =	vor.u32 s25, v11;
	s25 =	smov.u32 s29;
	v14 =	vld [tilespmem:s28+$0xC930]  }
0x2e7: {  	s28 =	smov.u32 s25  }
.LBB2_63:
0x2e8: {  	_ =	sdelay $0x6  }
0x2e9: {  	s25 =	spop @p0 (v2sf)  }
0x2ea: {  	s26 =	spop (v2sf)  }
0x2eb: {  	s29 =	sxor.u32 $0x80000000, s26  }
0x2ec: {  	v13 =	vmov s29  }
0x2ed: {  	s25 =	sshll.u32 @p0 s25, $0x9;
	vm0 =	veq.s32 v13, v0  }
0x2ee: {  	[tilespmem:v15+s17+$0x0] =	vst.idx.msk @p1 $0xffff, v14;
	s25 =	sshra.s32 @p0 s25, $0x2;
	v12 =	vnsel vm0, $0x7FFFFFFF, v12  }
0x2ef: {  	v14 =	vor.u32 @p0 s28, v0;
	v13 =	vld @p0 [tilespmem:s25+$0xC900];
	(xrf0) =	vmax.scan.msk.u32 $0xffff, v12;
	_ =	sdelay $0x4  }
0x2f0: {  	[tilespmem:v14+s17+$0x0] =	vst.idx.msk @p0 $0xffff, v13  }
0x2f1: {  	v13 =	vor.u32 @p0 s28, v9;
	v12 =	vld @p0 [tilespmem:s25+$0xC910];
	v59, _, _ =	vpop (xrf0)  }
0x2f2: {  	(v2sf) =	vpush v59, $0xF;
	_ =	sdelay $0x3  }
0x2f3: {  	[tilespmem:v13+s17+$0x0] =	vst.idx.msk @p0 $0xffff, v12  }
0x2f4: {  	v13 =	vor.u32 @p0 s28, v10;
	v12 =	vld @p0 [tilespmem:s25+$0xC920];
	_ =	sdelay $0x4  }
0x2f5: {  	[tilespmem:v13+s17+$0x0] =	vst.idx.msk @p0 $0xffff, v12  }
0x2f6: {  	v13 =	vor.u32 @p0 s28, v11;
	v12 =	vld @p0 [tilespmem:s25+$0xC930]  }
0x2f7: {  	v13 =	vpsel p0, v13, v0;
	_ =	sdelay $0x2  }
0x2f8: {  	s31 =	spop (v2sf)  }
0x2f9: {  	s26 =	sshll.u32 s26, $0x7;
	v12 =	vpsel p0, v12, v0;
	s25 =	sshll.u32 s31, $0x9  }
0x2fa: {  	s26 =	sadd.s32 $0x2800, s26;
	[tilespmem:v13+s17+$0x0] =	vst.idx.msk @p0 $0xffff, v12;
	s25 =	sshra.s32 s25, $0x2  }
0x2fb: {  	v60 =	vor.u32 s26, v0;
	v12 =	vld [tilespmem:s25+$0xC900];
	_ =	sdelay $0x4  }
0x2fc: {  	[tilespmem:v60+s17+$0x0] =	vst.idx.msk $0xffff, v12  }
0x2fd: {  	v61 =	vor.u32 s26, v9;
	v12 =	vld [tilespmem:s25+$0xC910];
	_ =	sdelay $0x4  }
0x2fe: {  	[tilespmem:v61+s17+$0x0] =	vst.idx.msk $0xffff, v12  }
0x2ff: {  	v62 =	vor.u32 s26, v10;
	v12 =	vld [tilespmem:s25+$0xC920];
	_ =	sdelay $0x4  }
0x300: {  	[tilespmem:v62+s17+$0x0] =	vst.idx.msk $0xffff, v12  }
0x301: {  	v63 =	vor.u32 s26, v11;
	v12 =	vld [tilespmem:s25+$0xC930];
	_ =	sdelay $0x4  }
0x302: {  	[tilespmem:v63+s17+$0x0] =	vst.idx.msk $0xffff, v12  }
.LBB2_64:
0x303: {  	v12 =	vld [tilespmem:$0x6460];
	_ =	sdelay $0x4  }
0x304: {  	vm0 =	vgt.s32 v12, $0xF41FF  }
0x305: {  	v13 =	vsel vm0, $0x1, v7  }
0x306: {  	(xrf0) =	vadd.scan.msk.s32 $0xffff, v13;
	_ =	sdelay $0x5  }
0x307: {  	v14, _, _ =	vpop (xrf0)  }
0x308: {  	(v2sf) =	vpush v14, $0xF;
	_ =	sdelay $0xe  }
0x309: {  	s25 =	spop (v2sf)  }
0x30a: {  	p0 =	slt.s32 s25, $0x1  }
.Ltmp35:
0x30b: {  	_ = 	snop;
	(pc) =	sbr.rel @p0 .LBB2_74-.Ltmp35, $1  }
0x30c: {  	_ =	sdelay $0x3  }
0x30d: {  	vm0 =	veq.s32 v13, $0x0  }
0x30e: {  	v14 =	vsel vm0, $0x80000010, v8  }
0x30f: {  	(xrf0) =	vmin.scan.msk.u32 $0xffff, v14;
	_ =	sdelay $0x1  }
0x310: {  	p2 =	sne.s32 s25, $0x1  }
.Ltmp36:
0x311: {  	_ = 	snop;
	(pc) =	sbr.rel @!p2 .LBB2_66-.Ltmp36, $3  }
0x312: {  	_ =	sdelay $0x1  }
0x313: {  	v14, _, _ =	vpop (xrf0)  }
0x314: {  	v12 =	vadd.s32 $0x7FF0BE00, v12;
	s25 =	sadd.s32 $0xFFFFFFFF, s25;
	p0 =	por $0x0, $0x0;
	p1 =	por $0x0, $0x0;
	(v2sf) =	vpush v14, $0xF  }
0x315: {  	_ =	sdelay $0xd  }
0x316: {  	s26 =	spop (v2sf)  }
0x317: {  	s28 =	sxor.u32 $0x80000000, s26  }
0x318: {  	v14 =	vmov s28  }
0x319: {  	vm0 =	veq.s32 v14, v0  }
0x31a: {  	v13 =	vsel vm0, $0x0, v13  }
0x31b: {  	v14 =	vnsel vm0, $0x7FFFFFFF, v12;
	vm15 =	veq.s32 v13, $0x0  }
0x31c: {  	(xrf0) =	vmax.scan.msk.u32 $0xffff, v14;
	v14 =	vsel vm15, $0x80000010, v8  }
0x31d: {  	(xrf0) =	vmin.scan.msk.u32 $0xffff, v14;
	_ =	sdelay $0x1  }
0x31e: {  	p2 =	sne.s32 s25, $0x1  }
.Ltmp37:
0x31f: {  	_ = 	snop;
	(pc) =	sbr.rel @!p2 .LBB2_68-.Ltmp37, $4  }
0x320: {  	_ = 	snop  }
0x321: {  	v14, _, _ =	vpop (xrf0)  }
0x322: {  	s26 =	sshll.u32 s26, $0x7;
	(v2sf) =	vpush v14, $0xF;
	v14, _, _ =	vpop (xrf0)  }
0x323: {  	s25 =	sadd.s32 $0xFFFFFFFF, s25;
	p0 =	por $0x1, $0x1;
	s28 =	sadd.s32 $0x3000, s26;
	(v2sf) =	vpush v14, $0xF  }
0x324: {  	_ =	sdelay $0xc  }
0x325: {  	s26 =	spop (v2sf)  }
0x326: {  	s26 =	sshll.u32 s26, $0x9  }
0x327: {  	s29 =	sshra.s32 s26, $0x2  }
0x328: {  	v15 =	vor.u32 s28, v0;
	v14 =	vld [tilespmem:s29+$0xC900];
	_ =	sdelay $0x2  }
0x329: {  	s31 =	spop (v2sf)  }
0x32a: {  	s30 =	sxor.u32 $0x80000000, s31  }
0x32b: {  	[tilespmem:v15+s17+$0x0] =	vst.idx.msk $0xffff, v14;
	v14 =	vmov s30  }
0x32c: {  	vm0 =	veq.s32 v14, v0  }
0x32d: {  	v13 =	vsel vm0, $0x0, v13;
	v14 =	vnsel vm0, $0x7FFFFFFF, v12  }
0x32e: {  	vm15 =	veq.s32 v13, $0x0;
	(xrf0) =	vmax.scan.msk.u32 $0xffff, v14  }
0x32f: {  	v16 =	vor.u32 s28, v9;
	v15 =	vld [tilespmem:s29+$0xC910];
	v14 =	vsel vm15, $0x80000010, v8  }
0x330: {  	(xrf0) =	vmin.scan.msk.u32 $0xffff, v14;
	_ =	sdelay $0x3  }
0x331: {  	[tilespmem:v16+s17+$0x0] =	vst.idx.msk $0xffff, v15;
	v16, _, _ =	vpop (xrf0)  }
0x332: {  	(v2sf) =	vpush v16, $0xF  }
0x333: {  	v15 =	vor.u32 s28, v10;
	v14 =	vld [tilespmem:s29+$0xC920];
	v16, _, _ =	vpop (xrf0)  }
0x334: {  	p2 =	sne.s32 s25, $0x1;
	(v2sf) =	vpush v16, $0xF  }
.Ltmp38:
0x335: {  	_ = 	snop;
	(pc) =	sbr.rel @!p2 .LBB2_70-.Ltmp38, $3  }
0x336: {  	_ =	sdelay $0x1  }
0x337: {  	s31 =	sshll.u32 s31, $0x7;
	[tilespmem:v15+s17+$0x0] =	vst.idx.msk $0xffff, v14  }
0x338: {  	p1 =	por $0x1, $0x1;
	s26 =	sadd.s32 $0xFFFFFFFF, s25;
	s25 =	sadd.s32 $0x3000, s31;
	v15 =	vor.u32 s28, v11;
	v14 =	vld [tilespmem:s29+$0xC930]  }
.LBB2_71:
0x339: {  	_ =	sdelay $0x3  }
0x33a: {  	p2 =	sne.s32 s26, $0x1;
	s26 =	sadd.s32 $0xFFFFFFFF, s26;
	[tilespmem:v15+s17+$0x0] =	vst.idx.msk $0xffff, v14;
	_ =	sdelay $0x2  }
0x33b: {  	s28 =	spop (v2sf)  }
0x33c: {  	s28 =	sshll.u32 s28, $0x9  }
0x33d: {  	s29 =	spop (v2sf);
	s28 =	sshra.s32 s28, $0x2  }
0x33e: {  	v15 =	vor.u32 s25, v0;
	s30 =	sxor.u32 $0x80000000, s29;
	s29 =	sshll.u32 s29, $0x7;
	v14 =	vld [tilespmem:s28+$0xC900]  }
0x33f: {  	v16 =	vmov s30;
	s29 =	sadd.s32 $0x3000, s29  }
0x340: {  	vm0 =	veq.s32 v16, v0  }
0x341: {  	v16 =	vnsel vm0, $0x7FFFFFFF, v12;
	v13 =	vsel vm0, $0x0, v13  }
0x342: {  	vm0 =	veq.s32 v13, $0x0;
	(xrf0) =	vmax.scan.msk.u32 $0xffff, v16  }
0x343: {  	v16 =	vsel vm0, $0x80000010, v8;
	[tilespmem:v15+s17+$0x0] =	vst.idx.msk $0xffff, v14  }
0x344: {  	v15 =	vor.u32 s25, v9;
	(xrf0) =	vmin.scan.msk.u32 $0xffff, v16;
	v14 =	vld [tilespmem:s28+$0xC910];
	_ =	sdelay $0x3  }
0x345: {  	v16, _, _ =	vpop (xrf0)  }
0x346: {  	(v2sf) =	vpush v16, $0xF;
	[tilespmem:v15+s17+$0x0] =	vst.idx.msk $0xffff, v14  }
0x347: {  	v16 =	vor.u32 s25, v10;
	v14, _, _ =	vpop (xrf0);
	v15 =	vld [tilespmem:s28+$0xC920]  }
0x348: {  	(v2sf) =	vpush v14, $0xF  }
.Ltmp39:
0x349: {  	(pc) =	sbr.rel @p2 .LBB2_71-.Ltmp39, $3  }
0x34a: {  	_ =	sdelay $0x1  }
0x34b: {  	[tilespmem:v16+s17+$0x0] =	vst.idx.msk $0xffff, v15  }
0x34c: {  	v15 =	vor.u32 s25, v11;
	s25 =	smov.u32 s29;
	v14 =	vld [tilespmem:s28+$0xC930]  }
0x34d: {  	s28 =	smov.u32 s25  }
.LBB2_73:
0x34e: {  	_ =	sdelay $0x6  }
0x34f: {  	s25 =	spop @p0 (v2sf)  }
0x350: {  	s26 =	spop (v2sf)  }
0x351: {  	s29 =	sxor.u32 $0x80000000, s26  }
0x352: {  	v13 =	vmov s29  }
0x353: {  	s25 =	sshll.u32 @p0 s25, $0x9;
	vm0 =	veq.s32 v13, v0  }
0x354: {  	[tilespmem:v15+s17+$0x0] =	vst.idx.msk @p1 $0xffff, v14;
	s25 =	sshra.s32 @p0 s25, $0x2;
	v12 =	vnsel vm0, $0x7FFFFFFF, v12  }
0x355: {  	v14 =	vor.u32 @p0 s28, v0;
	v13 =	vld @p0 [tilespmem:s25+$0xC900];
	(xrf0) =	vmax.scan.msk.u32 $0xffff, v12;
	_ =	sdelay $0x4  }
0x356: {  	[tilespmem:v14+s17+$0x0] =	vst.idx.msk @p0 $0xffff, v13  }
0x357: {  	v13 =	vor.u32 @p0 s28, v9;
	v12 =	vld @p0 [tilespmem:s25+$0xC910];
	v59, _, _ =	vpop (xrf0)  }
0x358: {  	(v2sf) =	vpush v59, $0xF;
	_ =	sdelay $0x3  }
0x359: {  	[tilespmem:v13+s17+$0x0] =	vst.idx.msk @p0 $0xffff, v12  }
0x35a: {  	v13 =	vor.u32 @p0 s28, v10;
	v12 =	vld @p0 [tilespmem:s25+$0xC920];
	_ =	sdelay $0x4  }
0x35b: {  	[tilespmem:v13+s17+$0x0] =	vst.idx.msk @p0 $0xffff, v12  }
0x35c: {  	v13 =	vor.u32 @p0 s28, v11;
	v12 =	vld @p0 [tilespmem:s25+$0xC930]  }
0x35d: {  	v13 =	vpsel p0, v13, v0;
	_ =	sdelay $0x2  }
0x35e: {  	s31 =	spop (v2sf)  }
0x35f: {  	s26 =	sshll.u32 s26, $0x7;
	v12 =	vpsel p0, v12, v0;
	s25 =	sshll.u32 s31, $0x9  }
0x360: {  	s26 =	sadd.s32 $0x3000, s26;
	[tilespmem:v13+s17+$0x0] =	vst.idx.msk @p0 $0xffff, v12;
	s25 =	sshra.s32 s25, $0x2  }
0x361: {  	v60 =	vor.u32 s26, v0;
	v12 =	vld [tilespmem:s25+$0xC900];
	_ =	sdelay $0x4  }
0x362: {  	[tilespmem:v60+s17+$0x0] =	vst.idx.msk $0xffff, v12  }
0x363: {  	v61 =	vor.u32 s26, v9;
	v12 =	vld [tilespmem:s25+$0xC910];
	_ =	sdelay $0x4  }
0x364: {  	[tilespmem:v61+s17+$0x0] =	vst.idx.msk $0xffff, v12  }
0x365: {  	v62 =	vor.u32 s26, v10;
	v12 =	vld [tilespmem:s25+$0xC920];
	_ =	sdelay $0x4  }
0x366: {  	[tilespmem:v62+s17+$0x0] =	vst.idx.msk $0xffff, v12  }
0x367: {  	v63 =	vor.u32 s26, v11;
	v12 =	vld [tilespmem:s25+$0xC930];
	_ =	sdelay $0x4  }
0x368: {  	[tilespmem:v63+s17+$0x0] =	vst.idx.msk $0xffff, v12  }
.LBB2_74:
0x369: {  	v12 =	vld [tilespmem:$0x6470];
	_ =	sdelay $0x4  }
0x36a: {  	vm0 =	vgt.s32 v12, $0xF41FF  }
0x36b: {  	v13 =	vsel vm0, $0x1, v7  }
0x36c: {  	(xrf0) =	vadd.scan.msk.s32 $0xffff, v13;
	_ =	sdelay $0x5  }
0x36d: {  	v14, _, _ =	vpop (xrf0)  }
0x36e: {  	(v2sf) =	vpush v14, $0xF;
	_ =	sdelay $0xe  }
0x36f: {  	s25 =	spop (v2sf)  }
0x370: {  	p0 =	slt.s32 s25, $0x1  }
.Ltmp40:
0x371: {  	_ = 	snop;
	(pc) =	sbr.rel @p0 .LBB2_84-.Ltmp40, $1  }
0x372: {  	_ =	sdelay $0x3  }
0x373: {  	vm0 =	veq.s32 v13, $0x0  }
0x374: {  	v14 =	vsel vm0, $0x80000010, v8  }
0x375: {  	(xrf0) =	vmin.scan.msk.u32 $0xffff, v14;
	_ =	sdelay $0x1  }
0x376: {  	p2 =	sne.s32 s25, $0x1  }
.Ltmp41:
0x377: {  	_ = 	snop;
	(pc) =	sbr.rel @!p2 .LBB2_76-.Ltmp41, $3  }
0x378: {  	_ =	sdelay $0x1  }
0x379: {  	v14, _, _ =	vpop (xrf0)  }
0x37a: {  	v12 =	vadd.s32 $0x7FF0BE00, v12;
	s25 =	sadd.s32 $0xFFFFFFFF, s25;
	p0 =	por $0x0, $0x0;
	p1 =	por $0x0, $0x0;
	(v2sf) =	vpush v14, $0xF  }
0x37b: {  	_ =	sdelay $0xd  }
0x37c: {  	s26 =	spop (v2sf)  }
0x37d: {  	s28 =	sxor.u32 $0x80000000, s26  }
0x37e: {  	v14 =	vmov s28  }
0x37f: {  	vm0 =	veq.s32 v14, v0  }
0x380: {  	v13 =	vsel vm0, $0x0, v13  }
0x381: {  	v14 =	vnsel vm0, $0x7FFFFFFF, v12;
	vm15 =	veq.s32 v13, $0x0  }
0x382: {  	(xrf0) =	vmax.scan.msk.u32 $0xffff, v14;
	v14 =	vsel vm15, $0x80000010, v8  }
0x383: {  	(xrf0) =	vmin.scan.msk.u32 $0xffff, v14;
	_ =	sdelay $0x1  }
0x384: {  	p2 =	sne.s32 s25, $0x1  }
.Ltmp42:
0x385: {  	_ = 	snop;
	(pc) =	sbr.rel @!p2 .LBB2_78-.Ltmp42, $4  }
0x386: {  	_ = 	snop  }
0x387: {  	v14, _, _ =	vpop (xrf0)  }
0x388: {  	s26 =	sshll.u32 s26, $0x7;
	(v2sf) =	vpush v14, $0xF;
	v14, _, _ =	vpop (xrf0)  }
0x389: {  	s25 =	sadd.s32 $0xFFFFFFFF, s25;
	p0 =	por $0x1, $0x1;
	s28 =	sadd.s32 $0x3800, s26;
	(v2sf) =	vpush v14, $0xF  }
0x38a: {  	_ =	sdelay $0xc  }
0x38b: {  	s26 =	spop (v2sf)  }
0x38c: {  	s26 =	sshll.u32 s26, $0x9  }
0x38d: {  	s29 =	sshra.s32 s26, $0x2  }
0x38e: {  	v15 =	vor.u32 s28, v0;
	v14 =	vld [tilespmem:s29+$0xC900];
	_ =	sdelay $0x2  }
0x38f: {  	s31 =	spop (v2sf)  }
0x390: {  	s30 =	sxor.u32 $0x80000000, s31  }
0x391: {  	[tilespmem:v15+s17+$0x0] =	vst.idx.msk $0xffff, v14;
	v14 =	vmov s30  }
0x392: {  	vm0 =	veq.s32 v14, v0  }
0x393: {  	v13 =	vsel vm0, $0x0, v13;
	v14 =	vnsel vm0, $0x7FFFFFFF, v12  }
0x394: {  	vm15 =	veq.s32 v13, $0x0;
	(xrf0) =	vmax.scan.msk.u32 $0xffff, v14  }
0x395: {  	v16 =	vor.u32 s28, v9;
	v15 =	vld [tilespmem:s29+$0xC910];
	v14 =	vsel vm15, $0x80000010, v8  }
0x396: {  	(xrf0) =	vmin.scan.msk.u32 $0xffff, v14;
	_ =	sdelay $0x3  }
0x397: {  	[tilespmem:v16+s17+$0x0] =	vst.idx.msk $0xffff, v15;
	v16, _, _ =	vpop (xrf0)  }
0x398: {  	(v2sf) =	vpush v16, $0xF  }
0x399: {  	v15 =	vor.u32 s28, v10;
	v14 =	vld [tilespmem:s29+$0xC920];
	v16, _, _ =	vpop (xrf0)  }
0x39a: {  	p2 =	sne.s32 s25, $0x1;
	(v2sf) =	vpush v16, $0xF  }
.Ltmp43:
0x39b: {  	_ = 	snop;
	(pc) =	sbr.rel @!p2 .LBB2_80-.Ltmp43, $3  }
0x39c: {  	_ =	sdelay $0x1  }
0x39d: {  	s31 =	sshll.u32 s31, $0x7;
	[tilespmem:v15+s17+$0x0] =	vst.idx.msk $0xffff, v14  }
0x39e: {  	p1 =	por $0x1, $0x1;
	s26 =	sadd.s32 $0xFFFFFFFF, s25;
	s25 =	sadd.s32 $0x3800, s31;
	v15 =	vor.u32 s28, v11;
	v14 =	vld [tilespmem:s29+$0xC930]  }
.LBB2_81:
0x39f: {  	_ =	sdelay $0x3  }
0x3a0: {  	p2 =	sne.s32 s26, $0x1;
	s26 =	sadd.s32 $0xFFFFFFFF, s26;
	[tilespmem:v15+s17+$0x0] =	vst.idx.msk $0xffff, v14;
	_ =	sdelay $0x2  }
0x3a1: {  	s28 =	spop (v2sf)  }
0x3a2: {  	s28 =	sshll.u32 s28, $0x9  }
0x3a3: {  	s29 =	spop (v2sf);
	s28 =	sshra.s32 s28, $0x2  }
0x3a4: {  	v15 =	vor.u32 s25, v0;
	s30 =	sxor.u32 $0x80000000, s29;
	s29 =	sshll.u32 s29, $0x7;
	v14 =	vld [tilespmem:s28+$0xC900]  }
0x3a5: {  	v16 =	vmov s30;
	s29 =	sadd.s32 $0x3800, s29  }
0x3a6: {  	vm0 =	veq.s32 v16, v0  }
0x3a7: {  	v16 =	vnsel vm0, $0x7FFFFFFF, v12;
	v13 =	vsel vm0, $0x0, v13  }
0x3a8: {  	vm0 =	veq.s32 v13, $0x0;
	(xrf0) =	vmax.scan.msk.u32 $0xffff, v16  }
0x3a9: {  	v16 =	vsel vm0, $0x80000010, v8;
	[tilespmem:v15+s17+$0x0] =	vst.idx.msk $0xffff, v14  }
0x3aa: {  	v15 =	vor.u32 s25, v9;
	(xrf0) =	vmin.scan.msk.u32 $0xffff, v16;
	v14 =	vld [tilespmem:s28+$0xC910];
	_ =	sdelay $0x3  }
0x3ab: {  	v16, _, _ =	vpop (xrf0)  }
0x3ac: {  	(v2sf) =	vpush v16, $0xF;
	[tilespmem:v15+s17+$0x0] =	vst.idx.msk $0xffff, v14  }
0x3ad: {  	v16 =	vor.u32 s25, v10;
	v14, _, _ =	vpop (xrf0);
	v15 =	vld [tilespmem:s28+$0xC920]  }
0x3ae: {  	(v2sf) =	vpush v14, $0xF  }
.Ltmp44:
0x3af: {  	(pc) =	sbr.rel @p2 .LBB2_81-.Ltmp44, $3  }
0x3b0: {  	_ =	sdelay $0x1  }
0x3b1: {  	[tilespmem:v16+s17+$0x0] =	vst.idx.msk $0xffff, v15  }
0x3b2: {  	v15 =	vor.u32 s25, v11;
	s25 =	smov.u32 s29;
	v14 =	vld [tilespmem:s28+$0xC930]  }
0x3b3: {  	s28 =	smov.u32 s25  }
.LBB2_83:
0x3b4: {  	_ =	sdelay $0x6  }
0x3b5: {  	s25 =	spop @p0 (v2sf)  }
0x3b6: {  	s26 =	spop (v2sf)  }
0x3b7: {  	s29 =	sxor.u32 $0x80000000, s26  }
0x3b8: {  	v13 =	vmov s29  }
0x3b9: {  	s25 =	sshll.u32 @p0 s25, $0x9;
	vm0 =	veq.s32 v13, v0  }
0x3ba: {  	[tilespmem:v15+s17+$0x0] =	vst.idx.msk @p1 $0xffff, v14;
	s25 =	sshra.s32 @p0 s25, $0x2;
	v12 =	vnsel vm0, $0x7FFFFFFF, v12  }
0x3bb: {  	v14 =	vor.u32 @p0 s28, v0;
	v13 =	vld @p0 [tilespmem:s25+$0xC900];
	(xrf0) =	vmax.scan.msk.u32 $0xffff, v12;
	_ =	sdelay $0x4  }
0x3bc: {  	[tilespmem:v14+s17+$0x0] =	vst.idx.msk @p0 $0xffff, v13  }
0x3bd: {  	v13 =	vor.u32 @p0 s28, v9;
	v12 =	vld @p0 [tilespmem:s25+$0xC910];
	v59, _, _ =	vpop (xrf0)  }
0x3be: {  	(v2sf) =	vpush v59, $0xF;
	_ =	sdelay $0x3  }
0x3bf: {  	[tilespmem:v13+s17+$0x0] =	vst.idx.msk @p0 $0xffff, v12  }
0x3c0: {  	v13 =	vor.u32 @p0 s28, v10;
	v12 =	vld @p0 [tilespmem:s25+$0xC920];
	_ =	sdelay $0x4  }
0x3c1: {  	[tilespmem:v13+s17+$0x0] =	vst.idx.msk @p0 $0xffff, v12  }
0x3c2: {  	v13 =	vor.u32 @p0 s28, v11;
	v12 =	vld @p0 [tilespmem:s25+$0xC930]  }
0x3c3: {  	v13 =	vpsel p0, v13, v0;
	_ =	sdelay $0x2  }
0x3c4: {  	s31 =	spop (v2sf)  }
0x3c5: {  	s26 =	sshll.u32 s26, $0x7;
	v12 =	vpsel p0, v12, v0;
	s25 =	sshll.u32 s31, $0x9  }
0x3c6: {  	s26 =	sadd.s32 $0x3800, s26;
	[tilespmem:v13+s17+$0x0] =	vst.idx.msk @p0 $0xffff, v12;
	s25 =	sshra.s32 s25, $0x2  }
0x3c7: {  	v60 =	vor.u32 s26, v0;
	v12 =	vld [tilespmem:s25+$0xC900];
	_ =	sdelay $0x4  }
0x3c8: {  	[tilespmem:v60+s17+$0x0] =	vst.idx.msk $0xffff, v12  }
0x3c9: {  	v61 =	vor.u32 s26, v9;
	v12 =	vld [tilespmem:s25+$0xC910];
	_ =	sdelay $0x4  }
0x3ca: {  	[tilespmem:v61+s17+$0x0] =	vst.idx.msk $0xffff, v12  }
0x3cb: {  	v62 =	vor.u32 s26, v10;
	v12 =	vld [tilespmem:s25+$0xC920];
	_ =	sdelay $0x4  }
0x3cc: {  	[tilespmem:v62+s17+$0x0] =	vst.idx.msk $0xffff, v12  }
0x3cd: {  	v63 =	vor.u32 s26, v11;
	v12 =	vld [tilespmem:s25+$0xC930];
	_ =	sdelay $0x4  }
0x3ce: {  	[tilespmem:v63+s17+$0x0] =	vst.idx.msk $0xffff, v12  }
.LBB2_84:
0x3cf: {  	_ =	swait.ge [sflag:s22], $0x2400  }
0x3d0: {  	[sflag:s22] =	ssyncset.done $0x0  }
0x3d1: {  	[sflag:s22] =	ssyncadd.s32 $0xFFFFDC00  }
0x3d2: {  	v12 =	vld [tilespmem:$0x6480];
	_ =	sdelay $0x4  }
0x3d3: {  	vm0 =	vgt.s32 v12, $0xF41FF  }
0x3d4: {  	v13 =	vsel vm0, $0x1, v7  }
0x3d5: {  	(xrf0) =	vadd.scan.msk.s32 $0xffff, v13;
	_ =	sdelay $0x5  }
0x3d6: {  	v14, _, _ =	vpop (xrf0)  }
0x3d7: {  	(v2sf) =	vpush v14, $0xF;
	_ =	sdelay $0xe  }
0x3d8: {  	s25 =	spop (v2sf)  }
0x3d9: {  	p0 =	slt.s32 s25, $0x1  }
.Ltmp45:
0x3da: {  	_ = 	snop;
	(pc) =	sbr.rel @p0 .LBB2_94-.Ltmp45, $1  }
0x3db: {  	_ =	sdelay $0x3  }
0x3dc: {  	vm0 =	veq.s32 v13, $0x0  }
0x3dd: {  	v14 =	vsel vm0, $0x80000010, v8  }
0x3de: {  	(xrf0) =	vmin.scan.msk.u32 $0xffff, v14;
	_ =	sdelay $0x1  }
0x3df: {  	p2 =	sne.s32 s25, $0x1  }
.Ltmp46:
0x3e0: {  	_ = 	snop;
	(pc) =	sbr.rel @!p2 .LBB2_86-.Ltmp46, $3  }
0x3e1: {  	_ =	sdelay $0x1  }
0x3e2: {  	v14, _, _ =	vpop (xrf0)  }
0x3e3: {  	v12 =	vadd.s32 $0x7FF0BE00, v12;
	s25 =	sadd.s32 $0xFFFFFFFF, s25;
	p0 =	por $0x0, $0x0;
	p1 =	por $0x0, $0x0;
	(v2sf) =	vpush v14, $0xF  }
0x3e4: {  	_ =	sdelay $0xd  }
0x3e5: {  	s26 =	spop (v2sf)  }
0x3e6: {  	s28 =	sxor.u32 $0x80000000, s26  }
0x3e7: {  	v14 =	vmov s28  }
0x3e8: {  	vm0 =	veq.s32 v14, v0  }
0x3e9: {  	v13 =	vsel vm0, $0x0, v13  }
0x3ea: {  	v14 =	vnsel vm0, $0x7FFFFFFF, v12;
	vm15 =	veq.s32 v13, $0x0  }
0x3eb: {  	(xrf0) =	vmax.scan.msk.u32 $0xffff, v14;
	v14 =	vsel vm15, $0x80000010, v8  }
0x3ec: {  	(xrf0) =	vmin.scan.msk.u32 $0xffff, v14;
	_ =	sdelay $0x1  }
0x3ed: {  	p2 =	sne.s32 s25, $0x1  }
.Ltmp47:
0x3ee: {  	_ = 	snop;
	(pc) =	sbr.rel @!p2 .LBB2_88-.Ltmp47, $4  }
0x3ef: {  	_ = 	snop  }
0x3f0: {  	v14, _, _ =	vpop (xrf0)  }
0x3f1: {  	s26 =	sshll.u32 s26, $0x7;
	(v2sf) =	vpush v14, $0xF;
	v14, _, _ =	vpop (xrf0)  }
0x3f2: {  	s25 =	sadd.s32 $0xFFFFFFFF, s25;
	p0 =	por $0x1, $0x1;
	s28 =	sadd.s32 $0x4000, s26;
	(v2sf) =	vpush v14, $0xF  }
0x3f3: {  	_ =	sdelay $0xc  }
0x3f4: {  	s26 =	spop (v2sf)  }
0x3f5: {  	s26 =	sshll.u32 s26, $0x9  }
0x3f6: {  	s29 =	sshra.s32 s26, $0x2  }
0x3f7: {  	v15 =	vor.u32 s28, v0;
	v14 =	vld [tilespmem:s29+$0xC900];
	_ =	sdelay $0x2  }
0x3f8: {  	s31 =	spop (v2sf)  }
0x3f9: {  	s30 =	sxor.u32 $0x80000000, s31  }
0x3fa: {  	[tilespmem:v15+s17+$0x0] =	vst.idx.msk $0xffff, v14;
	v14 =	vmov s30  }
0x3fb: {  	vm0 =	veq.s32 v14, v0  }
0x3fc: {  	v13 =	vsel vm0, $0x0, v13;
	v14 =	vnsel vm0, $0x7FFFFFFF, v12  }
0x3fd: {  	vm15 =	veq.s32 v13, $0x0;
	(xrf0) =	vmax.scan.msk.u32 $0xffff, v14  }
0x3fe: {  	v16 =	vor.u32 s28, v9;
	v15 =	vld [tilespmem:s29+$0xC910];
	v14 =	vsel vm15, $0x80000010, v8  }
0x3ff: {  	(xrf0) =	vmin.scan.msk.u32 $0xffff, v14;
	_ =	sdelay $0x3  }
0x400: {  	[tilespmem:v16+s17+$0x0] =	vst.idx.msk $0xffff, v15;
	v16, _, _ =	vpop (xrf0)  }
0x401: {  	(v2sf) =	vpush v16, $0xF  }
0x402: {  	v15 =	vor.u32 s28, v10;
	v14 =	vld [tilespmem:s29+$0xC920];
	v16, _, _ =	vpop (xrf0)  }
0x403: {  	p2 =	sne.s32 s25, $0x1;
	(v2sf) =	vpush v16, $0xF  }
.Ltmp48:
0x404: {  	_ = 	snop;
	(pc) =	sbr.rel @!p2 .LBB2_90-.Ltmp48, $3  }
0x405: {  	_ =	sdelay $0x1  }
0x406: {  	s31 =	sshll.u32 s31, $0x7;
	[tilespmem:v15+s17+$0x0] =	vst.idx.msk $0xffff, v14  }
0x407: {  	p1 =	por $0x1, $0x1;
	s26 =	sadd.s32 $0xFFFFFFFF, s25;
	s25 =	sadd.s32 $0x4000, s31;
	v15 =	vor.u32 s28, v11;
	v14 =	vld [tilespmem:s29+$0xC930]  }
.LBB2_91:
0x408: {  	_ =	sdelay $0x3  }
0x409: {  	p2 =	sne.s32 s26, $0x1;
	s26 =	sadd.s32 $0xFFFFFFFF, s26;
	[tilespmem:v15+s17+$0x0] =	vst.idx.msk $0xffff, v14;
	_ =	sdelay $0x2  }
0x40a: {  	s28 =	spop (v2sf)  }
0x40b: {  	s28 =	sshll.u32 s28, $0x9  }
0x40c: {  	s29 =	spop (v2sf);
	s28 =	sshra.s32 s28, $0x2  }
0x40d: {  	v15 =	vor.u32 s25, v0;
	s30 =	sxor.u32 $0x80000000, s29;
	s29 =	sshll.u32 s29, $0x7;
	v14 =	vld [tilespmem:s28+$0xC900]  }
0x40e: {  	v16 =	vmov s30;
	s29 =	sadd.s32 $0x4000, s29  }
0x40f: {  	vm0 =	veq.s32 v16, v0  }
0x410: {  	v16 =	vnsel vm0, $0x7FFFFFFF, v12;
	v13 =	vsel vm0, $0x0, v13  }
0x411: {  	vm0 =	veq.s32 v13, $0x0;
	(xrf0) =	vmax.scan.msk.u32 $0xffff, v16  }
0x412: {  	v16 =	vsel vm0, $0x80000010, v8;
	[tilespmem:v15+s17+$0x0] =	vst.idx.msk $0xffff, v14  }
0x413: {  	v15 =	vor.u32 s25, v9;
	(xrf0) =	vmin.scan.msk.u32 $0xffff, v16;
	v14 =	vld [tilespmem:s28+$0xC910];
	_ =	sdelay $0x3  }
0x414: {  	v16, _, _ =	vpop (xrf0)  }
0x415: {  	(v2sf) =	vpush v16, $0xF;
	[tilespmem:v15+s17+$0x0] =	vst.idx.msk $0xffff, v14  }
0x416: {  	v16 =	vor.u32 s25, v10;
	v14, _, _ =	vpop (xrf0);
	v15 =	vld [tilespmem:s28+$0xC920]  }
0x417: {  	(v2sf) =	vpush v14, $0xF  }
.Ltmp49:
0x418: {  	(pc) =	sbr.rel @p2 .LBB2_91-.Ltmp49, $3  }
0x419: {  	_ =	sdelay $0x1  }
0x41a: {  	[tilespmem:v16+s17+$0x0] =	vst.idx.msk $0xffff, v15  }
0x41b: {  	v15 =	vor.u32 s25, v11;
	s25 =	smov.u32 s29;
	v14 =	vld [tilespmem:s28+$0xC930]  }
0x41c: {  	s28 =	smov.u32 s25  }
.LBB2_93:
0x41d: {  	_ =	sdelay $0x6  }
0x41e: {  	s25 =	spop @p0 (v2sf)  }
0x41f: {  	s26 =	spop (v2sf)  }
0x420: {  	s29 =	sxor.u32 $0x80000000, s26  }
0x421: {  	v13 =	vmov s29  }
0x422: {  	s25 =	sshll.u32 @p0 s25, $0x9;
	vm0 =	veq.s32 v13, v0  }
0x423: {  	[tilespmem:v15+s17+$0x0] =	vst.idx.msk @p1 $0xffff, v14;
	s25 =	sshra.s32 @p0 s25, $0x2;
	v12 =	vnsel vm0, $0x7FFFFFFF, v12  }
0x424: {  	v14 =	vor.u32 @p0 s28, v0;
	v13 =	vld @p0 [tilespmem:s25+$0xC900];
	(xrf0) =	vmax.scan.msk.u32 $0xffff, v12;
	_ =	sdelay $0x4  }
0x425: {  	[tilespmem:v14+s17+$0x0] =	vst.idx.msk @p0 $0xffff, v13  }
0x426: {  	v13 =	vor.u32 @p0 s28, v9;
	v12 =	vld @p0 [tilespmem:s25+$0xC910];
	v59, _, _ =	vpop (xrf0)  }
0x427: {  	(v2sf) =	vpush v59, $0xF;
	_ =	sdelay $0x3  }
0x428: {  	[tilespmem:v13+s17+$0x0] =	vst.idx.msk @p0 $0xffff, v12  }
0x429: {  	v13 =	vor.u32 @p0 s28, v10;
	v12 =	vld @p0 [tilespmem:s25+$0xC920];
	_ =	sdelay $0x4  }
0x42a: {  	[tilespmem:v13+s17+$0x0] =	vst.idx.msk @p0 $0xffff, v12  }
0x42b: {  	v13 =	vor.u32 @p0 s28, v11;
	v12 =	vld @p0 [tilespmem:s25+$0xC930]  }
0x42c: {  	v13 =	vpsel p0, v13, v0;
	_ =	sdelay $0x2  }
0x42d: {  	s31 =	spop (v2sf)  }
0x42e: {  	s26 =	sshll.u32 s26, $0x7;
	v12 =	vpsel p0, v12, v0;
	s25 =	sshll.u32 s31, $0x9  }
0x42f: {  	s26 =	sadd.s32 $0x4000, s26;
	[tilespmem:v13+s17+$0x0] =	vst.idx.msk @p0 $0xffff, v12;
	s25 =	sshra.s32 s25, $0x2  }
0x430: {  	v60 =	vor.u32 s26, v0;
	v12 =	vld [tilespmem:s25+$0xC900];
	_ =	sdelay $0x4  }
0x431: {  	[tilespmem:v60+s17+$0x0] =	vst.idx.msk $0xffff, v12  }
0x432: {  	v61 =	vor.u32 s26, v9;
	v12 =	vld [tilespmem:s25+$0xC910];
	_ =	sdelay $0x4  }
0x433: {  	[tilespmem:v61+s17+$0x0] =	vst.idx.msk $0xffff, v12  }
0x434: {  	v62 =	vor.u32 s26, v10;
	v12 =	vld [tilespmem:s25+$0xC920];
	_ =	sdelay $0x4  }
0x435: {  	[tilespmem:v62+s17+$0x0] =	vst.idx.msk $0xffff, v12  }
0x436: {  	v63 =	vor.u32 s26, v11;
	v12 =	vld [tilespmem:s25+$0xC930];
	_ =	sdelay $0x4  }
0x437: {  	[tilespmem:v63+s17+$0x0] =	vst.idx.msk $0xffff, v12  }
.LBB2_94:
0x438: {  	v12 =	vld [tilespmem:$0x6490];
	_ =	sdelay $0x4  }
0x439: {  	vm0 =	vgt.s32 v12, $0xF41FF  }
0x43a: {  	v13 =	vsel vm0, $0x1, v7  }
0x43b: {  	(xrf0) =	vadd.scan.msk.s32 $0xffff, v13;
	_ =	sdelay $0x5  }
0x43c: {  	v14, _, _ =	vpop (xrf0)  }
0x43d: {  	(v2sf) =	vpush v14, $0xF;
	_ =	sdelay $0xe  }
0x43e: {  	s25 =	spop (v2sf)  }
0x43f: {  	p0 =	slt.s32 s25, $0x1  }
.Ltmp50:
0x440: {  	_ = 	snop;
	(pc) =	sbr.rel @p0 .LBB2_104-.Ltmp50, $1  }
0x441: {  	_ =	sdelay $0x3  }
0x442: {  	vm0 =	veq.s32 v13, $0x0  }
0x443: {  	v14 =	vsel vm0, $0x80000010, v8  }
0x444: {  	(xrf0) =	vmin.scan.msk.u32 $0xffff, v14;
	_ =	sdelay $0x1  }
0x445: {  	p2 =	sne.s32 s25, $0x1  }
.Ltmp51:
0x446: {  	_ = 	snop;
	(pc) =	sbr.rel @!p2 .LBB2_96-.Ltmp51, $3  }
0x447: {  	_ =	sdelay $0x1  }
0x448: {  	v14, _, _ =	vpop (xrf0)  }
0x449: {  	v12 =	vadd.s32 $0x7FF0BE00, v12;
	s25 =	sadd.s32 $0xFFFFFFFF, s25;
	p0 =	por $0x0, $0x0;
	p1 =	por $0x0, $0x0;
	(v2sf) =	vpush v14, $0xF  }
0x44a: {  	_ =	sdelay $0xd  }
0x44b: {  	s26 =	spop (v2sf)  }
0x44c: {  	s28 =	sxor.u32 $0x80000000, s26  }
0x44d: {  	v14 =	vmov s28  }
0x44e: {  	vm0 =	veq.s32 v14, v0  }
0x44f: {  	v13 =	vsel vm0, $0x0, v13  }
0x450: {  	v14 =	vnsel vm0, $0x7FFFFFFF, v12;
	vm15 =	veq.s32 v13, $0x0  }
0x451: {  	(xrf0) =	vmax.scan.msk.u32 $0xffff, v14;
	v14 =	vsel vm15, $0x80000010, v8  }
0x452: {  	(xrf0) =	vmin.scan.msk.u32 $0xffff, v14;
	_ =	sdelay $0x1  }
0x453: {  	p2 =	sne.s32 s25, $0x1  }
.Ltmp52:
0x454: {  	_ = 	snop;
	(pc) =	sbr.rel @!p2 .LBB2_98-.Ltmp52, $4  }
0x455: {  	_ = 	snop  }
0x456: {  	v14, _, _ =	vpop (xrf0)  }
0x457: {  	s26 =	sshll.u32 s26, $0x7;
	(v2sf) =	vpush v14, $0xF;
	v14, _, _ =	vpop (xrf0)  }
0x458: {  	s25 =	sadd.s32 $0xFFFFFFFF, s25;
	p0 =	por $0x1, $0x1;
	s28 =	sadd.s32 $0x4800, s26;
	(v2sf) =	vpush v14, $0xF  }
0x459: {  	_ =	sdelay $0xc  }
0x45a: {  	s26 =	spop (v2sf)  }
0x45b: {  	s26 =	sshll.u32 s26, $0x9  }
0x45c: {  	s29 =	sshra.s32 s26, $0x2  }
0x45d: {  	v15 =	vor.u32 s28, v0;
	v14 =	vld [tilespmem:s29+$0xC900];
	_ =	sdelay $0x2  }
0x45e: {  	s31 =	spop (v2sf)  }
0x45f: {  	s30 =	sxor.u32 $0x80000000, s31  }
0x460: {  	[tilespmem:v15+s17+$0x0] =	vst.idx.msk $0xffff, v14;
	v14 =	vmov s30  }
0x461: {  	vm0 =	veq.s32 v14, v0  }
0x462: {  	v13 =	vsel vm0, $0x0, v13;
	v14 =	vnsel vm0, $0x7FFFFFFF, v12  }
0x463: {  	vm15 =	veq.s32 v13, $0x0;
	(xrf0) =	vmax.scan.msk.u32 $0xffff, v14  }
0x464: {  	v16 =	vor.u32 s28, v9;
	v15 =	vld [tilespmem:s29+$0xC910];
	v14 =	vsel vm15, $0x80000010, v8  }
0x465: {  	(xrf0) =	vmin.scan.msk.u32 $0xffff, v14;
	_ =	sdelay $0x3  }
0x466: {  	[tilespmem:v16+s17+$0x0] =	vst.idx.msk $0xffff, v15;
	v16, _, _ =	vpop (xrf0)  }
0x467: {  	(v2sf) =	vpush v16, $0xF  }
0x468: {  	v15 =	vor.u32 s28, v10;
	v14 =	vld [tilespmem:s29+$0xC920];
	v16, _, _ =	vpop (xrf0)  }
0x469: {  	p2 =	sne.s32 s25, $0x1;
	(v2sf) =	vpush v16, $0xF  }
.Ltmp53:
0x46a: {  	_ = 	snop;
	(pc) =	sbr.rel @!p2 .LBB2_100-.Ltmp53, $3  }
0x46b: {  	_ =	sdelay $0x1  }
0x46c: {  	s31 =	sshll.u32 s31, $0x7;
	[tilespmem:v15+s17+$0x0] =	vst.idx.msk $0xffff, v14  }
0x46d: {  	p1 =	por $0x1, $0x1;
	s26 =	sadd.s32 $0xFFFFFFFF, s25;
	s25 =	sadd.s32 $0x4800, s31;
	v15 =	vor.u32 s28, v11;
	v14 =	vld [tilespmem:s29+$0xC930]  }
.LBB2_101:
0x46e: {  	_ =	sdelay $0x3  }
0x46f: {  	p2 =	sne.s32 s26, $0x1;
	s26 =	sadd.s32 $0xFFFFFFFF, s26;
	[tilespmem:v15+s17+$0x0] =	vst.idx.msk $0xffff, v14;
	_ =	sdelay $0x2  }
0x470: {  	s28 =	spop (v2sf)  }
0x471: {  	s28 =	sshll.u32 s28, $0x9  }
0x472: {  	s29 =	spop (v2sf);
	s28 =	sshra.s32 s28, $0x2  }
0x473: {  	v15 =	vor.u32 s25, v0;
	s30 =	sxor.u32 $0x80000000, s29;
	s29 =	sshll.u32 s29, $0x7;
	v14 =	vld [tilespmem:s28+$0xC900]  }
0x474: {  	v16 =	vmov s30;
	s29 =	sadd.s32 $0x4800, s29  }
0x475: {  	vm0 =	veq.s32 v16, v0  }
0x476: {  	v16 =	vnsel vm0, $0x7FFFFFFF, v12;
	v13 =	vsel vm0, $0x0, v13  }
0x477: {  	vm0 =	veq.s32 v13, $0x0;
	(xrf0) =	vmax.scan.msk.u32 $0xffff, v16  }
0x478: {  	v16 =	vsel vm0, $0x80000010, v8;
	[tilespmem:v15+s17+$0x0] =	vst.idx.msk $0xffff, v14  }
0x479: {  	v15 =	vor.u32 s25, v9;
	(xrf0) =	vmin.scan.msk.u32 $0xffff, v16;
	v14 =	vld [tilespmem:s28+$0xC910];
	_ =	sdelay $0x3  }
0x47a: {  	v16, _, _ =	vpop (xrf0)  }
0x47b: {  	(v2sf) =	vpush v16, $0xF;
	[tilespmem:v15+s17+$0x0] =	vst.idx.msk $0xffff, v14  }
0x47c: {  	v16 =	vor.u32 s25, v10;
	v14, _, _ =	vpop (xrf0);
	v15 =	vld [tilespmem:s28+$0xC920]  }
0x47d: {  	(v2sf) =	vpush v14, $0xF  }
.Ltmp54:
0x47e: {  	(pc) =	sbr.rel @p2 .LBB2_101-.Ltmp54, $3  }
0x47f: {  	_ =	sdelay $0x1  }
0x480: {  	[tilespmem:v16+s17+$0x0] =	vst.idx.msk $0xffff, v15  }
0x481: {  	v15 =	vor.u32 s25, v11;
	s25 =	smov.u32 s29;
	v14 =	vld [tilespmem:s28+$0xC930]  }
0x482: {  	s28 =	smov.u32 s25  }
.LBB2_103:
0x483: {  	_ =	sdelay $0x6  }
0x484: {  	s25 =	spop @p0 (v2sf)  }
0x485: {  	s26 =	spop (v2sf)  }
0x486: {  	s29 =	sxor.u32 $0x80000000, s26  }
0x487: {  	v13 =	vmov s29  }
0x488: {  	s25 =	sshll.u32 @p0 s25, $0x9;
	vm0 =	veq.s32 v13, v0  }
0x489: {  	[tilespmem:v15+s17+$0x0] =	vst.idx.msk @p1 $0xffff, v14;
	s25 =	sshra.s32 @p0 s25, $0x2;
	v12 =	vnsel vm0, $0x7FFFFFFF, v12  }
0x48a: {  	v14 =	vor.u32 @p0 s28, v0;
	v13 =	vld @p0 [tilespmem:s25+$0xC900];
	(xrf0) =	vmax.scan.msk.u32 $0xffff, v12;
	_ =	sdelay $0x4  }
0x48b: {  	[tilespmem:v14+s17+$0x0] =	vst.idx.msk @p0 $0xffff, v13  }
0x48c: {  	v13 =	vor.u32 @p0 s28, v9;
	v12 =	vld @p0 [tilespmem:s25+$0xC910];
	v59, _, _ =	vpop (xrf0)  }
0x48d: {  	(v2sf) =	vpush v59, $0xF;
	_ =	sdelay $0x3  }
0x48e: {  	[tilespmem:v13+s17+$0x0] =	vst.idx.msk @p0 $0xffff, v12  }
0x48f: {  	v13 =	vor.u32 @p0 s28, v10;
	v12 =	vld @p0 [tilespmem:s25+$0xC920];
	_ =	sdelay $0x4  }
0x490: {  	[tilespmem:v13+s17+$0x0] =	vst.idx.msk @p0 $0xffff, v12  }
0x491: {  	v13 =	vor.u32 @p0 s28, v11;
	v12 =	vld @p0 [tilespmem:s25+$0xC930]  }
0x492: {  	v13 =	vpsel p0, v13, v0;
	_ =	sdelay $0x2  }
0x493: {  	s31 =	spop (v2sf)  }
0x494: {  	s26 =	sshll.u32 s26, $0x7;
	v12 =	vpsel p0, v12, v0;
	s25 =	sshll.u32 s31, $0x9  }
0x495: {  	s26 =	sadd.s32 $0x4800, s26;
	[tilespmem:v13+s17+$0x0] =	vst.idx.msk @p0 $0xffff, v12;
	s25 =	sshra.s32 s25, $0x2  }
0x496: {  	v60 =	vor.u32 s26, v0;
	v12 =	vld [tilespmem:s25+$0xC900];
	_ =	sdelay $0x4  }
0x497: {  	[tilespmem:v60+s17+$0x0] =	vst.idx.msk $0xffff, v12  }
0x498: {  	v61 =	vor.u32 s26, v9;
	v12 =	vld [tilespmem:s25+$0xC910];
	_ =	sdelay $0x4  }
0x499: {  	[tilespmem:v61+s17+$0x0] =	vst.idx.msk $0xffff, v12  }
0x49a: {  	v62 =	vor.u32 s26, v10;
	v12 =	vld [tilespmem:s25+$0xC920];
	_ =	sdelay $0x4  }
0x49b: {  	[tilespmem:v62+s17+$0x0] =	vst.idx.msk $0xffff, v12  }
0x49c: {  	v63 =	vor.u32 s26, v11;
	v12 =	vld [tilespmem:s25+$0xC930];
	_ =	sdelay $0x4  }
0x49d: {  	[tilespmem:v63+s17+$0x0] =	vst.idx.msk $0xffff, v12  }
.LBB2_104:
0x49e: {  	v12 =	vld [tilespmem:$0x64A0];
	_ =	sdelay $0x4  }
0x49f: {  	vm0 =	vgt.s32 v12, $0xF41FF  }
0x4a0: {  	v13 =	vsel vm0, $0x1, v7  }
0x4a1: {  	(xrf0) =	vadd.scan.msk.s32 $0xffff, v13;
	_ =	sdelay $0x5  }
0x4a2: {  	v14, _, _ =	vpop (xrf0)  }
0x4a3: {  	(v2sf) =	vpush v14, $0xF;
	_ =	sdelay $0xe  }
0x4a4: {  	s25 =	spop (v2sf)  }
0x4a5: {  	p0 =	slt.s32 s25, $0x1  }
.Ltmp55:
0x4a6: {  	_ = 	snop;
	(pc) =	sbr.rel @p0 .LBB2_114-.Ltmp55, $1  }
0x4a7: {  	_ =	sdelay $0x3  }
0x4a8: {  	vm0 =	veq.s32 v13, $0x0  }
0x4a9: {  	v14 =	vsel vm0, $0x80000010, v8  }
0x4aa: {  	(xrf0) =	vmin.scan.msk.u32 $0xffff, v14;
	_ =	sdelay $0x1  }
0x4ab: {  	p2 =	sne.s32 s25, $0x1  }
.Ltmp56:
0x4ac: {  	_ = 	snop;
	(pc) =	sbr.rel @!p2 .LBB2_106-.Ltmp56, $3  }
0x4ad: {  	_ =	sdelay $0x1  }
0x4ae: {  	v14, _, _ =	vpop (xrf0)  }
0x4af: {  	v12 =	vadd.s32 $0x7FF0BE00, v12;
	s25 =	sadd.s32 $0xFFFFFFFF, s25;
	p0 =	por $0x0, $0x0;
	p1 =	por $0x0, $0x0;
	(v2sf) =	vpush v14, $0xF  }
0x4b0: {  	_ =	sdelay $0xd  }
0x4b1: {  	s26 =	spop (v2sf)  }
0x4b2: {  	s28 =	sxor.u32 $0x80000000, s26  }
0x4b3: {  	v14 =	vmov s28  }
0x4b4: {  	vm0 =	veq.s32 v14, v0  }
0x4b5: {  	v13 =	vsel vm0, $0x0, v13  }
0x4b6: {  	v14 =	vnsel vm0, $0x7FFFFFFF, v12;
	vm15 =	veq.s32 v13, $0x0  }
0x4b7: {  	(xrf0) =	vmax.scan.msk.u32 $0xffff, v14;
	v14 =	vsel vm15, $0x80000010, v8  }
0x4b8: {  	(xrf0) =	vmin.scan.msk.u32 $0xffff, v14;
	_ =	sdelay $0x1  }
0x4b9: {  	p2 =	sne.s32 s25, $0x1  }
.Ltmp57:
0x4ba: {  	_ = 	snop;
	(pc) =	sbr.rel @!p2 .LBB2_108-.Ltmp57, $4  }
0x4bb: {  	_ = 	snop  }
0x4bc: {  	v14, _, _ =	vpop (xrf0)  }
0x4bd: {  	s26 =	sshll.u32 s26, $0x7;
	(v2sf) =	vpush v14, $0xF;
	v14, _, _ =	vpop (xrf0)  }
0x4be: {  	s25 =	sadd.s32 $0xFFFFFFFF, s25;
	p0 =	por $0x1, $0x1;
	s28 =	sadd.s32 $0x5000, s26;
	(v2sf) =	vpush v14, $0xF  }
0x4bf: {  	_ =	sdelay $0xc  }
0x4c0: {  	s26 =	spop (v2sf)  }
0x4c1: {  	s26 =	sshll.u32 s26, $0x9  }
0x4c2: {  	s29 =	sshra.s32 s26, $0x2  }
0x4c3: {  	v15 =	vor.u32 s28, v0;
	v14 =	vld [tilespmem:s29+$0xC900];
	_ =	sdelay $0x2  }
0x4c4: {  	s31 =	spop (v2sf)  }
0x4c5: {  	s30 =	sxor.u32 $0x80000000, s31  }
0x4c6: {  	[tilespmem:v15+s17+$0x0] =	vst.idx.msk $0xffff, v14;
	v14 =	vmov s30  }
0x4c7: {  	vm0 =	veq.s32 v14, v0  }
0x4c8: {  	v13 =	vsel vm0, $0x0, v13;
	v14 =	vnsel vm0, $0x7FFFFFFF, v12  }
0x4c9: {  	vm15 =	veq.s32 v13, $0x0;
	(xrf0) =	vmax.scan.msk.u32 $0xffff, v14  }
0x4ca: {  	v16 =	vor.u32 s28, v9;
	v15 =	vld [tilespmem:s29+$0xC910];
	v14 =	vsel vm15, $0x80000010, v8  }
0x4cb: {  	(xrf0) =	vmin.scan.msk.u32 $0xffff, v14;
	_ =	sdelay $0x3  }
0x4cc: {  	[tilespmem:v16+s17+$0x0] =	vst.idx.msk $0xffff, v15;
	v16, _, _ =	vpop (xrf0)  }
0x4cd: {  	(v2sf) =	vpush v16, $0xF  }
0x4ce: {  	v15 =	vor.u32 s28, v10;
	v14 =	vld [tilespmem:s29+$0xC920];
	v16, _, _ =	vpop (xrf0)  }
0x4cf: {  	p2 =	sne.s32 s25, $0x1;
	(v2sf) =	vpush v16, $0xF  }
.Ltmp58:
0x4d0: {  	_ = 	snop;
	(pc) =	sbr.rel @!p2 .LBB2_110-.Ltmp58, $3  }
0x4d1: {  	_ =	sdelay $0x1  }
0x4d2: {  	s31 =	sshll.u32 s31, $0x7;
	[tilespmem:v15+s17+$0x0] =	vst.idx.msk $0xffff, v14  }
0x4d3: {  	p1 =	por $0x1, $0x1;
	s26 =	sadd.s32 $0xFFFFFFFF, s25;
	s25 =	sadd.s32 $0x5000, s31;
	v15 =	vor.u32 s28, v11;
	v14 =	vld [tilespmem:s29+$0xC930]  }
.LBB2_111:
0x4d4: {  	_ =	sdelay $0x3  }
0x4d5: {  	p2 =	sne.s32 s26, $0x1;
	s26 =	sadd.s32 $0xFFFFFFFF, s26;
	[tilespmem:v15+s17+$0x0] =	vst.idx.msk $0xffff, v14;
	_ =	sdelay $0x2  }
0x4d6: {  	s28 =	spop (v2sf)  }
0x4d7: {  	s28 =	sshll.u32 s28, $0x9  }
0x4d8: {  	s29 =	spop (v2sf);
	s28 =	sshra.s32 s28, $0x2  }
0x4d9: {  	v15 =	vor.u32 s25, v0;
	s30 =	sxor.u32 $0x80000000, s29;
	s29 =	sshll.u32 s29, $0x7;
	v14 =	vld [tilespmem:s28+$0xC900]  }
0x4da: {  	v16 =	vmov s30;
	s29 =	sadd.s32 $0x5000, s29  }
0x4db: {  	vm0 =	veq.s32 v16, v0  }
0x4dc: {  	v16 =	vnsel vm0, $0x7FFFFFFF, v12;
	v13 =	vsel vm0, $0x0, v13  }
0x4dd: {  	vm0 =	veq.s32 v13, $0x0;
	(xrf0) =	vmax.scan.msk.u32 $0xffff, v16  }
0x4de: {  	v16 =	vsel vm0, $0x80000010, v8;
	[tilespmem:v15+s17+$0x0] =	vst.idx.msk $0xffff, v14  }
0x4df: {  	v15 =	vor.u32 s25, v9;
	(xrf0) =	vmin.scan.msk.u32 $0xffff, v16;
	v14 =	vld [tilespmem:s28+$0xC910];
	_ =	sdelay $0x3  }
0x4e0: {  	v16, _, _ =	vpop (xrf0)  }
0x4e1: {  	(v2sf) =	vpush v16, $0xF;
	[tilespmem:v15+s17+$0x0] =	vst.idx.msk $0xffff, v14  }
0x4e2: {  	v16 =	vor.u32 s25, v10;
	v14, _, _ =	vpop (xrf0);
	v15 =	vld [tilespmem:s28+$0xC920]  }
0x4e3: {  	(v2sf) =	vpush v14, $0xF  }
.Ltmp59:
0x4e4: {  	(pc) =	sbr.rel @p2 .LBB2_111-.Ltmp59, $3  }
0x4e5: {  	_ =	sdelay $0x1  }
0x4e6: {  	[tilespmem:v16+s17+$0x0] =	vst.idx.msk $0xffff, v15  }
0x4e7: {  	v15 =	vor.u32 s25, v11;
	s25 =	smov.u32 s29;
	v14 =	vld [tilespmem:s28+$0xC930]  }
0x4e8: {  	s28 =	smov.u32 s25  }
.LBB2_113:
0x4e9: {  	_ =	sdelay $0x6  }
0x4ea: {  	s25 =	spop @p0 (v2sf)  }
0x4eb: {  	s26 =	spop (v2sf)  }
0x4ec: {  	s29 =	sxor.u32 $0x80000000, s26  }
0x4ed: {  	v13 =	vmov s29  }
0x4ee: {  	s25 =	sshll.u32 @p0 s25, $0x9;
	vm0 =	veq.s32 v13, v0  }
0x4ef: {  	[tilespmem:v15+s17+$0x0] =	vst.idx.msk @p1 $0xffff, v14;
	s25 =	sshra.s32 @p0 s25, $0x2;
	v12 =	vnsel vm0, $0x7FFFFFFF, v12  }
0x4f0: {  	v14 =	vor.u32 @p0 s28, v0;
	v13 =	vld @p0 [tilespmem:s25+$0xC900];
	(xrf0) =	vmax.scan.msk.u32 $0xffff, v12;
	_ =	sdelay $0x4  }
0x4f1: {  	[tilespmem:v14+s17+$0x0] =	vst.idx.msk @p0 $0xffff, v13  }
0x4f2: {  	v13 =	vor.u32 @p0 s28, v9;
	v12 =	vld @p0 [tilespmem:s25+$0xC910];
	v59, _, _ =	vpop (xrf0)  }
0x4f3: {  	(v2sf) =	vpush v59, $0xF;
	_ =	sdelay $0x3  }
0x4f4: {  	[tilespmem:v13+s17+$0x0] =	vst.idx.msk @p0 $0xffff, v12  }
0x4f5: {  	v13 =	vor.u32 @p0 s28, v10;
	v12 =	vld @p0 [tilespmem:s25+$0xC920];
	_ =	sdelay $0x4  }
0x4f6: {  	[tilespmem:v13+s17+$0x0] =	vst.idx.msk @p0 $0xffff, v12  }
0x4f7: {  	v13 =	vor.u32 @p0 s28, v11;
	v12 =	vld @p0 [tilespmem:s25+$0xC930]  }
0x4f8: {  	v13 =	vpsel p0, v13, v0;
	_ =	sdelay $0x2  }
0x4f9: {  	s31 =	spop (v2sf)  }
0x4fa: {  	s26 =	sshll.u32 s26, $0x7;
	v12 =	vpsel p0, v12, v0;
	s25 =	sshll.u32 s31, $0x9  }
0x4fb: {  	s26 =	sadd.s32 $0x5000, s26;
	[tilespmem:v13+s17+$0x0] =	vst.idx.msk @p0 $0xffff, v12;
	s25 =	sshra.s32 s25, $0x2  }
0x4fc: {  	v60 =	vor.u32 s26, v0;
	v12 =	vld [tilespmem:s25+$0xC900];
	_ =	sdelay $0x4  }
0x4fd: {  	[tilespmem:v60+s17+$0x0] =	vst.idx.msk $0xffff, v12  }
0x4fe: {  	v61 =	vor.u32 s26, v9;
	v12 =	vld [tilespmem:s25+$0xC910];
	_ =	sdelay $0x4  }
0x4ff: {  	[tilespmem:v61+s17+$0x0] =	vst.idx.msk $0xffff, v12  }
0x500: {  	v62 =	vor.u32 s26, v10;
	v12 =	vld [tilespmem:s25+$0xC920];
	_ =	sdelay $0x4  }
0x501: {  	[tilespmem:v62+s17+$0x0] =	vst.idx.msk $0xffff, v12  }
0x502: {  	v63 =	vor.u32 s26, v11;
	v12 =	vld [tilespmem:s25+$0xC930];
	_ =	sdelay $0x4  }
0x503: {  	[tilespmem:v63+s17+$0x0] =	vst.idx.msk $0xffff, v12  }
.LBB2_114:
0x504: {  	v12 =	vld [tilespmem:$0x64B0];
	_ =	sdelay $0x4  }
0x505: {  	vm0 =	vgt.s32 v12, $0xF41FF  }
0x506: {  	v13 =	vsel vm0, $0x1, v7  }
0x507: {  	(xrf0) =	vadd.scan.msk.s32 $0xffff, v13;
	_ =	sdelay $0x5  }
0x508: {  	v14, _, _ =	vpop (xrf0)  }
0x509: {  	(v2sf) =	vpush v14, $0xF;
	_ =	sdelay $0xe  }
0x50a: {  	s25 =	spop (v2sf)  }
0x50b: {  	p0 =	slt.s32 s25, $0x1  }
.Ltmp60:
0x50c: {  	_ = 	snop;
	(pc) =	sbr.rel @p0 .LBB2_124-.Ltmp60, $1  }
0x50d: {  	_ =	sdelay $0x3  }
0x50e: {  	vm0 =	veq.s32 v13, $0x0  }
0x50f: {  	v14 =	vsel vm0, $0x80000010, v8  }
0x510: {  	(xrf0) =	vmin.scan.msk.u32 $0xffff, v14;
	_ =	sdelay $0x1  }
0x511: {  	p2 =	sne.s32 s25, $0x1  }
.Ltmp61:
0x512: {  	_ = 	snop;
	(pc) =	sbr.rel @!p2 .LBB2_116-.Ltmp61, $3  }
0x513: {  	_ =	sdelay $0x1  }
0x514: {  	v14, _, _ =	vpop (xrf0)  }
0x515: {  	v12 =	vadd.s32 $0x7FF0BE00, v12;
	s25 =	sadd.s32 $0xFFFFFFFF, s25;
	p0 =	por $0x0, $0x0;
	p1 =	por $0x0, $0x0;
	(v2sf) =	vpush v14, $0xF  }
0x516: {  	_ =	sdelay $0xd  }
0x517: {  	s26 =	spop (v2sf)  }
0x518: {  	s28 =	sxor.u32 $0x80000000, s26  }
0x519: {  	v14 =	vmov s28  }
0x51a: {  	vm0 =	veq.s32 v14, v0  }
0x51b: {  	v13 =	vsel vm0, $0x0, v13  }
0x51c: {  	v14 =	vnsel vm0, $0x7FFFFFFF, v12;
	vm15 =	veq.s32 v13, $0x0  }
0x51d: {  	(xrf0) =	vmax.scan.msk.u32 $0xffff, v14;
	v14 =	vsel vm15, $0x80000010, v8  }
0x51e: {  	(xrf0) =	vmin.scan.msk.u32 $0xffff, v14;
	_ =	sdelay $0x1  }
0x51f: {  	p2 =	sne.s32 s25, $0x1  }
.Ltmp62:
0x520: {  	_ = 	snop;
	(pc) =	sbr.rel @!p2 .LBB2_118-.Ltmp62, $4  }
0x521: {  	_ = 	snop  }
0x522: {  	v14, _, _ =	vpop (xrf0)  }
0x523: {  	s26 =	sshll.u32 s26, $0x7;
	(v2sf) =	vpush v14, $0xF;
	v14, _, _ =	vpop (xrf0)  }
0x524: {  	s25 =	sadd.s32 $0xFFFFFFFF, s25;
	p0 =	por $0x1, $0x1;
	s28 =	sadd.s32 $0x5800, s26;
	(v2sf) =	vpush v14, $0xF  }
0x525: {  	_ =	sdelay $0xc  }
0x526: {  	s26 =	spop (v2sf)  }
0x527: {  	s26 =	sshll.u32 s26, $0x9  }
0x528: {  	s29 =	sshra.s32 s26, $0x2  }
0x529: {  	v15 =	vor.u32 s28, v0;
	v14 =	vld [tilespmem:s29+$0xC900];
	_ =	sdelay $0x2  }
0x52a: {  	s31 =	spop (v2sf)  }
0x52b: {  	s30 =	sxor.u32 $0x80000000, s31  }
0x52c: {  	[tilespmem:v15+s17+$0x0] =	vst.idx.msk $0xffff, v14;
	v14 =	vmov s30  }
0x52d: {  	vm0 =	veq.s32 v14, v0  }
0x52e: {  	v13 =	vsel vm0, $0x0, v13;
	v14 =	vnsel vm0, $0x7FFFFFFF, v12  }
0x52f: {  	vm15 =	veq.s32 v13, $0x0;
	(xrf0) =	vmax.scan.msk.u32 $0xffff, v14  }
0x530: {  	v16 =	vor.u32 s28, v9;
	v15 =	vld [tilespmem:s29+$0xC910];
	v14 =	vsel vm15, $0x80000010, v8  }
0x531: {  	(xrf0) =	vmin.scan.msk.u32 $0xffff, v14;
	_ =	sdelay $0x3  }
0x532: {  	[tilespmem:v16+s17+$0x0] =	vst.idx.msk $0xffff, v15;
	v16, _, _ =	vpop (xrf0)  }
0x533: {  	(v2sf) =	vpush v16, $0xF  }
0x534: {  	v15 =	vor.u32 s28, v10;
	v14 =	vld [tilespmem:s29+$0xC920];
	v16, _, _ =	vpop (xrf0)  }
0x535: {  	p2 =	sne.s32 s25, $0x1;
	(v2sf) =	vpush v16, $0xF  }
.Ltmp63:
0x536: {  	_ = 	snop;
	(pc) =	sbr.rel @!p2 .LBB2_120-.Ltmp63, $3  }
0x537: {  	_ =	sdelay $0x1  }
0x538: {  	s31 =	sshll.u32 s31, $0x7;
	[tilespmem:v15+s17+$0x0] =	vst.idx.msk $0xffff, v14  }
0x539: {  	p1 =	por $0x1, $0x1;
	s26 =	sadd.s32 $0xFFFFFFFF, s25;
	s25 =	sadd.s32 $0x5800, s31;
	v15 =	vor.u32 s28, v11;
	v14 =	vld [tilespmem:s29+$0xC930]  }
.LBB2_121:
0x53a: {  	_ =	sdelay $0x3  }
0x53b: {  	p2 =	sne.s32 s26, $0x1;
	s26 =	sadd.s32 $0xFFFFFFFF, s26;
	[tilespmem:v15+s17+$0x0] =	vst.idx.msk $0xffff, v14;
	_ =	sdelay $0x2  }
0x53c: {  	s28 =	spop (v2sf)  }
0x53d: {  	s28 =	sshll.u32 s28, $0x9  }
0x53e: {  	s29 =	spop (v2sf);
	s28 =	sshra.s32 s28, $0x2  }
0x53f: {  	v15 =	vor.u32 s25, v0;
	s30 =	sxor.u32 $0x80000000, s29;
	s29 =	sshll.u32 s29, $0x7;
	v14 =	vld [tilespmem:s28+$0xC900]  }
0x540: {  	v16 =	vmov s30;
	s29 =	sadd.s32 $0x5800, s29  }
0x541: {  	vm0 =	veq.s32 v16, v0  }
0x542: {  	v16 =	vnsel vm0, $0x7FFFFFFF, v12;
	v13 =	vsel vm0, $0x0, v13  }
0x543: {  	vm0 =	veq.s32 v13, $0x0;
	(xrf0) =	vmax.scan.msk.u32 $0xffff, v16  }
0x544: {  	v16 =	vsel vm0, $0x80000010, v8;
	[tilespmem:v15+s17+$0x0] =	vst.idx.msk $0xffff, v14  }
0x545: {  	v15 =	vor.u32 s25, v9;
	(xrf0) =	vmin.scan.msk.u32 $0xffff, v16;
	v14 =	vld [tilespmem:s28+$0xC910];
	_ =	sdelay $0x3  }
0x546: {  	v16, _, _ =	vpop (xrf0)  }
0x547: {  	(v2sf) =	vpush v16, $0xF;
	[tilespmem:v15+s17+$0x0] =	vst.idx.msk $0xffff, v14  }
0x548: {  	v16 =	vor.u32 s25, v10;
	v14, _, _ =	vpop (xrf0);
	v15 =	vld [tilespmem:s28+$0xC920]  }
0x549: {  	(v2sf) =	vpush v14, $0xF  }
.Ltmp64:
0x54a: {  	(pc) =	sbr.rel @p2 .LBB2_121-.Ltmp64, $3  }
0x54b: {  	_ =	sdelay $0x1  }
0x54c: {  	[tilespmem:v16+s17+$0x0] =	vst.idx.msk $0xffff, v15  }
0x54d: {  	v15 =	vor.u32 s25, v11;
	s25 =	smov.u32 s29;
	v14 =	vld [tilespmem:s28+$0xC930]  }
0x54e: {  	s28 =	smov.u32 s25  }
.LBB2_123:
0x54f: {  	_ =	sdelay $0x6  }
0x550: {  	s25 =	spop @p0 (v2sf)  }
0x551: {  	s26 =	spop (v2sf)  }
0x552: {  	s29 =	sxor.u32 $0x80000000, s26  }
0x553: {  	v13 =	vmov s29  }
0x554: {  	s25 =	sshll.u32 @p0 s25, $0x9;
	vm0 =	veq.s32 v13, v0  }
0x555: {  	[tilespmem:v15+s17+$0x0] =	vst.idx.msk @p1 $0xffff, v14;
	s25 =	sshra.s32 @p0 s25, $0x2;
	v12 =	vnsel vm0, $0x7FFFFFFF, v12  }
0x556: {  	v14 =	vor.u32 @p0 s28, v0;
	v13 =	vld @p0 [tilespmem:s25+$0xC900];
	(xrf0) =	vmax.scan.msk.u32 $0xffff, v12;
	_ =	sdelay $0x4  }
0x557: {  	[tilespmem:v14+s17+$0x0] =	vst.idx.msk @p0 $0xffff, v13  }
0x558: {  	v13 =	vor.u32 @p0 s28, v9;
	v12 =	vld @p0 [tilespmem:s25+$0xC910];
	v59, _, _ =	vpop (xrf0)  }
0x559: {  	(v2sf) =	vpush v59, $0xF;
	_ =	sdelay $0x3  }
0x55a: {  	[tilespmem:v13+s17+$0x0] =	vst.idx.msk @p0 $0xffff, v12  }
0x55b: {  	v13 =	vor.u32 @p0 s28, v10;
	v12 =	vld @p0 [tilespmem:s25+$0xC920];
	_ =	sdelay $0x4  }
0x55c: {  	[tilespmem:v13+s17+$0x0] =	vst.idx.msk @p0 $0xffff, v12  }
0x55d: {  	v13 =	vor.u32 @p0 s28, v11;
	v12 =	vld @p0 [tilespmem:s25+$0xC930]  }
0x55e: {  	v13 =	vpsel p0, v13, v0;
	_ =	sdelay $0x2  }
0x55f: {  	s31 =	spop (v2sf)  }
0x560: {  	s26 =	sshll.u32 s26, $0x7;
	v12 =	vpsel p0, v12, v0;
	s25 =	sshll.u32 s31, $0x9  }
0x561: {  	s26 =	sadd.s32 $0x5800, s26;
	[tilespmem:v13+s17+$0x0] =	vst.idx.msk @p0 $0xffff, v12;
	s25 =	sshra.s32 s25, $0x2  }
0x562: {  	v60 =	vor.u32 s26, v0;
	v12 =	vld [tilespmem:s25+$0xC900];
	_ =	sdelay $0x4  }
0x563: {  	[tilespmem:v60+s17+$0x0] =	vst.idx.msk $0xffff, v12  }
0x564: {  	v61 =	vor.u32 s26, v9;
	v12 =	vld [tilespmem:s25+$0xC910];
	_ =	sdelay $0x4  }
0x565: {  	[tilespmem:v61+s17+$0x0] =	vst.idx.msk $0xffff, v12  }
0x566: {  	v62 =	vor.u32 s26, v10;
	v12 =	vld [tilespmem:s25+$0xC920];
	_ =	sdelay $0x4  }
0x567: {  	[tilespmem:v62+s17+$0x0] =	vst.idx.msk $0xffff, v12  }
0x568: {  	v63 =	vor.u32 s26, v11;
	v12 =	vld [tilespmem:s25+$0xC930];
	_ =	sdelay $0x4  }
0x569: {  	[tilespmem:v63+s17+$0x0] =	vst.idx.msk $0xffff, v12  }
.LBB2_124:
0x56a: {  	v12 =	vld [tilespmem:$0x64B8];
	_ =	sdelay $0x4  }
0x56b: {  	vm0 =	vgt.s32 v12, $0xF41FF  }
0x56c: {  	v13 =	vsel vm0, $0x1, v7  }
0x56d: {  	(xrf0) =	vadd.scan.msk.s32 $0xffff, v13;
	_ =	sdelay $0x5  }
0x56e: {  	v14, _, _ =	vpop (xrf0)  }
0x56f: {  	(v2sf) =	vpush v14, $0xF;
	_ =	sdelay $0xe  }
0x570: {  	s25 =	spop (v2sf)  }
0x571: {  	p0 =	slt.s32 s25, $0x1  }
.Ltmp65:
0x572: {  	_ = 	snop;
	(pc) =	sbr.rel @p0 .LBB2_134-.Ltmp65, $1  }
0x573: {  	_ =	sdelay $0x3  }
0x574: {  	vm0 =	veq.s32 v13, $0x0  }
0x575: {  	v14 =	vsel vm0, $0x80000010, v8  }
0x576: {  	(xrf0) =	vmin.scan.msk.u32 $0xffff, v14;
	_ =	sdelay $0x5  }
0x577: {  	v14, _, _ =	vpop (xrf0)  }
0x578: {  	(v2sf) =	vpush v14, $0xF  }
0x579: {  	p2 =	sne.s32 s25, $0x1  }
.Ltmp66:
0x57a: {  	_ = 	snop;
	(pc) =	sbr.rel @!p2 .LBB2_126-.Ltmp66, $2  }
0x57b: {  	_ =	sdelay $0x2  }
0x57c: {  	v12 =	vadd.s32 $0x7FF0BE00, v12;
	s25 =	sadd.s32 $0xFFFFFFFF, s25;
	p0 =	por $0x0, $0x0;
	p1 =	por $0x0, $0x0  }
0x57d: {  	_ =	sdelay $0x7  }
0x57e: {  	s26 =	spop (v2sf)  }
0x57f: {  	s28 =	sxor.u32 $0x80000000, s26  }
0x580: {  	v14 =	vmov s28  }
0x581: {  	vm0 =	veq.s32 v14, v0  }
0x582: {  	v13 =	vsel vm0, $0x0, v13  }
0x583: {  	v14 =	vnsel vm0, $0x7FFFFFFF, v12;
	vm15 =	veq.s32 v13, $0x0  }
0x584: {  	(xrf0) =	vmax.scan.msk.u32 $0xffff, v14;
	v14 =	vsel vm15, $0x80000010, v8  }
0x585: {  	(xrf0) =	vmin.scan.msk.u32 $0xffff, v14;
	_ =	sdelay $0x4  }
0x586: {  	v14, _, _ =	vpop (xrf0)  }
0x587: {  	(v2sf) =	vpush v14, $0xF;
	v14, _, _ =	vpop (xrf0)  }
0x588: {  	(v2sf) =	vpush v14, $0xF  }
0x589: {  	p2 =	sne.s32 s25, $0x1  }
.Ltmp67:
0x58a: {  	_ = 	snop;
	(pc) =	sbr.rel @!p2 .LBB2_128-.Ltmp67, $3  }
0x58b: {  	_ =	sdelay $0x1  }
0x58c: {  	s26 =	sshll.u32 s26, $0x7  }
0x58d: {  	s25 =	sadd.s32 $0xFFFFFFFF, s25;
	p0 =	por $0x1, $0x1;
	s28 =	sadd.s32 $0x5C00, s26  }
0x58e: {  	_ =	sdelay $0x6  }
0x58f: {  	s26 =	spop (v2sf)  }
0x590: {  	s26 =	sshll.u32 s26, $0x9  }
0x591: {  	s29 =	sshra.s32 s26, $0x2  }
0x592: {  	v15 =	vor.u32 s28, v0;
	v14 =	vld [tilespmem:s29+$0xC900];
	_ =	sdelay $0x2  }
0x593: {  	s31 =	spop (v2sf)  }
0x594: {  	s30 =	sxor.u32 $0x80000000, s31  }
0x595: {  	[tilespmem:v15+s17+$0x0] =	vst.idx.msk $0xffff, v14;
	v14 =	vmov s30  }
0x596: {  	vm0 =	veq.s32 v14, v0  }
0x597: {  	v13 =	vsel vm0, $0x0, v13  }
0x598: {  	v14 =	vnsel vm0, $0x7FFFFFFF, v12;
	vm15 =	veq.s32 v13, $0x0  }
0x599: {  	(xrf0) =	vmax.scan.msk.u32 $0xffff, v14;
	v14 =	vsel vm15, $0x80000010, v8  }
0x59a: {  	v16 =	vor.u32 s28, v9;
	v15 =	vld [tilespmem:s29+$0xC910];
	(xrf0) =	vmin.scan.msk.u32 $0xffff, v14;
	_ =	sdelay $0x4  }
0x59b: {  	[tilespmem:v16+s17+$0x0] =	vst.idx.msk $0xffff, v15;
	v16, _, _ =	vpop (xrf0)  }
0x59c: {  	(v2sf) =	vpush v16, $0xF;
	v16, _, _ =	vpop (xrf0)  }
0x59d: {  	v15 =	vor.u32 s28, v10;
	v14 =	vld [tilespmem:s29+$0xC920];
	(v2sf) =	vpush v16, $0xF  }
0x59e: {  	p2 =	sne.s32 s25, $0x1  }
.Ltmp68:
0x59f: {  	_ = 	snop;
	(pc) =	sbr.rel @!p2 .LBB2_130-.Ltmp68, $3  }
0x5a0: {  	_ =	sdelay $0x1  }
0x5a1: {  	s31 =	sshll.u32 s31, $0x7;
	[tilespmem:v15+s17+$0x0] =	vst.idx.msk $0xffff, v14  }
0x5a2: {  	p1 =	por $0x1, $0x1;
	s26 =	sadd.s32 $0xFFFFFFFF, s25;
	s25 =	sadd.s32 $0x5C00, s31;
	v15 =	vor.u32 s28, v11;
	v14 =	vld [tilespmem:s29+$0xC930]  }
.LBB2_131:
0x5a3: {  	_ =	sdelay $0x3  }
0x5a4: {  	p2 =	sne.s32 s26, $0x1;
	s26 =	sadd.s32 $0xFFFFFFFF, s26;
	[tilespmem:v15+s17+$0x0] =	vst.idx.msk $0xffff, v14;
	_ =	sdelay $0x2  }
0x5a5: {  	s28 =	spop (v2sf)  }
0x5a6: {  	s28 =	sshll.u32 s28, $0x9  }
0x5a7: {  	s29 =	spop (v2sf);
	s28 =	sshra.s32 s28, $0x2  }
0x5a8: {  	v15 =	vor.u32 s25, v0;
	s30 =	sxor.u32 $0x80000000, s29;
	s29 =	sshll.u32 s29, $0x7;
	v14 =	vld [tilespmem:s28+$0xC900]  }
0x5a9: {  	v16 =	vmov s30;
	s29 =	sadd.s32 $0x5C00, s29  }
0x5aa: {  	vm0 =	veq.s32 v16, v0  }
0x5ab: {  	v16 =	vnsel vm0, $0x7FFFFFFF, v12;
	v13 =	vsel vm0, $0x0, v13  }
0x5ac: {  	vm0 =	veq.s32 v13, $0x0;
	(xrf0) =	vmax.scan.msk.u32 $0xffff, v16  }
0x5ad: {  	v16 =	vsel vm0, $0x80000010, v8;
	[tilespmem:v15+s17+$0x0] =	vst.idx.msk $0xffff, v14  }
0x5ae: {  	v15 =	vor.u32 s25, v9;
	(xrf0) =	vmin.scan.msk.u32 $0xffff, v16;
	v14 =	vld [tilespmem:s28+$0xC910];
	_ =	sdelay $0x3  }
0x5af: {  	v16, _, _ =	vpop (xrf0)  }
0x5b0: {  	(v2sf) =	vpush v16, $0xF;
	[tilespmem:v15+s17+$0x0] =	vst.idx.msk $0xffff, v14  }
0x5b1: {  	v16 =	vor.u32 s25, v10;
	v14, _, _ =	vpop (xrf0);
	v15 =	vld [tilespmem:s28+$0xC920]  }
0x5b2: {  	(v2sf) =	vpush v14, $0xF  }
.Ltmp69:
0x5b3: {  	(pc) =	sbr.rel @p2 .LBB2_131-.Ltmp69, $3  }
0x5b4: {  	_ =	sdelay $0x1  }
0x5b5: {  	[tilespmem:v16+s17+$0x0] =	vst.idx.msk $0xffff, v15  }
0x5b6: {  	v15 =	vor.u32 s25, v11;
	s25 =	smov.u32 s29;
	v14 =	vld [tilespmem:s28+$0xC930]  }
.Ltmp70:
0x5b7: {  	(pc) =	sbr.rel .LBB2_133-.Ltmp70, $2  }
0x5b8: {  	_ =	sdelay $0x2  }
0x5b9: {  	s28 =	smov.u32 s25  }
.LBB2_6:
.Ltmp71:
0x5ba: {  	(pc) =	sbr.rel .LBB2_13-.Ltmp71, $2  }
0x5bb: {  	_ =	sdelay $0x2  }
0x5bc: {  	_ = 	snop  }
.LBB2_16:
.Ltmp72:
0x5bd: {  	(pc) =	sbr.rel .LBB2_23-.Ltmp72, $2  }
0x5be: {  	_ =	sdelay $0x2  }
0x5bf: {  	_ = 	snop  }
.LBB2_26:
.Ltmp73:
0x5c0: {  	(pc) =	sbr.rel .LBB2_33-.Ltmp73, $2  }
0x5c1: {  	_ =	sdelay $0x2  }
0x5c2: {  	_ = 	snop  }
.LBB2_36:
.Ltmp74:
0x5c3: {  	(pc) =	sbr.rel .LBB2_43-.Ltmp74, $2  }
0x5c4: {  	_ =	sdelay $0x2  }
0x5c5: {  	_ = 	snop  }
.LBB2_46:
.Ltmp75:
0x5c6: {  	(pc) =	sbr.rel .LBB2_53-.Ltmp75, $2  }
0x5c7: {  	_ =	sdelay $0x2  }
0x5c8: {  	_ = 	snop  }
.LBB2_56:
.Ltmp76:
0x5c9: {  	(pc) =	sbr.rel .LBB2_63-.Ltmp76, $2  }
0x5ca: {  	_ =	sdelay $0x2  }
0x5cb: {  	_ = 	snop  }
.LBB2_66:
.Ltmp77:
0x5cc: {  	(pc) =	sbr.rel .LBB2_73-.Ltmp77, $2  }
0x5cd: {  	_ =	sdelay $0x2  }
0x5ce: {  	_ = 	snop  }
.LBB2_76:
.Ltmp78:
0x5cf: {  	(pc) =	sbr.rel .LBB2_83-.Ltmp78, $2  }
0x5d0: {  	_ =	sdelay $0x2  }
0x5d1: {  	_ = 	snop  }
.LBB2_86:
.Ltmp79:
0x5d2: {  	(pc) =	sbr.rel .LBB2_93-.Ltmp79, $2  }
0x5d3: {  	_ =	sdelay $0x2  }
0x5d4: {  	_ = 	snop  }
.LBB2_96:
.Ltmp80:
0x5d5: {  	(pc) =	sbr.rel .LBB2_103-.Ltmp80, $2  }
0x5d6: {  	_ =	sdelay $0x2  }
0x5d7: {  	_ = 	snop  }
.LBB2_106:
.Ltmp81:
0x5d8: {  	(pc) =	sbr.rel .LBB2_113-.Ltmp81, $2  }
0x5d9: {  	_ =	sdelay $0x2  }
0x5da: {  	_ = 	snop  }
.LBB2_116:
.Ltmp82:
0x5db: {  	(pc) =	sbr.rel .LBB2_123-.Ltmp82, $2  }
0x5dc: {  	_ =	sdelay $0x2  }
0x5dd: {  	_ = 	snop  }
.LBB2_8:
.Ltmp83:
0x5de: {  	(pc) =	sbr.rel .LBB2_13-.Ltmp83, $2  }
0x5df: {  	_ =	sdelay $0x2  }
0x5e0: {  	_ = 	snop  }
.LBB2_18:
.Ltmp84:
0x5e1: {  	(pc) =	sbr.rel .LBB2_23-.Ltmp84, $2  }
0x5e2: {  	_ =	sdelay $0x2  }
0x5e3: {  	_ = 	snop  }
.LBB2_28:
.Ltmp85:
0x5e4: {  	(pc) =	sbr.rel .LBB2_33-.Ltmp85, $2  }
0x5e5: {  	_ =	sdelay $0x2  }
0x5e6: {  	_ = 	snop  }
.LBB2_38:
.Ltmp86:
0x5e7: {  	(pc) =	sbr.rel .LBB2_43-.Ltmp86, $2  }
0x5e8: {  	_ =	sdelay $0x2  }
0x5e9: {  	_ = 	snop  }
.LBB2_48:
.Ltmp87:
0x5ea: {  	(pc) =	sbr.rel .LBB2_53-.Ltmp87, $2  }
0x5eb: {  	_ =	sdelay $0x2  }
0x5ec: {  	_ = 	snop  }
.LBB2_58:
.Ltmp88:
0x5ed: {  	(pc) =	sbr.rel .LBB2_63-.Ltmp88, $2  }
0x5ee: {  	_ =	sdelay $0x2  }
0x5ef: {  	_ = 	snop  }
.LBB2_68:
.Ltmp89:
0x5f0: {  	(pc) =	sbr.rel .LBB2_73-.Ltmp89, $2  }
0x5f1: {  	_ =	sdelay $0x2  }
0x5f2: {  	_ = 	snop  }
.LBB2_78:
.Ltmp90:
0x5f3: {  	(pc) =	sbr.rel .LBB2_83-.Ltmp90, $2  }
0x5f4: {  	_ =	sdelay $0x2  }
0x5f5: {  	_ = 	snop  }
.LBB2_88:
.Ltmp91:
0x5f6: {  	(pc) =	sbr.rel .LBB2_93-.Ltmp91, $2  }
0x5f7: {  	_ =	sdelay $0x2  }
0x5f8: {  	_ = 	snop  }
.LBB2_98:
.Ltmp92:
0x5f9: {  	(pc) =	sbr.rel .LBB2_103-.Ltmp92, $2  }
0x5fa: {  	_ =	sdelay $0x2  }
0x5fb: {  	_ = 	snop  }
.LBB2_108:
.Ltmp93:
0x5fc: {  	(pc) =	sbr.rel .LBB2_113-.Ltmp93, $2  }
0x5fd: {  	_ =	sdelay $0x2  }
0x5fe: {  	_ = 	snop  }
.LBB2_118:
.Ltmp94:
0x5ff: {  	(pc) =	sbr.rel .LBB2_123-.Ltmp94, $2  }
0x600: {  	_ =	sdelay $0x2  }
0x601: {  	_ = 	snop  }
.LBB2_128:
.Ltmp95:
0x602: {  	(pc) =	sbr.rel .LBB2_133-.Ltmp95, $2  }
0x603: {  	_ =	sdelay $0x2  }
0x604: {  	_ = 	snop  }
.LBB2_10:
.Ltmp96:
0x605: {  	(pc) =	sbr.rel .LBB2_13-.Ltmp96, $2  }
0x606: {  	_ =	sdelay $0x2  }
0x607: {  	v15 =	vmov v14  }
.LBB2_20:
.Ltmp97:
0x608: {  	(pc) =	sbr.rel .LBB2_23-.Ltmp97, $2  }
0x609: {  	_ =	sdelay $0x2  }
0x60a: {  	s28 =	smov.u32 s25  }
.LBB2_30:
.Ltmp98:
0x60b: {  	(pc) =	sbr.rel .LBB2_33-.Ltmp98, $2  }
0x60c: {  	_ =	sdelay $0x2  }
0x60d: {  	s28 =	smov.u32 s25  }
.LBB2_40:
.Ltmp99:
0x60e: {  	(pc) =	sbr.rel .LBB2_43-.Ltmp99, $2  }
0x60f: {  	_ =	sdelay $0x2  }
0x610: {  	s28 =	smov.u32 s25  }
.LBB2_50:
.Ltmp100:
0x611: {  	(pc) =	sbr.rel .LBB2_53-.Ltmp100, $2  }
0x612: {  	_ =	sdelay $0x2  }
0x613: {  	s28 =	smov.u32 s25  }
.LBB2_60:
.Ltmp101:
0x614: {  	(pc) =	sbr.rel .LBB2_63-.Ltmp101, $2  }
0x615: {  	_ =	sdelay $0x2  }
0x616: {  	s28 =	smov.u32 s25  }
.LBB2_70:
.Ltmp102:
0x617: {  	(pc) =	sbr.rel .LBB2_73-.Ltmp102, $2  }
0x618: {  	_ =	sdelay $0x2  }
0x619: {  	s28 =	smov.u32 s25  }
.LBB2_80:
.Ltmp103:
0x61a: {  	(pc) =	sbr.rel .LBB2_83-.Ltmp103, $2  }
0x61b: {  	_ =	sdelay $0x2  }
0x61c: {  	s28 =	smov.u32 s25  }
.LBB2_90:
.Ltmp104:
0x61d: {  	(pc) =	sbr.rel .LBB2_93-.Ltmp104, $2  }
0x61e: {  	_ =	sdelay $0x2  }
0x61f: {  	s28 =	smov.u32 s25  }
.LBB2_100:
.Ltmp105:
0x620: {  	(pc) =	sbr.rel .LBB2_103-.Ltmp105, $2  }
0x621: {  	_ =	sdelay $0x2  }
0x622: {  	s28 =	smov.u32 s25  }
.LBB2_110:
.Ltmp106:
0x623: {  	(pc) =	sbr.rel .LBB2_113-.Ltmp106, $2  }
0x624: {  	_ =	sdelay $0x2  }
0x625: {  	s28 =	smov.u32 s25  }
.LBB2_120:
.Ltmp107:
0x626: {  	(pc) =	sbr.rel .LBB2_123-.Ltmp107, $2  }
0x627: {  	_ =	sdelay $0x2  }
0x628: {  	s28 =	smov.u32 s25  }
.LBB2_130:
.Ltmp108:
0x629: {  	(pc) =	sbr.rel .LBB2_133-.Ltmp108, $2  }
0x62a: {  	_ =	sdelay $0x2  }
0x62b: {  	s28 =	smov.u32 s25  }
.LBB2_136:
0x62c: {  	_ =	sfence.sel $0x180000  }
0x62d: {  	[bflag:$0x0] =	sbarrier.arrive $0xFFFF  }
0x62e: {  	p0 =	sne.s32 s4, $0x0;
	_ =	strace $0x9000004A  }
0x62f: {  	s0 =	sadd.s32 @!p0 $0x100000, s0;
	[bflag:$0x2] =	sbarrier.arrive $0xFFFF  }
0x630: {  	[sflag:s0] =	ssyncadd.tile.s32 @!p0 $0x1;
	_ =	shalt  }
.Lfunc_end2:
_tile_overlayer_lowered:
.L_overlay_start_2:
0x631: {  	(tag) =	ssettag $0x2  }
0x632: {  	s0 =	rddreg [dreg:$0x0];
	s2 =	stileid.u32  }
0x633: {  	s1 =	rddreg [dreg:$0x1];
	p0 =	sne.s32 s2, $0x0  }
0x634: {  	s3 =	rddreg [dreg:$0x2];
	[bflag:$0x3] =	sbarrier.arrive $0xFFFF;
	s2 =	simm.s32 @!p0 $0x1C03  }
0x635: {  	[timem:s3], [sflag:s2] =	dma.local @!p0 [hbm:s0], s1  }
0x636: {  	s0 =	simm.s32 @!p0 $0x3  }
0x637: {  	_ =	swait.ge @!p0 [sflag:s0], s1  }
0x638: {  	s1 =	ssub.s32 @!p0 $0x0, s1;
	[sflag:s0] =	ssyncset.done @!p0 $0x0  }
0x639: {  	[sflag:s0] =	ssyncadd.s32 @!p0 s1  }
0x63a: {  	[bflag:$0x3] =	sbarrier.arrive $0xFFFF  }
0x63b: {  	_ =	shalt  }

</sc_bundles>
